<compile_context>
chip_gen: v7x
topology: tpu7x:2x2x1
jax: 0.10.2.dev20260603
libtpu: 0.0.44.dev20260713+nightly
codegen_flags: <defaults>
</compile_context>

<pallas_src>
import functools

import jax
import jax.numpy as jnp
from jax import lax
from jax.experimental import pallas as pl
from jax.experimental.pallas import tpu as pltpu
from jax.experimental.pallas import tpu_sc as plsc

_BINS = 10
_L = 16
_NC = 2
_NS = 16
_NW = _NC * _NS

_LOG1P_C = (
    6.94457445e-05, 9.96261948e-01, -4.66442439e-01, 2.18665484e-01,
    -5.54593137e-02,
)

_CW = 128
_GPR = _CW // _L


@functools.lru_cache(maxsize=None)
def _make_hist_kernel(rows_t: int, cols_t: int):
    assert rows_t % 8 == 0
    n_full = cols_t // _CW
    k_uni = n_full // _NW
    n_extra = n_full - k_uni * _NW
    rag_off = n_full * _CW
    rag_cols = cols_t - rag_off
    assert k_uni % 2 == 0 and k_uni >= 2 and n_extra < _NW
    assert rag_cols % _L == 0
    rag_gpr = rag_cols // _L

    mesh = plsc.VectorSubcoreMesh(core_axis_name="c", subcore_axis_name="s")

    @functools.partial(
        pl.kernel,
        out_type=jax.ShapeDtypeStruct((_NW, 2 * _L), jnp.float32),
        mesh=mesh,
        scratch_types=[
            pltpu.VMEM((rows_t, _CW), jnp.float32),
            pltpu.VMEM((rows_t, _CW), jnp.float32),
            pltpu.VMEM((rows_t, _CW), jnp.float32),
            pltpu.VMEM((rows_t, _CW), jnp.float32),
            pltpu.VMEM((rows_t, _CW), jnp.float32),
            pltpu.VMEM((rows_t, _CW), jnp.float32),
            pltpu.VMEM((rows_t, _CW), jnp.float32),
            pltpu.VMEM((rows_t, _CW), jnp.float32),
            pltpu.VMEM((rows_t, _CW), jnp.float32),
        ] + [pltpu.VMEM((_L * _L,), jnp.float32)
             for _ in range(2 * _GPR)
        ] + [
            pltpu.VMEM((2 * _L,), jnp.float32),
            pltpu.SemaphoreType.DMA,
            pltpu.SemaphoreType.DMA,
            pltpu.SemaphoreType.DMA,
        ],
        compiler_params=pltpu.CompilerParams(needs_layout_passes=False),
    )
    def hist_kernel(p_hbm, t_hbm, w_hbm, out_hbm,
                    pb0, pb1, tb0, tb1, wb0, wb1, rp, rt, rw,
                    *rest):
        accws = rest[:_GPR]
        acccs = rest[_GPR:2 * _GPR]
        res, sem0, sem1, sem2 = rest[2 * _GPR:]
        wid = lax.axis_index("s") * _NC + lax.axis_index("c")
        sems = (sem0, sem1)
        pbufs = (pb0, pb1)
        tbufs = (tb0, tb1)
        wbufs = (wb0, wb1)

        zeros = jnp.zeros((_L,), jnp.float32)
        for i in range(_L):
            for g in range(_GPR):
                accws[g][pl.ds(i * _L, _L)] = zeros
                acccs[g][pl.ds(i * _L, _L)] = zeros

        def slab_col(k):
            c = jnp.where(jnp.asarray(k) < k_uni,
                          wid + _NW * jnp.asarray(k),
                          jnp.minimum(k_uni * _NW + wid, n_full - 1))
            return pl.multiple_of(c * _CW, _CW)

        def issue(k, b):
            col0 = slab_col(k)
            pltpu.async_copy(
                p_hbm.at[pl.ds(0, rows_t), pl.ds(col0, _CW)], pbufs[b], sems[b])
            pltpu.async_copy(
                t_hbm.at[pl.ds(0, rows_t), pl.ds(col0, _CW)], tbufs[b], sems[b])
            pltpu.async_copy(
                w_hbm.at[pl.ds(0, rows_t), pl.ds(col0, _CW)], wbufs[b], sems[b])

        def wait_slot(b):
            src = p_hbm.at[pl.ds(0, rows_t), pl.ds(0, _CW)]
            pltpu.make_async_copy(src, pbufs[b], sems[b]).wait()
            pltpu.make_async_copy(src, tbufs[b], sems[b]).wait()
            pltpu.make_async_copy(src, wbufs[b], sems[b]).wait()

        lane = lax.iota(jnp.int32, _L)
        lanebase = lane * _L

        def row_groups(pb, tb, wb, row, groups, scale):
            cols = [lane + g * _L for g in groups]
            ps = [plsc.load_gather(pb, [row, c]) for c in cols]
            ts = [plsc.load_gather(tb, [row, c]) for c in cols]
            ws = [plsc.load_gather(wb, [row, c]) for c in cols]
            if scale is not None:
                ws = [w * scale for w in ws]
            es = [jnp.exp(-p) for p in ps]
            ss = [1.0 / (1.0 + e) for e in es]
            us = [jnp.minimum(e, 1.0 / e) for e in es]
            gms = [jnp.abs(s - t) for s, t in zip(ss, ts)]
            idxs = [lanebase
                    + jnp.minimum(gm * 10.0, 9.0).astype(jnp.int32)
                    for gm in gms]
            c_hi = jnp.full((_L,), _LOG1P_C[-1], dtype=jnp.float32)
            accs = [c_hi for _ in groups]
            for c in _LOG1P_C[-2::-1]:
                accs = [a * u + c for a, u in zip(accs, us)]
            bces = [jnp.maximum(p, 0.0) - p * t + a
                    for p, t, a in zip(ps, ts, accs)]
            for g, idx, bce, w in zip(groups, idxs, bces, ws):
                plsc.addupdate_scatter(accws[g], [idx], bce * w)
                plsc.addupdate_scatter(acccs[g], [idx], w)

        def compute_full(b, scale):
            pb, tb, wb = pbufs[b], tbufs[b], wbufs[b]

            @plsc.parallel_loop(0, rows_t, 1, unroll=1)
            def body(j):
                row = jnp.zeros((_L,), jnp.int32) + j
                row_groups(pb, tb, wb, row, list(range(_GPR)), scale)

        rag0 = pl.multiple_of(rag_off, _CW)
        pltpu.async_copy(
            p_hbm.at[pl.ds(0, rows_t), pl.ds(rag0, _CW)], rp, sem2)
        pltpu.async_copy(
            t_hbm.at[pl.ds(0, rows_t), pl.ds(rag0, _CW)], rt, sem2)
        pltpu.async_copy(
            w_hbm.at[pl.ds(0, rows_t), pl.ds(rag0, _CW)], rw, sem2)

        issue(0, 0)

        def outer(j, carry):
            issue(2 * j + 1, 1)
            wait_slot(0)
            compute_full(0, None)
            issue(2 * j + 2, 0)
            wait_slot(1)
            compute_full(1, None)
            return carry

        lax.fori_loop(0, k_uni // 2, outer, 0)

        wid_v = jnp.zeros((_L,), jnp.int32) + wid
        extra_flag = jnp.where(wid_v < n_extra, 1.0, 0.0)
        wait_slot(0)
        compute_full(0, extra_flag)

        src = p_hbm.at[pl.ds(0, rows_t), pl.ds(0, _CW)]
        pltpu.make_async_copy(src, rp, sem2).wait()
        pltpu.make_async_copy(src, rt, sem2).wait()
        pltpu.make_async_copy(src, rw, sem2).wait()
        rag_flag = jnp.where(wid_v == _NW - 1, 1.0, 0.0)

        @plsc.parallel_loop(0, rows_t, 1, unroll=1)
        def rag_body(j):
            row = jnp.zeros((_L,), jnp.int32) + j
            row_groups(rp, rt, rw, row, list(range(rag_gpr)), rag_flag)

        wv = accws[0][pl.ds(0, _L)]
        cv = acccs[0][pl.ds(0, _L)]
        for g in range(_GPR):
            for l in range(_L):
                if g == 0 and l == 0:
                    continue
                wv = wv + accws[g][pl.ds(l * _L, _L)]
                cv = cv + acccs[g][pl.ds(l * _L, _L)]
        res[pl.ds(0, _L)] = wv
        res[pl.ds(_L, _L)] = cv
        pltpu.sync_copy(res, out_hbm.at[wid])

    return hist_kernel


def kernel(pred, target, weight):
    n_rows, n_cols = pred.shape
    parts = _make_hist_kernel(n_cols, n_rows)(pred.T, target.T, weight.T)
    sums = jnp.sum(parts, axis=0)
    w_b = sums[:_BINS]
    c_b = sums[_L:_L + _BINS]
    nne = jnp.sum((c_b > 0).astype(jnp.float32))
    loss = jnp.sum(jnp.where(c_b > 0, w_b / jnp.maximum(c_b, 1.0), 0.0))
    return loss / jnp.maximum(nne, 1.0)

# --- scband reference (transcript-rebuilt; emitter-appended) ---
"""Pipeline reference for scband-ghmc-10273561772276 (READ-ONLY COPY).

The authoritative reference and input builder live on the scoring server;
editing this copy changes nothing except your own understanding.
"""

import jax, jax.numpy as jnp
import numpy as np

BINS = 10
LOSS_WEIGHT = 1.0


def setup_inputs(seed: int = 0) -> dict:
    key = jax.random.key(seed)
    k1, k2, k3 = jax.random.split(key, 3)
    N, C = 100000, 80
    pred = jax.random.normal(k1, (N, C), dtype=jnp.float32)
    # binary classification targets (~5% positives), float like torch's target.float()
    target = (jax.random.uniform(k2, (N, C)) < 0.05).astype(jnp.float32)
    # validity mask: 1 if valid, 0 if ignored (~95% valid)
    weight = (jax.random.uniform(k3, (N, C)) < 0.95).astype(jnp.float32)
    return {"pred": pred, "target": target, "weight": weight}


def _ghmc_forward(pred, target, weight):
    bins = BINS
    # edges = arange(bins+1)/bins, last edge += 1e-6
    edges = jnp.arange(bins + 1, dtype=jnp.float32) / bins
    edges = edges.at[-1].add(1e-6)
    # gradient norm g = |sigmoid(pred).detach() - target|
    g = jnp.abs(jax.nn.sigmoid(jax.lax.stop_gradient(pred)) - jax.lax.stop_gradient(target))
    valid = weight > 0
    tot = jnp.maximum(jnp.sum(valid.astype(jnp.float32)), 1.0)
    gf = g.reshape(-1)
    vf = valid.reshape(-1)
    # bin index such that edges[i] <= g < edges[i+1]
    bin_idx = jnp.clip(jnp.searchsorted(edges, gf, side='right') - 1, 0, bins - 1)
    # route invalid elements to an overflow bin so they don't count
    routed = jnp.where(vf, bin_idx, bins)
    counts = jnp.bincount(routed, length=bins + 1)[:bins].astype(jnp.float32)
    n_nonempty = jnp.sum((counts > 0).astype(jnp.float32))
    cnt_per_elem = counts[bin_idx]
    # ghm weights: tot / num_in_bin for valid elems in non-empty bins (momentum = 0)
    gw = jnp.where(vf & (cnt_per_elem > 0), tot / jnp.maximum(cnt_per_elem, 1.0), 0.0)
    gw = gw / jnp.maximum(n_nonempty, 1.0)
    gw = jax.lax.stop_gradient(gw.reshape(pred.shape))
    # binary_cross_entropy_with_logits, elementwise
    bce = jnp.maximum(pred, 0.0) - pred * target + jnp.log1p(jnp.exp(-jnp.abs(pred)))
    loss = bce * gw
    # weight_reduce_loss: loss * weight, reduction='mean' with avg_factor=tot
    loss = loss * weight
    return jnp.sum(loss) / tot * LOSS_WEIGHT


def reference(pred, target, weight):
    return _ghmc_forward(pred, target, weight)

if __name__ == "__main__":
    import jax
    _d = setup_inputs()
    print(jax.jit(kernel)(*tuple(_d.values())))

</pallas_src>

<mosaic_0001>
#map = affine_map<(d0, d1) -> (0, 0)>
module attributes {stable_mosaic.version = 14 : i64} {
  func.func @hist_kernel(%arg0: i32, %arg1: i32, %arg2: memref<80x100000xf32, #tpu.memory_space<hbm>>, %arg3: memref<80x100000xf32, #tpu.memory_space<hbm>>, %arg4: memref<80x100000xf32, #tpu.memory_space<hbm>>, %arg5: memref<32x32xf32, #tpu.memory_space<hbm>>, %arg6: memref<80x128xf32, #tpu.memory_space<vmem>>, %arg7: memref<80x128xf32, #tpu.memory_space<vmem>>, %arg8: memref<80x128xf32, #tpu.memory_space<vmem>>, %arg9: memref<80x128xf32, #tpu.memory_space<vmem>>, %arg10: memref<80x128xf32, #tpu.memory_space<vmem>>, %arg11: memref<80x128xf32, #tpu.memory_space<vmem>>, %arg12: memref<80x128xf32, #tpu.memory_space<vmem>>, %arg13: memref<80x128xf32, #tpu.memory_space<vmem>>, %arg14: memref<80x128xf32, #tpu.memory_space<vmem>>, %arg15: memref<256xf32, #tpu.memory_space<vmem>>, %arg16: memref<256xf32, #tpu.memory_space<vmem>>, %arg17: memref<256xf32, #tpu.memory_space<vmem>>, %arg18: memref<256xf32, #tpu.memory_space<vmem>>, %arg19: memref<256xf32, #tpu.memory_space<vmem>>, %arg20: memref<256xf32, #tpu.memory_space<vmem>>, %arg21: memref<256xf32, #tpu.memory_space<vmem>>, %arg22: memref<256xf32, #tpu.memory_space<vmem>>, %arg23: memref<256xf32, #tpu.memory_space<vmem>>, %arg24: memref<256xf32, #tpu.memory_space<vmem>>, %arg25: memref<256xf32, #tpu.memory_space<vmem>>, %arg26: memref<256xf32, #tpu.memory_space<vmem>>, %arg27: memref<256xf32, #tpu.memory_space<vmem>>, %arg28: memref<256xf32, #tpu.memory_space<vmem>>, %arg29: memref<256xf32, #tpu.memory_space<vmem>>, %arg30: memref<256xf32, #tpu.memory_space<vmem>>, %arg31: memref<32xf32, #tpu.memory_space<vmem>>, %arg32: memref<!tpu.dma_semaphore, #tpu.memory_space<semaphore_mem>>, %arg33: memref<!tpu.dma_semaphore, #tpu.memory_space<semaphore_mem>>, %arg34: memref<!tpu.dma_semaphore, #tpu.memory_space<semaphore_mem>>) attributes {dimension_semantics = [#tpu.dimension_semantics<core_parallel>, #tpu.dimension_semantics<subcore_parallel>], iteration_bounds = array<i64: 2, 16>, scalar_prefetch = 0 : i64, scratch_operands = 29 : i64, tpu.core_type = #tpu.core_type<sc_vector_subcore>, window_params = [{transform_indices = #map}, {transform_indices = #map}, {transform_indices = #map}, {transform_indices = #map}]} {
    %mul3A = arith.constant 2 : i32
    %mul3A_0 = arith.muli %arg1, %mul3A : i32
    %add3A = arith.addi %mul3A_0, %arg0 : i32
    %broadcast_in_dim3A = arith.constant 0.000000e+00 : f32
    %broadcast_in_dim3A_1 = vector.broadcast %broadcast_in_dim3A : f32 to vector<16xf32>
    %swap3A = arith.constant 0 : index
    %swap3A_2 = tpu.vector_load %arg15[%swap3A] {strides = array<i32>} : memref<256xf32, #tpu.memory_space<vmem>>, vector<16xf32>,
    tpu.vector_store %arg15[%swap3A], %broadcast_in_dim3A_1 {strides = array<i32>} : memref<256xf32, #tpu.memory_space<vmem>>, vector<16xf32>,
    %swap3A_3 = arith.constant 0 : index
    %swap3A_4 = tpu.vector_load %arg23[%swap3A_3] {strides = array<i32>} : memref<256xf32, #tpu.memory_space<vmem>>, vector<16xf32>,
    tpu.vector_store %arg23[%swap3A_3], %broadcast_in_dim3A_1 {strides = array<i32>} : memref<256xf32, #tpu.memory_space<vmem>>, vector<16xf32>,
    %swap3A_5 = arith.constant 0 : index
    %swap3A_6 = tpu.vector_load %arg16[%swap3A_5] {strides = array<i32>} : memref<256xf32, #tpu.memory_space<vmem>>, vector<16xf32>,
    tpu.vector_store %arg16[%swap3A_5], %broadcast_in_dim3A_1 {strides = array<i32>} : memref<256xf32, #tpu.memory_space<vmem>>, vector<16xf32>,
    %swap3A_7 = arith.constant 0 : index
    %swap3A_8 = tpu.vector_load %arg24[%swap3A_7] {strides = array<i32>} : memref<256xf32, #tpu.memory_space<vmem>>, vector<16xf32>,
    tpu.vector_store %arg24[%swap3A_7], %broadcast_in_dim3A_1 {strides = array<i32>} : memref<256xf32, #tpu.memory_space<vmem>>, vector<16xf32>,
    %swap3A_9 = arith.constant 0 : index
    %swap3A_10 = tpu.vector_load %arg17[%swap3A_9] {strides = array<i32>} : memref<256xf32, #tpu.memory_space<vmem>>, vector<16xf32>,
    tpu.vector_store %arg17[%swap3A_9], %broadcast_in_dim3A_1 {strides = array<i32>} : memref<256xf32, #tpu.memory_space<vmem>>, vector<16xf32>,
    %swap3A_11 = arith.constant 0 : index
    %swap3A_12 = tpu.vector_load %arg25[%swap3A_11] {strides = array<i32>} : memref<256xf32, #tpu.memory_space<vmem>>, vector<16xf32>,
    tpu.vector_store %arg25[%swap3A_11], %broadcast_in_dim3A_1 {strides = array<i32>} : memref<256xf32, #tpu.memory_space<vmem>>, vector<16xf32>,
    %swap3A_13 = arith.constant 0 : index
    %swap3A_14 = tpu.vector_load %arg18[%swap3A_13] {strides = array<i32>} : memref<256xf32, #tpu.memory_space<vmem>>, vector<16xf32>,
    tpu.vector_store %arg18[%swap3A_13], %broadcast_in_dim3A_1 {strides = array<i32>} : memref<256xf32, #tpu.memory_space<vmem>>, vector<16xf32>,
    %swap3A_15 = arith.constant 0 : index
    %swap3A_16 = tpu.vector_load %arg26[%swap3A_15] {strides = array<i32>} : memref<256xf32, #tpu.memory_space<vmem>>, vector<16xf32>,
    tpu.vector_store %arg26[%swap3A_15], %broadcast_in_dim3A_1 {strides = array<i32>} : memref<256xf32, #tpu.memory_space<vmem>>, vector<16xf32>,
    %swap3A_17 = arith.constant 0 : index
    %swap3A_18 = tpu.vector_load %arg19[%swap3A_17] {strides = array<i32>} : memref<256xf32, #tpu.memory_space<vmem>>, vector<16xf32>,
    tpu.vector_store %arg19[%swap3A_17], %broadcast_in_dim3A_1 {strides = array<i32>} : memref<256xf32, #tpu.memory_space<vmem>>, vector<16xf32>,
    %swap3A_19 = arith.constant 0 : index
    %swap3A_20 = tpu.vector_load %arg27[%swap3A_19] {strides = array<i32>} : memref<256xf32, #tpu.memory_space<vmem>>, vector<16xf32>,
    tpu.vector_store %arg27[%swap3A_19], %broadcast_in_dim3A_1 {strides = array<i32>} : memref<256xf32, #tpu.memory_space<vmem>>, vector<16xf32>,
    %swap3A_21 = arith.constant 0 : index
    %swap3A_22 = tpu.vector_load %arg20[%swap3A_21] {strides = array<i32>} : memref<256xf32, #tpu.memory_space<vmem>>, vector<16xf32>,
    tpu.vector_store %arg20[%swap3A_21], %broadcast_in_dim3A_1 {strides = array<i32>} : memref<256xf32, #tpu.memory_space<vmem>>, vector<16xf32>,
    %swap3A_23 = arith.constant 0 : index
    %swap3A_24 = tpu.vector_load %arg28[%swap3A_23] {strides = array<i32>} : memref<256xf32, #tpu.memory_space<vmem>>, vector<16xf32>,
    tpu.vector_store %arg28[%swap3A_23], %broadcast_in_dim3A_1 {strides = array<i32>} : memref<256xf32, #tpu.memory_space<vmem>>, vector<16xf32>,
    %swap3A_25 = arith.constant 0 : index
    %swap3A_26 = tpu.vector_load %arg21[%swap3A_25] {strides = array<i32>} : memref<256xf32, #tpu.memory_space<vmem>>, vector<16xf32>,
    tpu.vector_store %arg21[%swap3A_25], %broadcast_in_dim3A_1 {strides = array<i32>} : memref<256xf32, #tpu.memory_space<vmem>>, vector<16xf32>,
    %swap3A_27 = arith.constant 0 : index
    %swap3A_28 = tpu.vector_load %arg29[%swap3A_27] {strides = array<i32>} : memref<256xf32, #tpu.memory_space<vmem>>, vector<16xf32>,
    tpu.vector_store %arg29[%swap3A_27], %broadcast_in_dim3A_1 {strides = array<i32>} : memref<256xf32, #tpu.memory_space<vmem>>, vector<16xf32>,
    %swap3A_29 = arith.constant 0 : index
    %swap3A_30 = tpu.vector_load %arg22[%swap3A_29] {strides = array<i32>} : memref<256xf32, #tpu.memory_space<vmem>>, vector<16xf32>,
    tpu.vector_store %arg22[%swap3A_29], %broadcast_in_dim3A_1 {strides = array<i32>} : memref<256xf32, #tpu.memory_space<vmem>>, vector<16xf32>,
    %swap3A_31 = arith.constant 0 : index
    %swap3A_32 = tpu.vector_load %arg30[%swap3A_31] {strides = array<i32>} : memref<256xf32, #tpu.memory_space<vmem>>, vector<16xf32>,
    tpu.vector_store %arg30[%swap3A_31], %broadcast_in_dim3A_1 {strides = array<i32>} : memref<256xf32, #tpu.memory_space<vmem>>, vector<16xf32>,
    %swap3A_33 = arith.constant 16 : index
    %swap3A_34 = tpu.vector_load %arg15[%swap3A_33] {strides = array<i32>} : memref<256xf32, #tpu.memory_space<vmem>>, vector<16xf32>,
    tpu.vector_store %arg15[%swap3A_33], %broadcast_in_dim3A_1 {strides = array<i32>} : memref<256xf32, #tpu.memory_space<vmem>>, vector<16xf32>,
    %swap3A_35 = arith.constant 16 : index
    %swap3A_36 = tpu.vector_load %arg23[%swap3A_35] {strides = array<i32>} : memref<256xf32, #tpu.memory_space<vmem>>, vector<16xf32>,
    tpu.vector_store %arg23[%swap3A_35], %broadcast_in_dim3A_1 {strides = array<i32>} : memref<256xf32, #tpu.memory_space<vmem>>, vector<16xf32>,
    %swap3A_37 = arith.constant 16 : index
    %swap3A_38 = tpu.vector_load %arg16[%swap3A_37] {strides = array<i32>} : memref<256xf32, #tpu.memory_space<vmem>>, vector<16xf32>,
    tpu.vector_store %arg16[%swap3A_37], %broadcast_in_dim3A_1 {strides = array<i32>} : memref<256xf32, #tpu.memory_space<vmem>>, vector<16xf32>,
    %swap3A_39 = arith.constant 16 : index
    %swap3A_40 = tpu.vector_load %arg24[%swap3A_39] {strides = array<i32>} : memref<256xf32, #tpu.memory_space<vmem>>, vector<16xf32>,
    tpu.vector_store %arg24[%swap3A_39], %broadcast_in_dim3A_1 {strides = array<i32>} : memref<256xf32, #tpu.memory_space<vmem>>, vector<16xf32>,
    %swap3A_41 = arith.constant 16 : index
    %swap3A_42 = tpu.vector_load %arg17[%swap3A_41] {strides = array<i32>} : memref<256xf32, #tpu.memory_space<vmem>>, vector<16xf32>,
    tpu.vector_store %arg17[%swap3A_41], %broadcast_in_dim3A_1 {strides = array<i32>} : memref<256xf32, #tpu.memory_space<vmem>>, vector<16xf32>,
    %swap3A_43 = arith.constant 16 : index
    %swap3A_44 = tpu.vector_load %arg25[%swap3A_43] {strides = array<i32>} : memref<256xf32, #tpu.memory_space<vmem>>, vector<16xf32>,
    tpu.vector_store %arg25[%swap3A_43], %broadcast_in_dim3A_1 {strides = array<i32>} : memref<256xf32, #tpu.memory_space<vmem>>, vector<16xf32>,
    %swap3A_45 = arith.constant 16 : index
    %swap3A_46 = tpu.vector_load %arg18[%swap3A_45] {strides = array<i32>} : memref<256xf32, #tpu.memory_space<vmem>>, vector<16xf32>,
    tpu.vector_store %arg18[%swap3A_45], %broadcast_in_dim3A_1 {strides = array<i32>} : memref<256xf32, #tpu.memory_space<vmem>>, vector<16xf32>,
    %swap3A_47 = arith.constant 16 : index
    %swap3A_48 = tpu.vector_load %arg26[%swap3A_47] {strides = array<i32>} : memref<256xf32, #tpu.memory_space<vmem>>, vector<16xf32>,
    tpu.vector_store %arg26[%swap3A_47], %broadcast_in_dim3A_1 {strides = array<i32>} : memref<256xf32, #tpu.memory_space<vmem>>, vector<16xf32>,
    %swap3A_49 = arith.constant 16 : index
    %swap3A_50 = tpu.vector_load %arg19[%swap3A_49] {strides = array<i32>} : memref<256xf32, #tpu.memory_space<vmem>>, vector<16xf32>,
    tpu.vector_store %arg19[%swap3A_49], %broadcast_in_dim3A_1 {strides = array<i32>} : memref<256xf32, #tpu.memory_space<vmem>>, vector<16xf32>,
    %swap3A_51 = arith.constant 16 : index
    %swap3A_52 = tpu.vector_load %arg27[%swap3A_51] {strides = array<i32>} : memref<256xf32, #tpu.memory_space<vmem>>, vector<16xf32>,
    tpu.vector_store %arg27[%swap3A_51], %broadcast_in_dim3A_1 {strides = array<i32>} : memref<256xf32, #tpu.memory_space<vmem>>, vector<16xf32>,
    %swap3A_53 = arith.constant 16 : index
    %swap3A_54 = tpu.vector_load %arg20[%swap3A_53] {strides = array<i32>} : memref<256xf32, #tpu.memory_space<vmem>>, vector<16xf32>,
    tpu.vector_store %arg20[%swap3A_53], %broadcast_in_dim3A_1 {strides = array<i32>} : memref<256xf32, #tpu.memory_space<vmem>>, vector<16xf32>,
    %swap3A_55 = arith.constant 16 : index
    %swap3A_56 = tpu.vector_load %arg28[%swap3A_55] {strides = array<i32>} : memref<256xf32, #tpu.memory_space<vmem>>, vector<16xf32>,
    tpu.vector_store %arg28[%swap3A_55], %broadcast_in_dim3A_1 {strides = array<i32>} : memref<256xf32, #tpu.memory_space<vmem>>, vector<16xf32>,
    %swap3A_57 = arith.constant 16 : index
    %swap3A_58 = tpu.vector_load %arg21[%swap3A_57] {strides = array<i32>} : memref<256xf32, #tpu.memory_space<vmem>>, vector<16xf32>,
    tpu.vector_store %arg21[%swap3A_57], %broadcast_in_dim3A_1 {strides = array<i32>} : memref<256xf32, #tpu.memory_space<vmem>>, vector<16xf32>,
    %swap3A_59 = arith.constant 16 : index
    %swap3A_60 = tpu.vector_load %arg29[%swap3A_59] {strides = array<i32>} : memref<256xf32, #tpu.memory_space<vmem>>, vector<16xf32>,
    tpu.vector_store %arg29[%swap3A_59], %broadcast_in_dim3A_1 {strides = array<i32>} : memref<256xf32, #tpu.memory_space<vmem>>, vector<16xf32>,
    %swap3A_61 = arith.constant 16 : index
    %swap3A_62 = tpu.vector_load %arg22[%swap3A_61] {strides = array<i32>} : memref<256xf32, #tpu.memory_space<vmem>>, vector<16xf32>,
    tpu.vector_store %arg22[%swap3A_61], %broadcast_in_dim3A_1 {strides = array<i32>} : memref<256xf32, #tpu.memory_space<vmem>>, vector<16xf32>,
    %swap3A_63 = arith.constant 16 : index
    %swap3A_64 = tpu.vector_load %arg30[%swap3A_63] {strides = array<i32>} : memref<256xf32, #tpu.memory_space<vmem>>, vector<16xf32>,
    tpu.vector_store %arg30[%swap3A_63], %broadcast_in_dim3A_1 {strides = array<i32>} : memref<256xf32, #tpu.memory_space<vmem>>, vector<16xf32>,
    %swap3A_65 = arith.constant 32 : index
    %swap3A_66 = tpu.vector_load %arg15[%swap3A_65] {strides = array<i32>} : memref<256xf32, #tpu.memory_space<vmem>>, vector<16xf32>,
    tpu.vector_store %arg15[%swap3A_65], %broadcast_in_dim3A_1 {strides = array<i32>} : memref<256xf32, #tpu.memory_space<vmem>>, vector<16xf32>,
    %swap3A_67 = arith.constant 32 : index
    %swap3A_68 = tpu.vector_load %arg23[%swap3A_67] {strides = array<i32>} : memref<256xf32, #tpu.memory_space<vmem>>, vector<16xf32>,
    tpu.vector_store %arg23[%swap3A_67], %broadcast_in_dim3A_1 {strides = array<i32>} : memref<256xf32, #tpu.memory_space<vmem>>, vector<16xf32>,
    %swap3A_69 = arith.constant 32 : index
    %swap3A_70 = tpu.vector_load %arg16[%swap3A_69] {strides = array<i32>} : memref<256xf32, #tpu.memory_space<vmem>>, vector<16xf32>,
    tpu.vector_store %arg16[%swap3A_69], %broadcast_in_dim3A_1 {strides = array<i32>} : memref<256xf32, #tpu.memory_space<vmem>>, vector<16xf32>,
    %swap3A_71 = arith.constant 32 : index
    %swap3A_72 = tpu.vector_load %arg24[%swap3A_71] {strides = array<i32>} : memref<256xf32, #tpu.memory_space<vmem>>, vector<16xf32>,
    tpu.vector_store %arg24[%swap3A_71], %broadcast_in_dim3A_1 {strides = array<i32>} : memref<256xf32, #tpu.memory_space<vmem>>, vector<16xf32>,
    %swap3A_73 = arith.constant 32 : index
    %swap3A_74 = tpu.vector_load %arg17[%swap3A_73] {strides = array<i32>} : memref<256xf32, #tpu.memory_space<vmem>>, vector<16xf32>,
    tpu.vector_store %arg17[%swap3A_73], %broadcast_in_dim3A_1 {strides = array<i32>} : memref<256xf32, #tpu.memory_space<vmem>>, vector<16xf32>,
    %swap3A_75 = arith.constant 32 : index
    %swap3A_76 = tpu.vector_load %arg25[%swap3A_75] {strides = array<i32>} : memref<256xf32, #tpu.memory_space<vmem>>, vector<16xf32>,
    tpu.vector_store %arg25[%swap3A_75], %broadcast_in_dim3A_1 {strides = array<i32>} : memref<256xf32, #tpu.memory_space<vmem>>, vector<16xf32>,
    %swap3A_77 = arith.constant 32 : index
    %swap3A_78 = tpu.vector_load %arg18[%swap3A_77] {strides = array<i32>} : memref<256xf32, #tpu.memory_space<vmem>>, vector<16xf32>,
    tpu.vector_store %arg18[%swap3A_77], %broadcast_in_dim3A_1 {strides = array<i32>} : memref<256xf32, #tpu.memory_space<vmem>>, vector<16xf32>,
    %swap3A_79 = arith.constant 32 : index
    %swap3A_80 = tpu.vector_load %arg26[%swap3A_79] {strides = array<i32>} : memref<256xf32, #tpu.memory_space<vmem>>, vector<16xf32>,
    tpu.vector_store %arg26[%swap3A_79], %broadcast_in_dim3A_1 {strides = array<i32>} : memref<256xf32, #tpu.memory_space<vmem>>, vector<16xf32>,
    %swap3A_81 = arith.constant 32 : index
    %swap3A_82 = tpu.vector_load %arg19[%swap3A_81] {strides = array<i32>} : memref<256xf32, #tpu.memory_space<vmem>>, vector<16xf32>,
    tpu.vector_store %arg19[%swap3A_81], %broadcast_in_dim3A_1 {strides = array<i32>} : memref<256xf32, #tpu.memory_space<vmem>>, vector<16xf32>,
    %swap3A_83 = arith.constant 32 : index
    %swap3A_84 = tpu.vector_load %arg27[%swap3A_83] {strides = array<i32>} : memref<256xf32, #tpu.memory_space<vmem>>, vector<16xf32>,
    tpu.vector_store %arg27[%swap3A_83], %broadcast_in_dim3A_1 {strides = array<i32>} : memref<256xf32, #tpu.memory_space<vmem>>, vector<16xf32>,
    %swap3A_85 = arith.constant 32 : index
    %swap3A_86 = tpu.vector_load %arg20[%swap3A_85] {strides = array<i32>} : memref<256xf32, #tpu.memory_space<vmem>>, vector<16xf32>,
    tpu.vector_store %arg20[%swap3A_85], %broadcast_in_dim3A_1 {strides = array<i32>} : memref<256xf32, #tpu.memory_space<vmem>>, vector<16xf32>,
    %swap3A_87 = arith.constant 32 : index
    %swap3A_88 = tpu.vector_load %arg28[%swap3A_87] {strides = array<i32>} : memref<256xf32, #tpu.memory_space<vmem>>, vector<16xf32>,
    tpu.vector_store %arg28[%swap3A_87], %broadcast_in_dim3A_1 {strides = array<i32>} : memref<256xf32, #tpu.memory_space<vmem>>, vector<16xf32>,
    %swap3A_89 = arith.constant 32 : index
    %swap3A_90 = tpu.vector_load %arg21[%swap3A_89] {strides = array<i32>} : memref<256xf32, #tpu.memory_space<vmem>>, vector<16xf32>,
    tpu.vector_store %arg21[%swap3A_89], %broadcast_in_dim3A_1 {strides = array<i32>} : memref<256xf32, #tpu.memory_space<vmem>>, vector<16xf32>,
    %swap3A_91 = arith.constant 32 : index
    %swap3A_92 = tpu.vector_load %arg29[%swap3A_91] {strides = array<i32>} : memref<256xf32, #tpu.memory_space<vmem>>, vector<16xf32>,
    tpu.vector_store %arg29[%swap3A_91], %broadcast_in_dim3A_1 {strides = array<i32>} : memref<256xf32, #tpu.memory_space<vmem>>, vector<16xf32>,
    %swap3A_93 = arith.constant 32 : index
    %swap3A_94 = tpu.vector_load %arg22[%swap3A_93] {strides = array<i32>} : memref<256xf32, #tpu.memory_space<vmem>>, vector<16xf32>,
    tpu.vector_store %arg22[%swap3A_93], %broadcast_in_dim3A_1 {strides = array<i32>} : memref<256xf32, #tpu.memory_space<vmem>>, vector<16xf32>,
    %swap3A_95 = arith.constant 32 : index
    %swap3A_96 = tpu.vector_load %arg30[%swap3A_95] {strides = array<i32>} : memref<256xf32, #tpu.memory_space<vmem>>, vector<16xf32>,
    tpu.vector_store %arg30[%swap3A_95], %broadcast_in_dim3A_1 {strides = array<i32>} : memref<256xf32, #tpu.memory_space<vmem>>, vector<16xf32>,
    %swap3A_97 = arith.constant 48 : index
    %swap3A_98 = tpu.vector_load %arg15[%swap3A_97] {strides = array<i32>} : memref<256xf32, #tpu.memory_space<vmem>>, vector<16xf32>,
    tpu.vector_store %arg15[%swap3A_97], %broadcast_in_dim3A_1 {strides = array<i32>} : memref<256xf32, #tpu.memory_space<vmem>>, vector<16xf32>,
    %swap3A_99 = arith.constant 48 : index
    %swap3A_100 = tpu.vector_load %arg23[%swap3A_99] {strides = array<i32>} : memref<256xf32, #tpu.memory_space<vmem>>, vector<16xf32>,
    tpu.vector_store %arg23[%swap3A_99], %broadcast_in_dim3A_1 {strides = array<i32>} : memref<256xf32, #tpu.memory_space<vmem>>, vector<16xf32>,
    %swap3A_101 = arith.constant 48 : index
    %swap3A_102 = tpu.vector_load %arg16[%swap3A_101] {strides = array<i32>} : memref<256xf32, #tpu.memory_space<vmem>>, vector<16xf32>,
    tpu.vector_store %arg16[%swap3A_101], %broadcast_in_dim3A_1 {strides = array<i32>} : memref<256xf32, #tpu.memory_space<vmem>>, vector<16xf32>,
    %swap3A_103 = arith.constant 48 : index
    %swap3A_104 = tpu.vector_load %arg24[%swap3A_103] {strides = array<i32>} : memref<256xf32, #tpu.memory_space<vmem>>, vector<16xf32>,
    tpu.vector_store %arg24[%swap3A_103], %broadcast_in_dim3A_1 {strides = array<i32>} : memref<256xf32, #tpu.memory_space<vmem>>, vector<16xf32>,
    %swap3A_105 = arith.constant 48 : index
    %swap3A_106 = tpu.vector_load %arg17[%swap3A_105] {strides = array<i32>} : memref<256xf32, #tpu.memory_space<vmem>>, vector<16xf32>,
    tpu.vector_store %arg17[%swap3A_105], %broadcast_in_dim3A_1 {strides = array<i32>} : memref<256xf32, #tpu.memory_space<vmem>>, vector<16xf32>,
    %swap3A_107 = arith.constant 48 : index
    %swap3A_108 = tpu.vector_load %arg25[%swap3A_107] {strides = array<i32>} : memref<256xf32, #tpu.memory_space<vmem>>, vector<16xf32>,
    tpu.vector_store %arg25[%swap3A_107], %broadcast_in_dim3A_1 {strides = array<i32>} : memref<256xf32, #tpu.memory_space<vmem>>, vector<16xf32>,
    %swap3A_109 = arith.constant 48 : index
    %swap3A_110 = tpu.vector_load %arg18[%swap3A_109] {strides = array<i32>} : memref<256xf32, #tpu.memory_space<vmem>>, vector<16xf32>,
    tpu.vector_store %arg18[%swap3A_109], %broadcast_in_dim3A_1 {strides = array<i32>} : memref<256xf32, #tpu.memory_space<vmem>>, vector<16xf32>,
    %swap3A_111 = arith.constant 48 : index
    %swap3A_112 = tpu.vector_load %arg26[%swap3A_111] {strides = array<i32>} : memref<256xf32, #tpu.memory_space<vmem>>, vector<16xf32>,
    tpu.vector_store %arg26[%swap3A_111], %broadcast_in_dim3A_1 {strides = array<i32>} : memref<256xf32, #tpu.memory_space<vmem>>, vector<16xf32>,
    %swap3A_113 = arith.constant 48 : index
    %swap3A_114 = tpu.vector_load %arg19[%swap3A_113] {strides = array<i32>} : memref<256xf32, #tpu.memory_space<vmem>>, vector<16xf32>,
    tpu.vector_store %arg19[%swap3A_113], %broadcast_in_dim3A_1 {strides = array<i32>} : memref<256xf32, #tpu.memory_space<vmem>>, vector<16xf32>,
    %swap3A_115 = arith.constant 48 : index
    %swap3A_116 = tpu.vector_load %arg27[%swap3A_115] {strides = array<i32>} : memref<256xf32, #tpu.memory_space<vmem>>, vector<16xf32>,
    tpu.vector_store %arg27[%swap3A_115], %broadcast_in_dim3A_1 {strides = array<i32>} : memref<256xf32, #tpu.memory_space<vmem>>, vector<16xf32>,
    %swap3A_117 = arith.constant 48 : index
    %swap3A_118 = tpu.vector_load %arg20[%swap3A_117] {strides = array<i32>} : memref<256xf32, #tpu.memory_space<vmem>>, vector<16xf32>,
    tpu.vector_store %arg20[%swap3A_117], %broadcast_in_dim3A_1 {strides = array<i32>} : memref<256xf32, #tpu.memory_space<vmem>>, vector<16xf32>,
    %swap3A_119 = arith.constant 48 : index
    %swap3A_120 = tpu.vector_load %arg28[%swap3A_119] {strides = array<i32>} : memref<256xf32, #tpu.memory_space<vmem>>, vector<16xf32>,
    tpu.vector_store %arg28[%swap3A_119], %broadcast_in_dim3A_1 {strides = array<i32>} : memref<256xf32, #tpu.memory_space<vmem>>, vector<16xf32>,
    %swap3A_121 = arith.constant 48 : index
    %swap3A_122 = tpu.vector_load %arg21[%swap3A_121] {strides = array<i32>} : memref<256xf32, #tpu.memory_space<vmem>>, vector<16xf32>,
    tpu.vector_store %arg21[%swap3A_121], %broadcast_in_dim3A_1 {strides = array<i32>} : memref<256xf32, #tpu.memory_space<vmem>>, vector<16xf32>,
    %swap3A_123 = arith.constant 48 : index
    %swap3A_124 = tpu.vector_load %arg29[%swap3A_123] {strides = array<i32>} : memref<256xf32, #tpu.memory_space<vmem>>, vector<16xf32>,
    tpu.vector_store %arg29[%swap3A_123], %broadcast_in_dim3A_1 {strides = array<i32>} : memref<256xf32, #tpu.memory_space<vmem>>, vector<16xf32>,
    %swap3A_125 = arith.constant 48 : index
    %swap3A_126 = tpu.vector_load %arg22[%swap3A_125] {strides = array<i32>} : memref<256xf32, #tpu.memory_space<vmem>>, vector<16xf32>,
    tpu.vector_store %arg22[%swap3A_125], %broadcast_in_dim3A_1 {strides = array<i32>} : memref<256xf32, #tpu.memory_space<vmem>>, vector<16xf32>,
    %swap3A_127 = arith.constant 48 : index
    %swap3A_128 = tpu.vector_load %arg30[%swap3A_127] {strides = array<i32>} : memref<256xf32, #tpu.memory_space<vmem>>, vector<16xf32>,
    tpu.vector_store %arg30[%swap3A_127], %broadcast_in_dim3A_1 {strides = array<i32>} : memref<256xf32, #tpu.memory_space<vmem>>, vector<16xf32>,
    %swap3A_129 = arith.constant 64 : index
    %swap3A_130 = tpu.vector_load %arg15[%swap3A_129] {strides = array<i32>} : memref<256xf32, #tpu.memory_space<vmem>>, vector<16xf32>,
    tpu.vector_store %arg15[%swap3A_129], %broadcast_in_dim3A_1 {strides = array<i32>} : memref<256xf32, #tpu.memory_space<vmem>>, vector<16xf32>,
    %swap3A_131 = arith.constant 64 : index
    %swap3A_132 = tpu.vector_load %arg23[%swap3A_131] {strides = array<i32>} : memref<256xf32, #tpu.memory_space<vmem>>, vector<16xf32>,
    tpu.vector_store %arg23[%swap3A_131], %broadcast_in_dim3A_1 {strides = array<i32>} : memref<256xf32, #tpu.memory_space<vmem>>, vector<16xf32>,
    %swap3A_133 = arith.constant 64 : index
    %swap3A_134 = tpu.vector_load %arg16[%swap3A_133] {strides = array<i32>} : memref<256xf32, #tpu.memory_space<vmem>>, vector<16xf32>,
    tpu.vector_store %arg16[%swap3A_133], %broadcast_in_dim3A_1 {strides = array<i32>} : memref<256xf32, #tpu.memory_space<vmem>>, vector<16xf32>,
    %swap3A_135 = arith.constant 64 : index
    %swap3A_136 = tpu.vector_load %arg24[%swap3A_135] {strides = array<i32>} : memref<256xf32, #tpu.memory_space<vmem>>, vector<16xf32>,
    tpu.vector_store %arg24[%swap3A_135], %broadcast_in_dim3A_1 {strides = array<i32>} : memref<256xf32, #tpu.memory_space<vmem>>, vector<16xf32>,
    %swap3A_137 = arith.constant 64 : index
    %swap3A_138 = tpu.vector_load %arg17[%swap3A_137] {strides = array<i32>} : memref<256xf32, #tpu.memory_space<vmem>>, vector<16xf32>,
    tpu.vector_store %arg17[%swap3A_137], %broadcast_in_dim3A_1 {strides = array<i32>} : memref<256xf32, #tpu.memory_space<vmem>>, vector<16xf32>,
    %swap3A_139 = arith.constant 64 : index
    %swap3A_140 = tpu.vector_load %arg25[%swap3A_139] {strides = array<i32>} : memref<256xf32, #tpu.memory_space<vmem>>, vector<16xf32>,
    tpu.vector_store %arg25[%swap3A_139], %broadcast_in_dim3A_1 {strides = array<i32>} : memref<256xf32, #tpu.memory_space<vmem>>, vector<16xf32>,
    %swap3A_141 = arith.constant 64 : index
    %swap3A_142 = tpu.vector_load %arg18[%swap3A_141] {strides = array<i32>} : memref<256xf32, #tpu.memory_space<vmem>>, vector<16xf32>,
    tpu.vector_store %arg18[%swap3A_141], %broadcast_in_dim3A_1 {strides = array<i32>} : memref<256xf32, #tpu.memory_space<vmem>>, vector<16xf32>,
    %swap3A_143 = arith.constant 64 : index
    %swap3A_144 = tpu.vector_load %arg26[%swap3A_143] {strides = array<i32>} : memref<256xf32, #tpu.memory_space<vmem>>, vector<16xf32>,
    tpu.vector_store %arg26[%swap3A_143], %broadcast_in_dim3A_1 {strides = array<i32>} : memref<256xf32, #tpu.memory_space<vmem>>, vector<16xf32>,
    %swap3A_145 = arith.constant 64 : index
    %swap3A_146 = tpu.vector_load %arg19[%swap3A_145] {strides = array<i32>} : memref<256xf32, #tpu.memory_space<vmem>>, vector<16xf32>,
    tpu.vector_store %arg19[%swap3A_145], %broadcast_in_dim3A_1 {strides = array<i32>} : memref<256xf32, #tpu.memory_space<vmem>>, vector<16xf32>,
    %swap3A_147 = arith.constant 64 : index
    %swap3A_148 = tpu.vector_load %arg27[%swap3A_147] {strides = array<i32>} : memref<256xf32, #tpu.memory_space<vmem>>, vector<16xf32>,
    tpu.vector_store %arg27[%swap3A_147], %broadcast_in_dim3A_1 {strides = array<i32>} : memref<256xf32, #tpu.memory_space<vmem>>, vector<16xf32>,
    %swap3A_149 = arith.constant 64 : index
    %swap3A_150 = tpu.vector_load %arg20[%swap3A_149] {strides = array<i32>} : memref<256xf32, #tpu.memory_space<vmem>>, vector<16xf32>,
    tpu.vector_store %arg20[%swap3A_149], %broadcast_in_dim3A_1 {strides = array<i32>} : memref<256xf32, #tpu.memory_space<vmem>>, vector<16xf32>,
    %swap3A_151 = arith.constant 64 : index
    %swap3A_152 = tpu.vector_load %arg28[%swap3A_151] {strides = array<i32>} : memref<256xf32, #tpu.memory_space<vmem>>, vector<16xf32>,
    tpu.vector_store %arg28[%swap3A_151], %broadcast_in_dim3A_1 {strides = array<i32>} : memref<256xf32, #tpu.memory_space<vmem>>, vector<16xf32>,
    %swap3A_153 = arith.constant 64 : index
    %swap3A_154 = tpu.vector_load %arg21[%swap3A_153] {strides = array<i32>} : memref<256xf32, #tpu.memory_space<vmem>>, vector<16xf32>,
    tpu.vector_store %arg21[%swap3A_153], %broadcast_in_dim3A_1 {strides = array<i32>} : memref<256xf32, #tpu.memory_space<vmem>>, vector<16xf32>,
    %swap3A_155 = arith.constant 64 : index
    %swap3A_156 = tpu.vector_load %arg29[%swap3A_155] {strides = array<i32>} : memref<256xf32, #tpu.memory_space<vmem>>, vector<16xf32>,
    tpu.vector_store %arg29[%swap3A_155], %broadcast_in_dim3A_1 {strides = array<i32>} : memref<256xf32, #tpu.memory_space<vmem>>, vector<16xf32>,
    %swap3A_157 = arith.constant 64 : index
    %swap3A_158 = tpu.vector_load %arg22[%swap3A_157] {strides = array<i32>} : memref<256xf32, #tpu.memory_space<vmem>>, vector<16xf32>,
    tpu.vector_store %arg22[%swap3A_157], %broadcast_in_dim3A_1 {strides = array<i32>} : memref<256xf32, #tpu.memory_space<vmem>>, vector<16xf32>,
    %swap3A_159 = arith.constant 64 : index
    %swap3A_160 = tpu.vector_load %arg30[%swap3A_159] {strides = array<i32>} : memref<256xf32, #tpu.memory_space<vmem>>, vector<16xf32>,
    tpu.vector_store %arg30[%swap3A_159], %broadcast_in_dim3A_1 {strides = array<i32>} : memref<256xf32, #tpu.memory_space<vmem>>, vector<16xf32>,
    %swap3A_161 = arith.constant 80 : index
    %swap3A_162 = tpu.vector_load %arg15[%swap3A_161] {strides = array<i32>} : memref<256xf32, #tpu.memory_space<vmem>>, vector<16xf32>,
    tpu.vector_store %arg15[%swap3A_161], %broadcast_in_dim3A_1 {strides = array<i32>} : memref<256xf32, #tpu.memory_space<vmem>>, vector<16xf32>,
    %swap3A_163 = arith.constant 80 : index
    %swap3A_164 = tpu.vector_load %arg23[%swap3A_163] {strides = array<i32>} : memref<256xf32, #tpu.memory_space<vmem>>, vector<16xf32>,
    tpu.vector_store %arg23[%swap3A_163], %broadcast_in_dim3A_1 {strides = array<i32>} : memref<256xf32, #tpu.memory_space<vmem>>, vector<16xf32>,
    %swap3A_165 = arith.constant 80 : index
    %swap3A_166 = tpu.vector_load %arg16[%swap3A_165] {strides = array<i32>} : memref<256xf32, #tpu.memory_space<vmem>>, vector<16xf32>,
    tpu.vector_store %arg16[%swap3A_165], %broadcast_in_dim3A_1 {strides = array<i32>} : memref<256xf32, #tpu.memory_space<vmem>>, vector<16xf32>,
    %swap3A_167 = arith.constant 80 : index
    %swap3A_168 = tpu.vector_load %arg24[%swap3A_167] {strides = array<i32>} : memref<256xf32, #tpu.memory_space<vmem>>, vector<16xf32>,
    tpu.vector_store %arg24[%swap3A_167], %broadcast_in_dim3A_1 {strides = array<i32>} : memref<256xf32, #tpu.memory_space<vmem>>, vector<16xf32>,
    %swap3A_169 = arith.constant 80 : index
    %swap3A_170 = tpu.vector_load %arg17[%swap3A_169] {strides = array<i32>} : memref<256xf32, #tpu.memory_space<vmem>>, vector<16xf32>,
    tpu.vector_store %arg17[%swap3A_169], %broadcast_in_dim3A_1 {strides = array<i32>} : memref<256xf32, #tpu.memory_space<vmem>>, vector<16xf32>,
    %swap3A_171 = arith.constant 80 : index
    %swap3A_172 = tpu.vector_load %arg25[%swap3A_171] {strides = array<i32>} : memref<256xf32, #tpu.memory_space<vmem>>, vector<16xf32>,
    tpu.vector_store %arg25[%swap3A_171], %broadcast_in_dim3A_1 {strides = array<i32>} : memref<256xf32, #tpu.memory_space<vmem>>, vector<16xf32>,
    %swap3A_173 = arith.constant 80 : index
    %swap3A_174 = tpu.vector_load %arg18[%swap3A_173] {strides = array<i32>} : memref<256xf32, #tpu.memory_space<vmem>>, vector<16xf32>,
    tpu.vector_store %arg18[%swap3A_173], %broadcast_in_dim3A_1 {strides = array<i32>} : memref<256xf32, #tpu.memory_space<vmem>>, vector<16xf32>,
    %swap3A_175 = arith.constant 80 : index
    %swap3A_176 = tpu.vector_load %arg26[%swap3A_175] {strides = array<i32>} : memref<256xf32, #tpu.memory_space<vmem>>, vector<16xf32>,
    tpu.vector_store %arg26[%swap3A_175], %broadcast_in_dim3A_1 {strides = array<i32>} : memref<256xf32, #tpu.memory_space<vmem>>, vector<16xf32>,
    %swap3A_177 = arith.constant 80 : index
    %swap3A_178 = tpu.vector_load %arg19[%swap3A_177] {strides = array<i32>} : memref<256xf32, #tpu.memory_space<vmem>>, vector<16xf32>,
    tpu.vector_store %arg19[%swap3A_177], %broadcast_in_dim3A_1 {strides = array<i32>} : memref<256xf32, #tpu.memory_space<vmem>>, vector<16xf32>,
    %swap3A_179 = arith.constant 80 : index
    %swap3A_180 = tpu.vector_load %arg27[%swap3A_179] {strides = array<i32>} : memref<256xf32, #tpu.memory_space<vmem>>, vector<16xf32>,
    tpu.vector_store %arg27[%swap3A_179], %broadcast_in_dim3A_1 {strides = array<i32>} : memref<256xf32, #tpu.memory_space<vmem>>, vector<16xf32>,
    %swap3A_181 = arith.constant 80 : index
    %swap3A_182 = tpu.vector_load %arg20[%swap3A_181] {strides = array<i32>} : memref<256xf32, #tpu.memory_space<vmem>>, vector<16xf32>,
    tpu.vector_store %arg20[%swap3A_181], %broadcast_in_dim3A_1 {strides = array<i32>} : memref<256xf32, #tpu.memory_space<vmem>>, vector<16xf32>,
    %swap3A_183 = arith.constant 80 : index
    %swap3A_184 = tpu.vector_load %arg28[%swap3A_183] {strides = array<i32>} : memref<256xf32, #tpu.memory_space<vmem>>, vector<16xf32>,
    tpu.vector_store %arg28[%swap3A_183], %broadcast_in_dim3A_1 {strides = array<i32>} : memref<256xf32, #tpu.memory_space<vmem>>, vector<16xf32>,
    %swap3A_185 = arith.constant 80 : index
    %swap3A_186 = tpu.vector_load %arg21[%swap3A_185] {strides = array<i32>} : memref<256xf32, #tpu.memory_space<vmem>>, vector<16xf32>,
    tpu.vector_store %arg21[%swap3A_185], %broadcast_in_dim3A_1 {strides = array<i32>} : memref<256xf32, #tpu.memory_space<vmem>>, vector<16xf32>,
    %swap3A_187 = arith.constant 80 : index
    %swap3A_188 = tpu.vector_load %arg29[%swap3A_187] {strides = array<i32>} : memref<256xf32, #tpu.memory_space<vmem>>, vector<16xf32>,
    tpu.vector_store %arg29[%swap3A_187], %broadcast_in_dim3A_1 {strides = array<i32>} : memref<256xf32, #tpu.memory_space<vmem>>, vector<16xf32>,
    %swap3A_189 = arith.constant 80 : index
    %swap3A_190 = tpu.vector_load %arg22[%swap3A_189] {strides = array<i32>} : memref<256xf32, #tpu.memory_space<vmem>>, vector<16xf32>,
    tpu.vector_store %arg22[%swap3A_189], %broadcast_in_dim3A_1 {strides = array<i32>} : memref<256xf32, #tpu.memory_space<vmem>>, vector<16xf32>,
    %swap3A_191 = arith.constant 80 : index
    %swap3A_192 = tpu.vector_load %arg30[%swap3A_191] {strides = array<i32>} : memref<256xf32, #tpu.memory_space<vmem>>, vector<16xf32>,
    tpu.vector_store %arg30[%swap3A_191], %broadcast_in_dim3A_1 {strides = array<i32>} : memref<256xf32, #tpu.memory_space<vmem>>, vector<16xf32>,
    %swap3A_193 = arith.constant 96 : index
    %swap3A_194 = tpu.vector_load %arg15[%swap3A_193] {strides = array<i32>} : memref<256xf32, #tpu.memory_space<vmem>>, vector<16xf32>,
    tpu.vector_store %arg15[%swap3A_193], %broadcast_in_dim3A_1 {strides = array<i32>} : memref<256xf32, #tpu.memory_space<vmem>>, vector<16xf32>,
    %swap3A_195 = arith.constant 96 : index
    %swap3A_196 = tpu.vector_load %arg23[%swap3A_195] {strides = array<i32>} : memref<256xf32, #tpu.memory_space<vmem>>, vector<16xf32>,
    tpu.vector_store %arg23[%swap3A_195], %broadcast_in_dim3A_1 {strides = array<i32>} : memref<256xf32, #tpu.memory_space<vmem>>, vector<16xf32>,
    %swap3A_197 = arith.constant 96 : index
    %swap3A_198 = tpu.vector_load %arg16[%swap3A_197] {strides = array<i32>} : memref<256xf32, #tpu.memory_space<vmem>>, vector<16xf32>,
    tpu.vector_store %arg16[%swap3A_197], %broadcast_in_dim3A_1 {strides = array<i32>} : memref<256xf32, #tpu.memory_space<vmem>>, vector<16xf32>,
    %swap3A_199 = arith.constant 96 : index
    %swap3A_200 = tpu.vector_load %arg24[%swap3A_199] {strides = array<i32>} : memref<256xf32, #tpu.memory_space<vmem>>, vector<16xf32>,
    tpu.vector_store %arg24[%swap3A_199], %broadcast_in_dim3A_1 {strides = array<i32>} : memref<256xf32, #tpu.memory_space<vmem>>, vector<16xf32>,
    %swap3A_201 = arith.constant 96 : index
    %swap3A_202 = tpu.vector_load %arg17[%swap3A_201] {strides = array<i32>} : memref<256xf32, #tpu.memory_space<vmem>>, vector<16xf32>,
    tpu.vector_store %arg17[%swap3A_201], %broadcast_in_dim3A_1 {strides = array<i32>} : memref<256xf32, #tpu.memory_space<vmem>>, vector<16xf32>,
    %swap3A_203 = arith.constant 96 : index
    %swap3A_204 = tpu.vector_load %arg25[%swap3A_203] {strides = array<i32>} : memref<256xf32, #tpu.memory_space<vmem>>, vector<16xf32>,
    tpu.vector_store %arg25[%swap3A_203], %broadcast_in_dim3A_1 {strides = array<i32>} : memref<256xf32, #tpu.memory_space<vmem>>, vector<16xf32>,
    %swap3A_205 = arith.constant 96 : index
    %swap3A_206 = tpu.vector_load %arg18[%swap3A_205] {strides = array<i32>} : memref<256xf32, #tpu.memory_space<vmem>>, vector<16xf32>,
    tpu.vector_store %arg18[%swap3A_205], %broadcast_in_dim3A_1 {strides = array<i32>} : memref<256xf32, #tpu.memory_space<vmem>>, vector<16xf32>,
    %swap3A_207 = arith.constant 96 : index
    %swap3A_208 = tpu.vector_load %arg26[%swap3A_207] {strides = array<i32>} : memref<256xf32, #tpu.memory_space<vmem>>, vector<16xf32>,
    tpu.vector_store %arg26[%swap3A_207], %broadcast_in_dim3A_1 {strides = array<i32>} : memref<256xf32, #tpu.memory_space<vmem>>, vector<16xf32>,
    %swap3A_209 = arith.constant 96 : index
    %swap3A_210 = tpu.vector_load %arg19[%swap3A_209] {strides = array<i32>} : memref<256xf32, #tpu.memory_space<vmem>>, vector<16xf32>,
    tpu.vector_store %arg19[%swap3A_209], %broadcast_in_dim3A_1 {strides = array<i32>} : memref<256xf32, #tpu.memory_space<vmem>>, vector<16xf32>,
    %swap3A_211 = arith.constant 96 : index
    %swap3A_212 = tpu.vector_load %arg27[%swap3A_211] {strides = array<i32>} : memref<256xf32, #tpu.memory_space<vmem>>, vector<16xf32>,
    tpu.vector_store %arg27[%swap3A_211], %broadcast_in_dim3A_1 {strides = array<i32>} : memref<256xf32, #tpu.memory_space<vmem>>, vector<16xf32>,
    %swap3A_213 = arith.constant 96 : index
    %swap3A_214 = tpu.vector_load %arg20[%swap3A_213] {strides = array<i32>} : memref<256xf32, #tpu.memory_space<vmem>>, vector<16xf32>,
    tpu.vector_store %arg20[%swap3A_213], %broadcast_in_dim3A_1 {strides = array<i32>} : memref<256xf32, #tpu.memory_space<vmem>>, vector<16xf32>,
    %swap3A_215 = arith.constant 96 : index
    %swap3A_216 = tpu.vector_load %arg28[%swap3A_215] {strides = array<i32>} : memref<256xf32, #tpu.memory_space<vmem>>, vector<16xf32>,
    tpu.vector_store %arg28[%swap3A_215], %broadcast_in_dim3A_1 {strides = array<i32>} : memref<256xf32, #tpu.memory_space<vmem>>, vector<16xf32>,
    %swap3A_217 = arith.constant 96 : index
    %swap3A_218 = tpu.vector_load %arg21[%swap3A_217] {strides = array<i32>} : memref<256xf32, #tpu.memory_space<vmem>>, vector<16xf32>,
    tpu.vector_store %arg21[%swap3A_217], %broadcast_in_dim3A_1 {strides = array<i32>} : memref<256xf32, #tpu.memory_space<vmem>>, vector<16xf32>,
    %swap3A_219 = arith.constant 96 : index
    %swap3A_220 = tpu.vector_load %arg29[%swap3A_219] {strides = array<i32>} : memref<256xf32, #tpu.memory_space<vmem>>, vector<16xf32>,
    tpu.vector_store %arg29[%swap3A_219], %broadcast_in_dim3A_1 {strides = array<i32>} : memref<256xf32, #tpu.memory_space<vmem>>, vector<16xf32>,
    %swap3A_221 = arith.constant 96 : index
    %swap3A_222 = tpu.vector_load %arg22[%swap3A_221] {strides = array<i32>} : memref<256xf32, #tpu.memory_space<vmem>>, vector<16xf32>,
    tpu.vector_store %arg22[%swap3A_221], %broadcast_in_dim3A_1 {strides = array<i32>} : memref<256xf32, #tpu.memory_space<vmem>>, vector<16xf32>,
    %swap3A_223 = arith.constant 96 : index
    %swap3A_224 = tpu.vector_load %arg30[%swap3A_223] {strides = array<i32>} : memref<256xf32, #tpu.memory_space<vmem>>, vector<16xf32>,
    tpu.vector_store %arg30[%swap3A_223], %broadcast_in_dim3A_1 {strides = array<i32>} : memref<256xf32, #tpu.memory_space<vmem>>, vector<16xf32>,
    %swap3A_225 = arith.constant 112 : index
    %swap3A_226 = tpu.vector_load %arg15[%swap3A_225] {strides = array<i32>} : memref<256xf32, #tpu.memory_space<vmem>>, vector<16xf32>,
    tpu.vector_store %arg15[%swap3A_225], %broadcast_in_dim3A_1 {strides = array<i32>} : memref<256xf32, #tpu.memory_space<vmem>>, vector<16xf32>,
    %swap3A_227 = arith.constant 112 : index
    %swap3A_228 = tpu.vector_load %arg23[%swap3A_227] {strides = array<i32>} : memref<256xf32, #tpu.memory_space<vmem>>, vector<16xf32>,
    tpu.vector_store %arg23[%swap3A_227], %broadcast_in_dim3A_1 {strides = array<i32>} : memref<256xf32, #tpu.memory_space<vmem>>, vector<16xf32>,
    %swap3A_229 = arith.constant 112 : index
    %swap3A_230 = tpu.vector_load %arg16[%swap3A_229] {strides = array<i32>} : memref<256xf32, #tpu.memory_space<vmem>>, vector<16xf32>,
    tpu.vector_store %arg16[%swap3A_229], %broadcast_in_dim3A_1 {strides = array<i32>} : memref<256xf32, #tpu.memory_space<vmem>>, vector<16xf32>,
    %swap3A_231 = arith.constant 112 : index
    %swap3A_232 = tpu.vector_load %arg24[%swap3A_231] {strides = array<i32>} : memref<256xf32, #tpu.memory_space<vmem>>, vector<16xf32>,
    tpu.vector_store %arg24[%swap3A_231], %broadcast_in_dim3A_1 {strides = array<i32>} : memref<256xf32, #tpu.memory_space<vmem>>, vector<16xf32>,
    %swap3A_233 = arith.constant 112 : index
    %swap3A_234 = tpu.vector_load %arg17[%swap3A_233] {strides = array<i32>} : memref<256xf32, #tpu.memory_space<vmem>>, vector<16xf32>,
    tpu.vector_store %arg17[%swap3A_233], %broadcast_in_dim3A_1 {strides = array<i32>} : memref<256xf32, #tpu.memory_space<vmem>>, vector<16xf32>,
    %swap3A_235 = arith.constant 112 : index
    %swap3A_236 = tpu.vector_load %arg25[%swap3A_235] {strides = array<i32>} : memref<256xf32, #tpu.memory_space<vmem>>, vector<16xf32>,
    tpu.vector_store %arg25[%swap3A_235], %broadcast_in_dim3A_1 {strides = array<i32>} : memref<256xf32, #tpu.memory_space<vmem>>, vector<16xf32>,
    %swap3A_237 = arith.constant 112 : index
    %swap3A_238 = tpu.vector_load %arg18[%swap3A_237] {strides = array<i32>} : memref<256xf32, #tpu.memory_space<vmem>>, vector<16xf32>,
    tpu.vector_store %arg18[%swap3A_237], %broadcast_in_dim3A_1 {strides = array<i32>} : memref<256xf32, #tpu.memory_space<vmem>>, vector<16xf32>,
    %swap3A_239 = arith.constant 112 : index
    %swap3A_240 = tpu.vector_load %arg26[%swap3A_239] {strides = array<i32>} : memref<256xf32, #tpu.memory_space<vmem>>, vector<16xf32>,
    tpu.vector_store %arg26[%swap3A_239], %broadcast_in_dim3A_1 {strides = array<i32>} : memref<256xf32, #tpu.memory_space<vmem>>, vector<16xf32>,
    %swap3A_241 = arith.constant 112 : index
    %swap3A_242 = tpu.vector_load %arg19[%swap3A_241] {strides = array<i32>} : memref<256xf32, #tpu.memory_space<vmem>>, vector<16xf32>,
    tpu.vector_store %arg19[%swap3A_241], %broadcast_in_dim3A_1 {strides = array<i32>} : memref<256xf32, #tpu.memory_space<vmem>>, vector<16xf32>,
    %swap3A_243 = arith.constant 112 : index
    %swap3A_244 = tpu.vector_load %arg27[%swap3A_243] {strides = array<i32>} : memref<256xf32, #tpu.memory_space<vmem>>, vector<16xf32>,
    tpu.vector_store %arg27[%swap3A_243], %broadcast_in_dim3A_1 {strides = array<i32>} : memref<256xf32, #tpu.memory_space<vmem>>, vector<16xf32>,
    %swap3A_245 = arith.constant 112 : index
    %swap3A_246 = tpu.vector_load %arg20[%swap3A_245] {strides = array<i32>} : memref<256xf32, #tpu.memory_space<vmem>>, vector<16xf32>,
    tpu.vector_store %arg20[%swap3A_245], %broadcast_in_dim3A_1 {strides = array<i32>} : memref<256xf32, #tpu.memory_space<vmem>>, vector<16xf32>,
    %swap3A_247 = arith.constant 112 : index
    %swap3A_248 = tpu.vector_load %arg28[%swap3A_247] {strides = array<i32>} : memref<256xf32, #tpu.memory_space<vmem>>, vector<16xf32>,
    tpu.vector_store %arg28[%swap3A_247], %broadcast_in_dim3A_1 {strides = array<i32>} : memref<256xf32, #tpu.memory_space<vmem>>, vector<16xf32>,
    %swap3A_249 = arith.constant 112 : index
    %swap3A_250 = tpu.vector_load %arg21[%swap3A_249] {strides = array<i32>} : memref<256xf32, #tpu.memory_space<vmem>>, vector<16xf32>,
    tpu.vector_store %arg21[%swap3A_249], %broadcast_in_dim3A_1 {strides = array<i32>} : memref<256xf32, #tpu.memory_space<vmem>>, vector<16xf32>,
    %swap3A_251 = arith.constant 112 : index
    %swap3A_252 = tpu.vector_load %arg29[%swap3A_251] {strides = array<i32>} : memref<256xf32, #tpu.memory_space<vmem>>, vector<16xf32>,
    tpu.vector_store %arg29[%swap3A_251], %broadcast_in_dim3A_1 {strides = array<i32>} : memref<256xf32, #tpu.memory_space<vmem>>, vector<16xf32>,
    %swap3A_253 = arith.constant 112 : index
    %swap3A_254 = tpu.vector_load %arg22[%swap3A_253] {strides = array<i32>} : memref<256xf32, #tpu.memory_space<vmem>>, vector<16xf32>,
    tpu.vector_store %arg22[%swap3A_253], %broadcast_in_dim3A_1 {strides = array<i32>} : memref<256xf32, #tpu.memory_space<vmem>>, vector<16xf32>,
    %swap3A_255 = arith.constant 112 : index
    %swap3A_256 = tpu.vector_load %arg30[%swap3A_255] {strides = array<i32>} : memref<256xf32, #tpu.memory_space<vmem>>, vector<16xf32>,
    tpu.vector_store %arg30[%swap3A_255], %broadcast_in_dim3A_1 {strides = array<i32>} : memref<256xf32, #tpu.memory_space<vmem>>, vector<16xf32>,
    %swap3A_257 = arith.constant 128 : index
    %swap3A_258 = tpu.vector_load %arg15[%swap3A_257] {strides = array<i32>} : memref<256xf32, #tpu.memory_space<vmem>>, vector<16xf32>,
    tpu.vector_store %arg15[%swap3A_257], %broadcast_in_dim3A_1 {strides = array<i32>} : memref<256xf32, #tpu.memory_space<vmem>>, vector<16xf32>,
    %swap3A_259 = arith.constant 128 : index
    %swap3A_260 = tpu.vector_load %arg23[%swap3A_259] {strides = array<i32>} : memref<256xf32, #tpu.memory_space<vmem>>, vector<16xf32>,
    tpu.vector_store %arg23[%swap3A_259], %broadcast_in_dim3A_1 {strides = array<i32>} : memref<256xf32, #tpu.memory_space<vmem>>, vector<16xf32>,
    %swap3A_261 = arith.constant 128 : index
    %swap3A_262 = tpu.vector_load %arg16[%swap3A_261] {strides = array<i32>} : memref<256xf32, #tpu.memory_space<vmem>>, vector<16xf32>,
    tpu.vector_store %arg16[%swap3A_261], %broadcast_in_dim3A_1 {strides = array<i32>} : memref<256xf32, #tpu.memory_space<vmem>>, vector<16xf32>,
    %swap3A_263 = arith.constant 128 : index
    %swap3A_264 = tpu.vector_load %arg24[%swap3A_263] {strides = array<i32>} : memref<256xf32, #tpu.memory_space<vmem>>, vector<16xf32>,
    tpu.vector_store %arg24[%swap3A_263], %broadcast_in_dim3A_1 {strides = array<i32>} : memref<256xf32, #tpu.memory_space<vmem>>, vector<16xf32>,
    %swap3A_265 = arith.constant 128 : index
    %swap3A_266 = tpu.vector_load %arg17[%swap3A_265] {strides = array<i32>} : memref<256xf32, #tpu.memory_space<vmem>>, vector<16xf32>,
    tpu.vector_store %arg17[%swap3A_265], %broadcast_in_dim3A_1 {strides = array<i32>} : memref<256xf32, #tpu.memory_space<vmem>>, vector<16xf32>,
    %swap3A_267 = arith.constant 128 : index
    %swap3A_268 = tpu.vector_load %arg25[%swap3A_267] {strides = array<i32>} : memref<256xf32, #tpu.memory_space<vmem>>, vector<16xf32>,
    tpu.vector_store %arg25[%swap3A_267], %broadcast_in_dim3A_1 {strides = array<i32>} : memref<256xf32, #tpu.memory_space<vmem>>, vector<16xf32>,
    %swap3A_269 = arith.constant 128 : index
    %swap3A_270 = tpu.vector_load %arg18[%swap3A_269] {strides = array<i32>} : memref<256xf32, #tpu.memory_space<vmem>>, vector<16xf32>,
    tpu.vector_store %arg18[%swap3A_269], %broadcast_in_dim3A_1 {strides = array<i32>} : memref<256xf32, #tpu.memory_space<vmem>>, vector<16xf32>,
    %swap3A_271 = arith.constant 128 : index
    %swap3A_272 = tpu.vector_load %arg26[%swap3A_271] {strides = array<i32>} : memref<256xf32, #tpu.memory_space<vmem>>, vector<16xf32>,
    tpu.vector_store %arg26[%swap3A_271], %broadcast_in_dim3A_1 {strides = array<i32>} : memref<256xf32, #tpu.memory_space<vmem>>, vector<16xf32>,
    %swap3A_273 = arith.constant 128 : index
    %swap3A_274 = tpu.vector_load %arg19[%swap3A_273] {strides = array<i32>} : memref<256xf32, #tpu.memory_space<vmem>>, vector<16xf32>,
    tpu.vector_store %arg19[%swap3A_273], %broadcast_in_dim3A_1 {strides = array<i32>} : memref<256xf32, #tpu.memory_space<vmem>>, vector<16xf32>,
    %swap3A_275 = arith.constant 128 : index
    %swap3A_276 = tpu.vector_load %arg27[%swap3A_275] {strides = array<i32>} : memref<256xf32, #tpu.memory_space<vmem>>, vector<16xf32>,
    tpu.vector_store %arg27[%swap3A_275], %broadcast_in_dim3A_1 {strides = array<i32>} : memref<256xf32, #tpu.memory_space<vmem>>, vector<16xf32>,
    %swap3A_277 = arith.constant 128 : index
    %swap3A_278 = tpu.vector_load %arg20[%swap3A_277] {strides = array<i32>} : memref<256xf32, #tpu.memory_space<vmem>>, vector<16xf32>,
    tpu.vector_store %arg20[%swap3A_277], %broadcast_in_dim3A_1 {strides = array<i32>} : memref<256xf32, #tpu.memory_space<vmem>>, vector<16xf32>,
    %swap3A_279 = arith.constant 128 : index
    %swap3A_280 = tpu.vector_load %arg28[%swap3A_279] {strides = array<i32>} : memref<256xf32, #tpu.memory_space<vmem>>, vector<16xf32>,
    tpu.vector_store %arg28[%swap3A_279], %broadcast_in_dim3A_1 {strides = array<i32>} : memref<256xf32, #tpu.memory_space<vmem>>, vector<16xf32>,
    %swap3A_281 = arith.constant 128 : index
    %swap3A_282 = tpu.vector_load %arg21[%swap3A_281] {strides = array<i32>} : memref<256xf32, #tpu.memory_space<vmem>>, vector<16xf32>,
    tpu.vector_store %arg21[%swap3A_281], %broadcast_in_dim3A_1 {strides = array<i32>} : memref<256xf32, #tpu.memory_space<vmem>>, vector<16xf32>,
    %swap3A_283 = arith.constant 128 : index
    %swap3A_284 = tpu.vector_load %arg29[%swap3A_283] {strides = array<i32>} : memref<256xf32, #tpu.memory_space<vmem>>, vector<16xf32>,
    tpu.vector_store %arg29[%swap3A_283], %broadcast_in_dim3A_1 {strides = array<i32>} : memref<256xf32, #tpu.memory_space<vmem>>, vector<16xf32>,
    %swap3A_285 = arith.constant 128 : index
    %swap3A_286 = tpu.vector_load %arg22[%swap3A_285] {strides = array<i32>} : memref<256xf32, #tpu.memory_space<vmem>>, vector<16xf32>,
    tpu.vector_store %arg22[%swap3A_285], %broadcast_in_dim3A_1 {strides = array<i32>} : memref<256xf32, #tpu.memory_space<vmem>>, vector<16xf32>,
    %swap3A_287 = arith.constant 128 : index
    %swap3A_288 = tpu.vector_load %arg30[%swap3A_287] {strides = array<i32>} : memref<256xf32, #tpu.memory_space<vmem>>, vector<16xf32>,
    tpu.vector_store %arg30[%swap3A_287], %broadcast_in_dim3A_1 {strides = array<i32>} : memref<256xf32, #tpu.memory_space<vmem>>, vector<16xf32>,
    %swap3A_289 = arith.constant 144 : index
    %swap3A_290 = tpu.vector_load %arg15[%swap3A_289] {strides = array<i32>} : memref<256xf32, #tpu.memory_space<vmem>>, vector<16xf32>,
    tpu.vector_store %arg15[%swap3A_289], %broadcast_in_dim3A_1 {strides = array<i32>} : memref<256xf32, #tpu.memory_space<vmem>>, vector<16xf32>,
    %swap3A_291 = arith.constant 144 : index
    %swap3A_292 = tpu.vector_load %arg23[%swap3A_291] {strides = array<i32>} : memref<256xf32, #tpu.memory_space<vmem>>, vector<16xf32>,
    tpu.vector_store %arg23[%swap3A_291], %broadcast_in_dim3A_1 {strides = array<i32>} : memref<256xf32, #tpu.memory_space<vmem>>, vector<16xf32>,
    %swap3A_293 = arith.constant 144 : index
    %swap3A_294 = tpu.vector_load %arg16[%swap3A_293] {strides = array<i32>} : memref<256xf32, #tpu.memory_space<vmem>>, vector<16xf32>,
    tpu.vector_store %arg16[%swap3A_293], %broadcast_in_dim3A_1 {strides = array<i32>} : memref<256xf32, #tpu.memory_space<vmem>>, vector<16xf32>,
    %swap3A_295 = arith.constant 144 : index
    %swap3A_296 = tpu.vector_load %arg24[%swap3A_295] {strides = array<i32>} : memref<256xf32, #tpu.memory_space<vmem>>, vector<16xf32>,
    tpu.vector_store %arg24[%swap3A_295], %broadcast_in_dim3A_1 {strides = array<i32>} : memref<256xf32, #tpu.memory_space<vmem>>, vector<16xf32>,
    %swap3A_297 = arith.constant 144 : index
    %swap3A_298 = tpu.vector_load %arg17[%swap3A_297] {strides = array<i32>} : memref<256xf32, #tpu.memory_space<vmem>>, vector<16xf32>,
    tpu.vector_store %arg17[%swap3A_297], %broadcast_in_dim3A_1 {strides = array<i32>} : memref<256xf32, #tpu.memory_space<vmem>>, vector<16xf32>,
    %swap3A_299 = arith.constant 144 : index
    %swap3A_300 = tpu.vector_load %arg25[%swap3A_299] {strides = array<i32>} : memref<256xf32, #tpu.memory_space<vmem>>, vector<16xf32>,
    tpu.vector_store %arg25[%swap3A_299], %broadcast_in_dim3A_1 {strides = array<i32>} : memref<256xf32, #tpu.memory_space<vmem>>, vector<16xf32>,
    %swap3A_301 = arith.constant 144 : index
    %swap3A_302 = tpu.vector_load %arg18[%swap3A_301] {strides = array<i32>} : memref<256xf32, #tpu.memory_space<vmem>>, vector<16xf32>,
    tpu.vector_store %arg18[%swap3A_301], %broadcast_in_dim3A_1 {strides = array<i32>} : memref<256xf32, #tpu.memory_space<vmem>>, vector<16xf32>,
    %swap3A_303 = arith.constant 144 : index
    %swap3A_304 = tpu.vector_load %arg26[%swap3A_303] {strides = array<i32>} : memref<256xf32, #tpu.memory_space<vmem>>, vector<16xf32>,
    tpu.vector_store %arg26[%swap3A_303], %broadcast_in_dim3A_1 {strides = array<i32>} : memref<256xf32, #tpu.memory_space<vmem>>, vector<16xf32>,
    %swap3A_305 = arith.constant 144 : index
    %swap3A_306 = tpu.vector_load %arg19[%swap3A_305] {strides = array<i32>} : memref<256xf32, #tpu.memory_space<vmem>>, vector<16xf32>,
    tpu.vector_store %arg19[%swap3A_305], %broadcast_in_dim3A_1 {strides = array<i32>} : memref<256xf32, #tpu.memory_space<vmem>>, vector<16xf32>,
    %swap3A_307 = arith.constant 144 : index
    %swap3A_308 = tpu.vector_load %arg27[%swap3A_307] {strides = array<i32>} : memref<256xf32, #tpu.memory_space<vmem>>, vector<16xf32>,
    tpu.vector_store %arg27[%swap3A_307], %broadcast_in_dim3A_1 {strides = array<i32>} : memref<256xf32, #tpu.memory_space<vmem>>, vector<16xf32>,
    %swap3A_309 = arith.constant 144 : index
    %swap3A_310 = tpu.vector_load %arg20[%swap3A_309] {strides = array<i32>} : memref<256xf32, #tpu.memory_space<vmem>>, vector<16xf32>,
    tpu.vector_store %arg20[%swap3A_309], %broadcast_in_dim3A_1 {strides = array<i32>} : memref<256xf32, #tpu.memory_space<vmem>>, vector<16xf32>,
    %swap3A_311 = arith.constant 144 : index
    %swap3A_312 = tpu.vector_load %arg28[%swap3A_311] {strides = array<i32>} : memref<256xf32, #tpu.memory_space<vmem>>, vector<16xf32>,
    tpu.vector_store %arg28[%swap3A_311], %broadcast_in_dim3A_1 {strides = array<i32>} : memref<256xf32, #tpu.memory_space<vmem>>, vector<16xf32>,
    %swap3A_313 = arith.constant 144 : index
    %swap3A_314 = tpu.vector_load %arg21[%swap3A_313] {strides = array<i32>} : memref<256xf32, #tpu.memory_space<vmem>>, vector<16xf32>,
    tpu.vector_store %arg21[%swap3A_313], %broadcast_in_dim3A_1 {strides = array<i32>} : memref<256xf32, #tpu.memory_space<vmem>>, vector<16xf32>,
    %swap3A_315 = arith.constant 144 : index
    %swap3A_316 = tpu.vector_load %arg29[%swap3A_315] {strides = array<i32>} : memref<256xf32, #tpu.memory_space<vmem>>, vector<16xf32>,
    tpu.vector_store %arg29[%swap3A_315], %broadcast_in_dim3A_1 {strides = array<i32>} : memref<256xf32, #tpu.memory_space<vmem>>, vector<16xf32>,
    %swap3A_317 = arith.constant 144 : index
    %swap3A_318 = tpu.vector_load %arg22[%swap3A_317] {strides = array<i32>} : memref<256xf32, #tpu.memory_space<vmem>>, vector<16xf32>,
    tpu.vector_store %arg22[%swap3A_317], %broadcast_in_dim3A_1 {strides = array<i32>} : memref<256xf32, #tpu.memory_space<vmem>>, vector<16xf32>,
    %swap3A_319 = arith.constant 144 : index
    %swap3A_320 = tpu.vector_load %arg30[%swap3A_319] {strides = array<i32>} : memref<256xf32, #tpu.memory_space<vmem>>, vector<16xf32>,
    tpu.vector_store %arg30[%swap3A_319], %broadcast_in_dim3A_1 {strides = array<i32>} : memref<256xf32, #tpu.memory_space<vmem>>, vector<16xf32>,
    %swap3A_321 = arith.constant 160 : index
    %swap3A_322 = tpu.vector_load %arg15[%swap3A_321] {strides = array<i32>} : memref<256xf32, #tpu.memory_space<vmem>>, vector<16xf32>,
    tpu.vector_store %arg15[%swap3A_321], %broadcast_in_dim3A_1 {strides = array<i32>} : memref<256xf32, #tpu.memory_space<vmem>>, vector<16xf32>,
    %swap3A_323 = arith.constant 160 : index
    %swap3A_324 = tpu.vector_load %arg23[%swap3A_323] {strides = array<i32>} : memref<256xf32, #tpu.memory_space<vmem>>, vector<16xf32>,
    tpu.vector_store %arg23[%swap3A_323], %broadcast_in_dim3A_1 {strides = array<i32>} : memref<256xf32, #tpu.memory_space<vmem>>, vector<16xf32>,
    %swap3A_325 = arith.constant 160 : index
    %swap3A_326 = tpu.vector_load %arg16[%swap3A_325] {strides = array<i32>} : memref<256xf32, #tpu.memory_space<vmem>>, vector<16xf32>,
    tpu.vector_store %arg16[%swap3A_325], %broadcast_in_dim3A_1 {strides = array<i32>} : memref<256xf32, #tpu.memory_space<vmem>>, vector<16xf32>,
    %swap3A_327 = arith.constant 160 : index
    %swap3A_328 = tpu.vector_load %arg24[%swap3A_327] {strides = array<i32>} : memref<256xf32, #tpu.memory_space<vmem>>, vector<16xf32>,
    tpu.vector_store %arg24[%swap3A_327], %broadcast_in_dim3A_1 {strides = array<i32>} : memref<256xf32, #tpu.memory_space<vmem>>, vector<16xf32>,
    %swap3A_329 = arith.constant 160 : index
    %swap3A_330 = tpu.vector_load %arg17[%swap3A_329] {strides = array<i32>} : memref<256xf32, #tpu.memory_space<vmem>>, vector<16xf32>,
    tpu.vector_store %arg17[%swap3A_329], %broadcast_in_dim3A_1 {strides = array<i32>} : memref<256xf32, #tpu.memory_space<vmem>>, vector<16xf32>,
    %swap3A_331 = arith.constant 160 : index
    %swap3A_332 = tpu.vector_load %arg25[%swap3A_331] {strides = array<i32>} : memref<256xf32, #tpu.memory_space<vmem>>, vector<16xf32>,
    tpu.vector_store %arg25[%swap3A_331], %broadcast_in_dim3A_1 {strides = array<i32>} : memref<256xf32, #tpu.memory_space<vmem>>, vector<16xf32>,
    %swap3A_333 = arith.constant 160 : index
    %swap3A_334 = tpu.vector_load %arg18[%swap3A_333] {strides = array<i32>} : memref<256xf32, #tpu.memory_space<vmem>>, vector<16xf32>,
    tpu.vector_store %arg18[%swap3A_333], %broadcast_in_dim3A_1 {strides = array<i32>} : memref<256xf32, #tpu.memory_space<vmem>>, vector<16xf32>,
    %swap3A_335 = arith.constant 160 : index
    %swap3A_336 = tpu.vector_load %arg26[%swap3A_335] {strides = array<i32>} : memref<256xf32, #tpu.memory_space<vmem>>, vector<16xf32>,
    tpu.vector_store %arg26[%swap3A_335], %broadcast_in_dim3A_1 {strides = array<i32>} : memref<256xf32, #tpu.memory_space<vmem>>, vector<16xf32>,
    %swap3A_337 = arith.constant 160 : index
    %swap3A_338 = tpu.vector_load %arg19[%swap3A_337] {strides = array<i32>} : memref<256xf32, #tpu.memory_space<vmem>>, vector<16xf32>,
    tpu.vector_store %arg19[%swap3A_337], %broadcast_in_dim3A_1 {strides = array<i32>} : memref<256xf32, #tpu.memory_space<vmem>>, vector<16xf32>,
    %swap3A_339 = arith.constant 160 : index
    %swap3A_340 = tpu.vector_load %arg27[%swap3A_339] {strides = array<i32>} : memref<256xf32, #tpu.memory_space<vmem>>, vector<16xf32>,
    tpu.vector_store %arg27[%swap3A_339], %broadcast_in_dim3A_1 {strides = array<i32>} : memref<256xf32, #tpu.memory_space<vmem>>, vector<16xf32>,
    %swap3A_341 = arith.constant 160 : index
    %swap3A_342 = tpu.vector_load %arg20[%swap3A_341] {strides = array<i32>} : memref<256xf32, #tpu.memory_space<vmem>>, vector<16xf32>,
    tpu.vector_store %arg20[%swap3A_341], %broadcast_in_dim3A_1 {strides = array<i32>} : memref<256xf32, #tpu.memory_space<vmem>>, vector<16xf32>,
    %swap3A_343 = arith.constant 160 : index
    %swap3A_344 = tpu.vector_load %arg28[%swap3A_343] {strides = array<i32>} : memref<256xf32, #tpu.memory_space<vmem>>, vector<16xf32>,
    tpu.vector_store %arg28[%swap3A_343], %broadcast_in_dim3A_1 {strides = array<i32>} : memref<256xf32, #tpu.memory_space<vmem>>, vector<16xf32>,
    %swap3A_345 = arith.constant 160 : index
    %swap3A_346 = tpu.vector_load %arg21[%swap3A_345] {strides = array<i32>} : memref<256xf32, #tpu.memory_space<vmem>>, vector<16xf32>,
    tpu.vector_store %arg21[%swap3A_345], %broadcast_in_dim3A_1 {strides = array<i32>} : memref<256xf32, #tpu.memory_space<vmem>>, vector<16xf32>,
    %swap3A_347 = arith.constant 160 : index
    %swap3A_348 = tpu.vector_load %arg29[%swap3A_347] {strides = array<i32>} : memref<256xf32, #tpu.memory_space<vmem>>, vector<16xf32>,
    tpu.vector_store %arg29[%swap3A_347], %broadcast_in_dim3A_1 {strides = array<i32>} : memref<256xf32, #tpu.memory_space<vmem>>, vector<16xf32>,
    %swap3A_349 = arith.constant 160 : index
    %swap3A_350 = tpu.vector_load %arg22[%swap3A_349] {strides = array<i32>} : memref<256xf32, #tpu.memory_space<vmem>>, vector<16xf32>,
    tpu.vector_store %arg22[%swap3A_349], %broadcast_in_dim3A_1 {strides = array<i32>} : memref<256xf32, #tpu.memory_space<vmem>>, vector<16xf32>,
    %swap3A_351 = arith.constant 160 : index
    %swap3A_352 = tpu.vector_load %arg30[%swap3A_351] {strides = array<i32>} : memref<256xf32, #tpu.memory_space<vmem>>, vector<16xf32>,
    tpu.vector_store %arg30[%swap3A_351], %broadcast_in_dim3A_1 {strides = array<i32>} : memref<256xf32, #tpu.memory_space<vmem>>, vector<16xf32>,
    %swap3A_353 = arith.constant 176 : index
    %swap3A_354 = tpu.vector_load %arg15[%swap3A_353] {strides = array<i32>} : memref<256xf32, #tpu.memory_space<vmem>>, vector<16xf32>,
    tpu.vector_store %arg15[%swap3A_353], %broadcast_in_dim3A_1 {strides = array<i32>} : memref<256xf32, #tpu.memory_space<vmem>>, vector<16xf32>,
    %swap3A_355 = arith.constant 176 : index
    %swap3A_356 = tpu.vector_load %arg23[%swap3A_355] {strides = array<i32>} : memref<256xf32, #tpu.memory_space<vmem>>, vector<16xf32>,
    tpu.vector_store %arg23[%swap3A_355], %broadcast_in_dim3A_1 {strides = array<i32>} : memref<256xf32, #tpu.memory_space<vmem>>, vector<16xf32>,
    %swap3A_357 = arith.constant 176 : index
    %swap3A_358 = tpu.vector_load %arg16[%swap3A_357] {strides = array<i32>} : memref<256xf32, #tpu.memory_space<vmem>>, vector<16xf32>,
    tpu.vector_store %arg16[%swap3A_357], %broadcast_in_dim3A_1 {strides = array<i32>} : memref<256xf32, #tpu.memory_space<vmem>>, vector<16xf32>,
    %swap3A_359 = arith.constant 176 : index
    %swap3A_360 = tpu.vector_load %arg24[%swap3A_359] {strides = array<i32>} : memref<256xf32, #tpu.memory_space<vmem>>, vector<16xf32>,
    tpu.vector_store %arg24[%swap3A_359], %broadcast_in_dim3A_1 {strides = array<i32>} : memref<256xf32, #tpu.memory_space<vmem>>, vector<16xf32>,
    %swap3A_361 = arith.constant 176 : index
    %swap3A_362 = tpu.vector_load %arg17[%swap3A_361] {strides = array<i32>} : memref<256xf32, #tpu.memory_space<vmem>>, vector<16xf32>,
    tpu.vector_store %arg17[%swap3A_361], %broadcast_in_dim3A_1 {strides = array<i32>} : memref<256xf32, #tpu.memory_space<vmem>>, vector<16xf32>,
    %swap3A_363 = arith.constant 176 : index
    %swap3A_364 = tpu.vector_load %arg25[%swap3A_363] {strides = array<i32>} : memref<256xf32, #tpu.memory_space<vmem>>, vector<16xf32>,
    tpu.vector_store %arg25[%swap3A_363], %broadcast_in_dim3A_1 {strides = array<i32>} : memref<256xf32, #tpu.memory_space<vmem>>, vector<16xf32>,
    %swap3A_365 = arith.constant 176 : index
    %swap3A_366 = tpu.vector_load %arg18[%swap3A_365] {strides = array<i32>} : memref<256xf32, #tpu.memory_space<vmem>>, vector<16xf32>,
    tpu.vector_store %arg18[%swap3A_365], %broadcast_in_dim3A_1 {strides = array<i32>} : memref<256xf32, #tpu.memory_space<vmem>>, vector<16xf32>,
    %swap3A_367 = arith.constant 176 : index
    %swap3A_368 = tpu.vector_load %arg26[%swap3A_367] {strides = array<i32>} : memref<256xf32, #tpu.memory_space<vmem>>, vector<16xf32>,
    tpu.vector_store %arg26[%swap3A_367], %broadcast_in_dim3A_1 {strides = array<i32>} : memref<256xf32, #tpu.memory_space<vmem>>, vector<16xf32>,
    %swap3A_369 = arith.constant 176 : index
    %swap3A_370 = tpu.vector_load %arg19[%swap3A_369] {strides = array<i32>} : memref<256xf32, #tpu.memory_space<vmem>>, vector<16xf32>,
    tpu.vector_store %arg19[%swap3A_369], %broadcast_in_dim3A_1 {strides = array<i32>} : memref<256xf32, #tpu.memory_space<vmem>>, vector<16xf32>,
    %swap3A_371 = arith.constant 176 : index
    %swap3A_372 = tpu.vector_load %arg27[%swap3A_371] {strides = array<i32>} : memref<256xf32, #tpu.memory_space<vmem>>, vector<16xf32>,
    tpu.vector_store %arg27[%swap3A_371], %broadcast_in_dim3A_1 {strides = array<i32>} : memref<256xf32, #tpu.memory_space<vmem>>, vector<16xf32>,
    %swap3A_373 = arith.constant 176 : index
    %swap3A_374 = tpu.vector_load %arg20[%swap3A_373] {strides = array<i32>} : memref<256xf32, #tpu.memory_space<vmem>>, vector<16xf32>,
    tpu.vector_store %arg20[%swap3A_373], %broadcast_in_dim3A_1 {strides = array<i32>} : memref<256xf32, #tpu.memory_space<vmem>>, vector<16xf32>,
    %swap3A_375 = arith.constant 176 : index
    %swap3A_376 = tpu.vector_load %arg28[%swap3A_375] {strides = array<i32>} : memref<256xf32, #tpu.memory_space<vmem>>, vector<16xf32>,
    tpu.vector_store %arg28[%swap3A_375], %broadcast_in_dim3A_1 {strides = array<i32>} : memref<256xf32, #tpu.memory_space<vmem>>, vector<16xf32>,
    %swap3A_377 = arith.constant 176 : index
    %swap3A_378 = tpu.vector_load %arg21[%swap3A_377] {strides = array<i32>} : memref<256xf32, #tpu.memory_space<vmem>>, vector<16xf32>,
    tpu.vector_store %arg21[%swap3A_377], %broadcast_in_dim3A_1 {strides = array<i32>} : memref<256xf32, #tpu.memory_space<vmem>>, vector<16xf32>,
    %swap3A_379 = arith.constant 176 : index
    %swap3A_380 = tpu.vector_load %arg29[%swap3A_379] {strides = array<i32>} : memref<256xf32, #tpu.memory_space<vmem>>, vector<16xf32>,
    tpu.vector_store %arg29[%swap3A_379], %broadcast_in_dim3A_1 {strides = array<i32>} : memref<256xf32, #tpu.memory_space<vmem>>, vector<16xf32>,
    %swap3A_381 = arith.constant 176 : index
    %swap3A_382 = tpu.vector_load %arg22[%swap3A_381] {strides = array<i32>} : memref<256xf32, #tpu.memory_space<vmem>>, vector<16xf32>,
    tpu.vector_store %arg22[%swap3A_381], %broadcast_in_dim3A_1 {strides = array<i32>} : memref<256xf32, #tpu.memory_space<vmem>>, vector<16xf32>,
    %swap3A_383 = arith.constant 176 : index
    %swap3A_384 = tpu.vector_load %arg30[%swap3A_383] {strides = array<i32>} : memref<256xf32, #tpu.memory_space<vmem>>, vector<16xf32>,
    tpu.vector_store %arg30[%swap3A_383], %broadcast_in_dim3A_1 {strides = array<i32>} : memref<256xf32, #tpu.memory_space<vmem>>, vector<16xf32>,
    %swap3A_385 = arith.constant 192 : index
    %swap3A_386 = tpu.vector_load %arg15[%swap3A_385] {strides = array<i32>} : memref<256xf32, #tpu.memory_space<vmem>>, vector<16xf32>,
    tpu.vector_store %arg15[%swap3A_385], %broadcast_in_dim3A_1 {strides = array<i32>} : memref<256xf32, #tpu.memory_space<vmem>>, vector<16xf32>,
    %swap3A_387 = arith.constant 192 : index
    %swap3A_388 = tpu.vector_load %arg23[%swap3A_387] {strides = array<i32>} : memref<256xf32, #tpu.memory_space<vmem>>, vector<16xf32>,
    tpu.vector_store %arg23[%swap3A_387], %broadcast_in_dim3A_1 {strides = array<i32>} : memref<256xf32, #tpu.memory_space<vmem>>, vector<16xf32>,
    %swap3A_389 = arith.constant 192 : index
    %swap3A_390 = tpu.vector_load %arg16[%swap3A_389] {strides = array<i32>} : memref<256xf32, #tpu.memory_space<vmem>>, vector<16xf32>,
    tpu.vector_store %arg16[%swap3A_389], %broadcast_in_dim3A_1 {strides = array<i32>} : memref<256xf32, #tpu.memory_space<vmem>>, vector<16xf32>,
    %swap3A_391 = arith.constant 192 : index
    %swap3A_392 = tpu.vector_load %arg24[%swap3A_391] {strides = array<i32>} : memref<256xf32, #tpu.memory_space<vmem>>, vector<16xf32>,
    tpu.vector_store %arg24[%swap3A_391], %broadcast_in_dim3A_1 {strides = array<i32>} : memref<256xf32, #tpu.memory_space<vmem>>, vector<16xf32>,
    %swap3A_393 = arith.constant 192 : index
    %swap3A_394 = tpu.vector_load %arg17[%swap3A_393] {strides = array<i32>} : memref<256xf32, #tpu.memory_space<vmem>>, vector<16xf32>,
    tpu.vector_store %arg17[%swap3A_393], %broadcast_in_dim3A_1 {strides = array<i32>} : memref<256xf32, #tpu.memory_space<vmem>>, vector<16xf32>,
    %swap3A_395 = arith.constant 192 : index
    %swap3A_396 = tpu.vector_load %arg25[%swap3A_395] {strides = array<i32>} : memref<256xf32, #tpu.memory_space<vmem>>, vector<16xf32>,
    tpu.vector_store %arg25[%swap3A_395], %broadcast_in_dim3A_1 {strides = array<i32>} : memref<256xf32, #tpu.memory_space<vmem>>, vector<16xf32>,
    %swap3A_397 = arith.constant 192 : index
    %swap3A_398 = tpu.vector_load %arg18[%swap3A_397] {strides = array<i32>} : memref<256xf32, #tpu.memory_space<vmem>>, vector<16xf32>,
    tpu.vector_store %arg18[%swap3A_397], %broadcast_in_dim3A_1 {strides = array<i32>} : memref<256xf32, #tpu.memory_space<vmem>>, vector<16xf32>,
    %swap3A_399 = arith.constant 192 : index
    %swap3A_400 = tpu.vector_load %arg26[%swap3A_399] {strides = array<i32>} : memref<256xf32, #tpu.memory_space<vmem>>, vector<16xf32>,
    tpu.vector_store %arg26[%swap3A_399], %broadcast_in_dim3A_1 {strides = array<i32>} : memref<256xf32, #tpu.memory_space<vmem>>, vector<16xf32>,
    %swap3A_401 = arith.constant 192 : index
    %swap3A_402 = tpu.vector_load %arg19[%swap3A_401] {strides = array<i32>} : memref<256xf32, #tpu.memory_space<vmem>>, vector<16xf32>,
    tpu.vector_store %arg19[%swap3A_401], %broadcast_in_dim3A_1 {strides = array<i32>} : memref<256xf32, #tpu.memory_space<vmem>>, vector<16xf32>,
    %swap3A_403 = arith.constant 192 : index
    %swap3A_404 = tpu.vector_load %arg27[%swap3A_403] {strides = array<i32>} : memref<256xf32, #tpu.memory_space<vmem>>, vector<16xf32>,
    tpu.vector_store %arg27[%swap3A_403], %broadcast_in_dim3A_1 {strides = array<i32>} : memref<256xf32, #tpu.memory_space<vmem>>, vector<16xf32>,
    %swap3A_405 = arith.constant 192 : index
    %swap3A_406 = tpu.vector_load %arg20[%swap3A_405] {strides = array<i32>} : memref<256xf32, #tpu.memory_space<vmem>>, vector<16xf32>,
    tpu.vector_store %arg20[%swap3A_405], %broadcast_in_dim3A_1 {strides = array<i32>} : memref<256xf32, #tpu.memory_space<vmem>>, vector<16xf32>,
    %swap3A_407 = arith.constant 192 : index
    %swap3A_408 = tpu.vector_load %arg28[%swap3A_407] {strides = array<i32>} : memref<256xf32, #tpu.memory_space<vmem>>, vector<16xf32>,
    tpu.vector_store %arg28[%swap3A_407], %broadcast_in_dim3A_1 {strides = array<i32>} : memref<256xf32, #tpu.memory_space<vmem>>, vector<16xf32>,
    %swap3A_409 = arith.constant 192 : index
    %swap3A_410 = tpu.vector_load %arg21[%swap3A_409] {strides = array<i32>} : memref<256xf32, #tpu.memory_space<vmem>>, vector<16xf32>,
    tpu.vector_store %arg21[%swap3A_409], %broadcast_in_dim3A_1 {strides = array<i32>} : memref<256xf32, #tpu.memory_space<vmem>>, vector<16xf32>,
    %swap3A_411 = arith.constant 192 : index
    %swap3A_412 = tpu.vector_load %arg29[%swap3A_411] {strides = array<i32>} : memref<256xf32, #tpu.memory_space<vmem>>, vector<16xf32>,
    tpu.vector_store %arg29[%swap3A_411], %broadcast_in_dim3A_1 {strides = array<i32>} : memref<256xf32, #tpu.memory_space<vmem>>, vector<16xf32>,
    %swap3A_413 = arith.constant 192 : index
    %swap3A_414 = tpu.vector_load %arg22[%swap3A_413] {strides = array<i32>} : memref<256xf32, #tpu.memory_space<vmem>>, vector<16xf32>,
    tpu.vector_store %arg22[%swap3A_413], %broadcast_in_dim3A_1 {strides = array<i32>} : memref<256xf32, #tpu.memory_space<vmem>>, vector<16xf32>,
    %swap3A_415 = arith.constant 192 : index
    %swap3A_416 = tpu.vector_load %arg30[%swap3A_415] {strides = array<i32>} : memref<256xf32, #tpu.memory_space<vmem>>, vector<16xf32>,
    tpu.vector_store %arg30[%swap3A_415], %broadcast_in_dim3A_1 {strides = array<i32>} : memref<256xf32, #tpu.memory_space<vmem>>, vector<16xf32>,
    %swap3A_417 = arith.constant 208 : index
    %swap3A_418 = tpu.vector_load %arg15[%swap3A_417] {strides = array<i32>} : memref<256xf32, #tpu.memory_space<vmem>>, vector<16xf32>,
    tpu.vector_store %arg15[%swap3A_417], %broadcast_in_dim3A_1 {strides = array<i32>} : memref<256xf32, #tpu.memory_space<vmem>>, vector<16xf32>,
    %swap3A_419 = arith.constant 208 : index
    %swap3A_420 = tpu.vector_load %arg23[%swap3A_419] {strides = array<i32>} : memref<256xf32, #tpu.memory_space<vmem>>, vector<16xf32>,
    tpu.vector_store %arg23[%swap3A_419], %broadcast_in_dim3A_1 {strides = array<i32>} : memref<256xf32, #tpu.memory_space<vmem>>, vector<16xf32>,
    %swap3A_421 = arith.constant 208 : index
    %swap3A_422 = tpu.vector_load %arg16[%swap3A_421] {strides = array<i32>} : memref<256xf32, #tpu.memory_space<vmem>>, vector<16xf32>,
    tpu.vector_store %arg16[%swap3A_421], %broadcast_in_dim3A_1 {strides = array<i32>} : memref<256xf32, #tpu.memory_space<vmem>>, vector<16xf32>,
    %swap3A_423 = arith.constant 208 : index
    %swap3A_424 = tpu.vector_load %arg24[%swap3A_423] {strides = array<i32>} : memref<256xf32, #tpu.memory_space<vmem>>, vector<16xf32>,
    tpu.vector_store %arg24[%swap3A_423], %broadcast_in_dim3A_1 {strides = array<i32>} : memref<256xf32, #tpu.memory_space<vmem>>, vector<16xf32>,
    %swap3A_425 = arith.constant 208 : index
    %swap3A_426 = tpu.vector_load %arg17[%swap3A_425] {strides = array<i32>} : memref<256xf32, #tpu.memory_space<vmem>>, vector<16xf32>,
    tpu.vector_store %arg17[%swap3A_425], %broadcast_in_dim3A_1 {strides = array<i32>} : memref<256xf32, #tpu.memory_space<vmem>>, vector<16xf32>,
    %swap3A_427 = arith.constant 208 : index
    %swap3A_428 = tpu.vector_load %arg25[%swap3A_427] {strides = array<i32>} : memref<256xf32, #tpu.memory_space<vmem>>, vector<16xf32>,
    tpu.vector_store %arg25[%swap3A_427], %broadcast_in_dim3A_1 {strides = array<i32>} : memref<256xf32, #tpu.memory_space<vmem>>, vector<16xf32>,
    %swap3A_429 = arith.constant 208 : index
    %swap3A_430 = tpu.vector_load %arg18[%swap3A_429] {strides = array<i32>} : memref<256xf32, #tpu.memory_space<vmem>>, vector<16xf32>,
    tpu.vector_store %arg18[%swap3A_429], %broadcast_in_dim3A_1 {strides = array<i32>} : memref<256xf32, #tpu.memory_space<vmem>>, vector<16xf32>,
    %swap3A_431 = arith.constant 208 : index
    %swap3A_432 = tpu.vector_load %arg26[%swap3A_431] {strides = array<i32>} : memref<256xf32, #tpu.memory_space<vmem>>, vector<16xf32>,
    tpu.vector_store %arg26[%swap3A_431], %broadcast_in_dim3A_1 {strides = array<i32>} : memref<256xf32, #tpu.memory_space<vmem>>, vector<16xf32>,
    %swap3A_433 = arith.constant 208 : index
    %swap3A_434 = tpu.vector_load %arg19[%swap3A_433] {strides = array<i32>} : memref<256xf32, #tpu.memory_space<vmem>>, vector<16xf32>,
    tpu.vector_store %arg19[%swap3A_433], %broadcast_in_dim3A_1 {strides = array<i32>} : memref<256xf32, #tpu.memory_space<vmem>>, vector<16xf32>,
    %swap3A_435 = arith.constant 208 : index
    %swap3A_436 = tpu.vector_load %arg27[%swap3A_435] {strides = array<i32>} : memref<256xf32, #tpu.memory_space<vmem>>, vector<16xf32>,
    tpu.vector_store %arg27[%swap3A_435], %broadcast_in_dim3A_1 {strides = array<i32>} : memref<256xf32, #tpu.memory_space<vmem>>, vector<16xf32>,
    %swap3A_437 = arith.constant 208 : index
    %swap3A_438 = tpu.vector_load %arg20[%swap3A_437] {strides = array<i32>} : memref<256xf32, #tpu.memory_space<vmem>>, vector<16xf32>,
    tpu.vector_store %arg20[%swap3A_437], %broadcast_in_dim3A_1 {strides = array<i32>} : memref<256xf32, #tpu.memory_space<vmem>>, vector<16xf32>,
    %swap3A_439 = arith.constant 208 : index
    %swap3A_440 = tpu.vector_load %arg28[%swap3A_439] {strides = array<i32>} : memref<256xf32, #tpu.memory_space<vmem>>, vector<16xf32>,
    tpu.vector_store %arg28[%swap3A_439], %broadcast_in_dim3A_1 {strides = array<i32>} : memref<256xf32, #tpu.memory_space<vmem>>, vector<16xf32>,
    %swap3A_441 = arith.constant 208 : index
    %swap3A_442 = tpu.vector_load %arg21[%swap3A_441] {strides = array<i32>} : memref<256xf32, #tpu.memory_space<vmem>>, vector<16xf32>,
    tpu.vector_store %arg21[%swap3A_441], %broadcast_in_dim3A_1 {strides = array<i32>} : memref<256xf32, #tpu.memory_space<vmem>>, vector<16xf32>,
    %swap3A_443 = arith.constant 208 : index
    %swap3A_444 = tpu.vector_load %arg29[%swap3A_443] {strides = array<i32>} : memref<256xf32, #tpu.memory_space<vmem>>, vector<16xf32>,
    tpu.vector_store %arg29[%swap3A_443], %broadcast_in_dim3A_1 {strides = array<i32>} : memref<256xf32, #tpu.memory_space<vmem>>, vector<16xf32>,
    %swap3A_445 = arith.constant 208 : index
    %swap3A_446 = tpu.vector_load %arg22[%swap3A_445] {strides = array<i32>} : memref<256xf32, #tpu.memory_space<vmem>>, vector<16xf32>,
    tpu.vector_store %arg22[%swap3A_445], %broadcast_in_dim3A_1 {strides = array<i32>} : memref<256xf32, #tpu.memory_space<vmem>>, vector<16xf32>,
    %swap3A_447 = arith.constant 208 : index
    %swap3A_448 = tpu.vector_load %arg30[%swap3A_447] {strides = array<i32>} : memref<256xf32, #tpu.memory_space<vmem>>, vector<16xf32>,
    tpu.vector_store %arg30[%swap3A_447], %broadcast_in_dim3A_1 {strides = array<i32>} : memref<256xf32, #tpu.memory_space<vmem>>, vector<16xf32>,
    %swap3A_449 = arith.constant 224 : index
    %swap3A_450 = tpu.vector_load %arg15[%swap3A_449] {strides = array<i32>} : memref<256xf32, #tpu.memory_space<vmem>>, vector<16xf32>,
    tpu.vector_store %arg15[%swap3A_449], %broadcast_in_dim3A_1 {strides = array<i32>} : memref<256xf32, #tpu.memory_space<vmem>>, vector<16xf32>,
    %swap3A_451 = arith.constant 224 : index
    %swap3A_452 = tpu.vector_load %arg23[%swap3A_451] {strides = array<i32>} : memref<256xf32, #tpu.memory_space<vmem>>, vector<16xf32>,
    tpu.vector_store %arg23[%swap3A_451], %broadcast_in_dim3A_1 {strides = array<i32>} : memref<256xf32, #tpu.memory_space<vmem>>, vector<16xf32>,
    %swap3A_453 = arith.constant 224 : index
    %swap3A_454 = tpu.vector_load %arg16[%swap3A_453] {strides = array<i32>} : memref<256xf32, #tpu.memory_space<vmem>>, vector<16xf32>,
    tpu.vector_store %arg16[%swap3A_453], %broadcast_in_dim3A_1 {strides = array<i32>} : memref<256xf32, #tpu.memory_space<vmem>>, vector<16xf32>,
    %swap3A_455 = arith.constant 224 : index
    %swap3A_456 = tpu.vector_load %arg24[%swap3A_455] {strides = array<i32>} : memref<256xf32, #tpu.memory_space<vmem>>, vector<16xf32>,
    tpu.vector_store %arg24[%swap3A_455], %broadcast_in_dim3A_1 {strides = array<i32>} : memref<256xf32, #tpu.memory_space<vmem>>, vector<16xf32>,
    %swap3A_457 = arith.constant 224 : index
    %swap3A_458 = tpu.vector_load %arg17[%swap3A_457] {strides = array<i32>} : memref<256xf32, #tpu.memory_space<vmem>>, vector<16xf32>,
    tpu.vector_store %arg17[%swap3A_457], %broadcast_in_dim3A_1 {strides = array<i32>} : memref<256xf32, #tpu.memory_space<vmem>>, vector<16xf32>,
    %swap3A_459 = arith.constant 224 : index
    %swap3A_460 = tpu.vector_load %arg25[%swap3A_459] {strides = array<i32>} : memref<256xf32, #tpu.memory_space<vmem>>, vector<16xf32>,
    tpu.vector_store %arg25[%swap3A_459], %broadcast_in_dim3A_1 {strides = array<i32>} : memref<256xf32, #tpu.memory_space<vmem>>, vector<16xf32>,
    %swap3A_461 = arith.constant 224 : index
    %swap3A_462 = tpu.vector_load %arg18[%swap3A_461] {strides = array<i32>} : memref<256xf32, #tpu.memory_space<vmem>>, vector<16xf32>,
    tpu.vector_store %arg18[%swap3A_461], %broadcast_in_dim3A_1 {strides = array<i32>} : memref<256xf32, #tpu.memory_space<vmem>>, vector<16xf32>,
    %swap3A_463 = arith.constant 224 : index
    %swap3A_464 = tpu.vector_load %arg26[%swap3A_463] {strides = array<i32>} : memref<256xf32, #tpu.memory_space<vmem>>, vector<16xf32>,
    tpu.vector_store %arg26[%swap3A_463], %broadcast_in_dim3A_1 {strides = array<i32>} : memref<256xf32, #tpu.memory_space<vmem>>, vector<16xf32>,
    %swap3A_465 = arith.constant 224 : index
    %swap3A_466 = tpu.vector_load %arg19[%swap3A_465] {strides = array<i32>} : memref<256xf32, #tpu.memory_space<vmem>>, vector<16xf32>,
    tpu.vector_store %arg19[%swap3A_465], %broadcast_in_dim3A_1 {strides = array<i32>} : memref<256xf32, #tpu.memory_space<vmem>>, vector<16xf32>,
    %swap3A_467 = arith.constant 224 : index
    %swap3A_468 = tpu.vector_load %arg27[%swap3A_467] {strides = array<i32>} : memref<256xf32, #tpu.memory_space<vmem>>, vector<16xf32>,
    tpu.vector_store %arg27[%swap3A_467], %broadcast_in_dim3A_1 {strides = array<i32>} : memref<256xf32, #tpu.memory_space<vmem>>, vector<16xf32>,
    %swap3A_469 = arith.constant 224 : index
    %swap3A_470 = tpu.vector_load %arg20[%swap3A_469] {strides = array<i32>} : memref<256xf32, #tpu.memory_space<vmem>>, vector<16xf32>,
    tpu.vector_store %arg20[%swap3A_469], %broadcast_in_dim3A_1 {strides = array<i32>} : memref<256xf32, #tpu.memory_space<vmem>>, vector<16xf32>,
    %swap3A_471 = arith.constant 224 : index
    %swap3A_472 = tpu.vector_load %arg28[%swap3A_471] {strides = array<i32>} : memref<256xf32, #tpu.memory_space<vmem>>, vector<16xf32>,
    tpu.vector_store %arg28[%swap3A_471], %broadcast_in_dim3A_1 {strides = array<i32>} : memref<256xf32, #tpu.memory_space<vmem>>, vector<16xf32>,
    %swap3A_473 = arith.constant 224 : index
    %swap3A_474 = tpu.vector_load %arg21[%swap3A_473] {strides = array<i32>} : memref<256xf32, #tpu.memory_space<vmem>>, vector<16xf32>,
    tpu.vector_store %arg21[%swap3A_473], %broadcast_in_dim3A_1 {strides = array<i32>} : memref<256xf32, #tpu.memory_space<vmem>>, vector<16xf32>,
    %swap3A_475 = arith.constant 224 : index
    %swap3A_476 = tpu.vector_load %arg29[%swap3A_475] {strides = array<i32>} : memref<256xf32, #tpu.memory_space<vmem>>, vector<16xf32>,
    tpu.vector_store %arg29[%swap3A_475], %broadcast_in_dim3A_1 {strides = array<i32>} : memref<256xf32, #tpu.memory_space<vmem>>, vector<16xf32>,
    %swap3A_477 = arith.constant 224 : index
    %swap3A_478 = tpu.vector_load %arg22[%swap3A_477] {strides = array<i32>} : memref<256xf32, #tpu.memory_space<vmem>>, vector<16xf32>,
    tpu.vector_store %arg22[%swap3A_477], %broadcast_in_dim3A_1 {strides = array<i32>} : memref<256xf32, #tpu.memory_space<vmem>>, vector<16xf32>,
    %swap3A_479 = arith.constant 224 : index
    %swap3A_480 = tpu.vector_load %arg30[%swap3A_479] {strides = array<i32>} : memref<256xf32, #tpu.memory_space<vmem>>, vector<16xf32>,
    tpu.vector_store %arg30[%swap3A_479], %broadcast_in_dim3A_1 {strides = array<i32>} : memref<256xf32, #tpu.memory_space<vmem>>, vector<16xf32>,
    %swap3A_481 = arith.constant 240 : index
    %swap3A_482 = tpu.vector_load %arg15[%swap3A_481] {strides = array<i32>} : memref<256xf32, #tpu.memory_space<vmem>>, vector<16xf32>,
    tpu.vector_store %arg15[%swap3A_481], %broadcast_in_dim3A_1 {strides = array<i32>} : memref<256xf32, #tpu.memory_space<vmem>>, vector<16xf32>,
    %swap3A_483 = arith.constant 240 : index
    %swap3A_484 = tpu.vector_load %arg23[%swap3A_483] {strides = array<i32>} : memref<256xf32, #tpu.memory_space<vmem>>, vector<16xf32>,
    tpu.vector_store %arg23[%swap3A_483], %broadcast_in_dim3A_1 {strides = array<i32>} : memref<256xf32, #tpu.memory_space<vmem>>, vector<16xf32>,
    %swap3A_485 = arith.constant 240 : index
    %swap3A_486 = tpu.vector_load %arg16[%swap3A_485] {strides = array<i32>} : memref<256xf32, #tpu.memory_space<vmem>>, vector<16xf32>,
    tpu.vector_store %arg16[%swap3A_485], %broadcast_in_dim3A_1 {strides = array<i32>} : memref<256xf32, #tpu.memory_space<vmem>>, vector<16xf32>,
    %swap3A_487 = arith.constant 240 : index
    %swap3A_488 = tpu.vector_load %arg24[%swap3A_487] {strides = array<i32>} : memref<256xf32, #tpu.memory_space<vmem>>, vector<16xf32>,
    tpu.vector_store %arg24[%swap3A_487], %broadcast_in_dim3A_1 {strides = array<i32>} : memref<256xf32, #tpu.memory_space<vmem>>, vector<16xf32>,
    %swap3A_489 = arith.constant 240 : index
    %swap3A_490 = tpu.vector_load %arg17[%swap3A_489] {strides = array<i32>} : memref<256xf32, #tpu.memory_space<vmem>>, vector<16xf32>,
    tpu.vector_store %arg17[%swap3A_489], %broadcast_in_dim3A_1 {strides = array<i32>} : memref<256xf32, #tpu.memory_space<vmem>>, vector<16xf32>,
    %swap3A_491 = arith.constant 240 : index
    %swap3A_492 = tpu.vector_load %arg25[%swap3A_491] {strides = array<i32>} : memref<256xf32, #tpu.memory_space<vmem>>, vector<16xf32>,
    tpu.vector_store %arg25[%swap3A_491], %broadcast_in_dim3A_1 {strides = array<i32>} : memref<256xf32, #tpu.memory_space<vmem>>, vector<16xf32>,
    %swap3A_493 = arith.constant 240 : index
    %swap3A_494 = tpu.vector_load %arg18[%swap3A_493] {strides = array<i32>} : memref<256xf32, #tpu.memory_space<vmem>>, vector<16xf32>,
    tpu.vector_store %arg18[%swap3A_493], %broadcast_in_dim3A_1 {strides = array<i32>} : memref<256xf32, #tpu.memory_space<vmem>>, vector<16xf32>,
    %swap3A_495 = arith.constant 240 : index
    %swap3A_496 = tpu.vector_load %arg26[%swap3A_495] {strides = array<i32>} : memref<256xf32, #tpu.memory_space<vmem>>, vector<16xf32>,
    tpu.vector_store %arg26[%swap3A_495], %broadcast_in_dim3A_1 {strides = array<i32>} : memref<256xf32, #tpu.memory_space<vmem>>, vector<16xf32>,
    %swap3A_497 = arith.constant 240 : index
    %swap3A_498 = tpu.vector_load %arg19[%swap3A_497] {strides = array<i32>} : memref<256xf32, #tpu.memory_space<vmem>>, vector<16xf32>,
    tpu.vector_store %arg19[%swap3A_497], %broadcast_in_dim3A_1 {strides = array<i32>} : memref<256xf32, #tpu.memory_space<vmem>>, vector<16xf32>,
    %swap3A_499 = arith.constant 240 : index
    %swap3A_500 = tpu.vector_load %arg27[%swap3A_499] {strides = array<i32>} : memref<256xf32, #tpu.memory_space<vmem>>, vector<16xf32>,
    tpu.vector_store %arg27[%swap3A_499], %broadcast_in_dim3A_1 {strides = array<i32>} : memref<256xf32, #tpu.memory_space<vmem>>, vector<16xf32>,
    %swap3A_501 = arith.constant 240 : index
    %swap3A_502 = tpu.vector_load %arg20[%swap3A_501] {strides = array<i32>} : memref<256xf32, #tpu.memory_space<vmem>>, vector<16xf32>,
    tpu.vector_store %arg20[%swap3A_501], %broadcast_in_dim3A_1 {strides = array<i32>} : memref<256xf32, #tpu.memory_space<vmem>>, vector<16xf32>,
    %swap3A_503 = arith.constant 240 : index
    %swap3A_504 = tpu.vector_load %arg28[%swap3A_503] {strides = array<i32>} : memref<256xf32, #tpu.memory_space<vmem>>, vector<16xf32>,
    tpu.vector_store %arg28[%swap3A_503], %broadcast_in_dim3A_1 {strides = array<i32>} : memref<256xf32, #tpu.memory_space<vmem>>, vector<16xf32>,
    %swap3A_505 = arith.constant 240 : index
    %swap3A_506 = tpu.vector_load %arg21[%swap3A_505] {strides = array<i32>} : memref<256xf32, #tpu.memory_space<vmem>>, vector<16xf32>,
    tpu.vector_store %arg21[%swap3A_505], %broadcast_in_dim3A_1 {strides = array<i32>} : memref<256xf32, #tpu.memory_space<vmem>>, vector<16xf32>,
    %swap3A_507 = arith.constant 240 : index
    %swap3A_508 = tpu.vector_load %arg29[%swap3A_507] {strides = array<i32>} : memref<256xf32, #tpu.memory_space<vmem>>, vector<16xf32>,
    tpu.vector_store %arg29[%swap3A_507], %broadcast_in_dim3A_1 {strides = array<i32>} : memref<256xf32, #tpu.memory_space<vmem>>, vector<16xf32>,
    %swap3A_509 = arith.constant 240 : index
    %swap3A_510 = tpu.vector_load %arg22[%swap3A_509] {strides = array<i32>} : memref<256xf32, #tpu.memory_space<vmem>>, vector<16xf32>,
    tpu.vector_store %arg22[%swap3A_509], %broadcast_in_dim3A_1 {strides = array<i32>} : memref<256xf32, #tpu.memory_space<vmem>>, vector<16xf32>,
    %swap3A_511 = arith.constant 240 : index
    %swap3A_512 = tpu.vector_load %arg30[%swap3A_511] {strides = array<i32>} : memref<256xf32, #tpu.memory_space<vmem>>, vector<16xf32>,
    tpu.vector_store %arg30[%swap3A_511], %broadcast_in_dim3A_1 {strides = array<i32>} : memref<256xf32, #tpu.memory_space<vmem>>, vector<16xf32>,
    %iota3A = tpu.iota {dimensions = array<i32: 0>} : vector<16xi32>
    %mul3A_513 = arith.constant 16 : i32
    %mul3A_514 = vector.broadcast %mul3A_513 : i32 to vector<16xi32>
    %mul3A_515 = arith.muli %iota3A, %mul3A_514 : vector<16xi32>
    %multiple_of3A = arith.constant 99968 : i32
    %multiple_of3A_516 = tpu.assume_multiple %multiple_of3A, 128 : i32
    %dma_start3A = arith.constant 0 : i32
    %dma_start3A_517 = tpu.memref_slice %arg2[%dma_start3A, %multiple_of3A_516] : memref<80x100000xf32, #tpu.memory_space<hbm>> -> memref<80x128xf32, #tpu.memory_space<hbm>>
    %dma_start3A_518 = arith.constant 0 : i32
    %dma_start3A_519 = tpu.memref_slice %arg2[%dma_start3A_518, %multiple_of3A_516] : memref<80x100000xf32, #tpu.memory_space<hbm>> -> memref<80x128xf32, #tpu.memory_space<hbm>>
    tpu.enqueue_dma source(%dma_start3A_519 : memref<80x128xf32, #tpu.memory_space<hbm>>) target(%arg12 : memref<80x128xf32, #tpu.memory_space<vmem>>) target_semaphore(%arg34 : memref<!tpu.dma_semaphore, #tpu.memory_space<semaphore_mem>>)
    %dma_start3A_520 = arith.constant 0 : i32
    %dma_start3A_521 = tpu.memref_slice %arg3[%dma_start3A_520, %multiple_of3A_516] : memref<80x100000xf32, #tpu.memory_space<hbm>> -> memref<80x128xf32, #tpu.memory_space<hbm>>
    %dma_start3A_522 = arith.constant 0 : i32
    %dma_start3A_523 = tpu.memref_slice %arg3[%dma_start3A_522, %multiple_of3A_516] : memref<80x100000xf32, #tpu.memory_space<hbm>> -> memref<80x128xf32, #tpu.memory_space<hbm>>
    tpu.enqueue_dma source(%dma_start3A_523 : memref<80x128xf32, #tpu.memory_space<hbm>>) target(%arg13 : memref<80x128xf32, #tpu.memory_space<vmem>>) target_semaphore(%arg34 : memref<!tpu.dma_semaphore, #tpu.memory_space<semaphore_mem>>)
    %dma_start3A_524 = arith.constant 0 : i32
    %dma_start3A_525 = tpu.memref_slice %arg4[%dma_start3A_524, %multiple_of3A_516] : memref<80x100000xf32, #tpu.memory_space<hbm>> -> memref<80x128xf32, #tpu.memory_space<hbm>>
    %dma_start3A_526 = arith.constant 0 : i32
    %dma_start3A_527 = tpu.memref_slice %arg4[%dma_start3A_526, %multiple_of3A_516] : memref<80x100000xf32, #tpu.memory_space<hbm>> -> memref<80x128xf32, #tpu.memory_space<hbm>>
    tpu.enqueue_dma source(%dma_start3A_527 : memref<80x128xf32, #tpu.memory_space<hbm>>) target(%arg14 : memref<80x128xf32, #tpu.memory_space<vmem>>) target_semaphore(%arg34 : memref<!tpu.dma_semaphore, #tpu.memory_space<semaphore_mem>>)
    %lt3A = arith.constant 0 : i32
    %lt3A_528 = arith.constant 24 : i32
    %lt3A_529 = arith.cmpi slt, %lt3A, %lt3A_528 : i32
    %mul3A_530 = arith.constant 32 : i32
    %mul3A_531 = arith.constant 0 : i32
    %mul3A_532 = arith.muli %mul3A_530, %mul3A_531 : i32
    %add3A_533 = arith.addi %add3A, %mul3A_532 : i32
    %add3A_534 = arith.constant 768 : i32
    %add3A_535 = arith.addi %add3A_534, %add3A : i32
    %min3A = arith.constant 780 : i32
    %min3A_536 = arith.minsi %add3A_535, %min3A : i32
    %select_n3A = arith.select %lt3A_529, %add3A_533, %min3A_536 : i32
    %mul3A_537 = arith.constant 128 : i32
    %mul3A_538 = arith.muli %select_n3A, %mul3A_537 : i32
    %multiple_of3A_539 = tpu.assume_multiple %mul3A_538, 128 : i32
    %dma_start3A_540 = arith.constant 0 : i32
    %dma_start3A_541 = tpu.memref_slice %arg2[%dma_start3A_540, %multiple_of3A_539] : memref<80x100000xf32, #tpu.memory_space<hbm>> -> memref<80x128xf32, #tpu.memory_space<hbm>>
    %dma_start3A_542 = arith.constant 0 : i32
    %dma_start3A_543 = tpu.memref_slice %arg2[%dma_start3A_542, %multiple_of3A_539] : memref<80x100000xf32, #tpu.memory_space<hbm>> -> memref<80x128xf32, #tpu.memory_space<hbm>>
    tpu.enqueue_dma source(%dma_start3A_543 : memref<80x128xf32, #tpu.memory_space<hbm>>) target(%arg6 : memref<80x128xf32, #tpu.memory_space<vmem>>) target_semaphore(%arg32 : memref<!tpu.dma_semaphore, #tpu.memory_space<semaphore_mem>>)
    %dma_start3A_544 = arith.constant 0 : i32
    %dma_start3A_545 = tpu.memref_slice %arg3[%dma_start3A_544, %multiple_of3A_539] : memref<80x100000xf32, #tpu.memory_space<hbm>> -> memref<80x128xf32, #tpu.memory_space<hbm>>
    %dma_start3A_546 = arith.constant 0 : i32
    %dma_start3A_547 = tpu.memref_slice %arg3[%dma_start3A_546, %multiple_of3A_539] : memref<80x100000xf32, #tpu.memory_space<hbm>> -> memref<80x128xf32, #tpu.memory_space<hbm>>
    tpu.enqueue_dma source(%dma_start3A_547 : memref<80x128xf32, #tpu.memory_space<hbm>>) target(%arg8 : memref<80x128xf32, #tpu.memory_space<vmem>>) target_semaphore(%arg32 : memref<!tpu.dma_semaphore, #tpu.memory_space<semaphore_mem>>)
    %dma_start3A_548 = arith.constant 0 : i32
    %dma_start3A_549 = tpu.memref_slice %arg4[%dma_start3A_548, %multiple_of3A_539] : memref<80x100000xf32, #tpu.memory_space<hbm>> -> memref<80x128xf32, #tpu.memory_space<hbm>>
    %dma_start3A_550 = arith.constant 0 : i32
    %dma_start3A_551 = tpu.memref_slice %arg4[%dma_start3A_550, %multiple_of3A_539] : memref<80x100000xf32, #tpu.memory_space<hbm>> -> memref<80x128xf32, #tpu.memory_space<hbm>>
    tpu.enqueue_dma source(%dma_start3A_551 : memref<80x128xf32, #tpu.memory_space<hbm>>) target(%arg10 : memref<80x128xf32, #tpu.memory_space<vmem>>) target_semaphore(%arg32 : memref<!tpu.dma_semaphore, #tpu.memory_space<semaphore_mem>>)
    %scan3A = arith.constant 0 : i32
    %scan3A_552 = arith.constant 0 : i32
    %scan3A_553 = arith.constant 12 : i32
    %scan3A_554 = arith.addi %scan3A_552, %scan3A_553 : i32
    %scan3A_555 = arith.constant 1 : i32
    scf.for %scan3A_1384 = %scan3A_552 to %scan3A_554 step %scan3A_555  : i32 {
      %mul3A_1385 = arith.constant 2 : i32
      %mul3A_1386 = arith.muli %mul3A_1385, %scan3A_1384 : i32
      %add3A_1387 = arith.constant 1 : i32
      %add3A_1388 = arith.addi %mul3A_1386, %add3A_1387 : i32
      %lt3A_1389 = arith.constant 24 : i32
      %lt3A_1390 = arith.cmpi slt, %add3A_1388, %lt3A_1389 : i32
      %mul3A_1391 = arith.constant 32 : i32
      %mul3A_1392 = arith.muli %mul3A_1391, %add3A_1388 : i32
      %add3A_1393 = arith.addi %add3A, %mul3A_1392 : i32
      %add3A_1394 = arith.constant 768 : i32
      %add3A_1395 = arith.addi %add3A_1394, %add3A : i32
      %min3A_1396 = arith.constant 780 : i32
      %min3A_1397 = arith.minsi %add3A_1395, %min3A_1396 : i32
      %select_n3A_1398 = arith.select %lt3A_1390, %add3A_1393, %min3A_1397 : i32
      %mul3A_1399 = arith.constant 128 : i32
      %mul3A_1400 = arith.muli %select_n3A_1398, %mul3A_1399 : i32
      %multiple_of3A_1401 = tpu.assume_multiple %mul3A_1400, 128 : i32
      %dma_start3A_1402 = arith.constant 0 : i32
      %dma_start3A_1403 = tpu.memref_slice %arg2[%dma_start3A_1402, %multiple_of3A_1401] : memref<80x100000xf32, #tpu.memory_space<hbm>> -> memref<80x128xf32, #tpu.memory_space<hbm>>
      %dma_start3A_1404 = arith.constant 0 : i32
      %dma_start3A_1405 = tpu.memref_slice %arg2[%dma_start3A_1404, %multiple_of3A_1401] : memref<80x100000xf32, #tpu.memory_space<hbm>> -> memref<80x128xf32, #tpu.memory_space<hbm>>
      tpu.enqueue_dma source(%dma_start3A_1405 : memref<80x128xf32, #tpu.memory_space<hbm>>) target(%arg7 : memref<80x128xf32, #tpu.memory_space<vmem>>) target_semaphore(%arg33 : memref<!tpu.dma_semaphore, #tpu.memory_space<semaphore_mem>>)
      %dma_start3A_1406 = arith.constant 0 : i32
      %dma_start3A_1407 = tpu.memref_slice %arg3[%dma_start3A_1406, %multiple_of3A_1401] : memref<80x100000xf32, #tpu.memory_space<hbm>> -> memref<80x128xf32, #tpu.memory_space<hbm>>
      %dma_start3A_1408 = arith.constant 0 : i32
      %dma_start3A_1409 = tpu.memref_slice %arg3[%dma_start3A_1408, %multiple_of3A_1401] : memref<80x100000xf32, #tpu.memory_space<hbm>> -> memref<80x128xf32, #tpu.memory_space<hbm>>
      tpu.enqueue_dma source(%dma_start3A_1409 : memref<80x128xf32, #tpu.memory_space<hbm>>) target(%arg9 : memref<80x128xf32, #tpu.memory_space<vmem>>) target_semaphore(%arg33 : memref<!tpu.dma_semaphore, #tpu.memory_space<semaphore_mem>>)
      %dma_start3A_1410 = arith.constant 0 : i32
      %dma_start3A_1411 = tpu.memref_slice %arg4[%dma_start3A_1410, %multiple_of3A_1401] : memref<80x100000xf32, #tpu.memory_space<hbm>> -> memref<80x128xf32, #tpu.memory_space<hbm>>
      %dma_start3A_1412 = arith.constant 0 : i32
      %dma_start3A_1413 = tpu.memref_slice %arg4[%dma_start3A_1412, %multiple_of3A_1401] : memref<80x100000xf32, #tpu.memory_space<hbm>> -> memref<80x128xf32, #tpu.memory_space<hbm>>
      tpu.enqueue_dma source(%dma_start3A_1413 : memref<80x128xf32, #tpu.memory_space<hbm>>) target(%arg11 : memref<80x128xf32, #tpu.memory_space<vmem>>) target_semaphore(%arg33 : memref<!tpu.dma_semaphore, #tpu.memory_space<semaphore_mem>>)
      %dma_wait3A_1414 = arith.constant 0 : i32
      %dma_wait3A_1415 = arith.constant 0 : i32
      %dma_wait3A_1416 = tpu.memref_slice %arg2[%dma_wait3A_1414, %dma_wait3A_1415] : memref<80x100000xf32, #tpu.memory_space<hbm>> -> memref<80x128xf32, #tpu.memory_space<hbm>>
      %dma_wait3A_1417 = arith.constant 0 : i32
      %dma_wait3A_1418 = arith.constant 0 : i32
      %dma_wait3A_1419 = tpu.memref_slice %arg2[%dma_wait3A_1417, %dma_wait3A_1418] : memref<80x100000xf32, #tpu.memory_space<hbm>> -> memref<80x128xf32, #tpu.memory_space<hbm>>
      tpu.wait_dma2 semaphore(%arg32 : memref<!tpu.dma_semaphore, #tpu.memory_space<semaphore_mem>>) src(%dma_wait3A_1419 : memref<80x128xf32, #tpu.memory_space<hbm>>) dst(%arg6 : memref<80x128xf32, #tpu.memory_space<vmem>>)
      %dma_wait3A_1420 = arith.constant 0 : i32
      %dma_wait3A_1421 = arith.constant 0 : i32
      %dma_wait3A_1422 = tpu.memref_slice %arg2[%dma_wait3A_1420, %dma_wait3A_1421] : memref<80x100000xf32, #tpu.memory_space<hbm>> -> memref<80x128xf32, #tpu.memory_space<hbm>>
      %dma_wait3A_1423 = arith.constant 0 : i32
      %dma_wait3A_1424 = arith.constant 0 : i32
      %dma_wait3A_1425 = tpu.memref_slice %arg2[%dma_wait3A_1423, %dma_wait3A_1424] : memref<80x100000xf32, #tpu.memory_space<hbm>> -> memref<80x128xf32, #tpu.memory_space<hbm>>
      tpu.wait_dma2 semaphore(%arg32 : memref<!tpu.dma_semaphore, #tpu.memory_space<semaphore_mem>>) src(%dma_wait3A_1425 : memref<80x128xf32, #tpu.memory_space<hbm>>) dst(%arg8 : memref<80x128xf32, #tpu.memory_space<vmem>>)
      %dma_wait3A_1426 = arith.constant 0 : i32
      %dma_wait3A_1427 = arith.constant 0 : i32
      %dma_wait3A_1428 = tpu.memref_slice %arg2[%dma_wait3A_1426, %dma_wait3A_1427] : memref<80x100000xf32, #tpu.memory_space<hbm>> -> memref<80x128xf32, #tpu.memory_space<hbm>>
      %dma_wait3A_1429 = arith.constant 0 : i32
      %dma_wait3A_1430 = arith.constant 0 : i32
      %dma_wait3A_1431 = tpu.memref_slice %arg2[%dma_wait3A_1429, %dma_wait3A_1430] : memref<80x100000xf32, #tpu.memory_space<hbm>> -> memref<80x128xf32, #tpu.memory_space<hbm>>
      tpu.wait_dma2 semaphore(%arg32 : memref<!tpu.dma_semaphore, #tpu.memory_space<semaphore_mem>>) src(%dma_wait3A_1431 : memref<80x128xf32, #tpu.memory_space<hbm>>) dst(%arg10 : memref<80x128xf32, #tpu.memory_space<vmem>>)
      %parallel_loop3A_1432 = arith.constant 0 : i32
      %parallel_loop3A_1433 = arith.constant 80 : i32
      %parallel_loop3A_1434 = arith.constant 1 : i32
      scf.for %parallel_loop3A_1485 = %parallel_loop3A_1432 to %parallel_loop3A_1433 step %parallel_loop3A_1434  : i32 {
        %parallel_loop3A_1486 = arith.constant 0 : i32
        %parallel_loop3A_1487 = vector.broadcast %parallel_loop3A_1486 : i32 to vector<16xi32>
        %parallel_loop3A_1488 = vector.broadcast %parallel_loop3A_1485 : i32 to vector<16xi32>
        %parallel_loop3A_1489 = arith.addi %parallel_loop3A_1487, %parallel_loop3A_1488 : vector<16xi32>
        %parallel_loop3A_1490 = arith.constant 0 : i32
        %parallel_loop3A_1491 = vector.broadcast %parallel_loop3A_1490 : i32 to vector<16xi32>
        %parallel_loop3A_1492 = arith.addi %iota3A, %parallel_loop3A_1491 : vector<16xi32>
        %parallel_loop3A_1493 = arith.constant 16 : i32
        %parallel_loop3A_1494 = vector.broadcast %parallel_loop3A_1493 : i32 to vector<16xi32>
        %parallel_loop3A_1495 = arith.addi %iota3A, %parallel_loop3A_1494 : vector<16xi32>
        %parallel_loop3A_1496 = arith.constant 32 : i32
        %parallel_loop3A_1497 = vector.broadcast %parallel_loop3A_1496 : i32 to vector<16xi32>
        %parallel_loop3A_1498 = arith.addi %iota3A, %parallel_loop3A_1497 : vector<16xi32>
        %parallel_loop3A_1499 = arith.constant 48 : i32
        %parallel_loop3A_1500 = vector.broadcast %parallel_loop3A_1499 : i32 to vector<16xi32>
        %parallel_loop3A_1501 = arith.addi %iota3A, %parallel_loop3A_1500 : vector<16xi32>
        %parallel_loop3A_1502 = arith.constant 64 : i32
        %parallel_loop3A_1503 = vector.broadcast %parallel_loop3A_1502 : i32 to vector<16xi32>
        %parallel_loop3A_1504 = arith.addi %iota3A, %parallel_loop3A_1503 : vector<16xi32>
        %parallel_loop3A_1505 = arith.constant 80 : i32
        %parallel_loop3A_1506 = vector.broadcast %parallel_loop3A_1505 : i32 to vector<16xi32>
        %parallel_loop3A_1507 = arith.addi %iota3A, %parallel_loop3A_1506 : vector<16xi32>
        %parallel_loop3A_1508 = arith.constant 96 : i32
        %parallel_loop3A_1509 = vector.broadcast %parallel_loop3A_1508 : i32 to vector<16xi32>
        %parallel_loop3A_1510 = arith.addi %iota3A, %parallel_loop3A_1509 : vector<16xi32>
        %parallel_loop3A_1511 = arith.constant 112 : i32
        %parallel_loop3A_1512 = vector.broadcast %parallel_loop3A_1511 : i32 to vector<16xi32>
        %parallel_loop3A_1513 = arith.addi %iota3A, %parallel_loop3A_1512 : vector<16xi32>
        %parallel_loop3A_1514 = tpu.vector_load_idx %arg6[%parallel_loop3A_1489, %parallel_loop3A_1492] : memref<80x128xf32, #tpu.memory_space<vmem>>[vector<16xi32>, vector<16xi32>], vector<16xf32>,
        %parallel_loop3A_1515 = tpu.vector_load_idx %arg6[%parallel_loop3A_1489, %parallel_loop3A_1495] : memref<80x128xf32, #tpu.memory_space<vmem>>[vector<16xi32>, vector<16xi32>], vector<16xf32>,
        %parallel_loop3A_1516 = tpu.vector_load_idx %arg6[%parallel_loop3A_1489, %parallel_loop3A_1498] : memref<80x128xf32, #tpu.memory_space<vmem>>[vector<16xi32>, vector<16xi32>], vector<16xf32>,
        %parallel_loop3A_1517 = tpu.vector_load_idx %arg6[%parallel_loop3A_1489, %parallel_loop3A_1501] : memref<80x128xf32, #tpu.memory_space<vmem>>[vector<16xi32>, vector<16xi32>], vector<16xf32>,
        %parallel_loop3A_1518 = tpu.vector_load_idx %arg6[%parallel_loop3A_1489, %parallel_loop3A_1504] : memref<80x128xf32, #tpu.memory_space<vmem>>[vector<16xi32>, vector<16xi32>], vector<16xf32>,
        %parallel_loop3A_1519 = tpu.vector_load_idx %arg6[%parallel_loop3A_1489, %parallel_loop3A_1507] : memref<80x128xf32, #tpu.memory_space<vmem>>[vector<16xi32>, vector<16xi32>], vector<16xf32>,
        %parallel_loop3A_1520 = tpu.vector_load_idx %arg6[%parallel_loop3A_1489, %parallel_loop3A_1510] : memref<80x128xf32, #tpu.memory_space<vmem>>[vector<16xi32>, vector<16xi32>], vector<16xf32>,
        %parallel_loop3A_1521 = tpu.vector_load_idx %arg6[%parallel_loop3A_1489, %parallel_loop3A_1513] : memref<80x128xf32, #tpu.memory_space<vmem>>[vector<16xi32>, vector<16xi32>], vector<16xf32>,
        %parallel_loop3A_1522 = tpu.vector_load_idx %arg8[%parallel_loop3A_1489, %parallel_loop3A_1492] : memref<80x128xf32, #tpu.memory_space<vmem>>[vector<16xi32>, vector<16xi32>], vector<16xf32>,
        %parallel_loop3A_1523 = tpu.vector_load_idx %arg8[%parallel_loop3A_1489, %parallel_loop3A_1495] : memref<80x128xf32, #tpu.memory_space<vmem>>[vector<16xi32>, vector<16xi32>], vector<16xf32>,
        %parallel_loop3A_1524 = tpu.vector_load_idx %arg8[%parallel_loop3A_1489, %parallel_loop3A_1498] : memref<80x128xf32, #tpu.memory_space<vmem>>[vector<16xi32>, vector<16xi32>], vector<16xf32>,
        %parallel_loop3A_1525 = tpu.vector_load_idx %arg8[%parallel_loop3A_1489, %parallel_loop3A_1501] : memref<80x128xf32, #tpu.memory_space<vmem>>[vector<16xi32>, vector<16xi32>], vector<16xf32>,
        %parallel_loop3A_1526 = tpu.vector_load_idx %arg8[%parallel_loop3A_1489, %parallel_loop3A_1504] : memref<80x128xf32, #tpu.memory_space<vmem>>[vector<16xi32>, vector<16xi32>], vector<16xf32>,
        %parallel_loop3A_1527 = tpu.vector_load_idx %arg8[%parallel_loop3A_1489, %parallel_loop3A_1507] : memref<80x128xf32, #tpu.memory_space<vmem>>[vector<16xi32>, vector<16xi32>], vector<16xf32>,
        %parallel_loop3A_1528 = tpu.vector_load_idx %arg8[%parallel_loop3A_1489, %parallel_loop3A_1510] : memref<80x128xf32, #tpu.memory_space<vmem>>[vector<16xi32>, vector<16xi32>], vector<16xf32>,
        %parallel_loop3A_1529 = tpu.vector_load_idx %arg8[%parallel_loop3A_1489, %parallel_loop3A_1513] : memref<80x128xf32, #tpu.memory_space<vmem>>[vector<16xi32>, vector<16xi32>], vector<16xf32>,
        %parallel_loop3A_1530 = tpu.vector_load_idx %arg10[%parallel_loop3A_1489, %parallel_loop3A_1492] : memref<80x128xf32, #tpu.memory_space<vmem>>[vector<16xi32>, vector<16xi32>], vector<16xf32>,
        %parallel_loop3A_1531 = tpu.vector_load_idx %arg10[%parallel_loop3A_1489, %parallel_loop3A_1495] : memref<80x128xf32, #tpu.memory_space<vmem>>[vector<16xi32>, vector<16xi32>], vector<16xf32>,
        %parallel_loop3A_1532 = tpu.vector_load_idx %arg10[%parallel_loop3A_1489, %parallel_loop3A_1498] : memref<80x128xf32, #tpu.memory_space<vmem>>[vector<16xi32>, vector<16xi32>], vector<16xf32>,
        %parallel_loop3A_1533 = tpu.vector_load_idx %arg10[%parallel_loop3A_1489, %parallel_loop3A_1501] : memref<80x128xf32, #tpu.memory_space<vmem>>[vector<16xi32>, vector<16xi32>], vector<16xf32>,
        %parallel_loop3A_1534 = tpu.vector_load_idx %arg10[%parallel_loop3A_1489, %parallel_loop3A_1504] : memref<80x128xf32, #tpu.memory_space<vmem>>[vector<16xi32>, vector<16xi32>], vector<16xf32>,
        %parallel_loop3A_1535 = tpu.vector_load_idx %arg10[%parallel_loop3A_1489, %parallel_loop3A_1507] : memref<80x128xf32, #tpu.memory_space<vmem>>[vector<16xi32>, vector<16xi32>], vector<16xf32>,
        %parallel_loop3A_1536 = tpu.vector_load_idx %arg10[%parallel_loop3A_1489, %parallel_loop3A_1510] : memref<80x128xf32, #tpu.memory_space<vmem>>[vector<16xi32>, vector<16xi32>], vector<16xf32>,
        %parallel_loop3A_1537 = tpu.vector_load_idx %arg10[%parallel_loop3A_1489, %parallel_loop3A_1513] : memref<80x128xf32, #tpu.memory_space<vmem>>[vector<16xi32>, vector<16xi32>], vector<16xf32>,
        %parallel_loop3A_1538 = arith.constant 0.000000e+00 : f32
        %parallel_loop3A_1539 = vector.broadcast %parallel_loop3A_1538 : f32 to vector<16xf32>
        %parallel_loop3A_1540 = arith.subf %parallel_loop3A_1539, %parallel_loop3A_1514 : vector<16xf32>
        %parallel_loop3A_1541 = math.exp %parallel_loop3A_1540 : vector<16xf32>
        %parallel_loop3A_1542 = arith.constant 0.000000e+00 : f32
        %parallel_loop3A_1543 = vector.broadcast %parallel_loop3A_1542 : f32 to vector<16xf32>
        %parallel_loop3A_1544 = arith.subf %parallel_loop3A_1543, %parallel_loop3A_1515 : vector<16xf32>
        %parallel_loop3A_1545 = math.exp %parallel_loop3A_1544 : vector<16xf32>
        %parallel_loop3A_1546 = arith.constant 0.000000e+00 : f32
        %parallel_loop3A_1547 = vector.broadcast %parallel_loop3A_1546 : f32 to vector<16xf32>
        %parallel_loop3A_1548 = arith.subf %parallel_loop3A_1547, %parallel_loop3A_1516 : vector<16xf32>
        %parallel_loop3A_1549 = math.exp %parallel_loop3A_1548 : vector<16xf32>
        %parallel_loop3A_1550 = arith.constant 0.000000e+00 : f32
        %parallel_loop3A_1551 = vector.broadcast %parallel_loop3A_1550 : f32 to vector<16xf32>
        %parallel_loop3A_1552 = arith.subf %parallel_loop3A_1551, %parallel_loop3A_1517 : vector<16xf32>
        %parallel_loop3A_1553 = math.exp %parallel_loop3A_1552 : vector<16xf32>
        %parallel_loop3A_1554 = arith.constant 0.000000e+00 : f32
        %parallel_loop3A_1555 = vector.broadcast %parallel_loop3A_1554 : f32 to vector<16xf32>
        %parallel_loop3A_1556 = arith.subf %parallel_loop3A_1555, %parallel_loop3A_1518 : vector<16xf32>
        %parallel_loop3A_1557 = math.exp %parallel_loop3A_1556 : vector<16xf32>
        %parallel_loop3A_1558 = arith.constant 0.000000e+00 : f32
        %parallel_loop3A_1559 = vector.broadcast %parallel_loop3A_1558 : f32 to vector<16xf32>
        %parallel_loop3A_1560 = arith.subf %parallel_loop3A_1559, %parallel_loop3A_1519 : vector<16xf32>
        %parallel_loop3A_1561 = math.exp %parallel_loop3A_1560 : vector<16xf32>
        %parallel_loop3A_1562 = arith.constant 0.000000e+00 : f32
        %parallel_loop3A_1563 = vector.broadcast %parallel_loop3A_1562 : f32 to vector<16xf32>
        %parallel_loop3A_1564 = arith.subf %parallel_loop3A_1563, %parallel_loop3A_1520 : vector<16xf32>
        %parallel_loop3A_1565 = math.exp %parallel_loop3A_1564 : vector<16xf32>
        %parallel_loop3A_1566 = arith.constant 0.000000e+00 : f32
        %parallel_loop3A_1567 = vector.broadcast %parallel_loop3A_1566 : f32 to vector<16xf32>
        %parallel_loop3A_1568 = arith.subf %parallel_loop3A_1567, %parallel_loop3A_1521 : vector<16xf32>
        %parallel_loop3A_1569 = math.exp %parallel_loop3A_1568 : vector<16xf32>
        %parallel_loop3A_1570 = arith.constant 1.000000e+00 : f32
        %parallel_loop3A_1571 = vector.broadcast %parallel_loop3A_1570 : f32 to vector<16xf32>
        %parallel_loop3A_1572 = arith.addf %parallel_loop3A_1571, %parallel_loop3A_1541 : vector<16xf32>
        %parallel_loop3A_1573 = arith.constant 1.000000e+00 : f32
        %parallel_loop3A_1574 = vector.broadcast %parallel_loop3A_1573 : f32 to vector<16xf32>
        %parallel_loop3A_1575 = arith.divf %parallel_loop3A_1574, %parallel_loop3A_1572 : vector<16xf32>
        %parallel_loop3A_1576 = arith.constant 1.000000e+00 : f32
        %parallel_loop3A_1577 = vector.broadcast %parallel_loop3A_1576 : f32 to vector<16xf32>
        %parallel_loop3A_1578 = arith.addf %parallel_loop3A_1577, %parallel_loop3A_1545 : vector<16xf32>
        %parallel_loop3A_1579 = arith.constant 1.000000e+00 : f32
        %parallel_loop3A_1580 = vector.broadcast %parallel_loop3A_1579 : f32 to vector<16xf32>
        %parallel_loop3A_1581 = arith.divf %parallel_loop3A_1580, %parallel_loop3A_1578 : vector<16xf32>
        %parallel_loop3A_1582 = arith.constant 1.000000e+00 : f32
        %parallel_loop3A_1583 = vector.broadcast %parallel_loop3A_1582 : f32 to vector<16xf32>
        %parallel_loop3A_1584 = arith.addf %parallel_loop3A_1583, %parallel_loop3A_1549 : vector<16xf32>
        %parallel_loop3A_1585 = arith.constant 1.000000e+00 : f32
        %parallel_loop3A_1586 = vector.broadcast %parallel_loop3A_1585 : f32 to vector<16xf32>
        %parallel_loop3A_1587 = arith.divf %parallel_loop3A_1586, %parallel_loop3A_1584 : vector<16xf32>
        %parallel_loop3A_1588 = arith.constant 1.000000e+00 : f32
        %parallel_loop3A_1589 = vector.broadcast %parallel_loop3A_1588 : f32 to vector<16xf32>
        %parallel_loop3A_1590 = arith.addf %parallel_loop3A_1589, %parallel_loop3A_1553 : vector<16xf32>
        %parallel_loop3A_1591 = arith.constant 1.000000e+00 : f32
        %parallel_loop3A_1592 = vector.broadcast %parallel_loop3A_1591 : f32 to vector<16xf32>
        %parallel_loop3A_1593 = arith.divf %parallel_loop3A_1592, %parallel_loop3A_1590 : vector<16xf32>
        %parallel_loop3A_1594 = arith.constant 1.000000e+00 : f32
        %parallel_loop3A_1595 = vector.broadcast %parallel_loop3A_1594 : f32 to vector<16xf32>
        %parallel_loop3A_1596 = arith.addf %parallel_loop3A_1595, %parallel_loop3A_1557 : vector<16xf32>
        %parallel_loop3A_1597 = arith.constant 1.000000e+00 : f32
        %parallel_loop3A_1598 = vector.broadcast %parallel_loop3A_1597 : f32 to vector<16xf32>
        %parallel_loop3A_1599 = arith.divf %parallel_loop3A_1598, %parallel_loop3A_1596 : vector<16xf32>
        %parallel_loop3A_1600 = arith.constant 1.000000e+00 : f32
        %parallel_loop3A_1601 = vector.broadcast %parallel_loop3A_1600 : f32 to vector<16xf32>
        %parallel_loop3A_1602 = arith.addf %parallel_loop3A_1601, %parallel_loop3A_1561 : vector<16xf32>
        %parallel_loop3A_1603 = arith.constant 1.000000e+00 : f32
        %parallel_loop3A_1604 = vector.broadcast %parallel_loop3A_1603 : f32 to vector<16xf32>
        %parallel_loop3A_1605 = arith.divf %parallel_loop3A_1604, %parallel_loop3A_1602 : vector<16xf32>
        %parallel_loop3A_1606 = arith.constant 1.000000e+00 : f32
        %parallel_loop3A_1607 = vector.broadcast %parallel_loop3A_1606 : f32 to vector<16xf32>
        %parallel_loop3A_1608 = arith.addf %parallel_loop3A_1607, %parallel_loop3A_1565 : vector<16xf32>
        %parallel_loop3A_1609 = arith.constant 1.000000e+00 : f32
        %parallel_loop3A_1610 = vector.broadcast %parallel_loop3A_1609 : f32 to vector<16xf32>
        %parallel_loop3A_1611 = arith.divf %parallel_loop3A_1610, %parallel_loop3A_1608 : vector<16xf32>
        %parallel_loop3A_1612 = arith.constant 1.000000e+00 : f32
        %parallel_loop3A_1613 = vector.broadcast %parallel_loop3A_1612 : f32 to vector<16xf32>
        %parallel_loop3A_1614 = arith.addf %parallel_loop3A_1613, %parallel_loop3A_1569 : vector<16xf32>
        %parallel_loop3A_1615 = arith.constant 1.000000e+00 : f32
        %parallel_loop3A_1616 = vector.broadcast %parallel_loop3A_1615 : f32 to vector<16xf32>
        %parallel_loop3A_1617 = arith.divf %parallel_loop3A_1616, %parallel_loop3A_1614 : vector<16xf32>
        %parallel_loop3A_1618 = arith.constant 1.000000e+00 : f32
        %parallel_loop3A_1619 = vector.broadcast %parallel_loop3A_1618 : f32 to vector<16xf32>
        %parallel_loop3A_1620 = arith.divf %parallel_loop3A_1619, %parallel_loop3A_1541 : vector<16xf32>
        %parallel_loop3A_1621 = arith.minimumf %parallel_loop3A_1541, %parallel_loop3A_1620 : vector<16xf32>
        %parallel_loop3A_1622 = arith.constant 1.000000e+00 : f32
        %parallel_loop3A_1623 = vector.broadcast %parallel_loop3A_1622 : f32 to vector<16xf32>
        %parallel_loop3A_1624 = arith.divf %parallel_loop3A_1623, %parallel_loop3A_1545 : vector<16xf32>
        %parallel_loop3A_1625 = arith.minimumf %parallel_loop3A_1545, %parallel_loop3A_1624 : vector<16xf32>
        %parallel_loop3A_1626 = arith.constant 1.000000e+00 : f32
        %parallel_loop3A_1627 = vector.broadcast %parallel_loop3A_1626 : f32 to vector<16xf32>
        %parallel_loop3A_1628 = arith.divf %parallel_loop3A_1627, %parallel_loop3A_1549 : vector<16xf32>
        %parallel_loop3A_1629 = arith.minimumf %parallel_loop3A_1549, %parallel_loop3A_1628 : vector<16xf32>
        %parallel_loop3A_1630 = arith.constant 1.000000e+00 : f32
        %parallel_loop3A_1631 = vector.broadcast %parallel_loop3A_1630 : f32 to vector<16xf32>
        %parallel_loop3A_1632 = arith.divf %parallel_loop3A_1631, %parallel_loop3A_1553 : vector<16xf32>
        %parallel_loop3A_1633 = arith.minimumf %parallel_loop3A_1553, %parallel_loop3A_1632 : vector<16xf32>
        %parallel_loop3A_1634 = arith.constant 1.000000e+00 : f32
        %parallel_loop3A_1635 = vector.broadcast %parallel_loop3A_1634 : f32 to vector<16xf32>
        %parallel_loop3A_1636 = arith.divf %parallel_loop3A_1635, %parallel_loop3A_1557 : vector<16xf32>
        %parallel_loop3A_1637 = arith.minimumf %parallel_loop3A_1557, %parallel_loop3A_1636 : vector<16xf32>
        %parallel_loop3A_1638 = arith.constant 1.000000e+00 : f32
        %parallel_loop3A_1639 = vector.broadcast %parallel_loop3A_1638 : f32 to vector<16xf32>
        %parallel_loop3A_1640 = arith.divf %parallel_loop3A_1639, %parallel_loop3A_1561 : vector<16xf32>
        %parallel_loop3A_1641 = arith.minimumf %parallel_loop3A_1561, %parallel_loop3A_1640 : vector<16xf32>
        %parallel_loop3A_1642 = arith.constant 1.000000e+00 : f32
        %parallel_loop3A_1643 = vector.broadcast %parallel_loop3A_1642 : f32 to vector<16xf32>
        %parallel_loop3A_1644 = arith.divf %parallel_loop3A_1643, %parallel_loop3A_1565 : vector<16xf32>
        %parallel_loop3A_1645 = arith.minimumf %parallel_loop3A_1565, %parallel_loop3A_1644 : vector<16xf32>
        %parallel_loop3A_1646 = arith.constant 1.000000e+00 : f32
        %parallel_loop3A_1647 = vector.broadcast %parallel_loop3A_1646 : f32 to vector<16xf32>
        %parallel_loop3A_1648 = arith.divf %parallel_loop3A_1647, %parallel_loop3A_1569 : vector<16xf32>
        %parallel_loop3A_1649 = arith.minimumf %parallel_loop3A_1569, %parallel_loop3A_1648 : vector<16xf32>
        %parallel_loop3A_1650 = arith.subf %parallel_loop3A_1575, %parallel_loop3A_1522 : vector<16xf32>
        %parallel_loop3A_1651 = math.absf %parallel_loop3A_1650 : vector<16xf32>
        %parallel_loop3A_1652 = arith.subf %parallel_loop3A_1581, %parallel_loop3A_1523 : vector<16xf32>
        %parallel_loop3A_1653 = math.absf %parallel_loop3A_1652 : vector<16xf32>
        %parallel_loop3A_1654 = arith.subf %parallel_loop3A_1587, %parallel_loop3A_1524 : vector<16xf32>
        %parallel_loop3A_1655 = math.absf %parallel_loop3A_1654 : vector<16xf32>
        %parallel_loop3A_1656 = arith.subf %parallel_loop3A_1593, %parallel_loop3A_1525 : vector<16xf32>
        %parallel_loop3A_1657 = math.absf %parallel_loop3A_1656 : vector<16xf32>
        %parallel_loop3A_1658 = arith.subf %parallel_loop3A_1599, %parallel_loop3A_1526 : vector<16xf32>
        %parallel_loop3A_1659 = math.absf %parallel_loop3A_1658 : vector<16xf32>
        %parallel_loop3A_1660 = arith.subf %parallel_loop3A_1605, %parallel_loop3A_1527 : vector<16xf32>
        %parallel_loop3A_1661 = math.absf %parallel_loop3A_1660 : vector<16xf32>
        %parallel_loop3A_1662 = arith.subf %parallel_loop3A_1611, %parallel_loop3A_1528 : vector<16xf32>
        %parallel_loop3A_1663 = math.absf %parallel_loop3A_1662 : vector<16xf32>
        %parallel_loop3A_1664 = arith.subf %parallel_loop3A_1617, %parallel_loop3A_1529 : vector<16xf32>
        %parallel_loop3A_1665 = math.absf %parallel_loop3A_1664 : vector<16xf32>
        %parallel_loop3A_1666 = arith.constant 1.000000e+01 : f32
        %parallel_loop3A_1667 = vector.broadcast %parallel_loop3A_1666 : f32 to vector<16xf32>
        %parallel_loop3A_1668 = arith.mulf %parallel_loop3A_1651, %parallel_loop3A_1667 : vector<16xf32>
        %parallel_loop3A_1669 = arith.constant 9.000000e+00 : f32
        %parallel_loop3A_1670 = vector.broadcast %parallel_loop3A_1669 : f32 to vector<16xf32>
        %parallel_loop3A_1671 = arith.minimumf %parallel_loop3A_1668, %parallel_loop3A_1670 : vector<16xf32>
        %parallel_loop3A_1672 = arith.fptosi %parallel_loop3A_1671 : vector<16xf32> to vector<16xi32>
        %parallel_loop3A_1673 = arith.addi %mul3A_515, %parallel_loop3A_1672 : vector<16xi32>
        %parallel_loop3A_1674 = arith.constant 1.000000e+01 : f32
        %parallel_loop3A_1675 = vector.broadcast %parallel_loop3A_1674 : f32 to vector<16xf32>
        %parallel_loop3A_1676 = arith.mulf %parallel_loop3A_1653, %parallel_loop3A_1675 : vector<16xf32>
        %parallel_loop3A_1677 = arith.constant 9.000000e+00 : f32
        %parallel_loop3A_1678 = vector.broadcast %parallel_loop3A_1677 : f32 to vector<16xf32>
        %parallel_loop3A_1679 = arith.minimumf %parallel_loop3A_1676, %parallel_loop3A_1678 : vector<16xf32>
        %parallel_loop3A_1680 = arith.fptosi %parallel_loop3A_1679 : vector<16xf32> to vector<16xi32>
        %parallel_loop3A_1681 = arith.addi %mul3A_515, %parallel_loop3A_1680 : vector<16xi32>
        %parallel_loop3A_1682 = arith.constant 1.000000e+01 : f32
        %parallel_loop3A_1683 = vector.broadcast %parallel_loop3A_1682 : f32 to vector<16xf32>
        %parallel_loop3A_1684 = arith.mulf %parallel_loop3A_1655, %parallel_loop3A_1683 : vector<16xf32>
        %parallel_loop3A_1685 = arith.constant 9.000000e+00 : f32
        %parallel_loop3A_1686 = vector.broadcast %parallel_loop3A_1685 : f32 to vector<16xf32>
        %parallel_loop3A_1687 = arith.minimumf %parallel_loop3A_1684, %parallel_loop3A_1686 : vector<16xf32>
        %parallel_loop3A_1688 = arith.fptosi %parallel_loop3A_1687 : vector<16xf32> to vector<16xi32>
        %parallel_loop3A_1689 = arith.addi %mul3A_515, %parallel_loop3A_1688 : vector<16xi32>
        %parallel_loop3A_1690 = arith.constant 1.000000e+01 : f32
        %parallel_loop3A_1691 = vector.broadcast %parallel_loop3A_1690 : f32 to vector<16xf32>
        %parallel_loop3A_1692 = arith.mulf %parallel_loop3A_1657, %parallel_loop3A_1691 : vector<16xf32>
        %parallel_loop3A_1693 = arith.constant 9.000000e+00 : f32
        %parallel_loop3A_1694 = vector.broadcast %parallel_loop3A_1693 : f32 to vector<16xf32>
        %parallel_loop3A_1695 = arith.minimumf %parallel_loop3A_1692, %parallel_loop3A_1694 : vector<16xf32>
        %parallel_loop3A_1696 = arith.fptosi %parallel_loop3A_1695 : vector<16xf32> to vector<16xi32>
        %parallel_loop3A_1697 = arith.addi %mul3A_515, %parallel_loop3A_1696 : vector<16xi32>
        %parallel_loop3A_1698 = arith.constant 1.000000e+01 : f32
        %parallel_loop3A_1699 = vector.broadcast %parallel_loop3A_1698 : f32 to vector<16xf32>
        %parallel_loop3A_1700 = arith.mulf %parallel_loop3A_1659, %parallel_loop3A_1699 : vector<16xf32>
        %parallel_loop3A_1701 = arith.constant 9.000000e+00 : f32
        %parallel_loop3A_1702 = vector.broadcast %parallel_loop3A_1701 : f32 to vector<16xf32>
        %parallel_loop3A_1703 = arith.minimumf %parallel_loop3A_1700, %parallel_loop3A_1702 : vector<16xf32>
        %parallel_loop3A_1704 = arith.fptosi %parallel_loop3A_1703 : vector<16xf32> to vector<16xi32>
        %parallel_loop3A_1705 = arith.addi %mul3A_515, %parallel_loop3A_1704 : vector<16xi32>
        %parallel_loop3A_1706 = arith.constant 1.000000e+01 : f32
        %parallel_loop3A_1707 = vector.broadcast %parallel_loop3A_1706 : f32 to vector<16xf32>
        %parallel_loop3A_1708 = arith.mulf %parallel_loop3A_1661, %parallel_loop3A_1707 : vector<16xf32>
        %parallel_loop3A_1709 = arith.constant 9.000000e+00 : f32
        %parallel_loop3A_1710 = vector.broadcast %parallel_loop3A_1709 : f32 to vector<16xf32>
        %parallel_loop3A_1711 = arith.minimumf %parallel_loop3A_1708, %parallel_loop3A_1710 : vector<16xf32>
        %parallel_loop3A_1712 = arith.fptosi %parallel_loop3A_1711 : vector<16xf32> to vector<16xi32>
        %parallel_loop3A_1713 = arith.addi %mul3A_515, %parallel_loop3A_1712 : vector<16xi32>
        %parallel_loop3A_1714 = arith.constant 1.000000e+01 : f32
        %parallel_loop3A_1715 = vector.broadcast %parallel_loop3A_1714 : f32 to vector<16xf32>
        %parallel_loop3A_1716 = arith.mulf %parallel_loop3A_1663, %parallel_loop3A_1715 : vector<16xf32>
        %parallel_loop3A_1717 = arith.constant 9.000000e+00 : f32
        %parallel_loop3A_1718 = vector.broadcast %parallel_loop3A_1717 : f32 to vector<16xf32>
        %parallel_loop3A_1719 = arith.minimumf %parallel_loop3A_1716, %parallel_loop3A_1718 : vector<16xf32>
        %parallel_loop3A_1720 = arith.fptosi %parallel_loop3A_1719 : vector<16xf32> to vector<16xi32>
        %parallel_loop3A_1721 = arith.addi %mul3A_515, %parallel_loop3A_1720 : vector<16xi32>
        %parallel_loop3A_1722 = arith.constant 1.000000e+01 : f32
        %parallel_loop3A_1723 = vector.broadcast %parallel_loop3A_1722 : f32 to vector<16xf32>
        %parallel_loop3A_1724 = arith.mulf %parallel_loop3A_1665, %parallel_loop3A_1723 : vector<16xf32>
        %parallel_loop3A_1725 = arith.constant 9.000000e+00 : f32
        %parallel_loop3A_1726 = vector.broadcast %parallel_loop3A_1725 : f32 to vector<16xf32>
        %parallel_loop3A_1727 = arith.minimumf %parallel_loop3A_1724, %parallel_loop3A_1726 : vector<16xf32>
        %parallel_loop3A_1728 = arith.fptosi %parallel_loop3A_1727 : vector<16xf32> to vector<16xi32>
        %parallel_loop3A_1729 = arith.addi %mul3A_515, %parallel_loop3A_1728 : vector<16xi32>
        %parallel_loop3A_1730 = arith.constant -0.0554593131 : f32
        %parallel_loop3A_1731 = vector.broadcast %parallel_loop3A_1730 : f32 to vector<16xf32>
        %parallel_loop3A_1732 = arith.mulf %parallel_loop3A_1731, %parallel_loop3A_1621 : vector<16xf32>
        %parallel_loop3A_1733 = arith.constant 0.218665481 : f32
        %parallel_loop3A_1734 = vector.broadcast %parallel_loop3A_1733 : f32 to vector<16xf32>
        %parallel_loop3A_1735 = arith.addf %parallel_loop3A_1732, %parallel_loop3A_1734 : vector<16xf32>
        %parallel_loop3A_1736 = arith.mulf %parallel_loop3A_1731, %parallel_loop3A_1625 : vector<16xf32>
        %parallel_loop3A_1737 = arith.constant 0.218665481 : f32
        %parallel_loop3A_1738 = vector.broadcast %parallel_loop3A_1737 : f32 to vector<16xf32>
        %parallel_loop3A_1739 = arith.addf %parallel_loop3A_1736, %parallel_loop3A_1738 : vector<16xf32>
        %parallel_loop3A_1740 = arith.mulf %parallel_loop3A_1731, %parallel_loop3A_1629 : vector<16xf32>
        %parallel_loop3A_1741 = arith.constant 0.218665481 : f32
        %parallel_loop3A_1742 = vector.broadcast %parallel_loop3A_1741 : f32 to vector<16xf32>
        %parallel_loop3A_1743 = arith.addf %parallel_loop3A_1740, %parallel_loop3A_1742 : vector<16xf32>
        %parallel_loop3A_1744 = arith.mulf %parallel_loop3A_1731, %parallel_loop3A_1633 : vector<16xf32>
        %parallel_loop3A_1745 = arith.constant 0.218665481 : f32
        %parallel_loop3A_1746 = vector.broadcast %parallel_loop3A_1745 : f32 to vector<16xf32>
        %parallel_loop3A_1747 = arith.addf %parallel_loop3A_1744, %parallel_loop3A_1746 : vector<16xf32>
        %parallel_loop3A_1748 = arith.mulf %parallel_loop3A_1731, %parallel_loop3A_1637 : vector<16xf32>
        %parallel_loop3A_1749 = arith.constant 0.218665481 : f32
        %parallel_loop3A_1750 = vector.broadcast %parallel_loop3A_1749 : f32 to vector<16xf32>
        %parallel_loop3A_1751 = arith.addf %parallel_loop3A_1748, %parallel_loop3A_1750 : vector<16xf32>
        %parallel_loop3A_1752 = arith.mulf %parallel_loop3A_1731, %parallel_loop3A_1641 : vector<16xf32>
        %parallel_loop3A_1753 = arith.constant 0.218665481 : f32
        %parallel_loop3A_1754 = vector.broadcast %parallel_loop3A_1753 : f32 to vector<16xf32>
        %parallel_loop3A_1755 = arith.addf %parallel_loop3A_1752, %parallel_loop3A_1754 : vector<16xf32>
        %parallel_loop3A_1756 = arith.mulf %parallel_loop3A_1731, %parallel_loop3A_1645 : vector<16xf32>
        %parallel_loop3A_1757 = arith.constant 0.218665481 : f32
        %parallel_loop3A_1758 = vector.broadcast %parallel_loop3A_1757 : f32 to vector<16xf32>
        %parallel_loop3A_1759 = arith.addf %parallel_loop3A_1756, %parallel_loop3A_1758 : vector<16xf32>
        %parallel_loop3A_1760 = arith.mulf %parallel_loop3A_1731, %parallel_loop3A_1649 : vector<16xf32>
        %parallel_loop3A_1761 = arith.constant 0.218665481 : f32
        %parallel_loop3A_1762 = vector.broadcast %parallel_loop3A_1761 : f32 to vector<16xf32>
        %parallel_loop3A_1763 = arith.addf %parallel_loop3A_1760, %parallel_loop3A_1762 : vector<16xf32>
        %parallel_loop3A_1764 = arith.mulf %parallel_loop3A_1735, %parallel_loop3A_1621 : vector<16xf32>
        %parallel_loop3A_1765 = arith.constant -0.466442436 : f32
        %parallel_loop3A_1766 = vector.broadcast %parallel_loop3A_1765 : f32 to vector<16xf32>
        %parallel_loop3A_1767 = arith.addf %parallel_loop3A_1764, %parallel_loop3A_1766 : vector<16xf32>
        %parallel_loop3A_1768 = arith.mulf %parallel_loop3A_1739, %parallel_loop3A_1625 : vector<16xf32>
        %parallel_loop3A_1769 = arith.constant -0.466442436 : f32
        %parallel_loop3A_1770 = vector.broadcast %parallel_loop3A_1769 : f32 to vector<16xf32>
        %parallel_loop3A_1771 = arith.addf %parallel_loop3A_1768, %parallel_loop3A_1770 : vector<16xf32>
        %parallel_loop3A_1772 = arith.mulf %parallel_loop3A_1743, %parallel_loop3A_1629 : vector<16xf32>
        %parallel_loop3A_1773 = arith.constant -0.466442436 : f32
        %parallel_loop3A_1774 = vector.broadcast %parallel_loop3A_1773 : f32 to vector<16xf32>
        %parallel_loop3A_1775 = arith.addf %parallel_loop3A_1772, %parallel_loop3A_1774 : vector<16xf32>
        %parallel_loop3A_1776 = arith.mulf %parallel_loop3A_1747, %parallel_loop3A_1633 : vector<16xf32>
        %parallel_loop3A_1777 = arith.constant -0.466442436 : f32
        %parallel_loop3A_1778 = vector.broadcast %parallel_loop3A_1777 : f32 to vector<16xf32>
        %parallel_loop3A_1779 = arith.addf %parallel_loop3A_1776, %parallel_loop3A_1778 : vector<16xf32>
        %parallel_loop3A_1780 = arith.mulf %parallel_loop3A_1751, %parallel_loop3A_1637 : vector<16xf32>
        %parallel_loop3A_1781 = arith.constant -0.466442436 : f32
        %parallel_loop3A_1782 = vector.broadcast %parallel_loop3A_1781 : f32 to vector<16xf32>
        %parallel_loop3A_1783 = arith.addf %parallel_loop3A_1780, %parallel_loop3A_1782 : vector<16xf32>
        %parallel_loop3A_1784 = arith.mulf %parallel_loop3A_1755, %parallel_loop3A_1641 : vector<16xf32>
        %parallel_loop3A_1785 = arith.constant -0.466442436 : f32
        %parallel_loop3A_1786 = vector.broadcast %parallel_loop3A_1785 : f32 to vector<16xf32>
        %parallel_loop3A_1787 = arith.addf %parallel_loop3A_1784, %parallel_loop3A_1786 : vector<16xf32>
        %parallel_loop3A_1788 = arith.mulf %parallel_loop3A_1759, %parallel_loop3A_1645 : vector<16xf32>
        %parallel_loop3A_1789 = arith.constant -0.466442436 : f32
        %parallel_loop3A_1790 = vector.broadcast %parallel_loop3A_1789 : f32 to vector<16xf32>
        %parallel_loop3A_1791 = arith.addf %parallel_loop3A_1788, %parallel_loop3A_1790 : vector<16xf32>
        %parallel_loop3A_1792 = arith.mulf %parallel_loop3A_1763, %parallel_loop3A_1649 : vector<16xf32>
        %parallel_loop3A_1793 = arith.constant -0.466442436 : f32
        %parallel_loop3A_1794 = vector.broadcast %parallel_loop3A_1793 : f32 to vector<16xf32>
        %parallel_loop3A_1795 = arith.addf %parallel_loop3A_1792, %parallel_loop3A_1794 : vector<16xf32>
        %parallel_loop3A_1796 = arith.mulf %parallel_loop3A_1767, %parallel_loop3A_1621 : vector<16xf32>
        %parallel_loop3A_1797 = arith.constant 0.996261954 : f32
        %parallel_loop3A_1798 = vector.broadcast %parallel_loop3A_1797 : f32 to vector<16xf32>
        %parallel_loop3A_1799 = arith.addf %parallel_loop3A_1796, %parallel_loop3A_1798 : vector<16xf32>
        %parallel_loop3A_1800 = arith.mulf %parallel_loop3A_1771, %parallel_loop3A_1625 : vector<16xf32>
        %parallel_loop3A_1801 = arith.constant 0.996261954 : f32
        %parallel_loop3A_1802 = vector.broadcast %parallel_loop3A_1801 : f32 to vector<16xf32>
        %parallel_loop3A_1803 = arith.addf %parallel_loop3A_1800, %parallel_loop3A_1802 : vector<16xf32>
        %parallel_loop3A_1804 = arith.mulf %parallel_loop3A_1775, %parallel_loop3A_1629 : vector<16xf32>
        %parallel_loop3A_1805 = arith.constant 0.996261954 : f32
        %parallel_loop3A_1806 = vector.broadcast %parallel_loop3A_1805 : f32 to vector<16xf32>
        %parallel_loop3A_1807 = arith.addf %parallel_loop3A_1804, %parallel_loop3A_1806 : vector<16xf32>
        %parallel_loop3A_1808 = arith.mulf %parallel_loop3A_1779, %parallel_loop3A_1633 : vector<16xf32>
        %parallel_loop3A_1809 = arith.constant 0.996261954 : f32
        %parallel_loop3A_1810 = vector.broadcast %parallel_loop3A_1809 : f32 to vector<16xf32>
        %parallel_loop3A_1811 = arith.addf %parallel_loop3A_1808, %parallel_loop3A_1810 : vector<16xf32>
        %parallel_loop3A_1812 = arith.mulf %parallel_loop3A_1783, %parallel_loop3A_1637 : vector<16xf32>
        %parallel_loop3A_1813 = arith.constant 0.996261954 : f32
        %parallel_loop3A_1814 = vector.broadcast %parallel_loop3A_1813 : f32 to vector<16xf32>
        %parallel_loop3A_1815 = arith.addf %parallel_loop3A_1812, %parallel_loop3A_1814 : vector<16xf32>
        %parallel_loop3A_1816 = arith.mulf %parallel_loop3A_1787, %parallel_loop3A_1641 : vector<16xf32>
        %parallel_loop3A_1817 = arith.constant 0.996261954 : f32
        %parallel_loop3A_1818 = vector.broadcast %parallel_loop3A_1817 : f32 to vector<16xf32>
        %parallel_loop3A_1819 = arith.addf %parallel_loop3A_1816, %parallel_loop3A_1818 : vector<16xf32>
        %parallel_loop3A_1820 = arith.mulf %parallel_loop3A_1791, %parallel_loop3A_1645 : vector<16xf32>
        %parallel_loop3A_1821 = arith.constant 0.996261954 : f32
        %parallel_loop3A_1822 = vector.broadcast %parallel_loop3A_1821 : f32 to vector<16xf32>
        %parallel_loop3A_1823 = arith.addf %parallel_loop3A_1820, %parallel_loop3A_1822 : vector<16xf32>
        %parallel_loop3A_1824 = arith.mulf %parallel_loop3A_1795, %parallel_loop3A_1649 : vector<16xf32>
        %parallel_loop3A_1825 = arith.constant 0.996261954 : f32
        %parallel_loop3A_1826 = vector.broadcast %parallel_loop3A_1825 : f32 to vector<16xf32>
        %parallel_loop3A_1827 = arith.addf %parallel_loop3A_1824, %parallel_loop3A_1826 : vector<16xf32>
        %parallel_loop3A_1828 = arith.mulf %parallel_loop3A_1799, %parallel_loop3A_1621 : vector<16xf32>
        %parallel_loop3A_1829 = arith.constant 6.94457412E-5 : f32
        %parallel_loop3A_1830 = vector.broadcast %parallel_loop3A_1829 : f32 to vector<16xf32>
        %parallel_loop3A_1831 = arith.addf %parallel_loop3A_1828, %parallel_loop3A_1830 : vector<16xf32>
        %parallel_loop3A_1832 = arith.mulf %parallel_loop3A_1803, %parallel_loop3A_1625 : vector<16xf32>
        %parallel_loop3A_1833 = arith.constant 6.94457412E-5 : f32
        %parallel_loop3A_1834 = vector.broadcast %parallel_loop3A_1833 : f32 to vector<16xf32>
        %parallel_loop3A_1835 = arith.addf %parallel_loop3A_1832, %parallel_loop3A_1834 : vector<16xf32>
        %parallel_loop3A_1836 = arith.mulf %parallel_loop3A_1807, %parallel_loop3A_1629 : vector<16xf32>
        %parallel_loop3A_1837 = arith.constant 6.94457412E-5 : f32
        %parallel_loop3A_1838 = vector.broadcast %parallel_loop3A_1837 : f32 to vector<16xf32>
        %parallel_loop3A_1839 = arith.addf %parallel_loop3A_1836, %parallel_loop3A_1838 : vector<16xf32>
        %parallel_loop3A_1840 = arith.mulf %parallel_loop3A_1811, %parallel_loop3A_1633 : vector<16xf32>
        %parallel_loop3A_1841 = arith.constant 6.94457412E-5 : f32
        %parallel_loop3A_1842 = vector.broadcast %parallel_loop3A_1841 : f32 to vector<16xf32>
        %parallel_loop3A_1843 = arith.addf %parallel_loop3A_1840, %parallel_loop3A_1842 : vector<16xf32>
        %parallel_loop3A_1844 = arith.mulf %parallel_loop3A_1815, %parallel_loop3A_1637 : vector<16xf32>
        %parallel_loop3A_1845 = arith.constant 6.94457412E-5 : f32
        %parallel_loop3A_1846 = vector.broadcast %parallel_loop3A_1845 : f32 to vector<16xf32>
        %parallel_loop3A_1847 = arith.addf %parallel_loop3A_1844, %parallel_loop3A_1846 : vector<16xf32>
        %parallel_loop3A_1848 = arith.mulf %parallel_loop3A_1819, %parallel_loop3A_1641 : vector<16xf32>
        %parallel_loop3A_1849 = arith.constant 6.94457412E-5 : f32
        %parallel_loop3A_1850 = vector.broadcast %parallel_loop3A_1849 : f32 to vector<16xf32>
        %parallel_loop3A_1851 = arith.addf %parallel_loop3A_1848, %parallel_loop3A_1850 : vector<16xf32>
        %parallel_loop3A_1852 = arith.mulf %parallel_loop3A_1823, %parallel_loop3A_1645 : vector<16xf32>
        %parallel_loop3A_1853 = arith.constant 6.94457412E-5 : f32
        %parallel_loop3A_1854 = vector.broadcast %parallel_loop3A_1853 : f32 to vector<16xf32>
        %parallel_loop3A_1855 = arith.addf %parallel_loop3A_1852, %parallel_loop3A_1854 : vector<16xf32>
        %parallel_loop3A_1856 = arith.mulf %parallel_loop3A_1827, %parallel_loop3A_1649 : vector<16xf32>
        %parallel_loop3A_1857 = arith.constant 6.94457412E-5 : f32
        %parallel_loop3A_1858 = vector.broadcast %parallel_loop3A_1857 : f32 to vector<16xf32>
        %parallel_loop3A_1859 = arith.addf %parallel_loop3A_1856, %parallel_loop3A_1858 : vector<16xf32>
        %parallel_loop3A_1860 = arith.constant 0.000000e+00 : f32
        %parallel_loop3A_1861 = vector.broadcast %parallel_loop3A_1860 : f32 to vector<16xf32>
        %parallel_loop3A_1862 = arith.maximumf %parallel_loop3A_1514, %parallel_loop3A_1861 : vector<16xf32>
        %parallel_loop3A_1863 = arith.mulf %parallel_loop3A_1514, %parallel_loop3A_1522 : vector<16xf32>
        %parallel_loop3A_1864 = arith.subf %parallel_loop3A_1862, %parallel_loop3A_1863 : vector<16xf32>
        %parallel_loop3A_1865 = arith.addf %parallel_loop3A_1864, %parallel_loop3A_1831 : vector<16xf32>
        %parallel_loop3A_1866 = arith.constant 0.000000e+00 : f32
        %parallel_loop3A_1867 = vector.broadcast %parallel_loop3A_1866 : f32 to vector<16xf32>
        %parallel_loop3A_1868 = arith.maximumf %parallel_loop3A_1515, %parallel_loop3A_1867 : vector<16xf32>
        %parallel_loop3A_1869 = arith.mulf %parallel_loop3A_1515, %parallel_loop3A_1523 : vector<16xf32>
        %parallel_loop3A_1870 = arith.subf %parallel_loop3A_1868, %parallel_loop3A_1869 : vector<16xf32>
        %parallel_loop3A_1871 = arith.addf %parallel_loop3A_1870, %parallel_loop3A_1835 : vector<16xf32>
        %parallel_loop3A_1872 = arith.constant 0.000000e+00 : f32
        %parallel_loop3A_1873 = vector.broadcast %parallel_loop3A_1872 : f32 to vector<16xf32>
        %parallel_loop3A_1874 = arith.maximumf %parallel_loop3A_1516, %parallel_loop3A_1873 : vector<16xf32>
        %parallel_loop3A_1875 = arith.mulf %parallel_loop3A_1516, %parallel_loop3A_1524 : vector<16xf32>
        %parallel_loop3A_1876 = arith.subf %parallel_loop3A_1874, %parallel_loop3A_1875 : vector<16xf32>
        %parallel_loop3A_1877 = arith.addf %parallel_loop3A_1876, %parallel_loop3A_1839 : vector<16xf32>
        %parallel_loop3A_1878 = arith.constant 0.000000e+00 : f32
        %parallel_loop3A_1879 = vector.broadcast %parallel_loop3A_1878 : f32 to vector<16xf32>
        %parallel_loop3A_1880 = arith.maximumf %parallel_loop3A_1517, %parallel_loop3A_1879 : vector<16xf32>
        %parallel_loop3A_1881 = arith.mulf %parallel_loop3A_1517, %parallel_loop3A_1525 : vector<16xf32>
        %parallel_loop3A_1882 = arith.subf %parallel_loop3A_1880, %parallel_loop3A_1881 : vector<16xf32>
        %parallel_loop3A_1883 = arith.addf %parallel_loop3A_1882, %parallel_loop3A_1843 : vector<16xf32>
        %parallel_loop3A_1884 = arith.constant 0.000000e+00 : f32
        %parallel_loop3A_1885 = vector.broadcast %parallel_loop3A_1884 : f32 to vector<16xf32>
        %parallel_loop3A_1886 = arith.maximumf %parallel_loop3A_1518, %parallel_loop3A_1885 : vector<16xf32>
        %parallel_loop3A_1887 = arith.mulf %parallel_loop3A_1518, %parallel_loop3A_1526 : vector<16xf32>
        %parallel_loop3A_1888 = arith.subf %parallel_loop3A_1886, %parallel_loop3A_1887 : vector<16xf32>
        %parallel_loop3A_1889 = arith.addf %parallel_loop3A_1888, %parallel_loop3A_1847 : vector<16xf32>
        %parallel_loop3A_1890 = arith.constant 0.000000e+00 : f32
        %parallel_loop3A_1891 = vector.broadcast %parallel_loop3A_1890 : f32 to vector<16xf32>
        %parallel_loop3A_1892 = arith.maximumf %parallel_loop3A_1519, %parallel_loop3A_1891 : vector<16xf32>
        %parallel_loop3A_1893 = arith.mulf %parallel_loop3A_1519, %parallel_loop3A_1527 : vector<16xf32>
        %parallel_loop3A_1894 = arith.subf %parallel_loop3A_1892, %parallel_loop3A_1893 : vector<16xf32>
        %parallel_loop3A_1895 = arith.addf %parallel_loop3A_1894, %parallel_loop3A_1851 : vector<16xf32>
        %parallel_loop3A_1896 = arith.constant 0.000000e+00 : f32
        %parallel_loop3A_1897 = vector.broadcast %parallel_loop3A_1896 : f32 to vector<16xf32>
        %parallel_loop3A_1898 = arith.maximumf %parallel_loop3A_1520, %parallel_loop3A_1897 : vector<16xf32>
        %parallel_loop3A_1899 = arith.mulf %parallel_loop3A_1520, %parallel_loop3A_1528 : vector<16xf32>
        %parallel_loop3A_1900 = arith.subf %parallel_loop3A_1898, %parallel_loop3A_1899 : vector<16xf32>
        %parallel_loop3A_1901 = arith.addf %parallel_loop3A_1900, %parallel_loop3A_1855 : vector<16xf32>
        %parallel_loop3A_1902 = arith.constant 0.000000e+00 : f32
        %parallel_loop3A_1903 = vector.broadcast %parallel_loop3A_1902 : f32 to vector<16xf32>
        %parallel_loop3A_1904 = arith.maximumf %parallel_loop3A_1521, %parallel_loop3A_1903 : vector<16xf32>
        %parallel_loop3A_1905 = arith.mulf %parallel_loop3A_1521, %parallel_loop3A_1529 : vector<16xf32>
        %parallel_loop3A_1906 = arith.subf %parallel_loop3A_1904, %parallel_loop3A_1905 : vector<16xf32>
        %parallel_loop3A_1907 = arith.addf %parallel_loop3A_1906, %parallel_loop3A_1859 : vector<16xf32>
        %parallel_loop3A_1908 = arith.mulf %parallel_loop3A_1865, %parallel_loop3A_1530 : vector<16xf32>
        tpu.vector_store_idx %arg15[%parallel_loop3A_1673], %parallel_loop3A_1908 {add = true} : memref<256xf32, #tpu.memory_space<vmem>>[vector<16xi32>], vector<16xf32>,
        tpu.vector_store_idx %arg23[%parallel_loop3A_1673], %parallel_loop3A_1530 {add = true} : memref<256xf32, #tpu.memory_space<vmem>>[vector<16xi32>], vector<16xf32>,
        %parallel_loop3A_1909 = arith.mulf %parallel_loop3A_1871, %parallel_loop3A_1531 : vector<16xf32>
        tpu.vector_store_idx %arg16[%parallel_loop3A_1681], %parallel_loop3A_1909 {add = true} : memref<256xf32, #tpu.memory_space<vmem>>[vector<16xi32>], vector<16xf32>,
        tpu.vector_store_idx %arg24[%parallel_loop3A_1681], %parallel_loop3A_1531 {add = true} : memref<256xf32, #tpu.memory_space<vmem>>[vector<16xi32>], vector<16xf32>,
        %parallel_loop3A_1910 = arith.mulf %parallel_loop3A_1877, %parallel_loop3A_1532 : vector<16xf32>
        tpu.vector_store_idx %arg17[%parallel_loop3A_1689], %parallel_loop3A_1910 {add = true} : memref<256xf32, #tpu.memory_space<vmem>>[vector<16xi32>], vector<16xf32>,
        tpu.vector_store_idx %arg25[%parallel_loop3A_1689], %parallel_loop3A_1532 {add = true} : memref<256xf32, #tpu.memory_space<vmem>>[vector<16xi32>], vector<16xf32>,
        %parallel_loop3A_1911 = arith.mulf %parallel_loop3A_1883, %parallel_loop3A_1533 : vector<16xf32>
        tpu.vector_store_idx %arg18[%parallel_loop3A_1697], %parallel_loop3A_1911 {add = true} : memref<256xf32, #tpu.memory_space<vmem>>[vector<16xi32>], vector<16xf32>,
        tpu.vector_store_idx %arg26[%parallel_loop3A_1697], %parallel_loop3A_1533 {add = true} : memref<256xf32, #tpu.memory_space<vmem>>[vector<16xi32>], vector<16xf32>,
        %parallel_loop3A_1912 = arith.mulf %parallel_loop3A_1889, %parallel_loop3A_1534 : vector<16xf32>
        tpu.vector_store_idx %arg19[%parallel_loop3A_1705], %parallel_loop3A_1912 {add = true} : memref<256xf32, #tpu.memory_space<vmem>>[vector<16xi32>], vector<16xf32>,
        tpu.vector_store_idx %arg27[%parallel_loop3A_1705], %parallel_loop3A_1534 {add = true} : memref<256xf32, #tpu.memory_space<vmem>>[vector<16xi32>], vector<16xf32>,
        %parallel_loop3A_1913 = arith.mulf %parallel_loop3A_1895, %parallel_loop3A_1535 : vector<16xf32>
        tpu.vector_store_idx %arg20[%parallel_loop3A_1713], %parallel_loop3A_1913 {add = true} : memref<256xf32, #tpu.memory_space<vmem>>[vector<16xi32>], vector<16xf32>,
        tpu.vector_store_idx %arg28[%parallel_loop3A_1713], %parallel_loop3A_1535 {add = true} : memref<256xf32, #tpu.memory_space<vmem>>[vector<16xi32>], vector<16xf32>,
        %parallel_loop3A_1914 = arith.mulf %parallel_loop3A_1901, %parallel_loop3A_1536 : vector<16xf32>
        tpu.vector_store_idx %arg21[%parallel_loop3A_1721], %parallel_loop3A_1914 {add = true} : memref<256xf32, #tpu.memory_space<vmem>>[vector<16xi32>], vector<16xf32>,
        tpu.vector_store_idx %arg29[%parallel_loop3A_1721], %parallel_loop3A_1536 {add = true} : memref<256xf32, #tpu.memory_space<vmem>>[vector<16xi32>], vector<16xf32>,
        %parallel_loop3A_1915 = arith.mulf %parallel_loop3A_1907, %parallel_loop3A_1537 : vector<16xf32>
        tpu.vector_store_idx %arg22[%parallel_loop3A_1729], %parallel_loop3A_1915 {add = true} : memref<256xf32, #tpu.memory_space<vmem>>[vector<16xi32>], vector<16xf32>,
        tpu.vector_store_idx %arg30[%parallel_loop3A_1729], %parallel_loop3A_1537 {add = true} : memref<256xf32, #tpu.memory_space<vmem>>[vector<16xi32>], vector<16xf32>,
      } {sc.loop_unroll_factor = 1 : i64, sc.parallel_access}
      %mul3A_1435 = arith.constant 2 : i32
      %mul3A_1436 = arith.muli %mul3A_1435, %scan3A_1384 : i32
      %add3A_1437 = arith.constant 2 : i32
      %add3A_1438 = arith.addi %mul3A_1436, %add3A_1437 : i32
      %lt3A_1439 = arith.constant 24 : i32
      %lt3A_1440 = arith.cmpi slt, %add3A_1438, %lt3A_1439 : i32
      %mul3A_1441 = arith.constant 32 : i32
      %mul3A_1442 = arith.muli %mul3A_1441, %add3A_1438 : i32
      %add3A_1443 = arith.addi %add3A, %mul3A_1442 : i32
      %add3A_1444 = arith.constant 768 : i32
      %add3A_1445 = arith.addi %add3A_1444, %add3A : i32
      %min3A_1446 = arith.constant 780 : i32
      %min3A_1447 = arith.minsi %add3A_1445, %min3A_1446 : i32
      %select_n3A_1448 = arith.select %lt3A_1440, %add3A_1443, %min3A_1447 : i32
      %mul3A_1449 = arith.constant 128 : i32
      %mul3A_1450 = arith.muli %select_n3A_1448, %mul3A_1449 : i32
      %multiple_of3A_1451 = tpu.assume_multiple %mul3A_1450, 128 : i32
      %dma_start3A_1452 = arith.constant 0 : i32
      %dma_start3A_1453 = tpu.memref_slice %arg2[%dma_start3A_1452, %multiple_of3A_1451] : memref<80x100000xf32, #tpu.memory_space<hbm>> -> memref<80x128xf32, #tpu.memory_space<hbm>>
      %dma_start3A_1454 = arith.constant 0 : i32
      %dma_start3A_1455 = tpu.memref_slice %arg2[%dma_start3A_1454, %multiple_of3A_1451] : memref<80x100000xf32, #tpu.memory_space<hbm>> -> memref<80x128xf32, #tpu.memory_space<hbm>>
      tpu.enqueue_dma source(%dma_start3A_1455 : memref<80x128xf32, #tpu.memory_space<hbm>>) target(%arg6 : memref<80x128xf32, #tpu.memory_space<vmem>>) target_semaphore(%arg32 : memref<!tpu.dma_semaphore, #tpu.memory_space<semaphore_mem>>)
      %dma_start3A_1456 = arith.constant 0 : i32
      %dma_start3A_1457 = tpu.memref_slice %arg3[%dma_start3A_1456, %multiple_of3A_1451] : memref<80x100000xf32, #tpu.memory_space<hbm>> -> memref<80x128xf32, #tpu.memory_space<hbm>>
      %dma_start3A_1458 = arith.constant 0 : i32
      %dma_start3A_1459 = tpu.memref_slice %arg3[%dma_start3A_1458, %multiple_of3A_1451] : memref<80x100000xf32, #tpu.memory_space<hbm>> -> memref<80x128xf32, #tpu.memory_space<hbm>>
      tpu.enqueue_dma source(%dma_start3A_1459 : memref<80x128xf32, #tpu.memory_space<hbm>>) target(%arg8 : memref<80x128xf32, #tpu.memory_space<vmem>>) target_semaphore(%arg32 : memref<!tpu.dma_semaphore, #tpu.memory_space<semaphore_mem>>)
      %dma_start3A_1460 = arith.constant 0 : i32
      %dma_start3A_1461 = tpu.memref_slice %arg4[%dma_start3A_1460, %multiple_of3A_1451] : memref<80x100000xf32, #tpu.memory_space<hbm>> -> memref<80x128xf32, #tpu.memory_space<hbm>>
      %dma_start3A_1462 = arith.constant 0 : i32
      %dma_start3A_1463 = tpu.memref_slice %arg4[%dma_start3A_1462, %multiple_of3A_1451] : memref<80x100000xf32, #tpu.memory_space<hbm>> -> memref<80x128xf32, #tpu.memory_space<hbm>>
      tpu.enqueue_dma source(%dma_start3A_1463 : memref<80x128xf32, #tpu.memory_space<hbm>>) target(%arg10 : memref<80x128xf32, #tpu.memory_space<vmem>>) target_semaphore(%arg32 : memref<!tpu.dma_semaphore, #tpu.memory_space<semaphore_mem>>)
      %dma_wait3A_1464 = arith.constant 0 : i32
      %dma_wait3A_1465 = arith.constant 0 : i32
      %dma_wait3A_1466 = tpu.memref_slice %arg2[%dma_wait3A_1464, %dma_wait3A_1465] : memref<80x100000xf32, #tpu.memory_space<hbm>> -> memref<80x128xf32, #tpu.memory_space<hbm>>
      %dma_wait3A_1467 = arith.constant 0 : i32
      %dma_wait3A_1468 = arith.constant 0 : i32
      %dma_wait3A_1469 = tpu.memref_slice %arg2[%dma_wait3A_1467, %dma_wait3A_1468] : memref<80x100000xf32, #tpu.memory_space<hbm>> -> memref<80x128xf32, #tpu.memory_space<hbm>>
      tpu.wait_dma2 semaphore(%arg33 : memref<!tpu.dma_semaphore, #tpu.memory_space<semaphore_mem>>) src(%dma_wait3A_1469 : memref<80x128xf32, #tpu.memory_space<hbm>>) dst(%arg7 : memref<80x128xf32, #tpu.memory_space<vmem>>)
      %dma_wait3A_1470 = arith.constant 0 : i32
      %dma_wait3A_1471 = arith.constant 0 : i32
      %dma_wait3A_1472 = tpu.memref_slice %arg2[%dma_wait3A_1470, %dma_wait3A_1471] : memref<80x100000xf32, #tpu.memory_space<hbm>> -> memref<80x128xf32, #tpu.memory_space<hbm>>
      %dma_wait3A_1473 = arith.constant 0 : i32
      %dma_wait3A_1474 = arith.constant 0 : i32
      %dma_wait3A_1475 = tpu.memref_slice %arg2[%dma_wait3A_1473, %dma_wait3A_1474] : memref<80x100000xf32, #tpu.memory_space<hbm>> -> memref<80x128xf32, #tpu.memory_space<hbm>>
      tpu.wait_dma2 semaphore(%arg33 : memref<!tpu.dma_semaphore, #tpu.memory_space<semaphore_mem>>) src(%dma_wait3A_1475 : memref<80x128xf32, #tpu.memory_space<hbm>>) dst(%arg9 : memref<80x128xf32, #tpu.memory_space<vmem>>)
      %dma_wait3A_1476 = arith.constant 0 : i32
      %dma_wait3A_1477 = arith.constant 0 : i32
      %dma_wait3A_1478 = tpu.memref_slice %arg2[%dma_wait3A_1476, %dma_wait3A_1477] : memref<80x100000xf32, #tpu.memory_space<hbm>> -> memref<80x128xf32, #tpu.memory_space<hbm>>
      %dma_wait3A_1479 = arith.constant 0 : i32
      %dma_wait3A_1480 = arith.constant 0 : i32
      %dma_wait3A_1481 = tpu.memref_slice %arg2[%dma_wait3A_1479, %dma_wait3A_1480] : memref<80x100000xf32, #tpu.memory_space<hbm>> -> memref<80x128xf32, #tpu.memory_space<hbm>>
      tpu.wait_dma2 semaphore(%arg33 : memref<!tpu.dma_semaphore, #tpu.memory_space<semaphore_mem>>) src(%dma_wait3A_1481 : memref<80x128xf32, #tpu.memory_space<hbm>>) dst(%arg11 : memref<80x128xf32, #tpu.memory_space<vmem>>)
      %parallel_loop3A_1482 = arith.constant 0 : i32
      %parallel_loop3A_1483 = arith.constant 80 : i32
      %parallel_loop3A_1484 = arith.constant 1 : i32
      scf.for %parallel_loop3A_1485 = %parallel_loop3A_1482 to %parallel_loop3A_1483 step %parallel_loop3A_1484  : i32 {
        %parallel_loop3A_1486 = arith.constant 0 : i32
        %parallel_loop3A_1487 = vector.broadcast %parallel_loop3A_1486 : i32 to vector<16xi32>
        %parallel_loop3A_1488 = vector.broadcast %parallel_loop3A_1485 : i32 to vector<16xi32>
        %parallel_loop3A_1489 = arith.addi %parallel_loop3A_1487, %parallel_loop3A_1488 : vector<16xi32>
        %parallel_loop3A_1490 = arith.constant 0 : i32
        %parallel_loop3A_1491 = vector.broadcast %parallel_loop3A_1490 : i32 to vector<16xi32>
        %parallel_loop3A_1492 = arith.addi %iota3A, %parallel_loop3A_1491 : vector<16xi32>
        %parallel_loop3A_1493 = arith.constant 16 : i32
        %parallel_loop3A_1494 = vector.broadcast %parallel_loop3A_1493 : i32 to vector<16xi32>
        %parallel_loop3A_1495 = arith.addi %iota3A, %parallel_loop3A_1494 : vector<16xi32>
        %parallel_loop3A_1496 = arith.constant 32 : i32
        %parallel_loop3A_1497 = vector.broadcast %parallel_loop3A_1496 : i32 to vector<16xi32>
        %parallel_loop3A_1498 = arith.addi %iota3A, %parallel_loop3A_1497 : vector<16xi32>
        %parallel_loop3A_1499 = arith.constant 48 : i32
        %parallel_loop3A_1500 = vector.broadcast %parallel_loop3A_1499 : i32 to vector<16xi32>
        %parallel_loop3A_1501 = arith.addi %iota3A, %parallel_loop3A_1500 : vector<16xi32>
        %parallel_loop3A_1502 = arith.constant 64 : i32
        %parallel_loop3A_1503 = vector.broadcast %parallel_loop3A_1502 : i32 to vector<16xi32>
        %parallel_loop3A_1504 = arith.addi %iota3A, %parallel_loop3A_1503 : vector<16xi32>
        %parallel_loop3A_1505 = arith.constant 80 : i32
        %parallel_loop3A_1506 = vector.broadcast %parallel_loop3A_1505 : i32 to vector<16xi32>
        %parallel_loop3A_1507 = arith.addi %iota3A, %parallel_loop3A_1506 : vector<16xi32>
        %parallel_loop3A_1508 = arith.constant 96 : i32
        %parallel_loop3A_1509 = vector.broadcast %parallel_loop3A_1508 : i32 to vector<16xi32>
        %parallel_loop3A_1510 = arith.addi %iota3A, %parallel_loop3A_1509 : vector<16xi32>
        %parallel_loop3A_1511 = arith.constant 112 : i32
        %parallel_loop3A_1512 = vector.broadcast %parallel_loop3A_1511 : i32 to vector<16xi32>
        %parallel_loop3A_1513 = arith.addi %iota3A, %parallel_loop3A_1512 : vector<16xi32>
        %parallel_loop3A_1514 = tpu.vector_load_idx %arg7[%parallel_loop3A_1489, %parallel_loop3A_1492] : memref<80x128xf32, #tpu.memory_space<vmem>>[vector<16xi32>, vector<16xi32>], vector<16xf32>,
        %parallel_loop3A_1515 = tpu.vector_load_idx %arg7[%parallel_loop3A_1489, %parallel_loop3A_1495] : memref<80x128xf32, #tpu.memory_space<vmem>>[vector<16xi32>, vector<16xi32>], vector<16xf32>,
        %parallel_loop3A_1516 = tpu.vector_load_idx %arg7[%parallel_loop3A_1489, %parallel_loop3A_1498] : memref<80x128xf32, #tpu.memory_space<vmem>>[vector<16xi32>, vector<16xi32>], vector<16xf32>,
        %parallel_loop3A_1517 = tpu.vector_load_idx %arg7[%parallel_loop3A_1489, %parallel_loop3A_1501] : memref<80x128xf32, #tpu.memory_space<vmem>>[vector<16xi32>, vector<16xi32>], vector<16xf32>,
        %parallel_loop3A_1518 = tpu.vector_load_idx %arg7[%parallel_loop3A_1489, %parallel_loop3A_1504] : memref<80x128xf32, #tpu.memory_space<vmem>>[vector<16xi32>, vector<16xi32>], vector<16xf32>,
        %parallel_loop3A_1519 = tpu.vector_load_idx %arg7[%parallel_loop3A_1489, %parallel_loop3A_1507] : memref<80x128xf32, #tpu.memory_space<vmem>>[vector<16xi32>, vector<16xi32>], vector<16xf32>,
        %parallel_loop3A_1520 = tpu.vector_load_idx %arg7[%parallel_loop3A_1489, %parallel_loop3A_1510] : memref<80x128xf32, #tpu.memory_space<vmem>>[vector<16xi32>, vector<16xi32>], vector<16xf32>,
        %parallel_loop3A_1521 = tpu.vector_load_idx %arg7[%parallel_loop3A_1489, %parallel_loop3A_1513] : memref<80x128xf32, #tpu.memory_space<vmem>>[vector<16xi32>, vector<16xi32>], vector<16xf32>,
        %parallel_loop3A_1522 = tpu.vector_load_idx %arg9[%parallel_loop3A_1489, %parallel_loop3A_1492] : memref<80x128xf32, #tpu.memory_space<vmem>>[vector<16xi32>, vector<16xi32>], vector<16xf32>,
        %parallel_loop3A_1523 = tpu.vector_load_idx %arg9[%parallel_loop3A_1489, %parallel_loop3A_1495] : memref<80x128xf32, #tpu.memory_space<vmem>>[vector<16xi32>, vector<16xi32>], vector<16xf32>,
        %parallel_loop3A_1524 = tpu.vector_load_idx %arg9[%parallel_loop3A_1489, %parallel_loop3A_1498] : memref<80x128xf32, #tpu.memory_space<vmem>>[vector<16xi32>, vector<16xi32>], vector<16xf32>,
        %parallel_loop3A_1525 = tpu.vector_load_idx %arg9[%parallel_loop3A_1489, %parallel_loop3A_1501] : memref<80x128xf32, #tpu.memory_space<vmem>>[vector<16xi32>, vector<16xi32>], vector<16xf32>,
        %parallel_loop3A_1526 = tpu.vector_load_idx %arg9[%parallel_loop3A_1489, %parallel_loop3A_1504] : memref<80x128xf32, #tpu.memory_space<vmem>>[vector<16xi32>, vector<16xi32>], vector<16xf32>,
        %parallel_loop3A_1527 = tpu.vector_load_idx %arg9[%parallel_loop3A_1489, %parallel_loop3A_1507] : memref<80x128xf32, #tpu.memory_space<vmem>>[vector<16xi32>, vector<16xi32>], vector<16xf32>,
        %parallel_loop3A_1528 = tpu.vector_load_idx %arg9[%parallel_loop3A_1489, %parallel_loop3A_1510] : memref<80x128xf32, #tpu.memory_space<vmem>>[vector<16xi32>, vector<16xi32>], vector<16xf32>,
        %parallel_loop3A_1529 = tpu.vector_load_idx %arg9[%parallel_loop3A_1489, %parallel_loop3A_1513] : memref<80x128xf32, #tpu.memory_space<vmem>>[vector<16xi32>, vector<16xi32>], vector<16xf32>,
        %parallel_loop3A_1530 = tpu.vector_load_idx %arg11[%parallel_loop3A_1489, %parallel_loop3A_1492] : memref<80x128xf32, #tpu.memory_space<vmem>>[vector<16xi32>, vector<16xi32>], vector<16xf32>,
        %parallel_loop3A_1531 = tpu.vector_load_idx %arg11[%parallel_loop3A_1489, %parallel_loop3A_1495] : memref<80x128xf32, #tpu.memory_space<vmem>>[vector<16xi32>, vector<16xi32>], vector<16xf32>,
        %parallel_loop3A_1532 = tpu.vector_load_idx %arg11[%parallel_loop3A_1489, %parallel_loop3A_1498] : memref<80x128xf32, #tpu.memory_space<vmem>>[vector<16xi32>, vector<16xi32>], vector<16xf32>,
        %parallel_loop3A_1533 = tpu.vector_load_idx %arg11[%parallel_loop3A_1489, %parallel_loop3A_1501] : memref<80x128xf32, #tpu.memory_space<vmem>>[vector<16xi32>, vector<16xi32>], vector<16xf32>,
        %parallel_loop3A_1534 = tpu.vector_load_idx %arg11[%parallel_loop3A_1489, %parallel_loop3A_1504] : memref<80x128xf32, #tpu.memory_space<vmem>>[vector<16xi32>, vector<16xi32>], vector<16xf32>,
        %parallel_loop3A_1535 = tpu.vector_load_idx %arg11[%parallel_loop3A_1489, %parallel_loop3A_1507] : memref<80x128xf32, #tpu.memory_space<vmem>>[vector<16xi32>, vector<16xi32>], vector<16xf32>,
        %parallel_loop3A_1536 = tpu.vector_load_idx %arg11[%parallel_loop3A_1489, %parallel_loop3A_1510] : memref<80x128xf32, #tpu.memory_space<vmem>>[vector<16xi32>, vector<16xi32>], vector<16xf32>,
        %parallel_loop3A_1537 = tpu.vector_load_idx %arg11[%parallel_loop3A_1489, %parallel_loop3A_1513] : memref<80x128xf32, #tpu.memory_space<vmem>>[vector<16xi32>, vector<16xi32>], vector<16xf32>,
        %parallel_loop3A_1538 = arith.constant 0.000000e+00 : f32
        %parallel_loop3A_1539 = vector.broadcast %parallel_loop3A_1538 : f32 to vector<16xf32>
        %parallel_loop3A_1540 = arith.subf %parallel_loop3A_1539, %parallel_loop3A_1514 : vector<16xf32>
        %parallel_loop3A_1541 = math.exp %parallel_loop3A_1540 : vector<16xf32>
        %parallel_loop3A_1542 = arith.constant 0.000000e+00 : f32
        %parallel_loop3A_1543 = vector.broadcast %parallel_loop3A_1542 : f32 to vector<16xf32>
        %parallel_loop3A_1544 = arith.subf %parallel_loop3A_1543, %parallel_loop3A_1515 : vector<16xf32>
        %parallel_loop3A_1545 = math.exp %parallel_loop3A_1544 : vector<16xf32>
        %parallel_loop3A_1546 = arith.constant 0.000000e+00 : f32
        %parallel_loop3A_1547 = vector.broadcast %parallel_loop3A_1546 : f32 to vector<16xf32>
        %parallel_loop3A_1548 = arith.subf %parallel_loop3A_1547, %parallel_loop3A_1516 : vector<16xf32>
        %parallel_loop3A_1549 = math.exp %parallel_loop3A_1548 : vector<16xf32>
        %parallel_loop3A_1550 = arith.constant 0.000000e+00 : f32
        %parallel_loop3A_1551 = vector.broadcast %parallel_loop3A_1550 : f32 to vector<16xf32>
        %parallel_loop3A_1552 = arith.subf %parallel_loop3A_1551, %parallel_loop3A_1517 : vector<16xf32>
        %parallel_loop3A_1553 = math.exp %parallel_loop3A_1552 : vector<16xf32>
        %parallel_loop3A_1554 = arith.constant 0.000000e+00 : f32
        %parallel_loop3A_1555 = vector.broadcast %parallel_loop3A_1554 : f32 to vector<16xf32>
        %parallel_loop3A_1556 = arith.subf %parallel_loop3A_1555, %parallel_loop3A_1518 : vector<16xf32>
        %parallel_loop3A_1557 = math.exp %parallel_loop3A_1556 : vector<16xf32>
        %parallel_loop3A_1558 = arith.constant 0.000000e+00 : f32
        %parallel_loop3A_1559 = vector.broadcast %parallel_loop3A_1558 : f32 to vector<16xf32>
        %parallel_loop3A_1560 = arith.subf %parallel_loop3A_1559, %parallel_loop3A_1519 : vector<16xf32>
        %parallel_loop3A_1561 = math.exp %parallel_loop3A_1560 : vector<16xf32>
        %parallel_loop3A_1562 = arith.constant 0.000000e+00 : f32
        %parallel_loop3A_1563 = vector.broadcast %parallel_loop3A_1562 : f32 to vector<16xf32>
        %parallel_loop3A_1564 = arith.subf %parallel_loop3A_1563, %parallel_loop3A_1520 : vector<16xf32>
        %parallel_loop3A_1565 = math.exp %parallel_loop3A_1564 : vector<16xf32>
        %parallel_loop3A_1566 = arith.constant 0.000000e+00 : f32
        %parallel_loop3A_1567 = vector.broadcast %parallel_loop3A_1566 : f32 to vector<16xf32>
        %parallel_loop3A_1568 = arith.subf %parallel_loop3A_1567, %parallel_loop3A_1521 : vector<16xf32>
        %parallel_loop3A_1569 = math.exp %parallel_loop3A_1568 : vector<16xf32>
        %parallel_loop3A_1570 = arith.constant 1.000000e+00 : f32
        %parallel_loop3A_1571 = vector.broadcast %parallel_loop3A_1570 : f32 to vector<16xf32>
        %parallel_loop3A_1572 = arith.addf %parallel_loop3A_1571, %parallel_loop3A_1541 : vector<16xf32>
        %parallel_loop3A_1573 = arith.constant 1.000000e+00 : f32
        %parallel_loop3A_1574 = vector.broadcast %parallel_loop3A_1573 : f32 to vector<16xf32>
        %parallel_loop3A_1575 = arith.divf %parallel_loop3A_1574, %parallel_loop3A_1572 : vector<16xf32>
        %parallel_loop3A_1576 = arith.constant 1.000000e+00 : f32
        %parallel_loop3A_1577 = vector.broadcast %parallel_loop3A_1576 : f32 to vector<16xf32>
        %parallel_loop3A_1578 = arith.addf %parallel_loop3A_1577, %parallel_loop3A_1545 : vector<16xf32>
        %parallel_loop3A_1579 = arith.constant 1.000000e+00 : f32
        %parallel_loop3A_1580 = vector.broadcast %parallel_loop3A_1579 : f32 to vector<16xf32>
        %parallel_loop3A_1581 = arith.divf %parallel_loop3A_1580, %parallel_loop3A_1578 : vector<16xf32>
        %parallel_loop3A_1582 = arith.constant 1.000000e+00 : f32
        %parallel_loop3A_1583 = vector.broadcast %parallel_loop3A_1582 : f32 to vector<16xf32>
        %parallel_loop3A_1584 = arith.addf %parallel_loop3A_1583, %parallel_loop3A_1549 : vector<16xf32>
        %parallel_loop3A_1585 = arith.constant 1.000000e+00 : f32
        %parallel_loop3A_1586 = vector.broadcast %parallel_loop3A_1585 : f32 to vector<16xf32>
        %parallel_loop3A_1587 = arith.divf %parallel_loop3A_1586, %parallel_loop3A_1584 : vector<16xf32>
        %parallel_loop3A_1588 = arith.constant 1.000000e+00 : f32
        %parallel_loop3A_1589 = vector.broadcast %parallel_loop3A_1588 : f32 to vector<16xf32>
        %parallel_loop3A_1590 = arith.addf %parallel_loop3A_1589, %parallel_loop3A_1553 : vector<16xf32>
        %parallel_loop3A_1591 = arith.constant 1.000000e+00 : f32
        %parallel_loop3A_1592 = vector.broadcast %parallel_loop3A_1591 : f32 to vector<16xf32>
        %parallel_loop3A_1593 = arith.divf %parallel_loop3A_1592, %parallel_loop3A_1590 : vector<16xf32>
        %parallel_loop3A_1594 = arith.constant 1.000000e+00 : f32
        %parallel_loop3A_1595 = vector.broadcast %parallel_loop3A_1594 : f32 to vector<16xf32>
        %parallel_loop3A_1596 = arith.addf %parallel_loop3A_1595, %parallel_loop3A_1557 : vector<16xf32>
        %parallel_loop3A_1597 = arith.constant 1.000000e+00 : f32
        %parallel_loop3A_1598 = vector.broadcast %parallel_loop3A_1597 : f32 to vector<16xf32>
        %parallel_loop3A_1599 = arith.divf %parallel_loop3A_1598, %parallel_loop3A_1596 : vector<16xf32>
        %parallel_loop3A_1600 = arith.constant 1.000000e+00 : f32
        %parallel_loop3A_1601 = vector.broadcast %parallel_loop3A_1600 : f32 to vector<16xf32>
        %parallel_loop3A_1602 = arith.addf %parallel_loop3A_1601, %parallel_loop3A_1561 : vector<16xf32>
        %parallel_loop3A_1603 = arith.constant 1.000000e+00 : f32
        %parallel_loop3A_1604 = vector.broadcast %parallel_loop3A_1603 : f32 to vector<16xf32>
        %parallel_loop3A_1605 = arith.divf %parallel_loop3A_1604, %parallel_loop3A_1602 : vector<16xf32>
        %parallel_loop3A_1606 = arith.constant 1.000000e+00 : f32
        %parallel_loop3A_1607 = vector.broadcast %parallel_loop3A_1606 : f32 to vector<16xf32>
        %parallel_loop3A_1608 = arith.addf %parallel_loop3A_1607, %parallel_loop3A_1565 : vector<16xf32>
        %parallel_loop3A_1609 = arith.constant 1.000000e+00 : f32
        %parallel_loop3A_1610 = vector.broadcast %parallel_loop3A_1609 : f32 to vector<16xf32>
        %parallel_loop3A_1611 = arith.divf %parallel_loop3A_1610, %parallel_loop3A_1608 : vector<16xf32>
        %parallel_loop3A_1612 = arith.constant 1.000000e+00 : f32
        %parallel_loop3A_1613 = vector.broadcast %parallel_loop3A_1612 : f32 to vector<16xf32>
        %parallel_loop3A_1614 = arith.addf %parallel_loop3A_1613, %parallel_loop3A_1569 : vector<16xf32>
        %parallel_loop3A_1615 = arith.constant 1.000000e+00 : f32
        %parallel_loop3A_1616 = vector.broadcast %parallel_loop3A_1615 : f32 to vector<16xf32>
        %parallel_loop3A_1617 = arith.divf %parallel_loop3A_1616, %parallel_loop3A_1614 : vector<16xf32>
        %parallel_loop3A_1618 = arith.constant 1.000000e+00 : f32
        %parallel_loop3A_1619 = vector.broadcast %parallel_loop3A_1618 : f32 to vector<16xf32>
        %parallel_loop3A_1620 = arith.divf %parallel_loop3A_1619, %parallel_loop3A_1541 : vector<16xf32>
        %parallel_loop3A_1621 = arith.minimumf %parallel_loop3A_1541, %parallel_loop3A_1620 : vector<16xf32>
        %parallel_loop3A_1622 = arith.constant 1.000000e+00 : f32
        %parallel_loop3A_1623 = vector.broadcast %parallel_loop3A_1622 : f32 to vector<16xf32>
        %parallel_loop3A_1624 = arith.divf %parallel_loop3A_1623, %parallel_loop3A_1545 : vector<16xf32>
        %parallel_loop3A_1625 = arith.minimumf %parallel_loop3A_1545, %parallel_loop3A_1624 : vector<16xf32>
        %parallel_loop3A_1626 = arith.constant 1.000000e+00 : f32
        %parallel_loop3A_1627 = vector.broadcast %parallel_loop3A_1626 : f32 to vector<16xf32>
        %parallel_loop3A_1628 = arith.divf %parallel_loop3A_1627, %parallel_loop3A_1549 : vector<16xf32>
        %parallel_loop3A_1629 = arith.minimumf %parallel_loop3A_1549, %parallel_loop3A_1628 : vector<16xf32>
        %parallel_loop3A_1630 = arith.constant 1.000000e+00 : f32
        %parallel_loop3A_1631 = vector.broadcast %parallel_loop3A_1630 : f32 to vector<16xf32>
        %parallel_loop3A_1632 = arith.divf %parallel_loop3A_1631, %parallel_loop3A_1553 : vector<16xf32>
        %parallel_loop3A_1633 = arith.minimumf %parallel_loop3A_1553, %parallel_loop3A_1632 : vector<16xf32>
        %parallel_loop3A_1634 = arith.constant 1.000000e+00 : f32
        %parallel_loop3A_1635 = vector.broadcast %parallel_loop3A_1634 : f32 to vector<16xf32>
        %parallel_loop3A_1636 = arith.divf %parallel_loop3A_1635, %parallel_loop3A_1557 : vector<16xf32>
        %parallel_loop3A_1637 = arith.minimumf %parallel_loop3A_1557, %parallel_loop3A_1636 : vector<16xf32>
        %parallel_loop3A_1638 = arith.constant 1.000000e+00 : f32
        %parallel_loop3A_1639 = vector.broadcast %parallel_loop3A_1638 : f32 to vector<16xf32>
        %parallel_loop3A_1640 = arith.divf %parallel_loop3A_1639, %parallel_loop3A_1561 : vector<16xf32>
        %parallel_loop3A_1641 = arith.minimumf %parallel_loop3A_1561, %parallel_loop3A_1640 : vector<16xf32>
        %parallel_loop3A_1642 = arith.constant 1.000000e+00 : f32
        %parallel_loop3A_1643 = vector.broadcast %parallel_loop3A_1642 : f32 to vector<16xf32>
        %parallel_loop3A_1644 = arith.divf %parallel_loop3A_1643, %parallel_loop3A_1565 : vector<16xf32>
        %parallel_loop3A_1645 = arith.minimumf %parallel_loop3A_1565, %parallel_loop3A_1644 : vector<16xf32>
        %parallel_loop3A_1646 = arith.constant 1.000000e+00 : f32
        %parallel_loop3A_1647 = vector.broadcast %parallel_loop3A_1646 : f32 to vector<16xf32>
        %parallel_loop3A_1648 = arith.divf %parallel_loop3A_1647, %parallel_loop3A_1569 : vector<16xf32>
        %parallel_loop3A_1649 = arith.minimumf %parallel_loop3A_1569, %parallel_loop3A_1648 : vector<16xf32>
        %parallel_loop3A_1650 = arith.subf %parallel_loop3A_1575, %parallel_loop3A_1522 : vector<16xf32>
        %parallel_loop3A_1651 = math.absf %parallel_loop3A_1650 : vector<16xf32>
        %parallel_loop3A_1652 = arith.subf %parallel_loop3A_1581, %parallel_loop3A_1523 : vector<16xf32>
        %parallel_loop3A_1653 = math.absf %parallel_loop3A_1652 : vector<16xf32>
        %parallel_loop3A_1654 = arith.subf %parallel_loop3A_1587, %parallel_loop3A_1524 : vector<16xf32>
        %parallel_loop3A_1655 = math.absf %parallel_loop3A_1654 : vector<16xf32>
        %parallel_loop3A_1656 = arith.subf %parallel_loop3A_1593, %parallel_loop3A_1525 : vector<16xf32>
        %parallel_loop3A_1657 = math.absf %parallel_loop3A_1656 : vector<16xf32>
        %parallel_loop3A_1658 = arith.subf %parallel_loop3A_1599, %parallel_loop3A_1526 : vector<16xf32>
        %parallel_loop3A_1659 = math.absf %parallel_loop3A_1658 : vector<16xf32>
        %parallel_loop3A_1660 = arith.subf %parallel_loop3A_1605, %parallel_loop3A_1527 : vector<16xf32>
        %parallel_loop3A_1661 = math.absf %parallel_loop3A_1660 : vector<16xf32>
        %parallel_loop3A_1662 = arith.subf %parallel_loop3A_1611, %parallel_loop3A_1528 : vector<16xf32>
        %parallel_loop3A_1663 = math.absf %parallel_loop3A_1662 : vector<16xf32>
        %parallel_loop3A_1664 = arith.subf %parallel_loop3A_1617, %parallel_loop3A_1529 : vector<16xf32>
        %parallel_loop3A_1665 = math.absf %parallel_loop3A_1664 : vector<16xf32>
        %parallel_loop3A_1666 = arith.constant 1.000000e+01 : f32
        %parallel_loop3A_1667 = vector.broadcast %parallel_loop3A_1666 : f32 to vector<16xf32>
        %parallel_loop3A_1668 = arith.mulf %parallel_loop3A_1651, %parallel_loop3A_1667 : vector<16xf32>
        %parallel_loop3A_1669 = arith.constant 9.000000e+00 : f32
        %parallel_loop3A_1670 = vector.broadcast %parallel_loop3A_1669 : f32 to vector<16xf32>
        %parallel_loop3A_1671 = arith.minimumf %parallel_loop3A_1668, %parallel_loop3A_1670 : vector<16xf32>
        %parallel_loop3A_1672 = arith.fptosi %parallel_loop3A_1671 : vector<16xf32> to vector<16xi32>
        %parallel_loop3A_1673 = arith.addi %mul3A_515, %parallel_loop3A_1672 : vector<16xi32>
        %parallel_loop3A_1674 = arith.constant 1.000000e+01 : f32
        %parallel_loop3A_1675 = vector.broadcast %parallel_loop3A_1674 : f32 to vector<16xf32>
        %parallel_loop3A_1676 = arith.mulf %parallel_loop3A_1653, %parallel_loop3A_1675 : vector<16xf32>
        %parallel_loop3A_1677 = arith.constant 9.000000e+00 : f32
        %parallel_loop3A_1678 = vector.broadcast %parallel_loop3A_1677 : f32 to vector<16xf32>
        %parallel_loop3A_1679 = arith.minimumf %parallel_loop3A_1676, %parallel_loop3A_1678 : vector<16xf32>
        %parallel_loop3A_1680 = arith.fptosi %parallel_loop3A_1679 : vector<16xf32> to vector<16xi32>
        %parallel_loop3A_1681 = arith.addi %mul3A_515, %parallel_loop3A_1680 : vector<16xi32>
        %parallel_loop3A_1682 = arith.constant 1.000000e+01 : f32
        %parallel_loop3A_1683 = vector.broadcast %parallel_loop3A_1682 : f32 to vector<16xf32>
        %parallel_loop3A_1684 = arith.mulf %parallel_loop3A_1655, %parallel_loop3A_1683 : vector<16xf32>
        %parallel_loop3A_1685 = arith.constant 9.000000e+00 : f32
        %parallel_loop3A_1686 = vector.broadcast %parallel_loop3A_1685 : f32 to vector<16xf32>
        %parallel_loop3A_1687 = arith.minimumf %parallel_loop3A_1684, %parallel_loop3A_1686 : vector<16xf32>
        %parallel_loop3A_1688 = arith.fptosi %parallel_loop3A_1687 : vector<16xf32> to vector<16xi32>
        %parallel_loop3A_1689 = arith.addi %mul3A_515, %parallel_loop3A_1688 : vector<16xi32>
        %parallel_loop3A_1690 = arith.constant 1.000000e+01 : f32
        %parallel_loop3A_1691 = vector.broadcast %parallel_loop3A_1690 : f32 to vector<16xf32>
        %parallel_loop3A_1692 = arith.mulf %parallel_loop3A_1657, %parallel_loop3A_1691 : vector<16xf32>
        %parallel_loop3A_1693 = arith.constant 9.000000e+00 : f32
        %parallel_loop3A_1694 = vector.broadcast %parallel_loop3A_1693 : f32 to vector<16xf32>
        %parallel_loop3A_1695 = arith.minimumf %parallel_loop3A_1692, %parallel_loop3A_1694 : vector<16xf32>
        %parallel_loop3A_1696 = arith.fptosi %parallel_loop3A_1695 : vector<16xf32> to vector<16xi32>
        %parallel_loop3A_1697 = arith.addi %mul3A_515, %parallel_loop3A_1696 : vector<16xi32>
        %parallel_loop3A_1698 = arith.constant 1.000000e+01 : f32
        %parallel_loop3A_1699 = vector.broadcast %parallel_loop3A_1698 : f32 to vector<16xf32>
        %parallel_loop3A_1700 = arith.mulf %parallel_loop3A_1659, %parallel_loop3A_1699 : vector<16xf32>
        %parallel_loop3A_1701 = arith.constant 9.000000e+00 : f32
        %parallel_loop3A_1702 = vector.broadcast %parallel_loop3A_1701 : f32 to vector<16xf32>
        %parallel_loop3A_1703 = arith.minimumf %parallel_loop3A_1700, %parallel_loop3A_1702 : vector<16xf32>
        %parallel_loop3A_1704 = arith.fptosi %parallel_loop3A_1703 : vector<16xf32> to vector<16xi32>
        %parallel_loop3A_1705 = arith.addi %mul3A_515, %parallel_loop3A_1704 : vector<16xi32>
        %parallel_loop3A_1706 = arith.constant 1.000000e+01 : f32
        %parallel_loop3A_1707 = vector.broadcast %parallel_loop3A_1706 : f32 to vector<16xf32>
        %parallel_loop3A_1708 = arith.mulf %parallel_loop3A_1661, %parallel_loop3A_1707 : vector<16xf32>
        %parallel_loop3A_1709 = arith.constant 9.000000e+00 : f32
        %parallel_loop3A_1710 = vector.broadcast %parallel_loop3A_1709 : f32 to vector<16xf32>
        %parallel_loop3A_1711 = arith.minimumf %parallel_loop3A_1708, %parallel_loop3A_1710 : vector<16xf32>
        %parallel_loop3A_1712 = arith.fptosi %parallel_loop3A_1711 : vector<16xf32> to vector<16xi32>
        %parallel_loop3A_1713 = arith.addi %mul3A_515, %parallel_loop3A_1712 : vector<16xi32>
        %parallel_loop3A_1714 = arith.constant 1.000000e+01 : f32
        %parallel_loop3A_1715 = vector.broadcast %parallel_loop3A_1714 : f32 to vector<16xf32>
        %parallel_loop3A_1716 = arith.mulf %parallel_loop3A_1663, %parallel_loop3A_1715 : vector<16xf32>
        %parallel_loop3A_1717 = arith.constant 9.000000e+00 : f32
        %parallel_loop3A_1718 = vector.broadcast %parallel_loop3A_1717 : f32 to vector<16xf32>
        %parallel_loop3A_1719 = arith.minimumf %parallel_loop3A_1716, %parallel_loop3A_1718 : vector<16xf32>
        %parallel_loop3A_1720 = arith.fptosi %parallel_loop3A_1719 : vector<16xf32> to vector<16xi32>
        %parallel_loop3A_1721 = arith.addi %mul3A_515, %parallel_loop3A_1720 : vector<16xi32>
        %parallel_loop3A_1722 = arith.constant 1.000000e+01 : f32
        %parallel_loop3A_1723 = vector.broadcast %parallel_loop3A_1722 : f32 to vector<16xf32>
        %parallel_loop3A_1724 = arith.mulf %parallel_loop3A_1665, %parallel_loop3A_1723 : vector<16xf32>
        %parallel_loop3A_1725 = arith.constant 9.000000e+00 : f32
        %parallel_loop3A_1726 = vector.broadcast %parallel_loop3A_1725 : f32 to vector<16xf32>
        %parallel_loop3A_1727 = arith.minimumf %parallel_loop3A_1724, %parallel_loop3A_1726 : vector<16xf32>
        %parallel_loop3A_1728 = arith.fptosi %parallel_loop3A_1727 : vector<16xf32> to vector<16xi32>
        %parallel_loop3A_1729 = arith.addi %mul3A_515, %parallel_loop3A_1728 : vector<16xi32>
        %parallel_loop3A_1730 = arith.constant -0.0554593131 : f32
        %parallel_loop3A_1731 = vector.broadcast %parallel_loop3A_1730 : f32 to vector<16xf32>
        %parallel_loop3A_1732 = arith.mulf %parallel_loop3A_1731, %parallel_loop3A_1621 : vector<16xf32>
        %parallel_loop3A_1733 = arith.constant 0.218665481 : f32
        %parallel_loop3A_1734 = vector.broadcast %parallel_loop3A_1733 : f32 to vector<16xf32>
        %parallel_loop3A_1735 = arith.addf %parallel_loop3A_1732, %parallel_loop3A_1734 : vector<16xf32>
        %parallel_loop3A_1736 = arith.mulf %parallel_loop3A_1731, %parallel_loop3A_1625 : vector<16xf32>
        %parallel_loop3A_1737 = arith.constant 0.218665481 : f32
        %parallel_loop3A_1738 = vector.broadcast %parallel_loop3A_1737 : f32 to vector<16xf32>
        %parallel_loop3A_1739 = arith.addf %parallel_loop3A_1736, %parallel_loop3A_1738 : vector<16xf32>
        %parallel_loop3A_1740 = arith.mulf %parallel_loop3A_1731, %parallel_loop3A_1629 : vector<16xf32>
        %parallel_loop3A_1741 = arith.constant 0.218665481 : f32
        %parallel_loop3A_1742 = vector.broadcast %parallel_loop3A_1741 : f32 to vector<16xf32>
        %parallel_loop3A_1743 = arith.addf %parallel_loop3A_1740, %parallel_loop3A_1742 : vector<16xf32>
        %parallel_loop3A_1744 = arith.mulf %parallel_loop3A_1731, %parallel_loop3A_1633 : vector<16xf32>
        %parallel_loop3A_1745 = arith.constant 0.218665481 : f32
        %parallel_loop3A_1746 = vector.broadcast %parallel_loop3A_1745 : f32 to vector<16xf32>
        %parallel_loop3A_1747 = arith.addf %parallel_loop3A_1744, %parallel_loop3A_1746 : vector<16xf32>
        %parallel_loop3A_1748 = arith.mulf %parallel_loop3A_1731, %parallel_loop3A_1637 : vector<16xf32>
        %parallel_loop3A_1749 = arith.constant 0.218665481 : f32
        %parallel_loop3A_1750 = vector.broadcast %parallel_loop3A_1749 : f32 to vector<16xf32>
        %parallel_loop3A_1751 = arith.addf %parallel_loop3A_1748, %parallel_loop3A_1750 : vector<16xf32>
        %parallel_loop3A_1752 = arith.mulf %parallel_loop3A_1731, %parallel_loop3A_1641 : vector<16xf32>
        %parallel_loop3A_1753 = arith.constant 0.218665481 : f32
        %parallel_loop3A_1754 = vector.broadcast %parallel_loop3A_1753 : f32 to vector<16xf32>
        %parallel_loop3A_1755 = arith.addf %parallel_loop3A_1752, %parallel_loop3A_1754 : vector<16xf32>
        %parallel_loop3A_1756 = arith.mulf %parallel_loop3A_1731, %parallel_loop3A_1645 : vector<16xf32>
        %parallel_loop3A_1757 = arith.constant 0.218665481 : f32
        %parallel_loop3A_1758 = vector.broadcast %parallel_loop3A_1757 : f32 to vector<16xf32>
        %parallel_loop3A_1759 = arith.addf %parallel_loop3A_1756, %parallel_loop3A_1758 : vector<16xf32>
        %parallel_loop3A_1760 = arith.mulf %parallel_loop3A_1731, %parallel_loop3A_1649 : vector<16xf32>
        %parallel_loop3A_1761 = arith.constant 0.218665481 : f32
        %parallel_loop3A_1762 = vector.broadcast %parallel_loop3A_1761 : f32 to vector<16xf32>
        %parallel_loop3A_1763 = arith.addf %parallel_loop3A_1760, %parallel_loop3A_1762 : vector<16xf32>
        %parallel_loop3A_1764 = arith.mulf %parallel_loop3A_1735, %parallel_loop3A_1621 : vector<16xf32>
        %parallel_loop3A_1765 = arith.constant -0.466442436 : f32
        %parallel_loop3A_1766 = vector.broadcast %parallel_loop3A_1765 : f32 to vector<16xf32>
        %parallel_loop3A_1767 = arith.addf %parallel_loop3A_1764, %parallel_loop3A_1766 : vector<16xf32>
        %parallel_loop3A_1768 = arith.mulf %parallel_loop3A_1739, %parallel_loop3A_1625 : vector<16xf32>
        %parallel_loop3A_1769 = arith.constant -0.466442436 : f32
        %parallel_loop3A_1770 = vector.broadcast %parallel_loop3A_1769 : f32 to vector<16xf32>
        %parallel_loop3A_1771 = arith.addf %parallel_loop3A_1768, %parallel_loop3A_1770 : vector<16xf32>
        %parallel_loop3A_1772 = arith.mulf %parallel_loop3A_1743, %parallel_loop3A_1629 : vector<16xf32>
        %parallel_loop3A_1773 = arith.constant -0.466442436 : f32
        %parallel_loop3A_1774 = vector.broadcast %parallel_loop3A_1773 : f32 to vector<16xf32>
        %parallel_loop3A_1775 = arith.addf %parallel_loop3A_1772, %parallel_loop3A_1774 : vector<16xf32>
        %parallel_loop3A_1776 = arith.mulf %parallel_loop3A_1747, %parallel_loop3A_1633 : vector<16xf32>
        %parallel_loop3A_1777 = arith.constant -0.466442436 : f32
        %parallel_loop3A_1778 = vector.broadcast %parallel_loop3A_1777 : f32 to vector<16xf32>
        %parallel_loop3A_1779 = arith.addf %parallel_loop3A_1776, %parallel_loop3A_1778 : vector<16xf32>
        %parallel_loop3A_1780 = arith.mulf %parallel_loop3A_1751, %parallel_loop3A_1637 : vector<16xf32>
        %parallel_loop3A_1781 = arith.constant -0.466442436 : f32
        %parallel_loop3A_1782 = vector.broadcast %parallel_loop3A_1781 : f32 to vector<16xf32>
        %parallel_loop3A_1783 = arith.addf %parallel_loop3A_1780, %parallel_loop3A_1782 : vector<16xf32>
        %parallel_loop3A_1784 = arith.mulf %parallel_loop3A_1755, %parallel_loop3A_1641 : vector<16xf32>
        %parallel_loop3A_1785 = arith.constant -0.466442436 : f32
        %parallel_loop3A_1786 = vector.broadcast %parallel_loop3A_1785 : f32 to vector<16xf32>
        %parallel_loop3A_1787 = arith.addf %parallel_loop3A_1784, %parallel_loop3A_1786 : vector<16xf32>
        %parallel_loop3A_1788 = arith.mulf %parallel_loop3A_1759, %parallel_loop3A_1645 : vector<16xf32>
        %parallel_loop3A_1789 = arith.constant -0.466442436 : f32
        %parallel_loop3A_1790 = vector.broadcast %parallel_loop3A_1789 : f32 to vector<16xf32>
        %parallel_loop3A_1791 = arith.addf %parallel_loop3A_1788, %parallel_loop3A_1790 : vector<16xf32>
        %parallel_loop3A_1792 = arith.mulf %parallel_loop3A_1763, %parallel_loop3A_1649 : vector<16xf32>
        %parallel_loop3A_1793 = arith.constant -0.466442436 : f32
        %parallel_loop3A_1794 = vector.broadcast %parallel_loop3A_1793 : f32 to vector<16xf32>
        %parallel_loop3A_1795 = arith.addf %parallel_loop3A_1792, %parallel_loop3A_1794 : vector<16xf32>
        %parallel_loop3A_1796 = arith.mulf %parallel_loop3A_1767, %parallel_loop3A_1621 : vector<16xf32>
        %parallel_loop3A_1797 = arith.constant 0.996261954 : f32
        %parallel_loop3A_1798 = vector.broadcast %parallel_loop3A_1797 : f32 to vector<16xf32>
        %parallel_loop3A_1799 = arith.addf %parallel_loop3A_1796, %parallel_loop3A_1798 : vector<16xf32>
        %parallel_loop3A_1800 = arith.mulf %parallel_loop3A_1771, %parallel_loop3A_1625 : vector<16xf32>
        %parallel_loop3A_1801 = arith.constant 0.996261954 : f32
        %parallel_loop3A_1802 = vector.broadcast %parallel_loop3A_1801 : f32 to vector<16xf32>
        %parallel_loop3A_1803 = arith.addf %parallel_loop3A_1800, %parallel_loop3A_1802 : vector<16xf32>
        %parallel_loop3A_1804 = arith.mulf %parallel_loop3A_1775, %parallel_loop3A_1629 : vector<16xf32>
        %parallel_loop3A_1805 = arith.constant 0.996261954 : f32
        %parallel_loop3A_1806 = vector.broadcast %parallel_loop3A_1805 : f32 to vector<16xf32>
        %parallel_loop3A_1807 = arith.addf %parallel_loop3A_1804, %parallel_loop3A_1806 : vector<16xf32>
        %parallel_loop3A_1808 = arith.mulf %parallel_loop3A_1779, %parallel_loop3A_1633 : vector<16xf32>
        %parallel_loop3A_1809 = arith.constant 0.996261954 : f32
        %parallel_loop3A_1810 = vector.broadcast %parallel_loop3A_1809 : f32 to vector<16xf32>
        %parallel_loop3A_1811 = arith.addf %parallel_loop3A_1808, %parallel_loop3A_1810 : vector<16xf32>
        %parallel_loop3A_1812 = arith.mulf %parallel_loop3A_1783, %parallel_loop3A_1637 : vector<16xf32>
        %parallel_loop3A_1813 = arith.constant 0.996261954 : f32
        %parallel_loop3A_1814 = vector.broadcast %parallel_loop3A_1813 : f32 to vector<16xf32>
        %parallel_loop3A_1815 = arith.addf %parallel_loop3A_1812, %parallel_loop3A_1814 : vector<16xf32>
        %parallel_loop3A_1816 = arith.mulf %parallel_loop3A_1787, %parallel_loop3A_1641 : vector<16xf32>
        %parallel_loop3A_1817 = arith.constant 0.996261954 : f32
        %parallel_loop3A_1818 = vector.broadcast %parallel_loop3A_1817 : f32 to vector<16xf32>
        %parallel_loop3A_1819 = arith.addf %parallel_loop3A_1816, %parallel_loop3A_1818 : vector<16xf32>
        %parallel_loop3A_1820 = arith.mulf %parallel_loop3A_1791, %parallel_loop3A_1645 : vector<16xf32>
        %parallel_loop3A_1821 = arith.constant 0.996261954 : f32
        %parallel_loop3A_1822 = vector.broadcast %parallel_loop3A_1821 : f32 to vector<16xf32>
        %parallel_loop3A_1823 = arith.addf %parallel_loop3A_1820, %parallel_loop3A_1822 : vector<16xf32>
        %parallel_loop3A_1824 = arith.mulf %parallel_loop3A_1795, %parallel_loop3A_1649 : vector<16xf32>
        %parallel_loop3A_1825 = arith.constant 0.996261954 : f32
        %parallel_loop3A_1826 = vector.broadcast %parallel_loop3A_1825 : f32 to vector<16xf32>
        %parallel_loop3A_1827 = arith.addf %parallel_loop3A_1824, %parallel_loop3A_1826 : vector<16xf32>
        %parallel_loop3A_1828 = arith.mulf %parallel_loop3A_1799, %parallel_loop3A_1621 : vector<16xf32>
        %parallel_loop3A_1829 = arith.constant 6.94457412E-5 : f32
        %parallel_loop3A_1830 = vector.broadcast %parallel_loop3A_1829 : f32 to vector<16xf32>
        %parallel_loop3A_1831 = arith.addf %parallel_loop3A_1828, %parallel_loop3A_1830 : vector<16xf32>
        %parallel_loop3A_1832 = arith.mulf %parallel_loop3A_1803, %parallel_loop3A_1625 : vector<16xf32>
        %parallel_loop3A_1833 = arith.constant 6.94457412E-5 : f32
        %parallel_loop3A_1834 = vector.broadcast %parallel_loop3A_1833 : f32 to vector<16xf32>
        %parallel_loop3A_1835 = arith.addf %parallel_loop3A_1832, %parallel_loop3A_1834 : vector<16xf32>
        %parallel_loop3A_1836 = arith.mulf %parallel_loop3A_1807, %parallel_loop3A_1629 : vector<16xf32>
        %parallel_loop3A_1837 = arith.constant 6.94457412E-5 : f32
        %parallel_loop3A_1838 = vector.broadcast %parallel_loop3A_1837 : f32 to vector<16xf32>
        %parallel_loop3A_1839 = arith.addf %parallel_loop3A_1836, %parallel_loop3A_1838 : vector<16xf32>
        %parallel_loop3A_1840 = arith.mulf %parallel_loop3A_1811, %parallel_loop3A_1633 : vector<16xf32>
        %parallel_loop3A_1841 = arith.constant 6.94457412E-5 : f32
        %parallel_loop3A_1842 = vector.broadcast %parallel_loop3A_1841 : f32 to vector<16xf32>
        %parallel_loop3A_1843 = arith.addf %parallel_loop3A_1840, %parallel_loop3A_1842 : vector<16xf32>
        %parallel_loop3A_1844 = arith.mulf %parallel_loop3A_1815, %parallel_loop3A_1637 : vector<16xf32>
        %parallel_loop3A_1845 = arith.constant 6.94457412E-5 : f32
        %parallel_loop3A_1846 = vector.broadcast %parallel_loop3A_1845 : f32 to vector<16xf32>
        %parallel_loop3A_1847 = arith.addf %parallel_loop3A_1844, %parallel_loop3A_1846 : vector<16xf32>
        %parallel_loop3A_1848 = arith.mulf %parallel_loop3A_1819, %parallel_loop3A_1641 : vector<16xf32>
        %parallel_loop3A_1849 = arith.constant 6.94457412E-5 : f32
        %parallel_loop3A_1850 = vector.broadcast %parallel_loop3A_1849 : f32 to vector<16xf32>
        %parallel_loop3A_1851 = arith.addf %parallel_loop3A_1848, %parallel_loop3A_1850 : vector<16xf32>
        %parallel_loop3A_1852 = arith.mulf %parallel_loop3A_1823, %parallel_loop3A_1645 : vector<16xf32>
        %parallel_loop3A_1853 = arith.constant 6.94457412E-5 : f32
        %parallel_loop3A_1854 = vector.broadcast %parallel_loop3A_1853 : f32 to vector<16xf32>
        %parallel_loop3A_1855 = arith.addf %parallel_loop3A_1852, %parallel_loop3A_1854 : vector<16xf32>
        %parallel_loop3A_1856 = arith.mulf %parallel_loop3A_1827, %parallel_loop3A_1649 : vector<16xf32>
        %parallel_loop3A_1857 = arith.constant 6.94457412E-5 : f32
        %parallel_loop3A_1858 = vector.broadcast %parallel_loop3A_1857 : f32 to vector<16xf32>
        %parallel_loop3A_1859 = arith.addf %parallel_loop3A_1856, %parallel_loop3A_1858 : vector<16xf32>
        %parallel_loop3A_1860 = arith.constant 0.000000e+00 : f32
        %parallel_loop3A_1861 = vector.broadcast %parallel_loop3A_1860 : f32 to vector<16xf32>
        %parallel_loop3A_1862 = arith.maximumf %parallel_loop3A_1514, %parallel_loop3A_1861 : vector<16xf32>
        %parallel_loop3A_1863 = arith.mulf %parallel_loop3A_1514, %parallel_loop3A_1522 : vector<16xf32>
        %parallel_loop3A_1864 = arith.subf %parallel_loop3A_1862, %parallel_loop3A_1863 : vector<16xf32>
        %parallel_loop3A_1865 = arith.addf %parallel_loop3A_1864, %parallel_loop3A_1831 : vector<16xf32>
        %parallel_loop3A_1866 = arith.constant 0.000000e+00 : f32
        %parallel_loop3A_1867 = vector.broadcast %parallel_loop3A_1866 : f32 to vector<16xf32>
        %parallel_loop3A_1868 = arith.maximumf %parallel_loop3A_1515, %parallel_loop3A_1867 : vector<16xf32>
        %parallel_loop3A_1869 = arith.mulf %parallel_loop3A_1515, %parallel_loop3A_1523 : vector<16xf32>
        %parallel_loop3A_1870 = arith.subf %parallel_loop3A_1868, %parallel_loop3A_1869 : vector<16xf32>
        %parallel_loop3A_1871 = arith.addf %parallel_loop3A_1870, %parallel_loop3A_1835 : vector<16xf32>
        %parallel_loop3A_1872 = arith.constant 0.000000e+00 : f32
        %parallel_loop3A_1873 = vector.broadcast %parallel_loop3A_1872 : f32 to vector<16xf32>
        %parallel_loop3A_1874 = arith.maximumf %parallel_loop3A_1516, %parallel_loop3A_1873 : vector<16xf32>
        %parallel_loop3A_1875 = arith.mulf %parallel_loop3A_1516, %parallel_loop3A_1524 : vector<16xf32>
        %parallel_loop3A_1876 = arith.subf %parallel_loop3A_1874, %parallel_loop3A_1875 : vector<16xf32>
        %parallel_loop3A_1877 = arith.addf %parallel_loop3A_1876, %parallel_loop3A_1839 : vector<16xf32>
        %parallel_loop3A_1878 = arith.constant 0.000000e+00 : f32
        %parallel_loop3A_1879 = vector.broadcast %parallel_loop3A_1878 : f32 to vector<16xf32>
        %parallel_loop3A_1880 = arith.maximumf %parallel_loop3A_1517, %parallel_loop3A_1879 : vector<16xf32>
        %parallel_loop3A_1881 = arith.mulf %parallel_loop3A_1517, %parallel_loop3A_1525 : vector<16xf32>
        %parallel_loop3A_1882 = arith.subf %parallel_loop3A_1880, %parallel_loop3A_1881 : vector<16xf32>
        %parallel_loop3A_1883 = arith.addf %parallel_loop3A_1882, %parallel_loop3A_1843 : vector<16xf32>
        %parallel_loop3A_1884 = arith.constant 0.000000e+00 : f32
        %parallel_loop3A_1885 = vector.broadcast %parallel_loop3A_1884 : f32 to vector<16xf32>
        %parallel_loop3A_1886 = arith.maximumf %parallel_loop3A_1518, %parallel_loop3A_1885 : vector<16xf32>
        %parallel_loop3A_1887 = arith.mulf %parallel_loop3A_1518, %parallel_loop3A_1526 : vector<16xf32>
        %parallel_loop3A_1888 = arith.subf %parallel_loop3A_1886, %parallel_loop3A_1887 : vector<16xf32>
        %parallel_loop3A_1889 = arith.addf %parallel_loop3A_1888, %parallel_loop3A_1847 : vector<16xf32>
        %parallel_loop3A_1890 = arith.constant 0.000000e+00 : f32
        %parallel_loop3A_1891 = vector.broadcast %parallel_loop3A_1890 : f32 to vector<16xf32>
        %parallel_loop3A_1892 = arith.maximumf %parallel_loop3A_1519, %parallel_loop3A_1891 : vector<16xf32>
        %parallel_loop3A_1893 = arith.mulf %parallel_loop3A_1519, %parallel_loop3A_1527 : vector<16xf32>
        %parallel_loop3A_1894 = arith.subf %parallel_loop3A_1892, %parallel_loop3A_1893 : vector<16xf32>
        %parallel_loop3A_1895 = arith.addf %parallel_loop3A_1894, %parallel_loop3A_1851 : vector<16xf32>
        %parallel_loop3A_1896 = arith.constant 0.000000e+00 : f32
        %parallel_loop3A_1897 = vector.broadcast %parallel_loop3A_1896 : f32 to vector<16xf32>
        %parallel_loop3A_1898 = arith.maximumf %parallel_loop3A_1520, %parallel_loop3A_1897 : vector<16xf32>
        %parallel_loop3A_1899 = arith.mulf %parallel_loop3A_1520, %parallel_loop3A_1528 : vector<16xf32>
        %parallel_loop3A_1900 = arith.subf %parallel_loop3A_1898, %parallel_loop3A_1899 : vector<16xf32>
        %parallel_loop3A_1901 = arith.addf %parallel_loop3A_1900, %parallel_loop3A_1855 : vector<16xf32>
        %parallel_loop3A_1902 = arith.constant 0.000000e+00 : f32
        %parallel_loop3A_1903 = vector.broadcast %parallel_loop3A_1902 : f32 to vector<16xf32>
        %parallel_loop3A_1904 = arith.maximumf %parallel_loop3A_1521, %parallel_loop3A_1903 : vector<16xf32>
        %parallel_loop3A_1905 = arith.mulf %parallel_loop3A_1521, %parallel_loop3A_1529 : vector<16xf32>
        %parallel_loop3A_1906 = arith.subf %parallel_loop3A_1904, %parallel_loop3A_1905 : vector<16xf32>
        %parallel_loop3A_1907 = arith.addf %parallel_loop3A_1906, %parallel_loop3A_1859 : vector<16xf32>
        %parallel_loop3A_1908 = arith.mulf %parallel_loop3A_1865, %parallel_loop3A_1530 : vector<16xf32>
        tpu.vector_store_idx %arg15[%parallel_loop3A_1673], %parallel_loop3A_1908 {add = true} : memref<256xf32, #tpu.memory_space<vmem>>[vector<16xi32>], vector<16xf32>,
        tpu.vector_store_idx %arg23[%parallel_loop3A_1673], %parallel_loop3A_1530 {add = true} : memref<256xf32, #tpu.memory_space<vmem>>[vector<16xi32>], vector<16xf32>,
        %parallel_loop3A_1909 = arith.mulf %parallel_loop3A_1871, %parallel_loop3A_1531 : vector<16xf32>
        tpu.vector_store_idx %arg16[%parallel_loop3A_1681], %parallel_loop3A_1909 {add = true} : memref<256xf32, #tpu.memory_space<vmem>>[vector<16xi32>], vector<16xf32>,
        tpu.vector_store_idx %arg24[%parallel_loop3A_1681], %parallel_loop3A_1531 {add = true} : memref<256xf32, #tpu.memory_space<vmem>>[vector<16xi32>], vector<16xf32>,
        %parallel_loop3A_1910 = arith.mulf %parallel_loop3A_1877, %parallel_loop3A_1532 : vector<16xf32>
        tpu.vector_store_idx %arg17[%parallel_loop3A_1689], %parallel_loop3A_1910 {add = true} : memref<256xf32, #tpu.memory_space<vmem>>[vector<16xi32>], vector<16xf32>,
        tpu.vector_store_idx %arg25[%parallel_loop3A_1689], %parallel_loop3A_1532 {add = true} : memref<256xf32, #tpu.memory_space<vmem>>[vector<16xi32>], vector<16xf32>,
        %parallel_loop3A_1911 = arith.mulf %parallel_loop3A_1883, %parallel_loop3A_1533 : vector<16xf32>
        tpu.vector_store_idx %arg18[%parallel_loop3A_1697], %parallel_loop3A_1911 {add = true} : memref<256xf32, #tpu.memory_space<vmem>>[vector<16xi32>], vector<16xf32>,
        tpu.vector_store_idx %arg26[%parallel_loop3A_1697], %parallel_loop3A_1533 {add = true} : memref<256xf32, #tpu.memory_space<vmem>>[vector<16xi32>], vector<16xf32>,
        %parallel_loop3A_1912 = arith.mulf %parallel_loop3A_1889, %parallel_loop3A_1534 : vector<16xf32>
        tpu.vector_store_idx %arg19[%parallel_loop3A_1705], %parallel_loop3A_1912 {add = true} : memref<256xf32, #tpu.memory_space<vmem>>[vector<16xi32>], vector<16xf32>,
        tpu.vector_store_idx %arg27[%parallel_loop3A_1705], %parallel_loop3A_1534 {add = true} : memref<256xf32, #tpu.memory_space<vmem>>[vector<16xi32>], vector<16xf32>,
        %parallel_loop3A_1913 = arith.mulf %parallel_loop3A_1895, %parallel_loop3A_1535 : vector<16xf32>
        tpu.vector_store_idx %arg20[%parallel_loop3A_1713], %parallel_loop3A_1913 {add = true} : memref<256xf32, #tpu.memory_space<vmem>>[vector<16xi32>], vector<16xf32>,
        tpu.vector_store_idx %arg28[%parallel_loop3A_1713], %parallel_loop3A_1535 {add = true} : memref<256xf32, #tpu.memory_space<vmem>>[vector<16xi32>], vector<16xf32>,
        %parallel_loop3A_1914 = arith.mulf %parallel_loop3A_1901, %parallel_loop3A_1536 : vector<16xf32>
        tpu.vector_store_idx %arg21[%parallel_loop3A_1721], %parallel_loop3A_1914 {add = true} : memref<256xf32, #tpu.memory_space<vmem>>[vector<16xi32>], vector<16xf32>,
        tpu.vector_store_idx %arg29[%parallel_loop3A_1721], %parallel_loop3A_1536 {add = true} : memref<256xf32, #tpu.memory_space<vmem>>[vector<16xi32>], vector<16xf32>,
        %parallel_loop3A_1915 = arith.mulf %parallel_loop3A_1907, %parallel_loop3A_1537 : vector<16xf32>
        tpu.vector_store_idx %arg22[%parallel_loop3A_1729], %parallel_loop3A_1915 {add = true} : memref<256xf32, #tpu.memory_space<vmem>>[vector<16xi32>], vector<16xf32>,
        tpu.vector_store_idx %arg30[%parallel_loop3A_1729], %parallel_loop3A_1537 {add = true} : memref<256xf32, #tpu.memory_space<vmem>>[vector<16xi32>], vector<16xf32>,
      } {sc.loop_unroll_factor = 1 : i64, sc.parallel_access}
    }
    %scan3A_556 = arith.constant 12 : i32
    %broadcast_in_dim3A_557 = arith.constant 0 : i32
    %broadcast_in_dim3A_558 = vector.broadcast %broadcast_in_dim3A_557 : i32 to vector<16xi32>
    %add3A_559 = vector.broadcast %add3A : i32 to vector<16xi32>
    %add3A_560 = arith.addi %broadcast_in_dim3A_558, %add3A_559 : vector<16xi32>
    %lt3A_561 = arith.constant 13 : i32
    %lt3A_562 = vector.broadcast %lt3A_561 : i32 to vector<16xi32>
    %lt3A_563 = arith.cmpi slt, %add3A_560, %lt3A_562 : vector<16xi32>
    %jit3A = arith.constant 1.000000e+00 : f32
    %jit3A_564 = arith.constant 0.000000e+00 : f32
    %broadcast_in_dim3A_565 = vector.broadcast %jit3A : f32 to vector<16xf32>
    %broadcast_in_dim3A_566 = vector.broadcast %jit3A_564 : f32 to vector<16xf32>
    %select_n3A_567 = arith.select %lt3A_563, %broadcast_in_dim3A_565, %broadcast_in_dim3A_566 : vector<16xi1>, vector<16xf32>
    %dma_wait3A = arith.constant 0 : i32
    %dma_wait3A_568 = arith.constant 0 : i32
    %dma_wait3A_569 = tpu.memref_slice %arg2[%dma_wait3A, %dma_wait3A_568] : memref<80x100000xf32, #tpu.memory_space<hbm>> -> memref<80x128xf32, #tpu.memory_space<hbm>>
    %dma_wait3A_570 = arith.constant 0 : i32
    %dma_wait3A_571 = arith.constant 0 : i32
    %dma_wait3A_572 = tpu.memref_slice %arg2[%dma_wait3A_570, %dma_wait3A_571] : memref<80x100000xf32, #tpu.memory_space<hbm>> -> memref<80x128xf32, #tpu.memory_space<hbm>>
    tpu.wait_dma2 semaphore(%arg32 : memref<!tpu.dma_semaphore, #tpu.memory_space<semaphore_mem>>) src(%dma_wait3A_572 : memref<80x128xf32, #tpu.memory_space<hbm>>) dst(%arg6 : memref<80x128xf32, #tpu.memory_space<vmem>>)
    %dma_wait3A_573 = arith.constant 0 : i32
    %dma_wait3A_574 = arith.constant 0 : i32
    %dma_wait3A_575 = tpu.memref_slice %arg2[%dma_wait3A_573, %dma_wait3A_574] : memref<80x100000xf32, #tpu.memory_space<hbm>> -> memref<80x128xf32, #tpu.memory_space<hbm>>
    %dma_wait3A_576 = arith.constant 0 : i32
    %dma_wait3A_577 = arith.constant 0 : i32
    %dma_wait3A_578 = tpu.memref_slice %arg2[%dma_wait3A_576, %dma_wait3A_577] : memref<80x100000xf32, #tpu.memory_space<hbm>> -> memref<80x128xf32, #tpu.memory_space<hbm>>
    tpu.wait_dma2 semaphore(%arg32 : memref<!tpu.dma_semaphore, #tpu.memory_space<semaphore_mem>>) src(%dma_wait3A_578 : memref<80x128xf32, #tpu.memory_space<hbm>>) dst(%arg8 : memref<80x128xf32, #tpu.memory_space<vmem>>)
    %dma_wait3A_579 = arith.constant 0 : i32
    %dma_wait3A_580 = arith.constant 0 : i32
    %dma_wait3A_581 = tpu.memref_slice %arg2[%dma_wait3A_579, %dma_wait3A_580] : memref<80x100000xf32, #tpu.memory_space<hbm>> -> memref<80x128xf32, #tpu.memory_space<hbm>>
    %dma_wait3A_582 = arith.constant 0 : i32
    %dma_wait3A_583 = arith.constant 0 : i32
    %dma_wait3A_584 = tpu.memref_slice %arg2[%dma_wait3A_582, %dma_wait3A_583] : memref<80x100000xf32, #tpu.memory_space<hbm>> -> memref<80x128xf32, #tpu.memory_space<hbm>>
    tpu.wait_dma2 semaphore(%arg32 : memref<!tpu.dma_semaphore, #tpu.memory_space<semaphore_mem>>) src(%dma_wait3A_584 : memref<80x128xf32, #tpu.memory_space<hbm>>) dst(%arg10 : memref<80x128xf32, #tpu.memory_space<vmem>>)
    %parallel_loop3A = arith.constant 0 : i32
    %parallel_loop3A_585 = arith.constant 80 : i32
    %parallel_loop3A_586 = arith.constant 1 : i32
    scf.for %parallel_loop3A_1384 = %parallel_loop3A to %parallel_loop3A_585 step %parallel_loop3A_586  : i32 {
      %parallel_loop3A_1385 = arith.constant 0 : i32
      %parallel_loop3A_1386 = vector.broadcast %parallel_loop3A_1385 : i32 to vector<16xi32>
      %parallel_loop3A_1387 = vector.broadcast %parallel_loop3A_1384 : i32 to vector<16xi32>
      %parallel_loop3A_1388 = arith.addi %parallel_loop3A_1386, %parallel_loop3A_1387 : vector<16xi32>
      %parallel_loop3A_1389 = arith.constant 0 : i32
      %parallel_loop3A_1390 = vector.broadcast %parallel_loop3A_1389 : i32 to vector<16xi32>
      %parallel_loop3A_1391 = arith.addi %iota3A, %parallel_loop3A_1390 : vector<16xi32>
      %parallel_loop3A_1392 = arith.constant 16 : i32
      %parallel_loop3A_1393 = vector.broadcast %parallel_loop3A_1392 : i32 to vector<16xi32>
      %parallel_loop3A_1394 = arith.addi %iota3A, %parallel_loop3A_1393 : vector<16xi32>
      %parallel_loop3A_1395 = arith.constant 32 : i32
      %parallel_loop3A_1396 = vector.broadcast %parallel_loop3A_1395 : i32 to vector<16xi32>
      %parallel_loop3A_1397 = arith.addi %iota3A, %parallel_loop3A_1396 : vector<16xi32>
      %parallel_loop3A_1398 = arith.constant 48 : i32
      %parallel_loop3A_1399 = vector.broadcast %parallel_loop3A_1398 : i32 to vector<16xi32>
      %parallel_loop3A_1400 = arith.addi %iota3A, %parallel_loop3A_1399 : vector<16xi32>
      %parallel_loop3A_1401 = arith.constant 64 : i32
      %parallel_loop3A_1402 = vector.broadcast %parallel_loop3A_1401 : i32 to vector<16xi32>
      %parallel_loop3A_1403 = arith.addi %iota3A, %parallel_loop3A_1402 : vector<16xi32>
      %parallel_loop3A_1404 = arith.constant 80 : i32
      %parallel_loop3A_1405 = vector.broadcast %parallel_loop3A_1404 : i32 to vector<16xi32>
      %parallel_loop3A_1406 = arith.addi %iota3A, %parallel_loop3A_1405 : vector<16xi32>
      %parallel_loop3A_1407 = arith.constant 96 : i32
      %parallel_loop3A_1408 = vector.broadcast %parallel_loop3A_1407 : i32 to vector<16xi32>
      %parallel_loop3A_1409 = arith.addi %iota3A, %parallel_loop3A_1408 : vector<16xi32>
      %parallel_loop3A_1410 = arith.constant 112 : i32
      %parallel_loop3A_1411 = vector.broadcast %parallel_loop3A_1410 : i32 to vector<16xi32>
      %parallel_loop3A_1412 = arith.addi %iota3A, %parallel_loop3A_1411 : vector<16xi32>
      %parallel_loop3A_1413 = tpu.vector_load_idx %arg6[%parallel_loop3A_1388, %parallel_loop3A_1391] : memref<80x128xf32, #tpu.memory_space<vmem>>[vector<16xi32>, vector<16xi32>], vector<16xf32>,
      %parallel_loop3A_1414 = tpu.vector_load_idx %arg6[%parallel_loop3A_1388, %parallel_loop3A_1394] : memref<80x128xf32, #tpu.memory_space<vmem>>[vector<16xi32>, vector<16xi32>], vector<16xf32>,
      %parallel_loop3A_1415 = tpu.vector_load_idx %arg6[%parallel_loop3A_1388, %parallel_loop3A_1397] : memref<80x128xf32, #tpu.memory_space<vmem>>[vector<16xi32>, vector<16xi32>], vector<16xf32>,
      %parallel_loop3A_1416 = tpu.vector_load_idx %arg6[%parallel_loop3A_1388, %parallel_loop3A_1400] : memref<80x128xf32, #tpu.memory_space<vmem>>[vector<16xi32>, vector<16xi32>], vector<16xf32>,
      %parallel_loop3A_1417 = tpu.vector_load_idx %arg6[%parallel_loop3A_1388, %parallel_loop3A_1403] : memref<80x128xf32, #tpu.memory_space<vmem>>[vector<16xi32>, vector<16xi32>], vector<16xf32>,
      %parallel_loop3A_1418 = tpu.vector_load_idx %arg6[%parallel_loop3A_1388, %parallel_loop3A_1406] : memref<80x128xf32, #tpu.memory_space<vmem>>[vector<16xi32>, vector<16xi32>], vector<16xf32>,
      %parallel_loop3A_1419 = tpu.vector_load_idx %arg6[%parallel_loop3A_1388, %parallel_loop3A_1409] : memref<80x128xf32, #tpu.memory_space<vmem>>[vector<16xi32>, vector<16xi32>], vector<16xf32>,
      %parallel_loop3A_1420 = tpu.vector_load_idx %arg6[%parallel_loop3A_1388, %parallel_loop3A_1412] : memref<80x128xf32, #tpu.memory_space<vmem>>[vector<16xi32>, vector<16xi32>], vector<16xf32>,
      %parallel_loop3A_1421 = tpu.vector_load_idx %arg8[%parallel_loop3A_1388, %parallel_loop3A_1391] : memref<80x128xf32, #tpu.memory_space<vmem>>[vector<16xi32>, vector<16xi32>], vector<16xf32>,
      %parallel_loop3A_1422 = tpu.vector_load_idx %arg8[%parallel_loop3A_1388, %parallel_loop3A_1394] : memref<80x128xf32, #tpu.memory_space<vmem>>[vector<16xi32>, vector<16xi32>], vector<16xf32>,
      %parallel_loop3A_1423 = tpu.vector_load_idx %arg8[%parallel_loop3A_1388, %parallel_loop3A_1397] : memref<80x128xf32, #tpu.memory_space<vmem>>[vector<16xi32>, vector<16xi32>], vector<16xf32>,
      %parallel_loop3A_1424 = tpu.vector_load_idx %arg8[%parallel_loop3A_1388, %parallel_loop3A_1400] : memref<80x128xf32, #tpu.memory_space<vmem>>[vector<16xi32>, vector<16xi32>], vector<16xf32>,
      %parallel_loop3A_1425 = tpu.vector_load_idx %arg8[%parallel_loop3A_1388, %parallel_loop3A_1403] : memref<80x128xf32, #tpu.memory_space<vmem>>[vector<16xi32>, vector<16xi32>], vector<16xf32>,
      %parallel_loop3A_1426 = tpu.vector_load_idx %arg8[%parallel_loop3A_1388, %parallel_loop3A_1406] : memref<80x128xf32, #tpu.memory_space<vmem>>[vector<16xi32>, vector<16xi32>], vector<16xf32>,
      %parallel_loop3A_1427 = tpu.vector_load_idx %arg8[%parallel_loop3A_1388, %parallel_loop3A_1409] : memref<80x128xf32, #tpu.memory_space<vmem>>[vector<16xi32>, vector<16xi32>], vector<16xf32>,
      %parallel_loop3A_1428 = tpu.vector_load_idx %arg8[%parallel_loop3A_1388, %parallel_loop3A_1412] : memref<80x128xf32, #tpu.memory_space<vmem>>[vector<16xi32>, vector<16xi32>], vector<16xf32>,
      %parallel_loop3A_1429 = tpu.vector_load_idx %arg10[%parallel_loop3A_1388, %parallel_loop3A_1391] : memref<80x128xf32, #tpu.memory_space<vmem>>[vector<16xi32>, vector<16xi32>], vector<16xf32>,
      %parallel_loop3A_1430 = tpu.vector_load_idx %arg10[%parallel_loop3A_1388, %parallel_loop3A_1394] : memref<80x128xf32, #tpu.memory_space<vmem>>[vector<16xi32>, vector<16xi32>], vector<16xf32>,
      %parallel_loop3A_1431 = tpu.vector_load_idx %arg10[%parallel_loop3A_1388, %parallel_loop3A_1397] : memref<80x128xf32, #tpu.memory_space<vmem>>[vector<16xi32>, vector<16xi32>], vector<16xf32>,
      %parallel_loop3A_1432 = tpu.vector_load_idx %arg10[%parallel_loop3A_1388, %parallel_loop3A_1400] : memref<80x128xf32, #tpu.memory_space<vmem>>[vector<16xi32>, vector<16xi32>], vector<16xf32>,
      %parallel_loop3A_1433 = tpu.vector_load_idx %arg10[%parallel_loop3A_1388, %parallel_loop3A_1403] : memref<80x128xf32, #tpu.memory_space<vmem>>[vector<16xi32>, vector<16xi32>], vector<16xf32>,
      %parallel_loop3A_1434 = tpu.vector_load_idx %arg10[%parallel_loop3A_1388, %parallel_loop3A_1406] : memref<80x128xf32, #tpu.memory_space<vmem>>[vector<16xi32>, vector<16xi32>], vector<16xf32>,
      %parallel_loop3A_1435 = tpu.vector_load_idx %arg10[%parallel_loop3A_1388, %parallel_loop3A_1409] : memref<80x128xf32, #tpu.memory_space<vmem>>[vector<16xi32>, vector<16xi32>], vector<16xf32>,
      %parallel_loop3A_1436 = tpu.vector_load_idx %arg10[%parallel_loop3A_1388, %parallel_loop3A_1412] : memref<80x128xf32, #tpu.memory_space<vmem>>[vector<16xi32>, vector<16xi32>], vector<16xf32>,
      %parallel_loop3A_1437 = arith.mulf %parallel_loop3A_1429, %select_n3A_567 : vector<16xf32>
      %parallel_loop3A_1438 = arith.mulf %parallel_loop3A_1430, %select_n3A_567 : vector<16xf32>
      %parallel_loop3A_1439 = arith.mulf %parallel_loop3A_1431, %select_n3A_567 : vector<16xf32>
      %parallel_loop3A_1440 = arith.mulf %parallel_loop3A_1432, %select_n3A_567 : vector<16xf32>
      %parallel_loop3A_1441 = arith.mulf %parallel_loop3A_1433, %select_n3A_567 : vector<16xf32>
      %parallel_loop3A_1442 = arith.mulf %parallel_loop3A_1434, %select_n3A_567 : vector<16xf32>
      %parallel_loop3A_1443 = arith.mulf %parallel_loop3A_1435, %select_n3A_567 : vector<16xf32>
      %parallel_loop3A_1444 = arith.mulf %parallel_loop3A_1436, %select_n3A_567 : vector<16xf32>
      %parallel_loop3A_1445 = arith.constant 0.000000e+00 : f32
      %parallel_loop3A_1446 = vector.broadcast %parallel_loop3A_1445 : f32 to vector<16xf32>
      %parallel_loop3A_1447 = arith.subf %parallel_loop3A_1446, %parallel_loop3A_1413 : vector<16xf32>
      %parallel_loop3A_1448 = math.exp %parallel_loop3A_1447 : vector<16xf32>
      %parallel_loop3A_1449 = arith.constant 0.000000e+00 : f32
      %parallel_loop3A_1450 = vector.broadcast %parallel_loop3A_1449 : f32 to vector<16xf32>
      %parallel_loop3A_1451 = arith.subf %parallel_loop3A_1450, %parallel_loop3A_1414 : vector<16xf32>
      %parallel_loop3A_1452 = math.exp %parallel_loop3A_1451 : vector<16xf32>
      %parallel_loop3A_1453 = arith.constant 0.000000e+00 : f32
      %parallel_loop3A_1454 = vector.broadcast %parallel_loop3A_1453 : f32 to vector<16xf32>
      %parallel_loop3A_1455 = arith.subf %parallel_loop3A_1454, %parallel_loop3A_1415 : vector<16xf32>
      %parallel_loop3A_1456 = math.exp %parallel_loop3A_1455 : vector<16xf32>
      %parallel_loop3A_1457 = arith.constant 0.000000e+00 : f32
      %parallel_loop3A_1458 = vector.broadcast %parallel_loop3A_1457 : f32 to vector<16xf32>
      %parallel_loop3A_1459 = arith.subf %parallel_loop3A_1458, %parallel_loop3A_1416 : vector<16xf32>
      %parallel_loop3A_1460 = math.exp %parallel_loop3A_1459 : vector<16xf32>
      %parallel_loop3A_1461 = arith.constant 0.000000e+00 : f32
      %parallel_loop3A_1462 = vector.broadcast %parallel_loop3A_1461 : f32 to vector<16xf32>
      %parallel_loop3A_1463 = arith.subf %parallel_loop3A_1462, %parallel_loop3A_1417 : vector<16xf32>
      %parallel_loop3A_1464 = math.exp %parallel_loop3A_1463 : vector<16xf32>
      %parallel_loop3A_1465 = arith.constant 0.000000e+00 : f32
      %parallel_loop3A_1466 = vector.broadcast %parallel_loop3A_1465 : f32 to vector<16xf32>
      %parallel_loop3A_1467 = arith.subf %parallel_loop3A_1466, %parallel_loop3A_1418 : vector<16xf32>
      %parallel_loop3A_1468 = math.exp %parallel_loop3A_1467 : vector<16xf32>
      %parallel_loop3A_1469 = arith.constant 0.000000e+00 : f32
      %parallel_loop3A_1470 = vector.broadcast %parallel_loop3A_1469 : f32 to vector<16xf32>
      %parallel_loop3A_1471 = arith.subf %parallel_loop3A_1470, %parallel_loop3A_1419 : vector<16xf32>
      %parallel_loop3A_1472 = math.exp %parallel_loop3A_1471 : vector<16xf32>
      %parallel_loop3A_1473 = arith.constant 0.000000e+00 : f32
      %parallel_loop3A_1474 = vector.broadcast %parallel_loop3A_1473 : f32 to vector<16xf32>
      %parallel_loop3A_1475 = arith.subf %parallel_loop3A_1474, %parallel_loop3A_1420 : vector<16xf32>
      %parallel_loop3A_1476 = math.exp %parallel_loop3A_1475 : vector<16xf32>
      %parallel_loop3A_1477 = arith.constant 1.000000e+00 : f32
      %parallel_loop3A_1478 = vector.broadcast %parallel_loop3A_1477 : f32 to vector<16xf32>
      %parallel_loop3A_1479 = arith.addf %parallel_loop3A_1478, %parallel_loop3A_1448 : vector<16xf32>
      %parallel_loop3A_1480 = arith.constant 1.000000e+00 : f32
      %parallel_loop3A_1481 = vector.broadcast %parallel_loop3A_1480 : f32 to vector<16xf32>
      %parallel_loop3A_1482 = arith.divf %parallel_loop3A_1481, %parallel_loop3A_1479 : vector<16xf32>
      %parallel_loop3A_1483 = arith.constant 1.000000e+00 : f32
      %parallel_loop3A_1484 = vector.broadcast %parallel_loop3A_1483 : f32 to vector<16xf32>
      %parallel_loop3A_1485 = arith.addf %parallel_loop3A_1484, %parallel_loop3A_1452 : vector<16xf32>
      %parallel_loop3A_1486 = arith.constant 1.000000e+00 : f32
      %parallel_loop3A_1487 = vector.broadcast %parallel_loop3A_1486 : f32 to vector<16xf32>
      %parallel_loop3A_1488 = arith.divf %parallel_loop3A_1487, %parallel_loop3A_1485 : vector<16xf32>
      %parallel_loop3A_1489 = arith.constant 1.000000e+00 : f32
      %parallel_loop3A_1490 = vector.broadcast %parallel_loop3A_1489 : f32 to vector<16xf32>
      %parallel_loop3A_1491 = arith.addf %parallel_loop3A_1490, %parallel_loop3A_1456 : vector<16xf32>
      %parallel_loop3A_1492 = arith.constant 1.000000e+00 : f32
      %parallel_loop3A_1493 = vector.broadcast %parallel_loop3A_1492 : f32 to vector<16xf32>
      %parallel_loop3A_1494 = arith.divf %parallel_loop3A_1493, %parallel_loop3A_1491 : vector<16xf32>
      %parallel_loop3A_1495 = arith.constant 1.000000e+00 : f32
      %parallel_loop3A_1496 = vector.broadcast %parallel_loop3A_1495 : f32 to vector<16xf32>
      %parallel_loop3A_1497 = arith.addf %parallel_loop3A_1496, %parallel_loop3A_1460 : vector<16xf32>
      %parallel_loop3A_1498 = arith.constant 1.000000e+00 : f32
      %parallel_loop3A_1499 = vector.broadcast %parallel_loop3A_1498 : f32 to vector<16xf32>
      %parallel_loop3A_1500 = arith.divf %parallel_loop3A_1499, %parallel_loop3A_1497 : vector<16xf32>
      %parallel_loop3A_1501 = arith.constant 1.000000e+00 : f32
      %parallel_loop3A_1502 = vector.broadcast %parallel_loop3A_1501 : f32 to vector<16xf32>
      %parallel_loop3A_1503 = arith.addf %parallel_loop3A_1502, %parallel_loop3A_1464 : vector<16xf32>
      %parallel_loop3A_1504 = arith.constant 1.000000e+00 : f32
      %parallel_loop3A_1505 = vector.broadcast %parallel_loop3A_1504 : f32 to vector<16xf32>
      %parallel_loop3A_1506 = arith.divf %parallel_loop3A_1505, %parallel_loop3A_1503 : vector<16xf32>
      %parallel_loop3A_1507 = arith.constant 1.000000e+00 : f32
      %parallel_loop3A_1508 = vector.broadcast %parallel_loop3A_1507 : f32 to vector<16xf32>
      %parallel_loop3A_1509 = arith.addf %parallel_loop3A_1508, %parallel_loop3A_1468 : vector<16xf32>
      %parallel_loop3A_1510 = arith.constant 1.000000e+00 : f32
      %parallel_loop3A_1511 = vector.broadcast %parallel_loop3A_1510 : f32 to vector<16xf32>
      %parallel_loop3A_1512 = arith.divf %parallel_loop3A_1511, %parallel_loop3A_1509 : vector<16xf32>
      %parallel_loop3A_1513 = arith.constant 1.000000e+00 : f32
      %parallel_loop3A_1514 = vector.broadcast %parallel_loop3A_1513 : f32 to vector<16xf32>
      %parallel_loop3A_1515 = arith.addf %parallel_loop3A_1514, %parallel_loop3A_1472 : vector<16xf32>
      %parallel_loop3A_1516 = arith.constant 1.000000e+00 : f32
      %parallel_loop3A_1517 = vector.broadcast %parallel_loop3A_1516 : f32 to vector<16xf32>
      %parallel_loop3A_1518 = arith.divf %parallel_loop3A_1517, %parallel_loop3A_1515 : vector<16xf32>
      %parallel_loop3A_1519 = arith.constant 1.000000e+00 : f32
      %parallel_loop3A_1520 = vector.broadcast %parallel_loop3A_1519 : f32 to vector<16xf32>
      %parallel_loop3A_1521 = arith.addf %parallel_loop3A_1520, %parallel_loop3A_1476 : vector<16xf32>
      %parallel_loop3A_1522 = arith.constant 1.000000e+00 : f32
      %parallel_loop3A_1523 = vector.broadcast %parallel_loop3A_1522 : f32 to vector<16xf32>
      %parallel_loop3A_1524 = arith.divf %parallel_loop3A_1523, %parallel_loop3A_1521 : vector<16xf32>
      %parallel_loop3A_1525 = arith.constant 1.000000e+00 : f32
      %parallel_loop3A_1526 = vector.broadcast %parallel_loop3A_1525 : f32 to vector<16xf32>
      %parallel_loop3A_1527 = arith.divf %parallel_loop3A_1526, %parallel_loop3A_1448 : vector<16xf32>
      %parallel_loop3A_1528 = arith.minimumf %parallel_loop3A_1448, %parallel_loop3A_1527 : vector<16xf32>
      %parallel_loop3A_1529 = arith.constant 1.000000e+00 : f32
      %parallel_loop3A_1530 = vector.broadcast %parallel_loop3A_1529 : f32 to vector<16xf32>
      %parallel_loop3A_1531 = arith.divf %parallel_loop3A_1530, %parallel_loop3A_1452 : vector<16xf32>
      %parallel_loop3A_1532 = arith.minimumf %parallel_loop3A_1452, %parallel_loop3A_1531 : vector<16xf32>
      %parallel_loop3A_1533 = arith.constant 1.000000e+00 : f32
      %parallel_loop3A_1534 = vector.broadcast %parallel_loop3A_1533 : f32 to vector<16xf32>
      %parallel_loop3A_1535 = arith.divf %parallel_loop3A_1534, %parallel_loop3A_1456 : vector<16xf32>
      %parallel_loop3A_1536 = arith.minimumf %parallel_loop3A_1456, %parallel_loop3A_1535 : vector<16xf32>
      %parallel_loop3A_1537 = arith.constant 1.000000e+00 : f32
      %parallel_loop3A_1538 = vector.broadcast %parallel_loop3A_1537 : f32 to vector<16xf32>
      %parallel_loop3A_1539 = arith.divf %parallel_loop3A_1538, %parallel_loop3A_1460 : vector<16xf32>
      %parallel_loop3A_1540 = arith.minimumf %parallel_loop3A_1460, %parallel_loop3A_1539 : vector<16xf32>
      %parallel_loop3A_1541 = arith.constant 1.000000e+00 : f32
      %parallel_loop3A_1542 = vector.broadcast %parallel_loop3A_1541 : f32 to vector<16xf32>
      %parallel_loop3A_1543 = arith.divf %parallel_loop3A_1542, %parallel_loop3A_1464 : vector<16xf32>
      %parallel_loop3A_1544 = arith.minimumf %parallel_loop3A_1464, %parallel_loop3A_1543 : vector<16xf32>
      %parallel_loop3A_1545 = arith.constant 1.000000e+00 : f32
      %parallel_loop3A_1546 = vector.broadcast %parallel_loop3A_1545 : f32 to vector<16xf32>
      %parallel_loop3A_1547 = arith.divf %parallel_loop3A_1546, %parallel_loop3A_1468 : vector<16xf32>
      %parallel_loop3A_1548 = arith.minimumf %parallel_loop3A_1468, %parallel_loop3A_1547 : vector<16xf32>
      %parallel_loop3A_1549 = arith.constant 1.000000e+00 : f32
      %parallel_loop3A_1550 = vector.broadcast %parallel_loop3A_1549 : f32 to vector<16xf32>
      %parallel_loop3A_1551 = arith.divf %parallel_loop3A_1550, %parallel_loop3A_1472 : vector<16xf32>
      %parallel_loop3A_1552 = arith.minimumf %parallel_loop3A_1472, %parallel_loop3A_1551 : vector<16xf32>
      %parallel_loop3A_1553 = arith.constant 1.000000e+00 : f32
      %parallel_loop3A_1554 = vector.broadcast %parallel_loop3A_1553 : f32 to vector<16xf32>
      %parallel_loop3A_1555 = arith.divf %parallel_loop3A_1554, %parallel_loop3A_1476 : vector<16xf32>
      %parallel_loop3A_1556 = arith.minimumf %parallel_loop3A_1476, %parallel_loop3A_1555 : vector<16xf32>
      %parallel_loop3A_1557 = arith.subf %parallel_loop3A_1482, %parallel_loop3A_1421 : vector<16xf32>
      %parallel_loop3A_1558 = math.absf %parallel_loop3A_1557 : vector<16xf32>
      %parallel_loop3A_1559 = arith.subf %parallel_loop3A_1488, %parallel_loop3A_1422 : vector<16xf32>
      %parallel_loop3A_1560 = math.absf %parallel_loop3A_1559 : vector<16xf32>
      %parallel_loop3A_1561 = arith.subf %parallel_loop3A_1494, %parallel_loop3A_1423 : vector<16xf32>
      %parallel_loop3A_1562 = math.absf %parallel_loop3A_1561 : vector<16xf32>
      %parallel_loop3A_1563 = arith.subf %parallel_loop3A_1500, %parallel_loop3A_1424 : vector<16xf32>
      %parallel_loop3A_1564 = math.absf %parallel_loop3A_1563 : vector<16xf32>
      %parallel_loop3A_1565 = arith.subf %parallel_loop3A_1506, %parallel_loop3A_1425 : vector<16xf32>
      %parallel_loop3A_1566 = math.absf %parallel_loop3A_1565 : vector<16xf32>
      %parallel_loop3A_1567 = arith.subf %parallel_loop3A_1512, %parallel_loop3A_1426 : vector<16xf32>
      %parallel_loop3A_1568 = math.absf %parallel_loop3A_1567 : vector<16xf32>
      %parallel_loop3A_1569 = arith.subf %parallel_loop3A_1518, %parallel_loop3A_1427 : vector<16xf32>
      %parallel_loop3A_1570 = math.absf %parallel_loop3A_1569 : vector<16xf32>
      %parallel_loop3A_1571 = arith.subf %parallel_loop3A_1524, %parallel_loop3A_1428 : vector<16xf32>
      %parallel_loop3A_1572 = math.absf %parallel_loop3A_1571 : vector<16xf32>
      %parallel_loop3A_1573 = arith.constant 1.000000e+01 : f32
      %parallel_loop3A_1574 = vector.broadcast %parallel_loop3A_1573 : f32 to vector<16xf32>
      %parallel_loop3A_1575 = arith.mulf %parallel_loop3A_1558, %parallel_loop3A_1574 : vector<16xf32>
      %parallel_loop3A_1576 = arith.constant 9.000000e+00 : f32
      %parallel_loop3A_1577 = vector.broadcast %parallel_loop3A_1576 : f32 to vector<16xf32>
      %parallel_loop3A_1578 = arith.minimumf %parallel_loop3A_1575, %parallel_loop3A_1577 : vector<16xf32>
      %parallel_loop3A_1579 = arith.fptosi %parallel_loop3A_1578 : vector<16xf32> to vector<16xi32>
      %parallel_loop3A_1580 = arith.addi %mul3A_515, %parallel_loop3A_1579 : vector<16xi32>
      %parallel_loop3A_1581 = arith.constant 1.000000e+01 : f32
      %parallel_loop3A_1582 = vector.broadcast %parallel_loop3A_1581 : f32 to vector<16xf32>
      %parallel_loop3A_1583 = arith.mulf %parallel_loop3A_1560, %parallel_loop3A_1582 : vector<16xf32>
      %parallel_loop3A_1584 = arith.constant 9.000000e+00 : f32
      %parallel_loop3A_1585 = vector.broadcast %parallel_loop3A_1584 : f32 to vector<16xf32>
      %parallel_loop3A_1586 = arith.minimumf %parallel_loop3A_1583, %parallel_loop3A_1585 : vector<16xf32>
      %parallel_loop3A_1587 = arith.fptosi %parallel_loop3A_1586 : vector<16xf32> to vector<16xi32>
      %parallel_loop3A_1588 = arith.addi %mul3A_515, %parallel_loop3A_1587 : vector<16xi32>
      %parallel_loop3A_1589 = arith.constant 1.000000e+01 : f32
      %parallel_loop3A_1590 = vector.broadcast %parallel_loop3A_1589 : f32 to vector<16xf32>
      %parallel_loop3A_1591 = arith.mulf %parallel_loop3A_1562, %parallel_loop3A_1590 : vector<16xf32>
      %parallel_loop3A_1592 = arith.constant 9.000000e+00 : f32
      %parallel_loop3A_1593 = vector.broadcast %parallel_loop3A_1592 : f32 to vector<16xf32>
      %parallel_loop3A_1594 = arith.minimumf %parallel_loop3A_1591, %parallel_loop3A_1593 : vector<16xf32>
      %parallel_loop3A_1595 = arith.fptosi %parallel_loop3A_1594 : vector<16xf32> to vector<16xi32>
      %parallel_loop3A_1596 = arith.addi %mul3A_515, %parallel_loop3A_1595 : vector<16xi32>
      %parallel_loop3A_1597 = arith.constant 1.000000e+01 : f32
      %parallel_loop3A_1598 = vector.broadcast %parallel_loop3A_1597 : f32 to vector<16xf32>
      %parallel_loop3A_1599 = arith.mulf %parallel_loop3A_1564, %parallel_loop3A_1598 : vector<16xf32>
      %parallel_loop3A_1600 = arith.constant 9.000000e+00 : f32
      %parallel_loop3A_1601 = vector.broadcast %parallel_loop3A_1600 : f32 to vector<16xf32>
      %parallel_loop3A_1602 = arith.minimumf %parallel_loop3A_1599, %parallel_loop3A_1601 : vector<16xf32>
      %parallel_loop3A_1603 = arith.fptosi %parallel_loop3A_1602 : vector<16xf32> to vector<16xi32>
      %parallel_loop3A_1604 = arith.addi %mul3A_515, %parallel_loop3A_1603 : vector<16xi32>
      %parallel_loop3A_1605 = arith.constant 1.000000e+01 : f32
      %parallel_loop3A_1606 = vector.broadcast %parallel_loop3A_1605 : f32 to vector<16xf32>
      %parallel_loop3A_1607 = arith.mulf %parallel_loop3A_1566, %parallel_loop3A_1606 : vector<16xf32>
      %parallel_loop3A_1608 = arith.constant 9.000000e+00 : f32
      %parallel_loop3A_1609 = vector.broadcast %parallel_loop3A_1608 : f32 to vector<16xf32>
      %parallel_loop3A_1610 = arith.minimumf %parallel_loop3A_1607, %parallel_loop3A_1609 : vector<16xf32>
      %parallel_loop3A_1611 = arith.fptosi %parallel_loop3A_1610 : vector<16xf32> to vector<16xi32>
      %parallel_loop3A_1612 = arith.addi %mul3A_515, %parallel_loop3A_1611 : vector<16xi32>
      %parallel_loop3A_1613 = arith.constant 1.000000e+01 : f32
      %parallel_loop3A_1614 = vector.broadcast %parallel_loop3A_1613 : f32 to vector<16xf32>
      %parallel_loop3A_1615 = arith.mulf %parallel_loop3A_1568, %parallel_loop3A_1614 : vector<16xf32>
      %parallel_loop3A_1616 = arith.constant 9.000000e+00 : f32
      %parallel_loop3A_1617 = vector.broadcast %parallel_loop3A_1616 : f32 to vector<16xf32>
      %parallel_loop3A_1618 = arith.minimumf %parallel_loop3A_1615, %parallel_loop3A_1617 : vector<16xf32>
      %parallel_loop3A_1619 = arith.fptosi %parallel_loop3A_1618 : vector<16xf32> to vector<16xi32>
      %parallel_loop3A_1620 = arith.addi %mul3A_515, %parallel_loop3A_1619 : vector<16xi32>
      %parallel_loop3A_1621 = arith.constant 1.000000e+01 : f32
      %parallel_loop3A_1622 = vector.broadcast %parallel_loop3A_1621 : f32 to vector<16xf32>
      %parallel_loop3A_1623 = arith.mulf %parallel_loop3A_1570, %parallel_loop3A_1622 : vector<16xf32>
      %parallel_loop3A_1624 = arith.constant 9.000000e+00 : f32
      %parallel_loop3A_1625 = vector.broadcast %parallel_loop3A_1624 : f32 to vector<16xf32>
      %parallel_loop3A_1626 = arith.minimumf %parallel_loop3A_1623, %parallel_loop3A_1625 : vector<16xf32>
      %parallel_loop3A_1627 = arith.fptosi %parallel_loop3A_1626 : vector<16xf32> to vector<16xi32>
      %parallel_loop3A_1628 = arith.addi %mul3A_515, %parallel_loop3A_1627 : vector<16xi32>
      %parallel_loop3A_1629 = arith.constant 1.000000e+01 : f32
      %parallel_loop3A_1630 = vector.broadcast %parallel_loop3A_1629 : f32 to vector<16xf32>
      %parallel_loop3A_1631 = arith.mulf %parallel_loop3A_1572, %parallel_loop3A_1630 : vector<16xf32>
      %parallel_loop3A_1632 = arith.constant 9.000000e+00 : f32
      %parallel_loop3A_1633 = vector.broadcast %parallel_loop3A_1632 : f32 to vector<16xf32>
      %parallel_loop3A_1634 = arith.minimumf %parallel_loop3A_1631, %parallel_loop3A_1633 : vector<16xf32>
      %parallel_loop3A_1635 = arith.fptosi %parallel_loop3A_1634 : vector<16xf32> to vector<16xi32>
      %parallel_loop3A_1636 = arith.addi %mul3A_515, %parallel_loop3A_1635 : vector<16xi32>
      %parallel_loop3A_1637 = arith.constant -0.0554593131 : f32
      %parallel_loop3A_1638 = vector.broadcast %parallel_loop3A_1637 : f32 to vector<16xf32>
      %parallel_loop3A_1639 = arith.mulf %parallel_loop3A_1638, %parallel_loop3A_1528 : vector<16xf32>
      %parallel_loop3A_1640 = arith.constant 0.218665481 : f32
      %parallel_loop3A_1641 = vector.broadcast %parallel_loop3A_1640 : f32 to vector<16xf32>
      %parallel_loop3A_1642 = arith.addf %parallel_loop3A_1639, %parallel_loop3A_1641 : vector<16xf32>
      %parallel_loop3A_1643 = arith.mulf %parallel_loop3A_1638, %parallel_loop3A_1532 : vector<16xf32>
      %parallel_loop3A_1644 = arith.constant 0.218665481 : f32
      %parallel_loop3A_1645 = vector.broadcast %parallel_loop3A_1644 : f32 to vector<16xf32>
      %parallel_loop3A_1646 = arith.addf %parallel_loop3A_1643, %parallel_loop3A_1645 : vector<16xf32>
      %parallel_loop3A_1647 = arith.mulf %parallel_loop3A_1638, %parallel_loop3A_1536 : vector<16xf32>
      %parallel_loop3A_1648 = arith.constant 0.218665481 : f32
      %parallel_loop3A_1649 = vector.broadcast %parallel_loop3A_1648 : f32 to vector<16xf32>
      %parallel_loop3A_1650 = arith.addf %parallel_loop3A_1647, %parallel_loop3A_1649 : vector<16xf32>
      %parallel_loop3A_1651 = arith.mulf %parallel_loop3A_1638, %parallel_loop3A_1540 : vector<16xf32>
      %parallel_loop3A_1652 = arith.constant 0.218665481 : f32
      %parallel_loop3A_1653 = vector.broadcast %parallel_loop3A_1652 : f32 to vector<16xf32>
      %parallel_loop3A_1654 = arith.addf %parallel_loop3A_1651, %parallel_loop3A_1653 : vector<16xf32>
      %parallel_loop3A_1655 = arith.mulf %parallel_loop3A_1638, %parallel_loop3A_1544 : vector<16xf32>
      %parallel_loop3A_1656 = arith.constant 0.218665481 : f32
      %parallel_loop3A_1657 = vector.broadcast %parallel_loop3A_1656 : f32 to vector<16xf32>
      %parallel_loop3A_1658 = arith.addf %parallel_loop3A_1655, %parallel_loop3A_1657 : vector<16xf32>
      %parallel_loop3A_1659 = arith.mulf %parallel_loop3A_1638, %parallel_loop3A_1548 : vector<16xf32>
      %parallel_loop3A_1660 = arith.constant 0.218665481 : f32
      %parallel_loop3A_1661 = vector.broadcast %parallel_loop3A_1660 : f32 to vector<16xf32>
      %parallel_loop3A_1662 = arith.addf %parallel_loop3A_1659, %parallel_loop3A_1661 : vector<16xf32>
      %parallel_loop3A_1663 = arith.mulf %parallel_loop3A_1638, %parallel_loop3A_1552 : vector<16xf32>
      %parallel_loop3A_1664 = arith.constant 0.218665481 : f32
      %parallel_loop3A_1665 = vector.broadcast %parallel_loop3A_1664 : f32 to vector<16xf32>
      %parallel_loop3A_1666 = arith.addf %parallel_loop3A_1663, %parallel_loop3A_1665 : vector<16xf32>
      %parallel_loop3A_1667 = arith.mulf %parallel_loop3A_1638, %parallel_loop3A_1556 : vector<16xf32>
      %parallel_loop3A_1668 = arith.constant 0.218665481 : f32
      %parallel_loop3A_1669 = vector.broadcast %parallel_loop3A_1668 : f32 to vector<16xf32>
      %parallel_loop3A_1670 = arith.addf %parallel_loop3A_1667, %parallel_loop3A_1669 : vector<16xf32>
      %parallel_loop3A_1671 = arith.mulf %parallel_loop3A_1642, %parallel_loop3A_1528 : vector<16xf32>
      %parallel_loop3A_1672 = arith.constant -0.466442436 : f32
      %parallel_loop3A_1673 = vector.broadcast %parallel_loop3A_1672 : f32 to vector<16xf32>
      %parallel_loop3A_1674 = arith.addf %parallel_loop3A_1671, %parallel_loop3A_1673 : vector<16xf32>
      %parallel_loop3A_1675 = arith.mulf %parallel_loop3A_1646, %parallel_loop3A_1532 : vector<16xf32>
      %parallel_loop3A_1676 = arith.constant -0.466442436 : f32
      %parallel_loop3A_1677 = vector.broadcast %parallel_loop3A_1676 : f32 to vector<16xf32>
      %parallel_loop3A_1678 = arith.addf %parallel_loop3A_1675, %parallel_loop3A_1677 : vector<16xf32>
      %parallel_loop3A_1679 = arith.mulf %parallel_loop3A_1650, %parallel_loop3A_1536 : vector<16xf32>
      %parallel_loop3A_1680 = arith.constant -0.466442436 : f32
      %parallel_loop3A_1681 = vector.broadcast %parallel_loop3A_1680 : f32 to vector<16xf32>
      %parallel_loop3A_1682 = arith.addf %parallel_loop3A_1679, %parallel_loop3A_1681 : vector<16xf32>
      %parallel_loop3A_1683 = arith.mulf %parallel_loop3A_1654, %parallel_loop3A_1540 : vector<16xf32>
      %parallel_loop3A_1684 = arith.constant -0.466442436 : f32
      %parallel_loop3A_1685 = vector.broadcast %parallel_loop3A_1684 : f32 to vector<16xf32>
      %parallel_loop3A_1686 = arith.addf %parallel_loop3A_1683, %parallel_loop3A_1685 : vector<16xf32>
      %parallel_loop3A_1687 = arith.mulf %parallel_loop3A_1658, %parallel_loop3A_1544 : vector<16xf32>
      %parallel_loop3A_1688 = arith.constant -0.466442436 : f32
      %parallel_loop3A_1689 = vector.broadcast %parallel_loop3A_1688 : f32 to vector<16xf32>
      %parallel_loop3A_1690 = arith.addf %parallel_loop3A_1687, %parallel_loop3A_1689 : vector<16xf32>
      %parallel_loop3A_1691 = arith.mulf %parallel_loop3A_1662, %parallel_loop3A_1548 : vector<16xf32>
      %parallel_loop3A_1692 = arith.constant -0.466442436 : f32
      %parallel_loop3A_1693 = vector.broadcast %parallel_loop3A_1692 : f32 to vector<16xf32>
      %parallel_loop3A_1694 = arith.addf %parallel_loop3A_1691, %parallel_loop3A_1693 : vector<16xf32>
      %parallel_loop3A_1695 = arith.mulf %parallel_loop3A_1666, %parallel_loop3A_1552 : vector<16xf32>
      %parallel_loop3A_1696 = arith.constant -0.466442436 : f32
      %parallel_loop3A_1697 = vector.broadcast %parallel_loop3A_1696 : f32 to vector<16xf32>
      %parallel_loop3A_1698 = arith.addf %parallel_loop3A_1695, %parallel_loop3A_1697 : vector<16xf32>
      %parallel_loop3A_1699 = arith.mulf %parallel_loop3A_1670, %parallel_loop3A_1556 : vector<16xf32>
      %parallel_loop3A_1700 = arith.constant -0.466442436 : f32
      %parallel_loop3A_1701 = vector.broadcast %parallel_loop3A_1700 : f32 to vector<16xf32>
      %parallel_loop3A_1702 = arith.addf %parallel_loop3A_1699, %parallel_loop3A_1701 : vector<16xf32>
      %parallel_loop3A_1703 = arith.mulf %parallel_loop3A_1674, %parallel_loop3A_1528 : vector<16xf32>
      %parallel_loop3A_1704 = arith.constant 0.996261954 : f32
      %parallel_loop3A_1705 = vector.broadcast %parallel_loop3A_1704 : f32 to vector<16xf32>
      %parallel_loop3A_1706 = arith.addf %parallel_loop3A_1703, %parallel_loop3A_1705 : vector<16xf32>
      %parallel_loop3A_1707 = arith.mulf %parallel_loop3A_1678, %parallel_loop3A_1532 : vector<16xf32>
      %parallel_loop3A_1708 = arith.constant 0.996261954 : f32
      %parallel_loop3A_1709 = vector.broadcast %parallel_loop3A_1708 : f32 to vector<16xf32>
      %parallel_loop3A_1710 = arith.addf %parallel_loop3A_1707, %parallel_loop3A_1709 : vector<16xf32>
      %parallel_loop3A_1711 = arith.mulf %parallel_loop3A_1682, %parallel_loop3A_1536 : vector<16xf32>
      %parallel_loop3A_1712 = arith.constant 0.996261954 : f32
      %parallel_loop3A_1713 = vector.broadcast %parallel_loop3A_1712 : f32 to vector<16xf32>
      %parallel_loop3A_1714 = arith.addf %parallel_loop3A_1711, %parallel_loop3A_1713 : vector<16xf32>
      %parallel_loop3A_1715 = arith.mulf %parallel_loop3A_1686, %parallel_loop3A_1540 : vector<16xf32>
      %parallel_loop3A_1716 = arith.constant 0.996261954 : f32
      %parallel_loop3A_1717 = vector.broadcast %parallel_loop3A_1716 : f32 to vector<16xf32>
      %parallel_loop3A_1718 = arith.addf %parallel_loop3A_1715, %parallel_loop3A_1717 : vector<16xf32>
      %parallel_loop3A_1719 = arith.mulf %parallel_loop3A_1690, %parallel_loop3A_1544 : vector<16xf32>
      %parallel_loop3A_1720 = arith.constant 0.996261954 : f32
      %parallel_loop3A_1721 = vector.broadcast %parallel_loop3A_1720 : f32 to vector<16xf32>
      %parallel_loop3A_1722 = arith.addf %parallel_loop3A_1719, %parallel_loop3A_1721 : vector<16xf32>
      %parallel_loop3A_1723 = arith.mulf %parallel_loop3A_1694, %parallel_loop3A_1548 : vector<16xf32>
      %parallel_loop3A_1724 = arith.constant 0.996261954 : f32
      %parallel_loop3A_1725 = vector.broadcast %parallel_loop3A_1724 : f32 to vector<16xf32>
      %parallel_loop3A_1726 = arith.addf %parallel_loop3A_1723, %parallel_loop3A_1725 : vector<16xf32>
      %parallel_loop3A_1727 = arith.mulf %parallel_loop3A_1698, %parallel_loop3A_1552 : vector<16xf32>
      %parallel_loop3A_1728 = arith.constant 0.996261954 : f32
      %parallel_loop3A_1729 = vector.broadcast %parallel_loop3A_1728 : f32 to vector<16xf32>
      %parallel_loop3A_1730 = arith.addf %parallel_loop3A_1727, %parallel_loop3A_1729 : vector<16xf32>
      %parallel_loop3A_1731 = arith.mulf %parallel_loop3A_1702, %parallel_loop3A_1556 : vector<16xf32>
      %parallel_loop3A_1732 = arith.constant 0.996261954 : f32
      %parallel_loop3A_1733 = vector.broadcast %parallel_loop3A_1732 : f32 to vector<16xf32>
      %parallel_loop3A_1734 = arith.addf %parallel_loop3A_1731, %parallel_loop3A_1733 : vector<16xf32>
      %parallel_loop3A_1735 = arith.mulf %parallel_loop3A_1706, %parallel_loop3A_1528 : vector<16xf32>
      %parallel_loop3A_1736 = arith.constant 6.94457412E-5 : f32
      %parallel_loop3A_1737 = vector.broadcast %parallel_loop3A_1736 : f32 to vector<16xf32>
      %parallel_loop3A_1738 = arith.addf %parallel_loop3A_1735, %parallel_loop3A_1737 : vector<16xf32>
      %parallel_loop3A_1739 = arith.mulf %parallel_loop3A_1710, %parallel_loop3A_1532 : vector<16xf32>
      %parallel_loop3A_1740 = arith.constant 6.94457412E-5 : f32
      %parallel_loop3A_1741 = vector.broadcast %parallel_loop3A_1740 : f32 to vector<16xf32>
      %parallel_loop3A_1742 = arith.addf %parallel_loop3A_1739, %parallel_loop3A_1741 : vector<16xf32>
      %parallel_loop3A_1743 = arith.mulf %parallel_loop3A_1714, %parallel_loop3A_1536 : vector<16xf32>
      %parallel_loop3A_1744 = arith.constant 6.94457412E-5 : f32
      %parallel_loop3A_1745 = vector.broadcast %parallel_loop3A_1744 : f32 to vector<16xf32>
      %parallel_loop3A_1746 = arith.addf %parallel_loop3A_1743, %parallel_loop3A_1745 : vector<16xf32>
      %parallel_loop3A_1747 = arith.mulf %parallel_loop3A_1718, %parallel_loop3A_1540 : vector<16xf32>
      %parallel_loop3A_1748 = arith.constant 6.94457412E-5 : f32
      %parallel_loop3A_1749 = vector.broadcast %parallel_loop3A_1748 : f32 to vector<16xf32>
      %parallel_loop3A_1750 = arith.addf %parallel_loop3A_1747, %parallel_loop3A_1749 : vector<16xf32>
      %parallel_loop3A_1751 = arith.mulf %parallel_loop3A_1722, %parallel_loop3A_1544 : vector<16xf32>
      %parallel_loop3A_1752 = arith.constant 6.94457412E-5 : f32
      %parallel_loop3A_1753 = vector.broadcast %parallel_loop3A_1752 : f32 to vector<16xf32>
      %parallel_loop3A_1754 = arith.addf %parallel_loop3A_1751, %parallel_loop3A_1753 : vector<16xf32>
      %parallel_loop3A_1755 = arith.mulf %parallel_loop3A_1726, %parallel_loop3A_1548 : vector<16xf32>
      %parallel_loop3A_1756 = arith.constant 6.94457412E-5 : f32
      %parallel_loop3A_1757 = vector.broadcast %parallel_loop3A_1756 : f32 to vector<16xf32>
      %parallel_loop3A_1758 = arith.addf %parallel_loop3A_1755, %parallel_loop3A_1757 : vector<16xf32>
      %parallel_loop3A_1759 = arith.mulf %parallel_loop3A_1730, %parallel_loop3A_1552 : vector<16xf32>
      %parallel_loop3A_1760 = arith.constant 6.94457412E-5 : f32
      %parallel_loop3A_1761 = vector.broadcast %parallel_loop3A_1760 : f32 to vector<16xf32>
      %parallel_loop3A_1762 = arith.addf %parallel_loop3A_1759, %parallel_loop3A_1761 : vector<16xf32>
      %parallel_loop3A_1763 = arith.mulf %parallel_loop3A_1734, %parallel_loop3A_1556 : vector<16xf32>
      %parallel_loop3A_1764 = arith.constant 6.94457412E-5 : f32
      %parallel_loop3A_1765 = vector.broadcast %parallel_loop3A_1764 : f32 to vector<16xf32>
      %parallel_loop3A_1766 = arith.addf %parallel_loop3A_1763, %parallel_loop3A_1765 : vector<16xf32>
      %parallel_loop3A_1767 = arith.constant 0.000000e+00 : f32
      %parallel_loop3A_1768 = vector.broadcast %parallel_loop3A_1767 : f32 to vector<16xf32>
      %parallel_loop3A_1769 = arith.maximumf %parallel_loop3A_1413, %parallel_loop3A_1768 : vector<16xf32>
      %parallel_loop3A_1770 = arith.mulf %parallel_loop3A_1413, %parallel_loop3A_1421 : vector<16xf32>
      %parallel_loop3A_1771 = arith.subf %parallel_loop3A_1769, %parallel_loop3A_1770 : vector<16xf32>
      %parallel_loop3A_1772 = arith.addf %parallel_loop3A_1771, %parallel_loop3A_1738 : vector<16xf32>
      %parallel_loop3A_1773 = arith.constant 0.000000e+00 : f32
      %parallel_loop3A_1774 = vector.broadcast %parallel_loop3A_1773 : f32 to vector<16xf32>
      %parallel_loop3A_1775 = arith.maximumf %parallel_loop3A_1414, %parallel_loop3A_1774 : vector<16xf32>
      %parallel_loop3A_1776 = arith.mulf %parallel_loop3A_1414, %parallel_loop3A_1422 : vector<16xf32>
      %parallel_loop3A_1777 = arith.subf %parallel_loop3A_1775, %parallel_loop3A_1776 : vector<16xf32>
      %parallel_loop3A_1778 = arith.addf %parallel_loop3A_1777, %parallel_loop3A_1742 : vector<16xf32>
      %parallel_loop3A_1779 = arith.constant 0.000000e+00 : f32
      %parallel_loop3A_1780 = vector.broadcast %parallel_loop3A_1779 : f32 to vector<16xf32>
      %parallel_loop3A_1781 = arith.maximumf %parallel_loop3A_1415, %parallel_loop3A_1780 : vector<16xf32>
      %parallel_loop3A_1782 = arith.mulf %parallel_loop3A_1415, %parallel_loop3A_1423 : vector<16xf32>
      %parallel_loop3A_1783 = arith.subf %parallel_loop3A_1781, %parallel_loop3A_1782 : vector<16xf32>
      %parallel_loop3A_1784 = arith.addf %parallel_loop3A_1783, %parallel_loop3A_1746 : vector<16xf32>
      %parallel_loop3A_1785 = arith.constant 0.000000e+00 : f32
      %parallel_loop3A_1786 = vector.broadcast %parallel_loop3A_1785 : f32 to vector<16xf32>
      %parallel_loop3A_1787 = arith.maximumf %parallel_loop3A_1416, %parallel_loop3A_1786 : vector<16xf32>
      %parallel_loop3A_1788 = arith.mulf %parallel_loop3A_1416, %parallel_loop3A_1424 : vector<16xf32>
      %parallel_loop3A_1789 = arith.subf %parallel_loop3A_1787, %parallel_loop3A_1788 : vector<16xf32>
      %parallel_loop3A_1790 = arith.addf %parallel_loop3A_1789, %parallel_loop3A_1750 : vector<16xf32>
      %parallel_loop3A_1791 = arith.constant 0.000000e+00 : f32
      %parallel_loop3A_1792 = vector.broadcast %parallel_loop3A_1791 : f32 to vector<16xf32>
      %parallel_loop3A_1793 = arith.maximumf %parallel_loop3A_1417, %parallel_loop3A_1792 : vector<16xf32>
      %parallel_loop3A_1794 = arith.mulf %parallel_loop3A_1417, %parallel_loop3A_1425 : vector<16xf32>
      %parallel_loop3A_1795 = arith.subf %parallel_loop3A_1793, %parallel_loop3A_1794 : vector<16xf32>
      %parallel_loop3A_1796 = arith.addf %parallel_loop3A_1795, %parallel_loop3A_1754 : vector<16xf32>
      %parallel_loop3A_1797 = arith.constant 0.000000e+00 : f32
      %parallel_loop3A_1798 = vector.broadcast %parallel_loop3A_1797 : f32 to vector<16xf32>
      %parallel_loop3A_1799 = arith.maximumf %parallel_loop3A_1418, %parallel_loop3A_1798 : vector<16xf32>
      %parallel_loop3A_1800 = arith.mulf %parallel_loop3A_1418, %parallel_loop3A_1426 : vector<16xf32>
      %parallel_loop3A_1801 = arith.subf %parallel_loop3A_1799, %parallel_loop3A_1800 : vector<16xf32>
      %parallel_loop3A_1802 = arith.addf %parallel_loop3A_1801, %parallel_loop3A_1758 : vector<16xf32>
      %parallel_loop3A_1803 = arith.constant 0.000000e+00 : f32
      %parallel_loop3A_1804 = vector.broadcast %parallel_loop3A_1803 : f32 to vector<16xf32>
      %parallel_loop3A_1805 = arith.maximumf %parallel_loop3A_1419, %parallel_loop3A_1804 : vector<16xf32>
      %parallel_loop3A_1806 = arith.mulf %parallel_loop3A_1419, %parallel_loop3A_1427 : vector<16xf32>
      %parallel_loop3A_1807 = arith.subf %parallel_loop3A_1805, %parallel_loop3A_1806 : vector<16xf32>
      %parallel_loop3A_1808 = arith.addf %parallel_loop3A_1807, %parallel_loop3A_1762 : vector<16xf32>
      %parallel_loop3A_1809 = arith.constant 0.000000e+00 : f32
      %parallel_loop3A_1810 = vector.broadcast %parallel_loop3A_1809 : f32 to vector<16xf32>
      %parallel_loop3A_1811 = arith.maximumf %parallel_loop3A_1420, %parallel_loop3A_1810 : vector<16xf32>
      %parallel_loop3A_1812 = arith.mulf %parallel_loop3A_1420, %parallel_loop3A_1428 : vector<16xf32>
      %parallel_loop3A_1813 = arith.subf %parallel_loop3A_1811, %parallel_loop3A_1812 : vector<16xf32>
      %parallel_loop3A_1814 = arith.addf %parallel_loop3A_1813, %parallel_loop3A_1766 : vector<16xf32>
      %parallel_loop3A_1815 = arith.mulf %parallel_loop3A_1772, %parallel_loop3A_1437 : vector<16xf32>
      tpu.vector_store_idx %arg15[%parallel_loop3A_1580], %parallel_loop3A_1815 {add = true} : memref<256xf32, #tpu.memory_space<vmem>>[vector<16xi32>], vector<16xf32>,
      tpu.vector_store_idx %arg23[%parallel_loop3A_1580], %parallel_loop3A_1437 {add = true} : memref<256xf32, #tpu.memory_space<vmem>>[vector<16xi32>], vector<16xf32>,
      %parallel_loop3A_1816 = arith.mulf %parallel_loop3A_1778, %parallel_loop3A_1438 : vector<16xf32>
      tpu.vector_store_idx %arg16[%parallel_loop3A_1588], %parallel_loop3A_1816 {add = true} : memref<256xf32, #tpu.memory_space<vmem>>[vector<16xi32>], vector<16xf32>,
      tpu.vector_store_idx %arg24[%parallel_loop3A_1588], %parallel_loop3A_1438 {add = true} : memref<256xf32, #tpu.memory_space<vmem>>[vector<16xi32>], vector<16xf32>,
      %parallel_loop3A_1817 = arith.mulf %parallel_loop3A_1784, %parallel_loop3A_1439 : vector<16xf32>
      tpu.vector_store_idx %arg17[%parallel_loop3A_1596], %parallel_loop3A_1817 {add = true} : memref<256xf32, #tpu.memory_space<vmem>>[vector<16xi32>], vector<16xf32>,
      tpu.vector_store_idx %arg25[%parallel_loop3A_1596], %parallel_loop3A_1439 {add = true} : memref<256xf32, #tpu.memory_space<vmem>>[vector<16xi32>], vector<16xf32>,
      %parallel_loop3A_1818 = arith.mulf %parallel_loop3A_1790, %parallel_loop3A_1440 : vector<16xf32>
      tpu.vector_store_idx %arg18[%parallel_loop3A_1604], %parallel_loop3A_1818 {add = true} : memref<256xf32, #tpu.memory_space<vmem>>[vector<16xi32>], vector<16xf32>,
      tpu.vector_store_idx %arg26[%parallel_loop3A_1604], %parallel_loop3A_1440 {add = true} : memref<256xf32, #tpu.memory_space<vmem>>[vector<16xi32>], vector<16xf32>,
      %parallel_loop3A_1819 = arith.mulf %parallel_loop3A_1796, %parallel_loop3A_1441 : vector<16xf32>
      tpu.vector_store_idx %arg19[%parallel_loop3A_1612], %parallel_loop3A_1819 {add = true} : memref<256xf32, #tpu.memory_space<vmem>>[vector<16xi32>], vector<16xf32>,
      tpu.vector_store_idx %arg27[%parallel_loop3A_1612], %parallel_loop3A_1441 {add = true} : memref<256xf32, #tpu.memory_space<vmem>>[vector<16xi32>], vector<16xf32>,
      %parallel_loop3A_1820 = arith.mulf %parallel_loop3A_1802, %parallel_loop3A_1442 : vector<16xf32>
      tpu.vector_store_idx %arg20[%parallel_loop3A_1620], %parallel_loop3A_1820 {add = true} : memref<256xf32, #tpu.memory_space<vmem>>[vector<16xi32>], vector<16xf32>,
      tpu.vector_store_idx %arg28[%parallel_loop3A_1620], %parallel_loop3A_1442 {add = true} : memref<256xf32, #tpu.memory_space<vmem>>[vector<16xi32>], vector<16xf32>,
      %parallel_loop3A_1821 = arith.mulf %parallel_loop3A_1808, %parallel_loop3A_1443 : vector<16xf32>
      tpu.vector_store_idx %arg21[%parallel_loop3A_1628], %parallel_loop3A_1821 {add = true} : memref<256xf32, #tpu.memory_space<vmem>>[vector<16xi32>], vector<16xf32>,
      tpu.vector_store_idx %arg29[%parallel_loop3A_1628], %parallel_loop3A_1443 {add = true} : memref<256xf32, #tpu.memory_space<vmem>>[vector<16xi32>], vector<16xf32>,
      %parallel_loop3A_1822 = arith.mulf %parallel_loop3A_1814, %parallel_loop3A_1444 : vector<16xf32>
      tpu.vector_store_idx %arg22[%parallel_loop3A_1636], %parallel_loop3A_1822 {add = true} : memref<256xf32, #tpu.memory_space<vmem>>[vector<16xi32>], vector<16xf32>,
      tpu.vector_store_idx %arg30[%parallel_loop3A_1636], %parallel_loop3A_1444 {add = true} : memref<256xf32, #tpu.memory_space<vmem>>[vector<16xi32>], vector<16xf32>,
    } {sc.loop_unroll_factor = 1 : i64, sc.parallel_access}
    %dma_wait3A_587 = arith.constant 0 : i32
    %dma_wait3A_588 = arith.constant 0 : i32
    %dma_wait3A_589 = tpu.memref_slice %arg2[%dma_wait3A_587, %dma_wait3A_588] : memref<80x100000xf32, #tpu.memory_space<hbm>> -> memref<80x128xf32, #tpu.memory_space<hbm>>
    %dma_wait3A_590 = arith.constant 0 : i32
    %dma_wait3A_591 = arith.constant 0 : i32
    %dma_wait3A_592 = tpu.memref_slice %arg2[%dma_wait3A_590, %dma_wait3A_591] : memref<80x100000xf32, #tpu.memory_space<hbm>> -> memref<80x128xf32, #tpu.memory_space<hbm>>
    tpu.wait_dma2 semaphore(%arg34 : memref<!tpu.dma_semaphore, #tpu.memory_space<semaphore_mem>>) src(%dma_wait3A_592 : memref<80x128xf32, #tpu.memory_space<hbm>>) dst(%arg12 : memref<80x128xf32, #tpu.memory_space<vmem>>)
    %dma_wait3A_593 = arith.constant 0 : i32
    %dma_wait3A_594 = arith.constant 0 : i32
    %dma_wait3A_595 = tpu.memref_slice %arg2[%dma_wait3A_593, %dma_wait3A_594] : memref<80x100000xf32, #tpu.memory_space<hbm>> -> memref<80x128xf32, #tpu.memory_space<hbm>>
    %dma_wait3A_596 = arith.constant 0 : i32
    %dma_wait3A_597 = arith.constant 0 : i32
    %dma_wait3A_598 = tpu.memref_slice %arg2[%dma_wait3A_596, %dma_wait3A_597] : memref<80x100000xf32, #tpu.memory_space<hbm>> -> memref<80x128xf32, #tpu.memory_space<hbm>>
    tpu.wait_dma2 semaphore(%arg34 : memref<!tpu.dma_semaphore, #tpu.memory_space<semaphore_mem>>) src(%dma_wait3A_598 : memref<80x128xf32, #tpu.memory_space<hbm>>) dst(%arg13 : memref<80x128xf32, #tpu.memory_space<vmem>>)
    %dma_wait3A_599 = arith.constant 0 : i32
    %dma_wait3A_600 = arith.constant 0 : i32
    %dma_wait3A_601 = tpu.memref_slice %arg2[%dma_wait3A_599, %dma_wait3A_600] : memref<80x100000xf32, #tpu.memory_space<hbm>> -> memref<80x128xf32, #tpu.memory_space<hbm>>
    %dma_wait3A_602 = arith.constant 0 : i32
    %dma_wait3A_603 = arith.constant 0 : i32
    %dma_wait3A_604 = tpu.memref_slice %arg2[%dma_wait3A_602, %dma_wait3A_603] : memref<80x100000xf32, #tpu.memory_space<hbm>> -> memref<80x128xf32, #tpu.memory_space<hbm>>
    tpu.wait_dma2 semaphore(%arg34 : memref<!tpu.dma_semaphore, #tpu.memory_space<semaphore_mem>>) src(%dma_wait3A_604 : memref<80x128xf32, #tpu.memory_space<hbm>>) dst(%arg14 : memref<80x128xf32, #tpu.memory_space<vmem>>)
    %eq3A = arith.constant 31 : i32
    %eq3A_605 = vector.broadcast %eq3A : i32 to vector<16xi32>
    %eq3A_606 = arith.cmpi eq, %add3A_560, %eq3A_605 : vector<16xi32>
    %jit3A_607 = arith.constant 1.000000e+00 : f32
    %jit3A_608 = arith.constant 0.000000e+00 : f32
    %broadcast_in_dim3A_609 = vector.broadcast %jit3A_607 : f32 to vector<16xf32>
    %broadcast_in_dim3A_610 = vector.broadcast %jit3A_608 : f32 to vector<16xf32>
    %select_n3A_611 = arith.select %eq3A_606, %broadcast_in_dim3A_609, %broadcast_in_dim3A_610 : vector<16xi1>, vector<16xf32>
    %parallel_loop3A_612 = arith.constant 0 : i32
    %parallel_loop3A_613 = arith.constant 80 : i32
    %parallel_loop3A_614 = arith.constant 1 : i32
    scf.for %parallel_loop3A_1384 = %parallel_loop3A_612 to %parallel_loop3A_613 step %parallel_loop3A_614  : i32 {
      %parallel_loop3A_1385 = arith.constant 0 : i32
      %parallel_loop3A_1386 = vector.broadcast %parallel_loop3A_1385 : i32 to vector<16xi32>
      %parallel_loop3A_1387 = vector.broadcast %parallel_loop3A_1384 : i32 to vector<16xi32>
      %parallel_loop3A_1388 = arith.addi %parallel_loop3A_1386, %parallel_loop3A_1387 : vector<16xi32>
      %parallel_loop3A_1389 = arith.constant 0 : i32
      %parallel_loop3A_1390 = vector.broadcast %parallel_loop3A_1389 : i32 to vector<16xi32>
      %parallel_loop3A_1391 = arith.addi %iota3A, %parallel_loop3A_1390 : vector<16xi32>
      %parallel_loop3A_1392 = arith.constant 16 : i32
      %parallel_loop3A_1393 = vector.broadcast %parallel_loop3A_1392 : i32 to vector<16xi32>
      %parallel_loop3A_1394 = arith.addi %iota3A, %parallel_loop3A_1393 : vector<16xi32>
      %parallel_loop3A_1395 = tpu.vector_load_idx %arg12[%parallel_loop3A_1388, %parallel_loop3A_1391] : memref<80x128xf32, #tpu.memory_space<vmem>>[vector<16xi32>, vector<16xi32>], vector<16xf32>,
      %parallel_loop3A_1396 = tpu.vector_load_idx %arg12[%parallel_loop3A_1388, %parallel_loop3A_1394] : memref<80x128xf32, #tpu.memory_space<vmem>>[vector<16xi32>, vector<16xi32>], vector<16xf32>,
      %parallel_loop3A_1397 = tpu.vector_load_idx %arg13[%parallel_loop3A_1388, %parallel_loop3A_1391] : memref<80x128xf32, #tpu.memory_space<vmem>>[vector<16xi32>, vector<16xi32>], vector<16xf32>,
      %parallel_loop3A_1398 = tpu.vector_load_idx %arg13[%parallel_loop3A_1388, %parallel_loop3A_1394] : memref<80x128xf32, #tpu.memory_space<vmem>>[vector<16xi32>, vector<16xi32>], vector<16xf32>,
      %parallel_loop3A_1399 = tpu.vector_load_idx %arg14[%parallel_loop3A_1388, %parallel_loop3A_1391] : memref<80x128xf32, #tpu.memory_space<vmem>>[vector<16xi32>, vector<16xi32>], vector<16xf32>,
      %parallel_loop3A_1400 = tpu.vector_load_idx %arg14[%parallel_loop3A_1388, %parallel_loop3A_1394] : memref<80x128xf32, #tpu.memory_space<vmem>>[vector<16xi32>, vector<16xi32>], vector<16xf32>,
      %parallel_loop3A_1401 = arith.mulf %parallel_loop3A_1399, %select_n3A_611 : vector<16xf32>
      %parallel_loop3A_1402 = arith.mulf %parallel_loop3A_1400, %select_n3A_611 : vector<16xf32>
      %parallel_loop3A_1403 = arith.constant 0.000000e+00 : f32
      %parallel_loop3A_1404 = vector.broadcast %parallel_loop3A_1403 : f32 to vector<16xf32>
      %parallel_loop3A_1405 = arith.subf %parallel_loop3A_1404, %parallel_loop3A_1395 : vector<16xf32>
      %parallel_loop3A_1406 = math.exp %parallel_loop3A_1405 : vector<16xf32>
      %parallel_loop3A_1407 = arith.constant 0.000000e+00 : f32
      %parallel_loop3A_1408 = vector.broadcast %parallel_loop3A_1407 : f32 to vector<16xf32>
      %parallel_loop3A_1409 = arith.subf %parallel_loop3A_1408, %parallel_loop3A_1396 : vector<16xf32>
      %parallel_loop3A_1410 = math.exp %parallel_loop3A_1409 : vector<16xf32>
      %parallel_loop3A_1411 = arith.constant 1.000000e+00 : f32
      %parallel_loop3A_1412 = vector.broadcast %parallel_loop3A_1411 : f32 to vector<16xf32>
      %parallel_loop3A_1413 = arith.addf %parallel_loop3A_1412, %parallel_loop3A_1406 : vector<16xf32>
      %parallel_loop3A_1414 = arith.constant 1.000000e+00 : f32
      %parallel_loop3A_1415 = vector.broadcast %parallel_loop3A_1414 : f32 to vector<16xf32>
      %parallel_loop3A_1416 = arith.divf %parallel_loop3A_1415, %parallel_loop3A_1413 : vector<16xf32>
      %parallel_loop3A_1417 = arith.constant 1.000000e+00 : f32
      %parallel_loop3A_1418 = vector.broadcast %parallel_loop3A_1417 : f32 to vector<16xf32>
      %parallel_loop3A_1419 = arith.addf %parallel_loop3A_1418, %parallel_loop3A_1410 : vector<16xf32>
      %parallel_loop3A_1420 = arith.constant 1.000000e+00 : f32
      %parallel_loop3A_1421 = vector.broadcast %parallel_loop3A_1420 : f32 to vector<16xf32>
      %parallel_loop3A_1422 = arith.divf %parallel_loop3A_1421, %parallel_loop3A_1419 : vector<16xf32>
      %parallel_loop3A_1423 = arith.constant 1.000000e+00 : f32
      %parallel_loop3A_1424 = vector.broadcast %parallel_loop3A_1423 : f32 to vector<16xf32>
      %parallel_loop3A_1425 = arith.divf %parallel_loop3A_1424, %parallel_loop3A_1406 : vector<16xf32>
      %parallel_loop3A_1426 = arith.minimumf %parallel_loop3A_1406, %parallel_loop3A_1425 : vector<16xf32>
      %parallel_loop3A_1427 = arith.constant 1.000000e+00 : f32
      %parallel_loop3A_1428 = vector.broadcast %parallel_loop3A_1427 : f32 to vector<16xf32>
      %parallel_loop3A_1429 = arith.divf %parallel_loop3A_1428, %parallel_loop3A_1410 : vector<16xf32>
      %parallel_loop3A_1430 = arith.minimumf %parallel_loop3A_1410, %parallel_loop3A_1429 : vector<16xf32>
      %parallel_loop3A_1431 = arith.subf %parallel_loop3A_1416, %parallel_loop3A_1397 : vector<16xf32>
      %parallel_loop3A_1432 = math.absf %parallel_loop3A_1431 : vector<16xf32>
      %parallel_loop3A_1433 = arith.subf %parallel_loop3A_1422, %parallel_loop3A_1398 : vector<16xf32>
      %parallel_loop3A_1434 = math.absf %parallel_loop3A_1433 : vector<16xf32>
      %parallel_loop3A_1435 = arith.constant 1.000000e+01 : f32
      %parallel_loop3A_1436 = vector.broadcast %parallel_loop3A_1435 : f32 to vector<16xf32>
      %parallel_loop3A_1437 = arith.mulf %parallel_loop3A_1432, %parallel_loop3A_1436 : vector<16xf32>
      %parallel_loop3A_1438 = arith.constant 9.000000e+00 : f32
      %parallel_loop3A_1439 = vector.broadcast %parallel_loop3A_1438 : f32 to vector<16xf32>
      %parallel_loop3A_1440 = arith.minimumf %parallel_loop3A_1437, %parallel_loop3A_1439 : vector<16xf32>
      %parallel_loop3A_1441 = arith.fptosi %parallel_loop3A_1440 : vector<16xf32> to vector<16xi32>
      %parallel_loop3A_1442 = arith.addi %mul3A_515, %parallel_loop3A_1441 : vector<16xi32>
      %parallel_loop3A_1443 = arith.constant 1.000000e+01 : f32
      %parallel_loop3A_1444 = vector.broadcast %parallel_loop3A_1443 : f32 to vector<16xf32>
      %parallel_loop3A_1445 = arith.mulf %parallel_loop3A_1434, %parallel_loop3A_1444 : vector<16xf32>
      %parallel_loop3A_1446 = arith.constant 9.000000e+00 : f32
      %parallel_loop3A_1447 = vector.broadcast %parallel_loop3A_1446 : f32 to vector<16xf32>
      %parallel_loop3A_1448 = arith.minimumf %parallel_loop3A_1445, %parallel_loop3A_1447 : vector<16xf32>
      %parallel_loop3A_1449 = arith.fptosi %parallel_loop3A_1448 : vector<16xf32> to vector<16xi32>
      %parallel_loop3A_1450 = arith.addi %mul3A_515, %parallel_loop3A_1449 : vector<16xi32>
      %parallel_loop3A_1451 = arith.constant -0.0554593131 : f32
      %parallel_loop3A_1452 = vector.broadcast %parallel_loop3A_1451 : f32 to vector<16xf32>
      %parallel_loop3A_1453 = arith.mulf %parallel_loop3A_1452, %parallel_loop3A_1426 : vector<16xf32>
      %parallel_loop3A_1454 = arith.constant 0.218665481 : f32
      %parallel_loop3A_1455 = vector.broadcast %parallel_loop3A_1454 : f32 to vector<16xf32>
      %parallel_loop3A_1456 = arith.addf %parallel_loop3A_1453, %parallel_loop3A_1455 : vector<16xf32>
      %parallel_loop3A_1457 = arith.mulf %parallel_loop3A_1452, %parallel_loop3A_1430 : vector<16xf32>
      %parallel_loop3A_1458 = arith.constant 0.218665481 : f32
      %parallel_loop3A_1459 = vector.broadcast %parallel_loop3A_1458 : f32 to vector<16xf32>
      %parallel_loop3A_1460 = arith.addf %parallel_loop3A_1457, %parallel_loop3A_1459 : vector<16xf32>
      %parallel_loop3A_1461 = arith.mulf %parallel_loop3A_1456, %parallel_loop3A_1426 : vector<16xf32>
      %parallel_loop3A_1462 = arith.constant -0.466442436 : f32
      %parallel_loop3A_1463 = vector.broadcast %parallel_loop3A_1462 : f32 to vector<16xf32>
      %parallel_loop3A_1464 = arith.addf %parallel_loop3A_1461, %parallel_loop3A_1463 : vector<16xf32>
      %parallel_loop3A_1465 = arith.mulf %parallel_loop3A_1460, %parallel_loop3A_1430 : vector<16xf32>
      %parallel_loop3A_1466 = arith.constant -0.466442436 : f32
      %parallel_loop3A_1467 = vector.broadcast %parallel_loop3A_1466 : f32 to vector<16xf32>
      %parallel_loop3A_1468 = arith.addf %parallel_loop3A_1465, %parallel_loop3A_1467 : vector<16xf32>
      %parallel_loop3A_1469 = arith.mulf %parallel_loop3A_1464, %parallel_loop3A_1426 : vector<16xf32>
      %parallel_loop3A_1470 = arith.constant 0.996261954 : f32
      %parallel_loop3A_1471 = vector.broadcast %parallel_loop3A_1470 : f32 to vector<16xf32>
      %parallel_loop3A_1472 = arith.addf %parallel_loop3A_1469, %parallel_loop3A_1471 : vector<16xf32>
      %parallel_loop3A_1473 = arith.mulf %parallel_loop3A_1468, %parallel_loop3A_1430 : vector<16xf32>
      %parallel_loop3A_1474 = arith.constant 0.996261954 : f32
      %parallel_loop3A_1475 = vector.broadcast %parallel_loop3A_1474 : f32 to vector<16xf32>
      %parallel_loop3A_1476 = arith.addf %parallel_loop3A_1473, %parallel_loop3A_1475 : vector<16xf32>
      %parallel_loop3A_1477 = arith.mulf %parallel_loop3A_1472, %parallel_loop3A_1426 : vector<16xf32>
      %parallel_loop3A_1478 = arith.constant 6.94457412E-5 : f32
      %parallel_loop3A_1479 = vector.broadcast %parallel_loop3A_1478 : f32 to vector<16xf32>
      %parallel_loop3A_1480 = arith.addf %parallel_loop3A_1477, %parallel_loop3A_1479 : vector<16xf32>
      %parallel_loop3A_1481 = arith.mulf %parallel_loop3A_1476, %parallel_loop3A_1430 : vector<16xf32>
      %parallel_loop3A_1482 = arith.constant 6.94457412E-5 : f32
      %parallel_loop3A_1483 = vector.broadcast %parallel_loop3A_1482 : f32 to vector<16xf32>
      %parallel_loop3A_1484 = arith.addf %parallel_loop3A_1481, %parallel_loop3A_1483 : vector<16xf32>
      %parallel_loop3A_1485 = arith.constant 0.000000e+00 : f32
      %parallel_loop3A_1486 = vector.broadcast %parallel_loop3A_1485 : f32 to vector<16xf32>
      %parallel_loop3A_1487 = arith.maximumf %parallel_loop3A_1395, %parallel_loop3A_1486 : vector<16xf32>
      %parallel_loop3A_1488 = arith.mulf %parallel_loop3A_1395, %parallel_loop3A_1397 : vector<16xf32>
      %parallel_loop3A_1489 = arith.subf %parallel_loop3A_1487, %parallel_loop3A_1488 : vector<16xf32>
      %parallel_loop3A_1490 = arith.addf %parallel_loop3A_1489, %parallel_loop3A_1480 : vector<16xf32>
      %parallel_loop3A_1491 = arith.constant 0.000000e+00 : f32
      %parallel_loop3A_1492 = vector.broadcast %parallel_loop3A_1491 : f32 to vector<16xf32>
      %parallel_loop3A_1493 = arith.maximumf %parallel_loop3A_1396, %parallel_loop3A_1492 : vector<16xf32>
      %parallel_loop3A_1494 = arith.mulf %parallel_loop3A_1396, %parallel_loop3A_1398 : vector<16xf32>
      %parallel_loop3A_1495 = arith.subf %parallel_loop3A_1493, %parallel_loop3A_1494 : vector<16xf32>
      %parallel_loop3A_1496 = arith.addf %parallel_loop3A_1495, %parallel_loop3A_1484 : vector<16xf32>
      %parallel_loop3A_1497 = arith.mulf %parallel_loop3A_1490, %parallel_loop3A_1401 : vector<16xf32>
      tpu.vector_store_idx %arg15[%parallel_loop3A_1442], %parallel_loop3A_1497 {add = true} : memref<256xf32, #tpu.memory_space<vmem>>[vector<16xi32>], vector<16xf32>,
      tpu.vector_store_idx %arg23[%parallel_loop3A_1442], %parallel_loop3A_1401 {add = true} : memref<256xf32, #tpu.memory_space<vmem>>[vector<16xi32>], vector<16xf32>,
      %parallel_loop3A_1498 = arith.mulf %parallel_loop3A_1496, %parallel_loop3A_1402 : vector<16xf32>
      tpu.vector_store_idx %arg16[%parallel_loop3A_1450], %parallel_loop3A_1498 {add = true} : memref<256xf32, #tpu.memory_space<vmem>>[vector<16xi32>], vector<16xf32>,
      tpu.vector_store_idx %arg24[%parallel_loop3A_1450], %parallel_loop3A_1402 {add = true} : memref<256xf32, #tpu.memory_space<vmem>>[vector<16xi32>], vector<16xf32>,
    } {sc.loop_unroll_factor = 1 : i64, sc.parallel_access}
    %get3A = arith.constant 0 : index
    %get3A_615 = tpu.vector_load %arg15[%get3A] {strides = array<i32>} : memref<256xf32, #tpu.memory_space<vmem>>, vector<16xf32>,
    %get3A_616 = arith.constant 0 : index
    %get3A_617 = tpu.vector_load %arg23[%get3A_616] {strides = array<i32>} : memref<256xf32, #tpu.memory_space<vmem>>, vector<16xf32>,
    %get3A_618 = arith.constant 16 : index
    %get3A_619 = tpu.vector_load %arg15[%get3A_618] {strides = array<i32>} : memref<256xf32, #tpu.memory_space<vmem>>, vector<16xf32>,
    %add3A_620 = arith.addf %get3A_615, %get3A_619 : vector<16xf32>
    %get3A_621 = arith.constant 16 : index
    %get3A_622 = tpu.vector_load %arg23[%get3A_621] {strides = array<i32>} : memref<256xf32, #tpu.memory_space<vmem>>, vector<16xf32>,
    %add3A_623 = arith.addf %get3A_617, %get3A_622 : vector<16xf32>
    %get3A_624 = arith.constant 32 : index
    %get3A_625 = tpu.vector_load %arg15[%get3A_624] {strides = array<i32>} : memref<256xf32, #tpu.memory_space<vmem>>, vector<16xf32>,
    %add3A_626 = arith.addf %add3A_620, %get3A_625 : vector<16xf32>
    %get3A_627 = arith.constant 32 : index
    %get3A_628 = tpu.vector_load %arg23[%get3A_627] {strides = array<i32>} : memref<256xf32, #tpu.memory_space<vmem>>, vector<16xf32>,
    %add3A_629 = arith.addf %add3A_623, %get3A_628 : vector<16xf32>
    %get3A_630 = arith.constant 48 : index
    %get3A_631 = tpu.vector_load %arg15[%get3A_630] {strides = array<i32>} : memref<256xf32, #tpu.memory_space<vmem>>, vector<16xf32>,
    %add3A_632 = arith.addf %add3A_626, %get3A_631 : vector<16xf32>
    %get3A_633 = arith.constant 48 : index
    %get3A_634 = tpu.vector_load %arg23[%get3A_633] {strides = array<i32>} : memref<256xf32, #tpu.memory_space<vmem>>, vector<16xf32>,
    %add3A_635 = arith.addf %add3A_629, %get3A_634 : vector<16xf32>
    %get3A_636 = arith.constant 64 : index
    %get3A_637 = tpu.vector_load %arg15[%get3A_636] {strides = array<i32>} : memref<256xf32, #tpu.memory_space<vmem>>, vector<16xf32>,
    %add3A_638 = arith.addf %add3A_632, %get3A_637 : vector<16xf32>
    %get3A_639 = arith.constant 64 : index
    %get3A_640 = tpu.vector_load %arg23[%get3A_639] {strides = array<i32>} : memref<256xf32, #tpu.memory_space<vmem>>, vector<16xf32>,
    %add3A_641 = arith.addf %add3A_635, %get3A_640 : vector<16xf32>
    %get3A_642 = arith.constant 80 : index
    %get3A_643 = tpu.vector_load %arg15[%get3A_642] {strides = array<i32>} : memref<256xf32, #tpu.memory_space<vmem>>, vector<16xf32>,
    %add3A_644 = arith.addf %add3A_638, %get3A_643 : vector<16xf32>
    %get3A_645 = arith.constant 80 : index
    %get3A_646 = tpu.vector_load %arg23[%get3A_645] {strides = array<i32>} : memref<256xf32, #tpu.memory_space<vmem>>, vector<16xf32>,
    %add3A_647 = arith.addf %add3A_641, %get3A_646 : vector<16xf32>
    %get3A_648 = arith.constant 96 : index
    %get3A_649 = tpu.vector_load %arg15[%get3A_648] {strides = array<i32>} : memref<256xf32, #tpu.memory_space<vmem>>, vector<16xf32>,
    %add3A_650 = arith.addf %add3A_644, %get3A_649 : vector<16xf32>
    %get3A_651 = arith.constant 96 : index
    %get3A_652 = tpu.vector_load %arg23[%get3A_651] {strides = array<i32>} : memref<256xf32, #tpu.memory_space<vmem>>, vector<16xf32>,
    %add3A_653 = arith.addf %add3A_647, %get3A_652 : vector<16xf32>
    %get3A_654 = arith.constant 112 : index
    %get3A_655 = tpu.vector_load %arg15[%get3A_654] {strides = array<i32>} : memref<256xf32, #tpu.memory_space<vmem>>, vector<16xf32>,
    %add3A_656 = arith.addf %add3A_650, %get3A_655 : vector<16xf32>
    %get3A_657 = arith.constant 112 : index
    %get3A_658 = tpu.vector_load %arg23[%get3A_657] {strides = array<i32>} : memref<256xf32, #tpu.memory_space<vmem>>, vector<16xf32>,
    %add3A_659 = arith.addf %add3A_653, %get3A_658 : vector<16xf32>
    %get3A_660 = arith.constant 128 : index
    %get3A_661 = tpu.vector_load %arg15[%get3A_660] {strides = array<i32>} : memref<256xf32, #tpu.memory_space<vmem>>, vector<16xf32>,
    %add3A_662 = arith.addf %add3A_656, %get3A_661 : vector<16xf32>
    %get3A_663 = arith.constant 128 : index
    %get3A_664 = tpu.vector_load %arg23[%get3A_663] {strides = array<i32>} : memref<256xf32, #tpu.memory_space<vmem>>, vector<16xf32>,
    %add3A_665 = arith.addf %add3A_659, %get3A_664 : vector<16xf32>
    %get3A_666 = arith.constant 144 : index
    %get3A_667 = tpu.vector_load %arg15[%get3A_666] {strides = array<i32>} : memref<256xf32, #tpu.memory_space<vmem>>, vector<16xf32>,
    %add3A_668 = arith.addf %add3A_662, %get3A_667 : vector<16xf32>
    %get3A_669 = arith.constant 144 : index
    %get3A_670 = tpu.vector_load %arg23[%get3A_669] {strides = array<i32>} : memref<256xf32, #tpu.memory_space<vmem>>, vector<16xf32>,
    %add3A_671 = arith.addf %add3A_665, %get3A_670 : vector<16xf32>
    %get3A_672 = arith.constant 160 : index
    %get3A_673 = tpu.vector_load %arg15[%get3A_672] {strides = array<i32>} : memref<256xf32, #tpu.memory_space<vmem>>, vector<16xf32>,
    %add3A_674 = arith.addf %add3A_668, %get3A_673 : vector<16xf32>
    %get3A_675 = arith.constant 160 : index
    %get3A_676 = tpu.vector_load %arg23[%get3A_675] {strides = array<i32>} : memref<256xf32, #tpu.memory_space<vmem>>, vector<16xf32>,
    %add3A_677 = arith.addf %add3A_671, %get3A_676 : vector<16xf32>
    %get3A_678 = arith.constant 176 : index
    %get3A_679 = tpu.vector_load %arg15[%get3A_678] {strides = array<i32>} : memref<256xf32, #tpu.memory_space<vmem>>, vector<16xf32>,
    %add3A_680 = arith.addf %add3A_674, %get3A_679 : vector<16xf32>
    %get3A_681 = arith.constant 176 : index
    %get3A_682 = tpu.vector_load %arg23[%get3A_681] {strides = array<i32>} : memref<256xf32, #tpu.memory_space<vmem>>, vector<16xf32>,
    %add3A_683 = arith.addf %add3A_677, %get3A_682 : vector<16xf32>
    %get3A_684 = arith.constant 192 : index
    %get3A_685 = tpu.vector_load %arg15[%get3A_684] {strides = array<i32>} : memref<256xf32, #tpu.memory_space<vmem>>, vector<16xf32>,
    %add3A_686 = arith.addf %add3A_680, %get3A_685 : vector<16xf32>
    %get3A_687 = arith.constant 192 : index
    %get3A_688 = tpu.vector_load %arg23[%get3A_687] {strides = array<i32>} : memref<256xf32, #tpu.memory_space<vmem>>, vector<16xf32>,
    %add3A_689 = arith.addf %add3A_683, %get3A_688 : vector<16xf32>
    %get3A_690 = arith.constant 208 : index
    %get3A_691 = tpu.vector_load %arg15[%get3A_690] {strides = array<i32>} : memref<256xf32, #tpu.memory_space<vmem>>, vector<16xf32>,
    %add3A_692 = arith.addf %add3A_686, %get3A_691 : vector<16xf32>
    %get3A_693 = arith.constant 208 : index
    %get3A_694 = tpu.vector_load %arg23[%get3A_693] {strides = array<i32>} : memref<256xf32, #tpu.memory_space<vmem>>, vector<16xf32>,
    %add3A_695 = arith.addf %add3A_689, %get3A_694 : vector<16xf32>
    %get3A_696 = arith.constant 224 : index
    %get3A_697 = tpu.vector_load %arg15[%get3A_696] {strides = array<i32>} : memref<256xf32, #tpu.memory_space<vmem>>, vector<16xf32>,
    %add3A_698 = arith.addf %add3A_692, %get3A_697 : vector<16xf32>
    %get3A_699 = arith.constant 224 : index
    %get3A_700 = tpu.vector_load %arg23[%get3A_699] {strides = array<i32>} : memref<256xf32, #tpu.memory_space<vmem>>, vector<16xf32>,
    %add3A_701 = arith.addf %add3A_695, %get3A_700 : vector<16xf32>
    %get3A_702 = arith.constant 240 : index
    %get3A_703 = tpu.vector_load %arg15[%get3A_702] {strides = array<i32>} : memref<256xf32, #tpu.memory_space<vmem>>, vector<16xf32>,
    %add3A_704 = arith.addf %add3A_698, %get3A_703 : vector<16xf32>
    %get3A_705 = arith.constant 240 : index
    %get3A_706 = tpu.vector_load %arg23[%get3A_705] {strides = array<i32>} : memref<256xf32, #tpu.memory_space<vmem>>, vector<16xf32>,
    %add3A_707 = arith.addf %add3A_701, %get3A_706 : vector<16xf32>
    %get3A_708 = arith.constant 0 : index
    %get3A_709 = tpu.vector_load %arg16[%get3A_708] {strides = array<i32>} : memref<256xf32, #tpu.memory_space<vmem>>, vector<16xf32>,
    %add3A_710 = arith.addf %add3A_704, %get3A_709 : vector<16xf32>
    %get3A_711 = arith.constant 0 : index
    %get3A_712 = tpu.vector_load %arg24[%get3A_711] {strides = array<i32>} : memref<256xf32, #tpu.memory_space<vmem>>, vector<16xf32>,
    %add3A_713 = arith.addf %add3A_707, %get3A_712 : vector<16xf32>
    %get3A_714 = arith.constant 16 : index
    %get3A_715 = tpu.vector_load %arg16[%get3A_714] {strides = array<i32>} : memref<256xf32, #tpu.memory_space<vmem>>, vector<16xf32>,
    %add3A_716 = arith.addf %add3A_710, %get3A_715 : vector<16xf32>
    %get3A_717 = arith.constant 16 : index
    %get3A_718 = tpu.vector_load %arg24[%get3A_717] {strides = array<i32>} : memref<256xf32, #tpu.memory_space<vmem>>, vector<16xf32>,
    %add3A_719 = arith.addf %add3A_713, %get3A_718 : vector<16xf32>
    %get3A_720 = arith.constant 32 : index
    %get3A_721 = tpu.vector_load %arg16[%get3A_720] {strides = array<i32>} : memref<256xf32, #tpu.memory_space<vmem>>, vector<16xf32>,
    %add3A_722 = arith.addf %add3A_716, %get3A_721 : vector<16xf32>
    %get3A_723 = arith.constant 32 : index
    %get3A_724 = tpu.vector_load %arg24[%get3A_723] {strides = array<i32>} : memref<256xf32, #tpu.memory_space<vmem>>, vector<16xf32>,
    %add3A_725 = arith.addf %add3A_719, %get3A_724 : vector<16xf32>
    %get3A_726 = arith.constant 48 : index
    %get3A_727 = tpu.vector_load %arg16[%get3A_726] {strides = array<i32>} : memref<256xf32, #tpu.memory_space<vmem>>, vector<16xf32>,
    %add3A_728 = arith.addf %add3A_722, %get3A_727 : vector<16xf32>
    %get3A_729 = arith.constant 48 : index
    %get3A_730 = tpu.vector_load %arg24[%get3A_729] {strides = array<i32>} : memref<256xf32, #tpu.memory_space<vmem>>, vector<16xf32>,
    %add3A_731 = arith.addf %add3A_725, %get3A_730 : vector<16xf32>
    %get3A_732 = arith.constant 64 : index
    %get3A_733 = tpu.vector_load %arg16[%get3A_732] {strides = array<i32>} : memref<256xf32, #tpu.memory_space<vmem>>, vector<16xf32>,
    %add3A_734 = arith.addf %add3A_728, %get3A_733 : vector<16xf32>
    %get3A_735 = arith.constant 64 : index
    %get3A_736 = tpu.vector_load %arg24[%get3A_735] {strides = array<i32>} : memref<256xf32, #tpu.memory_space<vmem>>, vector<16xf32>,
    %add3A_737 = arith.addf %add3A_731, %get3A_736 : vector<16xf32>
    %get3A_738 = arith.constant 80 : index
    %get3A_739 = tpu.vector_load %arg16[%get3A_738] {strides = array<i32>} : memref<256xf32, #tpu.memory_space<vmem>>, vector<16xf32>,
    %add3A_740 = arith.addf %add3A_734, %get3A_739 : vector<16xf32>
    %get3A_741 = arith.constant 80 : index
    %get3A_742 = tpu.vector_load %arg24[%get3A_741] {strides = array<i32>} : memref<256xf32, #tpu.memory_space<vmem>>, vector<16xf32>,
    %add3A_743 = arith.addf %add3A_737, %get3A_742 : vector<16xf32>
    %get3A_744 = arith.constant 96 : index
    %get3A_745 = tpu.vector_load %arg16[%get3A_744] {strides = array<i32>} : memref<256xf32, #tpu.memory_space<vmem>>, vector<16xf32>,
    %add3A_746 = arith.addf %add3A_740, %get3A_745 : vector<16xf32>
    %get3A_747 = arith.constant 96 : index
    %get3A_748 = tpu.vector_load %arg24[%get3A_747] {strides = array<i32>} : memref<256xf32, #tpu.memory_space<vmem>>, vector<16xf32>,
    %add3A_749 = arith.addf %add3A_743, %get3A_748 : vector<16xf32>
    %get3A_750 = arith.constant 112 : index
    %get3A_751 = tpu.vector_load %arg16[%get3A_750] {strides = array<i32>} : memref<256xf32, #tpu.memory_space<vmem>>, vector<16xf32>,
    %add3A_752 = arith.addf %add3A_746, %get3A_751 : vector<16xf32>
    %get3A_753 = arith.constant 112 : index
    %get3A_754 = tpu.vector_load %arg24[%get3A_753] {strides = array<i32>} : memref<256xf32, #tpu.memory_space<vmem>>, vector<16xf32>,
    %add3A_755 = arith.addf %add3A_749, %get3A_754 : vector<16xf32>
    %get3A_756 = arith.constant 128 : index
    %get3A_757 = tpu.vector_load %arg16[%get3A_756] {strides = array<i32>} : memref<256xf32, #tpu.memory_space<vmem>>, vector<16xf32>,
    %add3A_758 = arith.addf %add3A_752, %get3A_757 : vector<16xf32>
    %get3A_759 = arith.constant 128 : index
    %get3A_760 = tpu.vector_load %arg24[%get3A_759] {strides = array<i32>} : memref<256xf32, #tpu.memory_space<vmem>>, vector<16xf32>,
    %add3A_761 = arith.addf %add3A_755, %get3A_760 : vector<16xf32>
    %get3A_762 = arith.constant 144 : index
    %get3A_763 = tpu.vector_load %arg16[%get3A_762] {strides = array<i32>} : memref<256xf32, #tpu.memory_space<vmem>>, vector<16xf32>,
    %add3A_764 = arith.addf %add3A_758, %get3A_763 : vector<16xf32>
    %get3A_765 = arith.constant 144 : index
    %get3A_766 = tpu.vector_load %arg24[%get3A_765] {strides = array<i32>} : memref<256xf32, #tpu.memory_space<vmem>>, vector<16xf32>,
    %add3A_767 = arith.addf %add3A_761, %get3A_766 : vector<16xf32>
    %get3A_768 = arith.constant 160 : index
    %get3A_769 = tpu.vector_load %arg16[%get3A_768] {strides = array<i32>} : memref<256xf32, #tpu.memory_space<vmem>>, vector<16xf32>,
    %add3A_770 = arith.addf %add3A_764, %get3A_769 : vector<16xf32>
    %get3A_771 = arith.constant 160 : index
    %get3A_772 = tpu.vector_load %arg24[%get3A_771] {strides = array<i32>} : memref<256xf32, #tpu.memory_space<vmem>>, vector<16xf32>,
    %add3A_773 = arith.addf %add3A_767, %get3A_772 : vector<16xf32>
    %get3A_774 = arith.constant 176 : index
    %get3A_775 = tpu.vector_load %arg16[%get3A_774] {strides = array<i32>} : memref<256xf32, #tpu.memory_space<vmem>>, vector<16xf32>,
    %add3A_776 = arith.addf %add3A_770, %get3A_775 : vector<16xf32>
    %get3A_777 = arith.constant 176 : index
    %get3A_778 = tpu.vector_load %arg24[%get3A_777] {strides = array<i32>} : memref<256xf32, #tpu.memory_space<vmem>>, vector<16xf32>,
    %add3A_779 = arith.addf %add3A_773, %get3A_778 : vector<16xf32>
    %get3A_780 = arith.constant 192 : index
    %get3A_781 = tpu.vector_load %arg16[%get3A_780] {strides = array<i32>} : memref<256xf32, #tpu.memory_space<vmem>>, vector<16xf32>,
    %add3A_782 = arith.addf %add3A_776, %get3A_781 : vector<16xf32>
    %get3A_783 = arith.constant 192 : index
    %get3A_784 = tpu.vector_load %arg24[%get3A_783] {strides = array<i32>} : memref<256xf32, #tpu.memory_space<vmem>>, vector<16xf32>,
    %add3A_785 = arith.addf %add3A_779, %get3A_784 : vector<16xf32>
    %get3A_786 = arith.constant 208 : index
    %get3A_787 = tpu.vector_load %arg16[%get3A_786] {strides = array<i32>} : memref<256xf32, #tpu.memory_space<vmem>>, vector<16xf32>,
    %add3A_788 = arith.addf %add3A_782, %get3A_787 : vector<16xf32>
    %get3A_789 = arith.constant 208 : index
    %get3A_790 = tpu.vector_load %arg24[%get3A_789] {strides = array<i32>} : memref<256xf32, #tpu.memory_space<vmem>>, vector<16xf32>,
    %add3A_791 = arith.addf %add3A_785, %get3A_790 : vector<16xf32>
    %get3A_792 = arith.constant 224 : index
    %get3A_793 = tpu.vector_load %arg16[%get3A_792] {strides = array<i32>} : memref<256xf32, #tpu.memory_space<vmem>>, vector<16xf32>,
    %add3A_794 = arith.addf %add3A_788, %get3A_793 : vector<16xf32>
    %get3A_795 = arith.constant 224 : index
    %get3A_796 = tpu.vector_load %arg24[%get3A_795] {strides = array<i32>} : memref<256xf32, #tpu.memory_space<vmem>>, vector<16xf32>,
    %add3A_797 = arith.addf %add3A_791, %get3A_796 : vector<16xf32>
    %get3A_798 = arith.constant 240 : index
    %get3A_799 = tpu.vector_load %arg16[%get3A_798] {strides = array<i32>} : memref<256xf32, #tpu.memory_space<vmem>>, vector<16xf32>,
    %add3A_800 = arith.addf %add3A_794, %get3A_799 : vector<16xf32>
    %get3A_801 = arith.constant 240 : index
    %get3A_802 = tpu.vector_load %arg24[%get3A_801] {strides = array<i32>} : memref<256xf32, #tpu.memory_space<vmem>>, vector<16xf32>,
    %add3A_803 = arith.addf %add3A_797, %get3A_802 : vector<16xf32>
    %get3A_804 = arith.constant 0 : index
    %get3A_805 = tpu.vector_load %arg17[%get3A_804] {strides = array<i32>} : memref<256xf32, #tpu.memory_space<vmem>>, vector<16xf32>,
    %add3A_806 = arith.addf %add3A_800, %get3A_805 : vector<16xf32>
    %get3A_807 = arith.constant 0 : index
    %get3A_808 = tpu.vector_load %arg25[%get3A_807] {strides = array<i32>} : memref<256xf32, #tpu.memory_space<vmem>>, vector<16xf32>,
    %add3A_809 = arith.addf %add3A_803, %get3A_808 : vector<16xf32>
    %get3A_810 = arith.constant 16 : index
    %get3A_811 = tpu.vector_load %arg17[%get3A_810] {strides = array<i32>} : memref<256xf32, #tpu.memory_space<vmem>>, vector<16xf32>,
    %add3A_812 = arith.addf %add3A_806, %get3A_811 : vector<16xf32>
    %get3A_813 = arith.constant 16 : index
    %get3A_814 = tpu.vector_load %arg25[%get3A_813] {strides = array<i32>} : memref<256xf32, #tpu.memory_space<vmem>>, vector<16xf32>,
    %add3A_815 = arith.addf %add3A_809, %get3A_814 : vector<16xf32>
    %get3A_816 = arith.constant 32 : index
    %get3A_817 = tpu.vector_load %arg17[%get3A_816] {strides = array<i32>} : memref<256xf32, #tpu.memory_space<vmem>>, vector<16xf32>,
    %add3A_818 = arith.addf %add3A_812, %get3A_817 : vector<16xf32>
    %get3A_819 = arith.constant 32 : index
    %get3A_820 = tpu.vector_load %arg25[%get3A_819] {strides = array<i32>} : memref<256xf32, #tpu.memory_space<vmem>>, vector<16xf32>,
    %add3A_821 = arith.addf %add3A_815, %get3A_820 : vector<16xf32>
    %get3A_822 = arith.constant 48 : index
    %get3A_823 = tpu.vector_load %arg17[%get3A_822] {strides = array<i32>} : memref<256xf32, #tpu.memory_space<vmem>>, vector<16xf32>,
    %add3A_824 = arith.addf %add3A_818, %get3A_823 : vector<16xf32>
    %get3A_825 = arith.constant 48 : index
    %get3A_826 = tpu.vector_load %arg25[%get3A_825] {strides = array<i32>} : memref<256xf32, #tpu.memory_space<vmem>>, vector<16xf32>,
    %add3A_827 = arith.addf %add3A_821, %get3A_826 : vector<16xf32>
    %get3A_828 = arith.constant 64 : index
    %get3A_829 = tpu.vector_load %arg17[%get3A_828] {strides = array<i32>} : memref<256xf32, #tpu.memory_space<vmem>>, vector<16xf32>,
    %add3A_830 = arith.addf %add3A_824, %get3A_829 : vector<16xf32>
    %get3A_831 = arith.constant 64 : index
    %get3A_832 = tpu.vector_load %arg25[%get3A_831] {strides = array<i32>} : memref<256xf32, #tpu.memory_space<vmem>>, vector<16xf32>,
    %add3A_833 = arith.addf %add3A_827, %get3A_832 : vector<16xf32>
    %get3A_834 = arith.constant 80 : index
    %get3A_835 = tpu.vector_load %arg17[%get3A_834] {strides = array<i32>} : memref<256xf32, #tpu.memory_space<vmem>>, vector<16xf32>,
    %add3A_836 = arith.addf %add3A_830, %get3A_835 : vector<16xf32>
    %get3A_837 = arith.constant 80 : index
    %get3A_838 = tpu.vector_load %arg25[%get3A_837] {strides = array<i32>} : memref<256xf32, #tpu.memory_space<vmem>>, vector<16xf32>,
    %add3A_839 = arith.addf %add3A_833, %get3A_838 : vector<16xf32>
    %get3A_840 = arith.constant 96 : index
    %get3A_841 = tpu.vector_load %arg17[%get3A_840] {strides = array<i32>} : memref<256xf32, #tpu.memory_space<vmem>>, vector<16xf32>,
    %add3A_842 = arith.addf %add3A_836, %get3A_841 : vector<16xf32>
    %get3A_843 = arith.constant 96 : index
    %get3A_844 = tpu.vector_load %arg25[%get3A_843] {strides = array<i32>} : memref<256xf32, #tpu.memory_space<vmem>>, vector<16xf32>,
    %add3A_845 = arith.addf %add3A_839, %get3A_844 : vector<16xf32>
    %get3A_846 = arith.constant 112 : index
    %get3A_847 = tpu.vector_load %arg17[%get3A_846] {strides = array<i32>} : memref<256xf32, #tpu.memory_space<vmem>>, vector<16xf32>,
    %add3A_848 = arith.addf %add3A_842, %get3A_847 : vector<16xf32>
    %get3A_849 = arith.constant 112 : index
    %get3A_850 = tpu.vector_load %arg25[%get3A_849] {strides = array<i32>} : memref<256xf32, #tpu.memory_space<vmem>>, vector<16xf32>,
    %add3A_851 = arith.addf %add3A_845, %get3A_850 : vector<16xf32>
    %get3A_852 = arith.constant 128 : index
    %get3A_853 = tpu.vector_load %arg17[%get3A_852] {strides = array<i32>} : memref<256xf32, #tpu.memory_space<vmem>>, vector<16xf32>,
    %add3A_854 = arith.addf %add3A_848, %get3A_853 : vector<16xf32>
    %get3A_855 = arith.constant 128 : index
    %get3A_856 = tpu.vector_load %arg25[%get3A_855] {strides = array<i32>} : memref<256xf32, #tpu.memory_space<vmem>>, vector<16xf32>,
    %add3A_857 = arith.addf %add3A_851, %get3A_856 : vector<16xf32>
    %get3A_858 = arith.constant 144 : index
    %get3A_859 = tpu.vector_load %arg17[%get3A_858] {strides = array<i32>} : memref<256xf32, #tpu.memory_space<vmem>>, vector<16xf32>,
    %add3A_860 = arith.addf %add3A_854, %get3A_859 : vector<16xf32>
    %get3A_861 = arith.constant 144 : index
    %get3A_862 = tpu.vector_load %arg25[%get3A_861] {strides = array<i32>} : memref<256xf32, #tpu.memory_space<vmem>>, vector<16xf32>,
    %add3A_863 = arith.addf %add3A_857, %get3A_862 : vector<16xf32>
    %get3A_864 = arith.constant 160 : index
    %get3A_865 = tpu.vector_load %arg17[%get3A_864] {strides = array<i32>} : memref<256xf32, #tpu.memory_space<vmem>>, vector<16xf32>,
    %add3A_866 = arith.addf %add3A_860, %get3A_865 : vector<16xf32>
    %get3A_867 = arith.constant 160 : index
    %get3A_868 = tpu.vector_load %arg25[%get3A_867] {strides = array<i32>} : memref<256xf32, #tpu.memory_space<vmem>>, vector<16xf32>,
    %add3A_869 = arith.addf %add3A_863, %get3A_868 : vector<16xf32>
    %get3A_870 = arith.constant 176 : index
    %get3A_871 = tpu.vector_load %arg17[%get3A_870] {strides = array<i32>} : memref<256xf32, #tpu.memory_space<vmem>>, vector<16xf32>,
    %add3A_872 = arith.addf %add3A_866, %get3A_871 : vector<16xf32>
    %get3A_873 = arith.constant 176 : index
    %get3A_874 = tpu.vector_load %arg25[%get3A_873] {strides = array<i32>} : memref<256xf32, #tpu.memory_space<vmem>>, vector<16xf32>,
    %add3A_875 = arith.addf %add3A_869, %get3A_874 : vector<16xf32>
    %get3A_876 = arith.constant 192 : index
    %get3A_877 = tpu.vector_load %arg17[%get3A_876] {strides = array<i32>} : memref<256xf32, #tpu.memory_space<vmem>>, vector<16xf32>,
    %add3A_878 = arith.addf %add3A_872, %get3A_877 : vector<16xf32>
    %get3A_879 = arith.constant 192 : index
    %get3A_880 = tpu.vector_load %arg25[%get3A_879] {strides = array<i32>} : memref<256xf32, #tpu.memory_space<vmem>>, vector<16xf32>,
    %add3A_881 = arith.addf %add3A_875, %get3A_880 : vector<16xf32>
    %get3A_882 = arith.constant 208 : index
    %get3A_883 = tpu.vector_load %arg17[%get3A_882] {strides = array<i32>} : memref<256xf32, #tpu.memory_space<vmem>>, vector<16xf32>,
    %add3A_884 = arith.addf %add3A_878, %get3A_883 : vector<16xf32>
    %get3A_885 = arith.constant 208 : index
    %get3A_886 = tpu.vector_load %arg25[%get3A_885] {strides = array<i32>} : memref<256xf32, #tpu.memory_space<vmem>>, vector<16xf32>,
    %add3A_887 = arith.addf %add3A_881, %get3A_886 : vector<16xf32>
    %get3A_888 = arith.constant 224 : index
    %get3A_889 = tpu.vector_load %arg17[%get3A_888] {strides = array<i32>} : memref<256xf32, #tpu.memory_space<vmem>>, vector<16xf32>,
    %add3A_890 = arith.addf %add3A_884, %get3A_889 : vector<16xf32>
    %get3A_891 = arith.constant 224 : index
    %get3A_892 = tpu.vector_load %arg25[%get3A_891] {strides = array<i32>} : memref<256xf32, #tpu.memory_space<vmem>>, vector<16xf32>,
    %add3A_893 = arith.addf %add3A_887, %get3A_892 : vector<16xf32>
    %get3A_894 = arith.constant 240 : index
    %get3A_895 = tpu.vector_load %arg17[%get3A_894] {strides = array<i32>} : memref<256xf32, #tpu.memory_space<vmem>>, vector<16xf32>,
    %add3A_896 = arith.addf %add3A_890, %get3A_895 : vector<16xf32>
    %get3A_897 = arith.constant 240 : index
    %get3A_898 = tpu.vector_load %arg25[%get3A_897] {strides = array<i32>} : memref<256xf32, #tpu.memory_space<vmem>>, vector<16xf32>,
    %add3A_899 = arith.addf %add3A_893, %get3A_898 : vector<16xf32>
    %get3A_900 = arith.constant 0 : index
    %get3A_901 = tpu.vector_load %arg18[%get3A_900] {strides = array<i32>} : memref<256xf32, #tpu.memory_space<vmem>>, vector<16xf32>,
    %add3A_902 = arith.addf %add3A_896, %get3A_901 : vector<16xf32>
    %get3A_903 = arith.constant 0 : index
    %get3A_904 = tpu.vector_load %arg26[%get3A_903] {strides = array<i32>} : memref<256xf32, #tpu.memory_space<vmem>>, vector<16xf32>,
    %add3A_905 = arith.addf %add3A_899, %get3A_904 : vector<16xf32>
    %get3A_906 = arith.constant 16 : index
    %get3A_907 = tpu.vector_load %arg18[%get3A_906] {strides = array<i32>} : memref<256xf32, #tpu.memory_space<vmem>>, vector<16xf32>,
    %add3A_908 = arith.addf %add3A_902, %get3A_907 : vector<16xf32>
    %get3A_909 = arith.constant 16 : index
    %get3A_910 = tpu.vector_load %arg26[%get3A_909] {strides = array<i32>} : memref<256xf32, #tpu.memory_space<vmem>>, vector<16xf32>,
    %add3A_911 = arith.addf %add3A_905, %get3A_910 : vector<16xf32>
    %get3A_912 = arith.constant 32 : index
    %get3A_913 = tpu.vector_load %arg18[%get3A_912] {strides = array<i32>} : memref<256xf32, #tpu.memory_space<vmem>>, vector<16xf32>,
    %add3A_914 = arith.addf %add3A_908, %get3A_913 : vector<16xf32>
    %get3A_915 = arith.constant 32 : index
    %get3A_916 = tpu.vector_load %arg26[%get3A_915] {strides = array<i32>} : memref<256xf32, #tpu.memory_space<vmem>>, vector<16xf32>,
    %add3A_917 = arith.addf %add3A_911, %get3A_916 : vector<16xf32>
    %get3A_918 = arith.constant 48 : index
    %get3A_919 = tpu.vector_load %arg18[%get3A_918] {strides = array<i32>} : memref<256xf32, #tpu.memory_space<vmem>>, vector<16xf32>,
    %add3A_920 = arith.addf %add3A_914, %get3A_919 : vector<16xf32>
    %get3A_921 = arith.constant 48 : index
    %get3A_922 = tpu.vector_load %arg26[%get3A_921] {strides = array<i32>} : memref<256xf32, #tpu.memory_space<vmem>>, vector<16xf32>,
    %add3A_923 = arith.addf %add3A_917, %get3A_922 : vector<16xf32>
    %get3A_924 = arith.constant 64 : index
    %get3A_925 = tpu.vector_load %arg18[%get3A_924] {strides = array<i32>} : memref<256xf32, #tpu.memory_space<vmem>>, vector<16xf32>,
    %add3A_926 = arith.addf %add3A_920, %get3A_925 : vector<16xf32>
    %get3A_927 = arith.constant 64 : index
    %get3A_928 = tpu.vector_load %arg26[%get3A_927] {strides = array<i32>} : memref<256xf32, #tpu.memory_space<vmem>>, vector<16xf32>,
    %add3A_929 = arith.addf %add3A_923, %get3A_928 : vector<16xf32>
    %get3A_930 = arith.constant 80 : index
    %get3A_931 = tpu.vector_load %arg18[%get3A_930] {strides = array<i32>} : memref<256xf32, #tpu.memory_space<vmem>>, vector<16xf32>,
    %add3A_932 = arith.addf %add3A_926, %get3A_931 : vector<16xf32>
    %get3A_933 = arith.constant 80 : index
    %get3A_934 = tpu.vector_load %arg26[%get3A_933] {strides = array<i32>} : memref<256xf32, #tpu.memory_space<vmem>>, vector<16xf32>,
    %add3A_935 = arith.addf %add3A_929, %get3A_934 : vector<16xf32>
    %get3A_936 = arith.constant 96 : index
    %get3A_937 = tpu.vector_load %arg18[%get3A_936] {strides = array<i32>} : memref<256xf32, #tpu.memory_space<vmem>>, vector<16xf32>,
    %add3A_938 = arith.addf %add3A_932, %get3A_937 : vector<16xf32>
    %get3A_939 = arith.constant 96 : index
    %get3A_940 = tpu.vector_load %arg26[%get3A_939] {strides = array<i32>} : memref<256xf32, #tpu.memory_space<vmem>>, vector<16xf32>,
    %add3A_941 = arith.addf %add3A_935, %get3A_940 : vector<16xf32>
    %get3A_942 = arith.constant 112 : index
    %get3A_943 = tpu.vector_load %arg18[%get3A_942] {strides = array<i32>} : memref<256xf32, #tpu.memory_space<vmem>>, vector<16xf32>,
    %add3A_944 = arith.addf %add3A_938, %get3A_943 : vector<16xf32>
    %get3A_945 = arith.constant 112 : index
    %get3A_946 = tpu.vector_load %arg26[%get3A_945] {strides = array<i32>} : memref<256xf32, #tpu.memory_space<vmem>>, vector<16xf32>,
    %add3A_947 = arith.addf %add3A_941, %get3A_946 : vector<16xf32>
    %get3A_948 = arith.constant 128 : index
    %get3A_949 = tpu.vector_load %arg18[%get3A_948] {strides = array<i32>} : memref<256xf32, #tpu.memory_space<vmem>>, vector<16xf32>,
    %add3A_950 = arith.addf %add3A_944, %get3A_949 : vector<16xf32>
    %get3A_951 = arith.constant 128 : index
    %get3A_952 = tpu.vector_load %arg26[%get3A_951] {strides = array<i32>} : memref<256xf32, #tpu.memory_space<vmem>>, vector<16xf32>,
    %add3A_953 = arith.addf %add3A_947, %get3A_952 : vector<16xf32>
    %get3A_954 = arith.constant 144 : index
    %get3A_955 = tpu.vector_load %arg18[%get3A_954] {strides = array<i32>} : memref<256xf32, #tpu.memory_space<vmem>>, vector<16xf32>,
    %add3A_956 = arith.addf %add3A_950, %get3A_955 : vector<16xf32>
    %get3A_957 = arith.constant 144 : index
    %get3A_958 = tpu.vector_load %arg26[%get3A_957] {strides = array<i32>} : memref<256xf32, #tpu.memory_space<vmem>>, vector<16xf32>,
    %add3A_959 = arith.addf %add3A_953, %get3A_958 : vector<16xf32>
    %get3A_960 = arith.constant 160 : index
    %get3A_961 = tpu.vector_load %arg18[%get3A_960] {strides = array<i32>} : memref<256xf32, #tpu.memory_space<vmem>>, vector<16xf32>,
    %add3A_962 = arith.addf %add3A_956, %get3A_961 : vector<16xf32>
    %get3A_963 = arith.constant 160 : index
    %get3A_964 = tpu.vector_load %arg26[%get3A_963] {strides = array<i32>} : memref<256xf32, #tpu.memory_space<vmem>>, vector<16xf32>,
    %add3A_965 = arith.addf %add3A_959, %get3A_964 : vector<16xf32>
    %get3A_966 = arith.constant 176 : index
    %get3A_967 = tpu.vector_load %arg18[%get3A_966] {strides = array<i32>} : memref<256xf32, #tpu.memory_space<vmem>>, vector<16xf32>,
    %add3A_968 = arith.addf %add3A_962, %get3A_967 : vector<16xf32>
    %get3A_969 = arith.constant 176 : index
    %get3A_970 = tpu.vector_load %arg26[%get3A_969] {strides = array<i32>} : memref<256xf32, #tpu.memory_space<vmem>>, vector<16xf32>,
    %add3A_971 = arith.addf %add3A_965, %get3A_970 : vector<16xf32>
    %get3A_972 = arith.constant 192 : index
    %get3A_973 = tpu.vector_load %arg18[%get3A_972] {strides = array<i32>} : memref<256xf32, #tpu.memory_space<vmem>>, vector<16xf32>,
    %add3A_974 = arith.addf %add3A_968, %get3A_973 : vector<16xf32>
    %get3A_975 = arith.constant 192 : index
    %get3A_976 = tpu.vector_load %arg26[%get3A_975] {strides = array<i32>} : memref<256xf32, #tpu.memory_space<vmem>>, vector<16xf32>,
    %add3A_977 = arith.addf %add3A_971, %get3A_976 : vector<16xf32>
    %get3A_978 = arith.constant 208 : index
    %get3A_979 = tpu.vector_load %arg18[%get3A_978] {strides = array<i32>} : memref<256xf32, #tpu.memory_space<vmem>>, vector<16xf32>,
    %add3A_980 = arith.addf %add3A_974, %get3A_979 : vector<16xf32>
    %get3A_981 = arith.constant 208 : index
    %get3A_982 = tpu.vector_load %arg26[%get3A_981] {strides = array<i32>} : memref<256xf32, #tpu.memory_space<vmem>>, vector<16xf32>,
    %add3A_983 = arith.addf %add3A_977, %get3A_982 : vector<16xf32>
    %get3A_984 = arith.constant 224 : index
    %get3A_985 = tpu.vector_load %arg18[%get3A_984] {strides = array<i32>} : memref<256xf32, #tpu.memory_space<vmem>>, vector<16xf32>,
    %add3A_986 = arith.addf %add3A_980, %get3A_985 : vector<16xf32>
    %get3A_987 = arith.constant 224 : index
    %get3A_988 = tpu.vector_load %arg26[%get3A_987] {strides = array<i32>} : memref<256xf32, #tpu.memory_space<vmem>>, vector<16xf32>,
    %add3A_989 = arith.addf %add3A_983, %get3A_988 : vector<16xf32>
    %get3A_990 = arith.constant 240 : index
    %get3A_991 = tpu.vector_load %arg18[%get3A_990] {strides = array<i32>} : memref<256xf32, #tpu.memory_space<vmem>>, vector<16xf32>,
    %add3A_992 = arith.addf %add3A_986, %get3A_991 : vector<16xf32>
    %get3A_993 = arith.constant 240 : index
    %get3A_994 = tpu.vector_load %arg26[%get3A_993] {strides = array<i32>} : memref<256xf32, #tpu.memory_space<vmem>>, vector<16xf32>,
    %add3A_995 = arith.addf %add3A_989, %get3A_994 : vector<16xf32>
    %get3A_996 = arith.constant 0 : index
    %get3A_997 = tpu.vector_load %arg19[%get3A_996] {strides = array<i32>} : memref<256xf32, #tpu.memory_space<vmem>>, vector<16xf32>,
    %add3A_998 = arith.addf %add3A_992, %get3A_997 : vector<16xf32>
    %get3A_999 = arith.constant 0 : index
    %get3A_1000 = tpu.vector_load %arg27[%get3A_999] {strides = array<i32>} : memref<256xf32, #tpu.memory_space<vmem>>, vector<16xf32>,
    %add3A_1001 = arith.addf %add3A_995, %get3A_1000 : vector<16xf32>
    %get3A_1002 = arith.constant 16 : index
    %get3A_1003 = tpu.vector_load %arg19[%get3A_1002] {strides = array<i32>} : memref<256xf32, #tpu.memory_space<vmem>>, vector<16xf32>,
    %add3A_1004 = arith.addf %add3A_998, %get3A_1003 : vector<16xf32>
    %get3A_1005 = arith.constant 16 : index
    %get3A_1006 = tpu.vector_load %arg27[%get3A_1005] {strides = array<i32>} : memref<256xf32, #tpu.memory_space<vmem>>, vector<16xf32>,
    %add3A_1007 = arith.addf %add3A_1001, %get3A_1006 : vector<16xf32>
    %get3A_1008 = arith.constant 32 : index
    %get3A_1009 = tpu.vector_load %arg19[%get3A_1008] {strides = array<i32>} : memref<256xf32, #tpu.memory_space<vmem>>, vector<16xf32>,
    %add3A_1010 = arith.addf %add3A_1004, %get3A_1009 : vector<16xf32>
    %get3A_1011 = arith.constant 32 : index
    %get3A_1012 = tpu.vector_load %arg27[%get3A_1011] {strides = array<i32>} : memref<256xf32, #tpu.memory_space<vmem>>, vector<16xf32>,
    %add3A_1013 = arith.addf %add3A_1007, %get3A_1012 : vector<16xf32>
    %get3A_1014 = arith.constant 48 : index
    %get3A_1015 = tpu.vector_load %arg19[%get3A_1014] {strides = array<i32>} : memref<256xf32, #tpu.memory_space<vmem>>, vector<16xf32>,
    %add3A_1016 = arith.addf %add3A_1010, %get3A_1015 : vector<16xf32>
    %get3A_1017 = arith.constant 48 : index
    %get3A_1018 = tpu.vector_load %arg27[%get3A_1017] {strides = array<i32>} : memref<256xf32, #tpu.memory_space<vmem>>, vector<16xf32>,
    %add3A_1019 = arith.addf %add3A_1013, %get3A_1018 : vector<16xf32>
    %get3A_1020 = arith.constant 64 : index
    %get3A_1021 = tpu.vector_load %arg19[%get3A_1020] {strides = array<i32>} : memref<256xf32, #tpu.memory_space<vmem>>, vector<16xf32>,
    %add3A_1022 = arith.addf %add3A_1016, %get3A_1021 : vector<16xf32>
    %get3A_1023 = arith.constant 64 : index
    %get3A_1024 = tpu.vector_load %arg27[%get3A_1023] {strides = array<i32>} : memref<256xf32, #tpu.memory_space<vmem>>, vector<16xf32>,
    %add3A_1025 = arith.addf %add3A_1019, %get3A_1024 : vector<16xf32>
    %get3A_1026 = arith.constant 80 : index
    %get3A_1027 = tpu.vector_load %arg19[%get3A_1026] {strides = array<i32>} : memref<256xf32, #tpu.memory_space<vmem>>, vector<16xf32>,
    %add3A_1028 = arith.addf %add3A_1022, %get3A_1027 : vector<16xf32>
    %get3A_1029 = arith.constant 80 : index
    %get3A_1030 = tpu.vector_load %arg27[%get3A_1029] {strides = array<i32>} : memref<256xf32, #tpu.memory_space<vmem>>, vector<16xf32>,
    %add3A_1031 = arith.addf %add3A_1025, %get3A_1030 : vector<16xf32>
    %get3A_1032 = arith.constant 96 : index
    %get3A_1033 = tpu.vector_load %arg19[%get3A_1032] {strides = array<i32>} : memref<256xf32, #tpu.memory_space<vmem>>, vector<16xf32>,
    %add3A_1034 = arith.addf %add3A_1028, %get3A_1033 : vector<16xf32>
    %get3A_1035 = arith.constant 96 : index
    %get3A_1036 = tpu.vector_load %arg27[%get3A_1035] {strides = array<i32>} : memref<256xf32, #tpu.memory_space<vmem>>, vector<16xf32>,
    %add3A_1037 = arith.addf %add3A_1031, %get3A_1036 : vector<16xf32>
    %get3A_1038 = arith.constant 112 : index
    %get3A_1039 = tpu.vector_load %arg19[%get3A_1038] {strides = array<i32>} : memref<256xf32, #tpu.memory_space<vmem>>, vector<16xf32>,
    %add3A_1040 = arith.addf %add3A_1034, %get3A_1039 : vector<16xf32>
    %get3A_1041 = arith.constant 112 : index
    %get3A_1042 = tpu.vector_load %arg27[%get3A_1041] {strides = array<i32>} : memref<256xf32, #tpu.memory_space<vmem>>, vector<16xf32>,
    %add3A_1043 = arith.addf %add3A_1037, %get3A_1042 : vector<16xf32>
    %get3A_1044 = arith.constant 128 : index
    %get3A_1045 = tpu.vector_load %arg19[%get3A_1044] {strides = array<i32>} : memref<256xf32, #tpu.memory_space<vmem>>, vector<16xf32>,
    %add3A_1046 = arith.addf %add3A_1040, %get3A_1045 : vector<16xf32>
    %get3A_1047 = arith.constant 128 : index
    %get3A_1048 = tpu.vector_load %arg27[%get3A_1047] {strides = array<i32>} : memref<256xf32, #tpu.memory_space<vmem>>, vector<16xf32>,
    %add3A_1049 = arith.addf %add3A_1043, %get3A_1048 : vector<16xf32>
    %get3A_1050 = arith.constant 144 : index
    %get3A_1051 = tpu.vector_load %arg19[%get3A_1050] {strides = array<i32>} : memref<256xf32, #tpu.memory_space<vmem>>, vector<16xf32>,
    %add3A_1052 = arith.addf %add3A_1046, %get3A_1051 : vector<16xf32>
    %get3A_1053 = arith.constant 144 : index
    %get3A_1054 = tpu.vector_load %arg27[%get3A_1053] {strides = array<i32>} : memref<256xf32, #tpu.memory_space<vmem>>, vector<16xf32>,
    %add3A_1055 = arith.addf %add3A_1049, %get3A_1054 : vector<16xf32>
    %get3A_1056 = arith.constant 160 : index
    %get3A_1057 = tpu.vector_load %arg19[%get3A_1056] {strides = array<i32>} : memref<256xf32, #tpu.memory_space<vmem>>, vector<16xf32>,
    %add3A_1058 = arith.addf %add3A_1052, %get3A_1057 : vector<16xf32>
    %get3A_1059 = arith.constant 160 : index
    %get3A_1060 = tpu.vector_load %arg27[%get3A_1059] {strides = array<i32>} : memref<256xf32, #tpu.memory_space<vmem>>, vector<16xf32>,
    %add3A_1061 = arith.addf %add3A_1055, %get3A_1060 : vector<16xf32>
    %get3A_1062 = arith.constant 176 : index
    %get3A_1063 = tpu.vector_load %arg19[%get3A_1062] {strides = array<i32>} : memref<256xf32, #tpu.memory_space<vmem>>, vector<16xf32>,
    %add3A_1064 = arith.addf %add3A_1058, %get3A_1063 : vector<16xf32>
    %get3A_1065 = arith.constant 176 : index
    %get3A_1066 = tpu.vector_load %arg27[%get3A_1065] {strides = array<i32>} : memref<256xf32, #tpu.memory_space<vmem>>, vector<16xf32>,
    %add3A_1067 = arith.addf %add3A_1061, %get3A_1066 : vector<16xf32>
    %get3A_1068 = arith.constant 192 : index
    %get3A_1069 = tpu.vector_load %arg19[%get3A_1068] {strides = array<i32>} : memref<256xf32, #tpu.memory_space<vmem>>, vector<16xf32>,
    %add3A_1070 = arith.addf %add3A_1064, %get3A_1069 : vector<16xf32>
    %get3A_1071 = arith.constant 192 : index
    %get3A_1072 = tpu.vector_load %arg27[%get3A_1071] {strides = array<i32>} : memref<256xf32, #tpu.memory_space<vmem>>, vector<16xf32>,
    %add3A_1073 = arith.addf %add3A_1067, %get3A_1072 : vector<16xf32>
    %get3A_1074 = arith.constant 208 : index
    %get3A_1075 = tpu.vector_load %arg19[%get3A_1074] {strides = array<i32>} : memref<256xf32, #tpu.memory_space<vmem>>, vector<16xf32>,
    %add3A_1076 = arith.addf %add3A_1070, %get3A_1075 : vector<16xf32>
    %get3A_1077 = arith.constant 208 : index
    %get3A_1078 = tpu.vector_load %arg27[%get3A_1077] {strides = array<i32>} : memref<256xf32, #tpu.memory_space<vmem>>, vector<16xf32>,
    %add3A_1079 = arith.addf %add3A_1073, %get3A_1078 : vector<16xf32>
    %get3A_1080 = arith.constant 224 : index
    %get3A_1081 = tpu.vector_load %arg19[%get3A_1080] {strides = array<i32>} : memref<256xf32, #tpu.memory_space<vmem>>, vector<16xf32>,
    %add3A_1082 = arith.addf %add3A_1076, %get3A_1081 : vector<16xf32>
    %get3A_1083 = arith.constant 224 : index
    %get3A_1084 = tpu.vector_load %arg27[%get3A_1083] {strides = array<i32>} : memref<256xf32, #tpu.memory_space<vmem>>, vector<16xf32>,
    %add3A_1085 = arith.addf %add3A_1079, %get3A_1084 : vector<16xf32>
    %get3A_1086 = arith.constant 240 : index
    %get3A_1087 = tpu.vector_load %arg19[%get3A_1086] {strides = array<i32>} : memref<256xf32, #tpu.memory_space<vmem>>, vector<16xf32>,
    %add3A_1088 = arith.addf %add3A_1082, %get3A_1087 : vector<16xf32>
    %get3A_1089 = arith.constant 240 : index
    %get3A_1090 = tpu.vector_load %arg27[%get3A_1089] {strides = array<i32>} : memref<256xf32, #tpu.memory_space<vmem>>, vector<16xf32>,
    %add3A_1091 = arith.addf %add3A_1085, %get3A_1090 : vector<16xf32>
    %get3A_1092 = arith.constant 0 : index
    %get3A_1093 = tpu.vector_load %arg20[%get3A_1092] {strides = array<i32>} : memref<256xf32, #tpu.memory_space<vmem>>, vector<16xf32>,
    %add3A_1094 = arith.addf %add3A_1088, %get3A_1093 : vector<16xf32>
    %get3A_1095 = arith.constant 0 : index
    %get3A_1096 = tpu.vector_load %arg28[%get3A_1095] {strides = array<i32>} : memref<256xf32, #tpu.memory_space<vmem>>, vector<16xf32>,
    %add3A_1097 = arith.addf %add3A_1091, %get3A_1096 : vector<16xf32>
    %get3A_1098 = arith.constant 16 : index
    %get3A_1099 = tpu.vector_load %arg20[%get3A_1098] {strides = array<i32>} : memref<256xf32, #tpu.memory_space<vmem>>, vector<16xf32>,
    %add3A_1100 = arith.addf %add3A_1094, %get3A_1099 : vector<16xf32>
    %get3A_1101 = arith.constant 16 : index
    %get3A_1102 = tpu.vector_load %arg28[%get3A_1101] {strides = array<i32>} : memref<256xf32, #tpu.memory_space<vmem>>, vector<16xf32>,
    %add3A_1103 = arith.addf %add3A_1097, %get3A_1102 : vector<16xf32>
    %get3A_1104 = arith.constant 32 : index
    %get3A_1105 = tpu.vector_load %arg20[%get3A_1104] {strides = array<i32>} : memref<256xf32, #tpu.memory_space<vmem>>, vector<16xf32>,
    %add3A_1106 = arith.addf %add3A_1100, %get3A_1105 : vector<16xf32>
    %get3A_1107 = arith.constant 32 : index
    %get3A_1108 = tpu.vector_load %arg28[%get3A_1107] {strides = array<i32>} : memref<256xf32, #tpu.memory_space<vmem>>, vector<16xf32>,
    %add3A_1109 = arith.addf %add3A_1103, %get3A_1108 : vector<16xf32>
    %get3A_1110 = arith.constant 48 : index
    %get3A_1111 = tpu.vector_load %arg20[%get3A_1110] {strides = array<i32>} : memref<256xf32, #tpu.memory_space<vmem>>, vector<16xf32>,
    %add3A_1112 = arith.addf %add3A_1106, %get3A_1111 : vector<16xf32>
    %get3A_1113 = arith.constant 48 : index
    %get3A_1114 = tpu.vector_load %arg28[%get3A_1113] {strides = array<i32>} : memref<256xf32, #tpu.memory_space<vmem>>, vector<16xf32>,
    %add3A_1115 = arith.addf %add3A_1109, %get3A_1114 : vector<16xf32>
    %get3A_1116 = arith.constant 64 : index
    %get3A_1117 = tpu.vector_load %arg20[%get3A_1116] {strides = array<i32>} : memref<256xf32, #tpu.memory_space<vmem>>, vector<16xf32>,
    %add3A_1118 = arith.addf %add3A_1112, %get3A_1117 : vector<16xf32>
    %get3A_1119 = arith.constant 64 : index
    %get3A_1120 = tpu.vector_load %arg28[%get3A_1119] {strides = array<i32>} : memref<256xf32, #tpu.memory_space<vmem>>, vector<16xf32>,
    %add3A_1121 = arith.addf %add3A_1115, %get3A_1120 : vector<16xf32>
    %get3A_1122 = arith.constant 80 : index
    %get3A_1123 = tpu.vector_load %arg20[%get3A_1122] {strides = array<i32>} : memref<256xf32, #tpu.memory_space<vmem>>, vector<16xf32>,
    %add3A_1124 = arith.addf %add3A_1118, %get3A_1123 : vector<16xf32>
    %get3A_1125 = arith.constant 80 : index
    %get3A_1126 = tpu.vector_load %arg28[%get3A_1125] {strides = array<i32>} : memref<256xf32, #tpu.memory_space<vmem>>, vector<16xf32>,
    %add3A_1127 = arith.addf %add3A_1121, %get3A_1126 : vector<16xf32>
    %get3A_1128 = arith.constant 96 : index
    %get3A_1129 = tpu.vector_load %arg20[%get3A_1128] {strides = array<i32>} : memref<256xf32, #tpu.memory_space<vmem>>, vector<16xf32>,
    %add3A_1130 = arith.addf %add3A_1124, %get3A_1129 : vector<16xf32>
    %get3A_1131 = arith.constant 96 : index
    %get3A_1132 = tpu.vector_load %arg28[%get3A_1131] {strides = array<i32>} : memref<256xf32, #tpu.memory_space<vmem>>, vector<16xf32>,
    %add3A_1133 = arith.addf %add3A_1127, %get3A_1132 : vector<16xf32>
    %get3A_1134 = arith.constant 112 : index
    %get3A_1135 = tpu.vector_load %arg20[%get3A_1134] {strides = array<i32>} : memref<256xf32, #tpu.memory_space<vmem>>, vector<16xf32>,
    %add3A_1136 = arith.addf %add3A_1130, %get3A_1135 : vector<16xf32>
    %get3A_1137 = arith.constant 112 : index
    %get3A_1138 = tpu.vector_load %arg28[%get3A_1137] {strides = array<i32>} : memref<256xf32, #tpu.memory_space<vmem>>, vector<16xf32>,
    %add3A_1139 = arith.addf %add3A_1133, %get3A_1138 : vector<16xf32>
    %get3A_1140 = arith.constant 128 : index
    %get3A_1141 = tpu.vector_load %arg20[%get3A_1140] {strides = array<i32>} : memref<256xf32, #tpu.memory_space<vmem>>, vector<16xf32>,
    %add3A_1142 = arith.addf %add3A_1136, %get3A_1141 : vector<16xf32>
    %get3A_1143 = arith.constant 128 : index
    %get3A_1144 = tpu.vector_load %arg28[%get3A_1143] {strides = array<i32>} : memref<256xf32, #tpu.memory_space<vmem>>, vector<16xf32>,
    %add3A_1145 = arith.addf %add3A_1139, %get3A_1144 : vector<16xf32>
    %get3A_1146 = arith.constant 144 : index
    %get3A_1147 = tpu.vector_load %arg20[%get3A_1146] {strides = array<i32>} : memref<256xf32, #tpu.memory_space<vmem>>, vector<16xf32>,
    %add3A_1148 = arith.addf %add3A_1142, %get3A_1147 : vector<16xf32>
    %get3A_1149 = arith.constant 144 : index
    %get3A_1150 = tpu.vector_load %arg28[%get3A_1149] {strides = array<i32>} : memref<256xf32, #tpu.memory_space<vmem>>, vector<16xf32>,
    %add3A_1151 = arith.addf %add3A_1145, %get3A_1150 : vector<16xf32>
    %get3A_1152 = arith.constant 160 : index
    %get3A_1153 = tpu.vector_load %arg20[%get3A_1152] {strides = array<i32>} : memref<256xf32, #tpu.memory_space<vmem>>, vector<16xf32>,
    %add3A_1154 = arith.addf %add3A_1148, %get3A_1153 : vector<16xf32>
    %get3A_1155 = arith.constant 160 : index
    %get3A_1156 = tpu.vector_load %arg28[%get3A_1155] {strides = array<i32>} : memref<256xf32, #tpu.memory_space<vmem>>, vector<16xf32>,
    %add3A_1157 = arith.addf %add3A_1151, %get3A_1156 : vector<16xf32>
    %get3A_1158 = arith.constant 176 : index
    %get3A_1159 = tpu.vector_load %arg20[%get3A_1158] {strides = array<i32>} : memref<256xf32, #tpu.memory_space<vmem>>, vector<16xf32>,
    %add3A_1160 = arith.addf %add3A_1154, %get3A_1159 : vector<16xf32>
    %get3A_1161 = arith.constant 176 : index
    %get3A_1162 = tpu.vector_load %arg28[%get3A_1161] {strides = array<i32>} : memref<256xf32, #tpu.memory_space<vmem>>, vector<16xf32>,
    %add3A_1163 = arith.addf %add3A_1157, %get3A_1162 : vector<16xf32>
    %get3A_1164 = arith.constant 192 : index
    %get3A_1165 = tpu.vector_load %arg20[%get3A_1164] {strides = array<i32>} : memref<256xf32, #tpu.memory_space<vmem>>, vector<16xf32>,
    %add3A_1166 = arith.addf %add3A_1160, %get3A_1165 : vector<16xf32>
    %get3A_1167 = arith.constant 192 : index
    %get3A_1168 = tpu.vector_load %arg28[%get3A_1167] {strides = array<i32>} : memref<256xf32, #tpu.memory_space<vmem>>, vector<16xf32>,
    %add3A_1169 = arith.addf %add3A_1163, %get3A_1168 : vector<16xf32>
    %get3A_1170 = arith.constant 208 : index
    %get3A_1171 = tpu.vector_load %arg20[%get3A_1170] {strides = array<i32>} : memref<256xf32, #tpu.memory_space<vmem>>, vector<16xf32>,
    %add3A_1172 = arith.addf %add3A_1166, %get3A_1171 : vector<16xf32>
    %get3A_1173 = arith.constant 208 : index
    %get3A_1174 = tpu.vector_load %arg28[%get3A_1173] {strides = array<i32>} : memref<256xf32, #tpu.memory_space<vmem>>, vector<16xf32>,
    %add3A_1175 = arith.addf %add3A_1169, %get3A_1174 : vector<16xf32>
    %get3A_1176 = arith.constant 224 : index
    %get3A_1177 = tpu.vector_load %arg20[%get3A_1176] {strides = array<i32>} : memref<256xf32, #tpu.memory_space<vmem>>, vector<16xf32>,
    %add3A_1178 = arith.addf %add3A_1172, %get3A_1177 : vector<16xf32>
    %get3A_1179 = arith.constant 224 : index
    %get3A_1180 = tpu.vector_load %arg28[%get3A_1179] {strides = array<i32>} : memref<256xf32, #tpu.memory_space<vmem>>, vector<16xf32>,
    %add3A_1181 = arith.addf %add3A_1175, %get3A_1180 : vector<16xf32>
    %get3A_1182 = arith.constant 240 : index
    %get3A_1183 = tpu.vector_load %arg20[%get3A_1182] {strides = array<i32>} : memref<256xf32, #tpu.memory_space<vmem>>, vector<16xf32>,
    %add3A_1184 = arith.addf %add3A_1178, %get3A_1183 : vector<16xf32>
    %get3A_1185 = arith.constant 240 : index
    %get3A_1186 = tpu.vector_load %arg28[%get3A_1185] {strides = array<i32>} : memref<256xf32, #tpu.memory_space<vmem>>, vector<16xf32>,
    %add3A_1187 = arith.addf %add3A_1181, %get3A_1186 : vector<16xf32>
    %get3A_1188 = arith.constant 0 : index
    %get3A_1189 = tpu.vector_load %arg21[%get3A_1188] {strides = array<i32>} : memref<256xf32, #tpu.memory_space<vmem>>, vector<16xf32>,
    %add3A_1190 = arith.addf %add3A_1184, %get3A_1189 : vector<16xf32>
    %get3A_1191 = arith.constant 0 : index
    %get3A_1192 = tpu.vector_load %arg29[%get3A_1191] {strides = array<i32>} : memref<256xf32, #tpu.memory_space<vmem>>, vector<16xf32>,
    %add3A_1193 = arith.addf %add3A_1187, %get3A_1192 : vector<16xf32>
    %get3A_1194 = arith.constant 16 : index
    %get3A_1195 = tpu.vector_load %arg21[%get3A_1194] {strides = array<i32>} : memref<256xf32, #tpu.memory_space<vmem>>, vector<16xf32>,
    %add3A_1196 = arith.addf %add3A_1190, %get3A_1195 : vector<16xf32>
    %get3A_1197 = arith.constant 16 : index
    %get3A_1198 = tpu.vector_load %arg29[%get3A_1197] {strides = array<i32>} : memref<256xf32, #tpu.memory_space<vmem>>, vector<16xf32>,
    %add3A_1199 = arith.addf %add3A_1193, %get3A_1198 : vector<16xf32>
    %get3A_1200 = arith.constant 32 : index
    %get3A_1201 = tpu.vector_load %arg21[%get3A_1200] {strides = array<i32>} : memref<256xf32, #tpu.memory_space<vmem>>, vector<16xf32>,
    %add3A_1202 = arith.addf %add3A_1196, %get3A_1201 : vector<16xf32>
    %get3A_1203 = arith.constant 32 : index
    %get3A_1204 = tpu.vector_load %arg29[%get3A_1203] {strides = array<i32>} : memref<256xf32, #tpu.memory_space<vmem>>, vector<16xf32>,
    %add3A_1205 = arith.addf %add3A_1199, %get3A_1204 : vector<16xf32>
    %get3A_1206 = arith.constant 48 : index
    %get3A_1207 = tpu.vector_load %arg21[%get3A_1206] {strides = array<i32>} : memref<256xf32, #tpu.memory_space<vmem>>, vector<16xf32>,
    %add3A_1208 = arith.addf %add3A_1202, %get3A_1207 : vector<16xf32>
    %get3A_1209 = arith.constant 48 : index
    %get3A_1210 = tpu.vector_load %arg29[%get3A_1209] {strides = array<i32>} : memref<256xf32, #tpu.memory_space<vmem>>, vector<16xf32>,
    %add3A_1211 = arith.addf %add3A_1205, %get3A_1210 : vector<16xf32>
    %get3A_1212 = arith.constant 64 : index
    %get3A_1213 = tpu.vector_load %arg21[%get3A_1212] {strides = array<i32>} : memref<256xf32, #tpu.memory_space<vmem>>, vector<16xf32>,
    %add3A_1214 = arith.addf %add3A_1208, %get3A_1213 : vector<16xf32>
    %get3A_1215 = arith.constant 64 : index
    %get3A_1216 = tpu.vector_load %arg29[%get3A_1215] {strides = array<i32>} : memref<256xf32, #tpu.memory_space<vmem>>, vector<16xf32>,
    %add3A_1217 = arith.addf %add3A_1211, %get3A_1216 : vector<16xf32>
    %get3A_1218 = arith.constant 80 : index
    %get3A_1219 = tpu.vector_load %arg21[%get3A_1218] {strides = array<i32>} : memref<256xf32, #tpu.memory_space<vmem>>, vector<16xf32>,
    %add3A_1220 = arith.addf %add3A_1214, %get3A_1219 : vector<16xf32>
    %get3A_1221 = arith.constant 80 : index
    %get3A_1222 = tpu.vector_load %arg29[%get3A_1221] {strides = array<i32>} : memref<256xf32, #tpu.memory_space<vmem>>, vector<16xf32>,
    %add3A_1223 = arith.addf %add3A_1217, %get3A_1222 : vector<16xf32>
    %get3A_1224 = arith.constant 96 : index
    %get3A_1225 = tpu.vector_load %arg21[%get3A_1224] {strides = array<i32>} : memref<256xf32, #tpu.memory_space<vmem>>, vector<16xf32>,
    %add3A_1226 = arith.addf %add3A_1220, %get3A_1225 : vector<16xf32>
    %get3A_1227 = arith.constant 96 : index
    %get3A_1228 = tpu.vector_load %arg29[%get3A_1227] {strides = array<i32>} : memref<256xf32, #tpu.memory_space<vmem>>, vector<16xf32>,
    %add3A_1229 = arith.addf %add3A_1223, %get3A_1228 : vector<16xf32>
    %get3A_1230 = arith.constant 112 : index
    %get3A_1231 = tpu.vector_load %arg21[%get3A_1230] {strides = array<i32>} : memref<256xf32, #tpu.memory_space<vmem>>, vector<16xf32>,
    %add3A_1232 = arith.addf %add3A_1226, %get3A_1231 : vector<16xf32>
    %get3A_1233 = arith.constant 112 : index
    %get3A_1234 = tpu.vector_load %arg29[%get3A_1233] {strides = array<i32>} : memref<256xf32, #tpu.memory_space<vmem>>, vector<16xf32>,
    %add3A_1235 = arith.addf %add3A_1229, %get3A_1234 : vector<16xf32>
    %get3A_1236 = arith.constant 128 : index
    %get3A_1237 = tpu.vector_load %arg21[%get3A_1236] {strides = array<i32>} : memref<256xf32, #tpu.memory_space<vmem>>, vector<16xf32>,
    %add3A_1238 = arith.addf %add3A_1232, %get3A_1237 : vector<16xf32>
    %get3A_1239 = arith.constant 128 : index
    %get3A_1240 = tpu.vector_load %arg29[%get3A_1239] {strides = array<i32>} : memref<256xf32, #tpu.memory_space<vmem>>, vector<16xf32>,
    %add3A_1241 = arith.addf %add3A_1235, %get3A_1240 : vector<16xf32>
    %get3A_1242 = arith.constant 144 : index
    %get3A_1243 = tpu.vector_load %arg21[%get3A_1242] {strides = array<i32>} : memref<256xf32, #tpu.memory_space<vmem>>, vector<16xf32>,
    %add3A_1244 = arith.addf %add3A_1238, %get3A_1243 : vector<16xf32>
    %get3A_1245 = arith.constant 144 : index
    %get3A_1246 = tpu.vector_load %arg29[%get3A_1245] {strides = array<i32>} : memref<256xf32, #tpu.memory_space<vmem>>, vector<16xf32>,
    %add3A_1247 = arith.addf %add3A_1241, %get3A_1246 : vector<16xf32>
    %get3A_1248 = arith.constant 160 : index
    %get3A_1249 = tpu.vector_load %arg21[%get3A_1248] {strides = array<i32>} : memref<256xf32, #tpu.memory_space<vmem>>, vector<16xf32>,
    %add3A_1250 = arith.addf %add3A_1244, %get3A_1249 : vector<16xf32>
    %get3A_1251 = arith.constant 160 : index
    %get3A_1252 = tpu.vector_load %arg29[%get3A_1251] {strides = array<i32>} : memref<256xf32, #tpu.memory_space<vmem>>, vector<16xf32>,
    %add3A_1253 = arith.addf %add3A_1247, %get3A_1252 : vector<16xf32>
    %get3A_1254 = arith.constant 176 : index
    %get3A_1255 = tpu.vector_load %arg21[%get3A_1254] {strides = array<i32>} : memref<256xf32, #tpu.memory_space<vmem>>, vector<16xf32>,
    %add3A_1256 = arith.addf %add3A_1250, %get3A_1255 : vector<16xf32>
    %get3A_1257 = arith.constant 176 : index
    %get3A_1258 = tpu.vector_load %arg29[%get3A_1257] {strides = array<i32>} : memref<256xf32, #tpu.memory_space<vmem>>, vector<16xf32>,
    %add3A_1259 = arith.addf %add3A_1253, %get3A_1258 : vector<16xf32>
    %get3A_1260 = arith.constant 192 : index
    %get3A_1261 = tpu.vector_load %arg21[%get3A_1260] {strides = array<i32>} : memref<256xf32, #tpu.memory_space<vmem>>, vector<16xf32>,
    %add3A_1262 = arith.addf %add3A_1256, %get3A_1261 : vector<16xf32>
    %get3A_1263 = arith.constant 192 : index
    %get3A_1264 = tpu.vector_load %arg29[%get3A_1263] {strides = array<i32>} : memref<256xf32, #tpu.memory_space<vmem>>, vector<16xf32>,
    %add3A_1265 = arith.addf %add3A_1259, %get3A_1264 : vector<16xf32>
    %get3A_1266 = arith.constant 208 : index
    %get3A_1267 = tpu.vector_load %arg21[%get3A_1266] {strides = array<i32>} : memref<256xf32, #tpu.memory_space<vmem>>, vector<16xf32>,
    %add3A_1268 = arith.addf %add3A_1262, %get3A_1267 : vector<16xf32>
    %get3A_1269 = arith.constant 208 : index
    %get3A_1270 = tpu.vector_load %arg29[%get3A_1269] {strides = array<i32>} : memref<256xf32, #tpu.memory_space<vmem>>, vector<16xf32>,
    %add3A_1271 = arith.addf %add3A_1265, %get3A_1270 : vector<16xf32>
    %get3A_1272 = arith.constant 224 : index
    %get3A_1273 = tpu.vector_load %arg21[%get3A_1272] {strides = array<i32>} : memref<256xf32, #tpu.memory_space<vmem>>, vector<16xf32>,
    %add3A_1274 = arith.addf %add3A_1268, %get3A_1273 : vector<16xf32>
    %get3A_1275 = arith.constant 224 : index
    %get3A_1276 = tpu.vector_load %arg29[%get3A_1275] {strides = array<i32>} : memref<256xf32, #tpu.memory_space<vmem>>, vector<16xf32>,
    %add3A_1277 = arith.addf %add3A_1271, %get3A_1276 : vector<16xf32>
    %get3A_1278 = arith.constant 240 : index
    %get3A_1279 = tpu.vector_load %arg21[%get3A_1278] {strides = array<i32>} : memref<256xf32, #tpu.memory_space<vmem>>, vector<16xf32>,
    %add3A_1280 = arith.addf %add3A_1274, %get3A_1279 : vector<16xf32>
    %get3A_1281 = arith.constant 240 : index
    %get3A_1282 = tpu.vector_load %arg29[%get3A_1281] {strides = array<i32>} : memref<256xf32, #tpu.memory_space<vmem>>, vector<16xf32>,
    %add3A_1283 = arith.addf %add3A_1277, %get3A_1282 : vector<16xf32>
    %get3A_1284 = arith.constant 0 : index
    %get3A_1285 = tpu.vector_load %arg22[%get3A_1284] {strides = array<i32>} : memref<256xf32, #tpu.memory_space<vmem>>, vector<16xf32>,
    %add3A_1286 = arith.addf %add3A_1280, %get3A_1285 : vector<16xf32>
    %get3A_1287 = arith.constant 0 : index
    %get3A_1288 = tpu.vector_load %arg30[%get3A_1287] {strides = array<i32>} : memref<256xf32, #tpu.memory_space<vmem>>, vector<16xf32>,
    %add3A_1289 = arith.addf %add3A_1283, %get3A_1288 : vector<16xf32>
    %get3A_1290 = arith.constant 16 : index
    %get3A_1291 = tpu.vector_load %arg22[%get3A_1290] {strides = array<i32>} : memref<256xf32, #tpu.memory_space<vmem>>, vector<16xf32>,
    %add3A_1292 = arith.addf %add3A_1286, %get3A_1291 : vector<16xf32>
    %get3A_1293 = arith.constant 16 : index
    %get3A_1294 = tpu.vector_load %arg30[%get3A_1293] {strides = array<i32>} : memref<256xf32, #tpu.memory_space<vmem>>, vector<16xf32>,
    %add3A_1295 = arith.addf %add3A_1289, %get3A_1294 : vector<16xf32>
    %get3A_1296 = arith.constant 32 : index
    %get3A_1297 = tpu.vector_load %arg22[%get3A_1296] {strides = array<i32>} : memref<256xf32, #tpu.memory_space<vmem>>, vector<16xf32>,
    %add3A_1298 = arith.addf %add3A_1292, %get3A_1297 : vector<16xf32>
    %get3A_1299 = arith.constant 32 : index
    %get3A_1300 = tpu.vector_load %arg30[%get3A_1299] {strides = array<i32>} : memref<256xf32, #tpu.memory_space<vmem>>, vector<16xf32>,
    %add3A_1301 = arith.addf %add3A_1295, %get3A_1300 : vector<16xf32>
    %get3A_1302 = arith.constant 48 : index
    %get3A_1303 = tpu.vector_load %arg22[%get3A_1302] {strides = array<i32>} : memref<256xf32, #tpu.memory_space<vmem>>, vector<16xf32>,
    %add3A_1304 = arith.addf %add3A_1298, %get3A_1303 : vector<16xf32>
    %get3A_1305 = arith.constant 48 : index
    %get3A_1306 = tpu.vector_load %arg30[%get3A_1305] {strides = array<i32>} : memref<256xf32, #tpu.memory_space<vmem>>, vector<16xf32>,
    %add3A_1307 = arith.addf %add3A_1301, %get3A_1306 : vector<16xf32>
    %get3A_1308 = arith.constant 64 : index
    %get3A_1309 = tpu.vector_load %arg22[%get3A_1308] {strides = array<i32>} : memref<256xf32, #tpu.memory_space<vmem>>, vector<16xf32>,
    %add3A_1310 = arith.addf %add3A_1304, %get3A_1309 : vector<16xf32>
    %get3A_1311 = arith.constant 64 : index
    %get3A_1312 = tpu.vector_load %arg30[%get3A_1311] {strides = array<i32>} : memref<256xf32, #tpu.memory_space<vmem>>, vector<16xf32>,
    %add3A_1313 = arith.addf %add3A_1307, %get3A_1312 : vector<16xf32>
    %get3A_1314 = arith.constant 80 : index
    %get3A_1315 = tpu.vector_load %arg22[%get3A_1314] {strides = array<i32>} : memref<256xf32, #tpu.memory_space<vmem>>, vector<16xf32>,
    %add3A_1316 = arith.addf %add3A_1310, %get3A_1315 : vector<16xf32>
    %get3A_1317 = arith.constant 80 : index
    %get3A_1318 = tpu.vector_load %arg30[%get3A_1317] {strides = array<i32>} : memref<256xf32, #tpu.memory_space<vmem>>, vector<16xf32>,
    %add3A_1319 = arith.addf %add3A_1313, %get3A_1318 : vector<16xf32>
    %get3A_1320 = arith.constant 96 : index
    %get3A_1321 = tpu.vector_load %arg22[%get3A_1320] {strides = array<i32>} : memref<256xf32, #tpu.memory_space<vmem>>, vector<16xf32>,
    %add3A_1322 = arith.addf %add3A_1316, %get3A_1321 : vector<16xf32>
    %get3A_1323 = arith.constant 96 : index
    %get3A_1324 = tpu.vector_load %arg30[%get3A_1323] {strides = array<i32>} : memref<256xf32, #tpu.memory_space<vmem>>, vector<16xf32>,
    %add3A_1325 = arith.addf %add3A_1319, %get3A_1324 : vector<16xf32>
    %get3A_1326 = arith.constant 112 : index
    %get3A_1327 = tpu.vector_load %arg22[%get3A_1326] {strides = array<i32>} : memref<256xf32, #tpu.memory_space<vmem>>, vector<16xf32>,
    %add3A_1328 = arith.addf %add3A_1322, %get3A_1327 : vector<16xf32>
    %get3A_1329 = arith.constant 112 : index
    %get3A_1330 = tpu.vector_load %arg30[%get3A_1329] {strides = array<i32>} : memref<256xf32, #tpu.memory_space<vmem>>, vector<16xf32>,
    %add3A_1331 = arith.addf %add3A_1325, %get3A_1330 : vector<16xf32>
    %get3A_1332 = arith.constant 128 : index
    %get3A_1333 = tpu.vector_load %arg22[%get3A_1332] {strides = array<i32>} : memref<256xf32, #tpu.memory_space<vmem>>, vector<16xf32>,
    %add3A_1334 = arith.addf %add3A_1328, %get3A_1333 : vector<16xf32>
    %get3A_1335 = arith.constant 128 : index
    %get3A_1336 = tpu.vector_load %arg30[%get3A_1335] {strides = array<i32>} : memref<256xf32, #tpu.memory_space<vmem>>, vector<16xf32>,
    %add3A_1337 = arith.addf %add3A_1331, %get3A_1336 : vector<16xf32>
    %get3A_1338 = arith.constant 144 : index
    %get3A_1339 = tpu.vector_load %arg22[%get3A_1338] {strides = array<i32>} : memref<256xf32, #tpu.memory_space<vmem>>, vector<16xf32>,
    %add3A_1340 = arith.addf %add3A_1334, %get3A_1339 : vector<16xf32>
    %get3A_1341 = arith.constant 144 : index
    %get3A_1342 = tpu.vector_load %arg30[%get3A_1341] {strides = array<i32>} : memref<256xf32, #tpu.memory_space<vmem>>, vector<16xf32>,
    %add3A_1343 = arith.addf %add3A_1337, %get3A_1342 : vector<16xf32>
    %get3A_1344 = arith.constant 160 : index
    %get3A_1345 = tpu.vector_load %arg22[%get3A_1344] {strides = array<i32>} : memref<256xf32, #tpu.memory_space<vmem>>, vector<16xf32>,
    %add3A_1346 = arith.addf %add3A_1340, %get3A_1345 : vector<16xf32>
    %get3A_1347 = arith.constant 160 : index
    %get3A_1348 = tpu.vector_load %arg30[%get3A_1347] {strides = array<i32>} : memref<256xf32, #tpu.memory_space<vmem>>, vector<16xf32>,
    %add3A_1349 = arith.addf %add3A_1343, %get3A_1348 : vector<16xf32>
    %get3A_1350 = arith.constant 176 : index
    %get3A_1351 = tpu.vector_load %arg22[%get3A_1350] {strides = array<i32>} : memref<256xf32, #tpu.memory_space<vmem>>, vector<16xf32>,
    %add3A_1352 = arith.addf %add3A_1346, %get3A_1351 : vector<16xf32>
    %get3A_1353 = arith.constant 176 : index
    %get3A_1354 = tpu.vector_load %arg30[%get3A_1353] {strides = array<i32>} : memref<256xf32, #tpu.memory_space<vmem>>, vector<16xf32>,
    %add3A_1355 = arith.addf %add3A_1349, %get3A_1354 : vector<16xf32>
    %get3A_1356 = arith.constant 192 : index
    %get3A_1357 = tpu.vector_load %arg22[%get3A_1356] {strides = array<i32>} : memref<256xf32, #tpu.memory_space<vmem>>, vector<16xf32>,
    %add3A_1358 = arith.addf %add3A_1352, %get3A_1357 : vector<16xf32>
    %get3A_1359 = arith.constant 192 : index
    %get3A_1360 = tpu.vector_load %arg30[%get3A_1359] {strides = array<i32>} : memref<256xf32, #tpu.memory_space<vmem>>, vector<16xf32>,
    %add3A_1361 = arith.addf %add3A_1355, %get3A_1360 : vector<16xf32>
    %get3A_1362 = arith.constant 208 : index
    %get3A_1363 = tpu.vector_load %arg22[%get3A_1362] {strides = array<i32>} : memref<256xf32, #tpu.memory_space<vmem>>, vector<16xf32>,
    %add3A_1364 = arith.addf %add3A_1358, %get3A_1363 : vector<16xf32>
    %get3A_1365 = arith.constant 208 : index
    %get3A_1366 = tpu.vector_load %arg30[%get3A_1365] {strides = array<i32>} : memref<256xf32, #tpu.memory_space<vmem>>, vector<16xf32>,
    %add3A_1367 = arith.addf %add3A_1361, %get3A_1366 : vector<16xf32>
    %get3A_1368 = arith.constant 224 : index
    %get3A_1369 = tpu.vector_load %arg22[%get3A_1368] {strides = array<i32>} : memref<256xf32, #tpu.memory_space<vmem>>, vector<16xf32>,
    %add3A_1370 = arith.addf %add3A_1364, %get3A_1369 : vector<16xf32>
    %get3A_1371 = arith.constant 224 : index
    %get3A_1372 = tpu.vector_load %arg30[%get3A_1371] {strides = array<i32>} : memref<256xf32, #tpu.memory_space<vmem>>, vector<16xf32>,
    %add3A_1373 = arith.addf %add3A_1367, %get3A_1372 : vector<16xf32>
    %get3A_1374 = arith.constant 240 : index
    %get3A_1375 = tpu.vector_load %arg22[%get3A_1374] {strides = array<i32>} : memref<256xf32, #tpu.memory_space<vmem>>, vector<16xf32>,
    %add3A_1376 = arith.addf %add3A_1370, %get3A_1375 : vector<16xf32>
    %get3A_1377 = arith.constant 240 : index
    %get3A_1378 = tpu.vector_load %arg30[%get3A_1377] {strides = array<i32>} : memref<256xf32, #tpu.memory_space<vmem>>, vector<16xf32>,
    %add3A_1379 = arith.addf %add3A_1373, %get3A_1378 : vector<16xf32>
    %swap3A_1380 = arith.constant 0 : index
    %swap3A_1381 = tpu.vector_load %arg31[%swap3A_1380] {strides = array<i32>} : memref<32xf32, #tpu.memory_space<vmem>>, vector<16xf32>,
    tpu.vector_store %arg31[%swap3A_1380], %add3A_1376 {strides = array<i32>} : memref<32xf32, #tpu.memory_space<vmem>>, vector<16xf32>,
    %swap3A_1382 = arith.constant 16 : index
    %swap3A_1383 = tpu.vector_load %arg31[%swap3A_1382] {strides = array<i32>} : memref<32xf32, #tpu.memory_space<vmem>>, vector<16xf32>,
    tpu.vector_store %arg31[%swap3A_1382], %add3A_1379 {strides = array<i32>} : memref<32xf32, #tpu.memory_space<vmem>>, vector<16xf32>,
    "tpu.region"() ({
      %run_scoped3A = tpu.sem_alloc : memref<!tpu.dma_semaphore, #tpu.memory_space<semaphore_mem>>
      %dma_start3A_1384 = arith.constant 0 : i32
      %dma_start3A_1385 = tpu.memref_slice %arg5[%add3A, %dma_start3A_1384] : memref<32x32xf32, #tpu.memory_space<hbm>> -> memref<1x32xf32, #tpu.memory_space<hbm>>
      %dma_start3A_1386 = tpu.memref_squeeze %dma_start3A_1385 : memref<1x32xf32, #tpu.memory_space<hbm>> -> memref<32xf32, #tpu.memory_space<hbm>>
      %dma_start3A_1387 = arith.constant 0 : i32
      %dma_start3A_1388 = tpu.memref_slice %arg5[%add3A, %dma_start3A_1387] : memref<32x32xf32, #tpu.memory_space<hbm>> -> memref<1x32xf32, #tpu.memory_space<hbm>>
      %dma_start3A_1389 = tpu.memref_squeeze %dma_start3A_1388 : memref<1x32xf32, #tpu.memory_space<hbm>> -> memref<32xf32, #tpu.memory_space<hbm>>
      tpu.enqueue_dma source(%arg31 : memref<32xf32, #tpu.memory_space<vmem>>) target(%dma_start3A_1389 : memref<32xf32, #tpu.memory_space<hbm>>) target_semaphore(%run_scoped3A : memref<!tpu.dma_semaphore, #tpu.memory_space<semaphore_mem>>)
      %dma_wait3A_1390 = arith.constant 0 : i32
      %dma_wait3A_1391 = tpu.memref_slice %arg5[%add3A, %dma_wait3A_1390] : memref<32x32xf32, #tpu.memory_space<hbm>> -> memref<1x32xf32, #tpu.memory_space<hbm>>
      %dma_wait3A_1392 = tpu.memref_squeeze %dma_wait3A_1391 : memref<1x32xf32, #tpu.memory_space<hbm>> -> memref<32xf32, #tpu.memory_space<hbm>>
      %dma_wait3A_1393 = arith.constant 0 : i32
      %dma_wait3A_1394 = tpu.memref_slice %arg5[%add3A, %dma_wait3A_1393] : memref<32x32xf32, #tpu.memory_space<hbm>> -> memref<1x32xf32, #tpu.memory_space<hbm>>
      %dma_wait3A_1395 = tpu.memref_squeeze %dma_wait3A_1394 : memref<1x32xf32, #tpu.memory_space<hbm>> -> memref<32xf32, #tpu.memory_space<hbm>>
      tpu.wait_dma2 semaphore(%run_scoped3A : memref<!tpu.dma_semaphore, #tpu.memory_space<semaphore_mem>>) src(%arg31 : memref<32xf32, #tpu.memory_space<vmem>>) dst(%dma_wait3A_1395 : memref<32xf32, #tpu.memory_space<hbm>>)
      tpu.yield
    }) : () -> ()
    return
  }
}

</mosaic_0001>

<sc_bundles>
// kernel: kernel.3.cloned.1.call-start
scs
__scs_entry_jumppad:
0x0: {  	(pc) =	sbr.rel $0x88, $3  }
0x1: {  	(tag) =	ssettag $0x0;
	lr =	simm.s32 $0x1  }
0x2: {  	[smem:$0x3F9E] =	sst lr;
	_ =	strace $0xD0000000  }
0x3: {  	_ = 	snop  }
0x4: {  	_ = 	snop  }
0x5: {  	_ = 	snop  }
0x6: {  	_ = 	snop  }
0x7: {  	_ = 	snop  }
__scs_overlays_trampoline_lowered:
0x8: {  	[smem:$0x3FAD] =	sst s0  }
0x9: {  	[smem:$0x3FAE] =	sst s1  }
0xa: {  	[smem:$0x3FAF] =	sst s2  }
0xb: {  	[smem:$0x3FB0] =	sst s3  }
0xc: {  	[smem:$0x3FB1] =	sst s4  }
0xd: {  	[smem:$0x3FB2] =	sst s5  }
0xe: {  	[smem:$0x3FB3] =	sst s6  }
0xf: {  	[smem:$0x3FB4] =	sst s7  }
0x10: {  	[smem:$0x3FB5] =	sst s8  }
0x11: {  	[smem:$0x3FB6] =	sst s9;
	s0 =	simm.s32 @!p0 $0x0  }
0x12: {  	s1 =	sld [smem:$0x3F9C];
	s0 =	simm.s32 @p0 $0x1  }
0x13: {  	[smem:$0x3FB7] =	sst s0;
	s0 =	simm.s32 @!p1 $0x0  }
0x14: {  	s2 =	sld [smem:$0x3F9B];
	s0 =	simm.s32 @p1 $0x1  }
0x15: {  	[smem:$0x3FB8] =	sst s0;
	s0 =	simm.s32 @!p2 $0x0  }
0x16: {  	s3 =	sld [smem:$0x3FDB];
	s0 =	simm.s32 @p2 $0x1  }
0x17: {  	s4 =	simm.s32 $0x1BF5;
	[smem:$0x3FBA] =	sst s0  }
0x18: {  	s0 =	sld [smem:$0x3F9D];
	_ =	swait.ge [sflag:s4], $0x0  }
0x19: {  	s7 =	sld [smem:$0x3F9E]  }
0x1a: {  	s8 =	sadd.s32 $0xFFFFE003, lr  }
0x1b: {  	s9 =	sadd.s32 $0xFFFFFEF7, lr;
	s5 =	simm.s32 $0xFFFFFFFF;
	p2 =	slt.u32 s8, $0xFFFFF086  }
0x1c: {  	p1 =	slt.u32 s9, $0xF7A;
	s5 =	simm.s32 @!p2 $0x0  }
0x1d: {  	s5 =	simm.s32 @p1 $0x1;
	p0 =	seq.s32 s7, s2  }
0x1e: {  	s7 =	smul.u32 @!p0 $0xF7A, s2;
	p2 =	seq.s32 @!p0 s5, $0x0  }
0x1f: {  	s9 =	smul.u32 $0xF7A, s1;
	s8 =	simm.s32 @!p0 $0x1BF5;
	p2 =	por !p2, p0  }
0x20: {  	[sflag:s8] =	ssyncset.s32 @!p0 $0xFFFFF086;
	s6 =	sadd.s32 @!p0 s3, s7;
	s7 =	simm.s32 @!p0 $0x108  }
0x21: {  	s3 =	sadd.s32 s3, s9;
	s6 =	sadd.s32 @!p0 $0x88, s6;
	s7 =	simm.s32 @p2 $0x1082  }
0x22: {  	[simem:s7], [sflag:s8] =	dma.local @!p0 [hbm:s6], $0xF7A  }
0x23: {  	s9 =	sor.u32 $0xD0000000, s2;
	s6 =	simm.s32 $0x108;
	_ =	swait.ge @!p0 [sflag:s8], $0x0  }
0x24: {  	s3 =	sadd.s32 $0x88, s3;
	s6 =	simm.s32 @!p1 $0x1082;
	[sflag:s4] =	ssyncset.s32 $0xFFFFF086  }
0x25: {  	[simem:s6], [sflag:s4] =	dma.local [hbm:s3], $0xF7A  }
0x26: {  	[smem:$0x3F9E] =	sst s1;
	(tag) =	ssettag s2;
	_ =	strace s9  }
0x27: {  	s1 =	sld [smem:$0x3FAE]  }
0x28: {  	s2 =	sld [smem:$0x3FAF]  }
0x29: {  	s4 =	sld [smem:$0x3FB1]  }
0x2a: {  	p0 =	seq.s32 s5, $0x0;
	s5 =	sld [smem:$0x3FB2]  }
0x2b: {  	s6 =	sld [smem:$0x3FB3]  }
0x2c: {  	s7 =	sld [smem:$0x3FB4]  }
0x2d: {  	s3 =	simm.s32 $0x108;
	s8 =	sld [smem:$0x3FB5]  }
0x2e: {  	s3 =	simm.s32 @!p0 $0x1082;
	s9 =	sld [smem:$0x3FB6]  }
0x2f: {  	lr =	sadd.s32 s0, s3;
	s0 =	sld [smem:$0x3FAD]  }
0x30: {  	s3 =	sld [smem:$0x3FB0]  }
0x31: {  	[smem:$0x3FB9] =	sst s10  }
0x32: {  	s10 =	sld [smem:$0x3FB7];
	_ =	sdelay $0x3  }
0x33: {  	p0 =	seq.s32 s10, $0x1;
	s10 =	sld [smem:$0x3FB9];
	_ =	sdelay $0x3  }
0x34: {  	[smem:$0x3FB9] =	sst s10  }
0x35: {  	s10 =	sld [smem:$0x3FB8];
	_ =	sdelay $0x3  }
0x36: {  	p1 =	seq.s32 s10, $0x1;
	s10 =	sld [smem:$0x3FB9];
	_ =	sdelay $0x3  }
0x37: {  	[smem:$0x3FB9] =	sst s10  }
0x38: {  	s10 =	sld [smem:$0x3FBA]  }
0x39: {  	_ = 	snop;
	(pc) =	sbr.ind lr, $3  }
0x3a: {  	_ = 	snop  }
0x3b: {  	_ = 	snop  }
0x3c: {  	p2 =	seq.s32 s10, $0x1;
	s10 =	sld [smem:$0x3FB9]  }
0x3d: {  	_ =	shalt  }
0x3e: {  	_ =	shalt  }
0x3f: {  	_ =	shalt  }
0x40: {  	_ =	shalt  }
0x41: {  	_ =	shalt  }
0x42: {  	_ =	shalt  }
0x43: {  	_ =	shalt  }
0x44: {  	_ =	shalt  }
0x45: {  	_ =	shalt  }
0x46: {  	_ =	shalt  }
0x47: {  	_ =	shalt  }
0x48: {  	_ =	shalt  }
0x49: {  	_ =	shalt  }
0x4a: {  	_ =	shalt  }
0x4b: {  	_ =	shalt  }
0x4c: {  	_ =	shalt  }
0x4d: {  	_ =	shalt  }
0x4e: {  	_ =	shalt  }
0x4f: {  	_ =	shalt  }
0x50: {  	_ =	shalt  }
0x51: {  	_ =	shalt  }
0x52: {  	_ =	shalt  }
0x53: {  	_ =	shalt  }
0x54: {  	_ =	shalt  }
0x55: {  	_ =	shalt  }
0x56: {  	_ =	shalt  }
0x57: {  	_ =	shalt  }
0x58: {  	_ =	shalt  }
0x59: {  	_ =	shalt  }
0x5a: {  	_ =	shalt  }
0x5b: {  	_ =	shalt  }
0x5c: {  	_ =	shalt  }
0x5d: {  	_ =	shalt  }
0x5e: {  	_ =	shalt  }
0x5f: {  	_ =	shalt  }
0x60: {  	_ =	shalt  }
0x61: {  	_ =	shalt  }
0x62: {  	_ =	shalt  }
0x63: {  	_ =	shalt  }
0x64: {  	_ =	shalt  }
0x65: {  	_ =	shalt  }
0x66: {  	_ =	shalt  }
0x67: {  	_ =	shalt  }
0x68: {  	_ =	shalt  }
0x69: {  	_ =	shalt  }
0x6a: {  	_ =	shalt  }
0x6b: {  	_ =	shalt  }
0x6c: {  	_ =	shalt  }
0x6d: {  	_ =	shalt  }
0x6e: {  	_ =	shalt  }
0x6f: {  	_ =	shalt  }
0x70: {  	_ =	shalt  }
0x71: {  	_ =	shalt  }
0x72: {  	_ =	shalt  }
0x73: {  	_ =	shalt  }
0x74: {  	_ =	shalt  }
0x75: {  	_ =	shalt  }
0x76: {  	_ =	shalt  }
0x77: {  	_ =	shalt  }
0x78: {  	_ =	shalt  }
0x79: {  	_ =	shalt  }
0x7a: {  	_ =	shalt  }
0x7b: {  	_ =	shalt  }
0x7c: {  	_ =	shalt  }
0x7d: {  	_ =	shalt  }
0x7e: {  	_ =	shalt  }
0x7f: {  	_ =	shalt  }
0x80: {  	_ =	shalt  }
0x81: {  	_ =	shalt  }
0x82: {  	_ =	shalt  }
0x83: {  	_ =	shalt  }
0x84: {  	_ =	shalt  }
0x85: {  	_ =	shalt  }
0x86: {  	_ =	shalt  }
0x87: {  	_ =	shalt  }
.Lfunc_end0:
.L_simem_size_0:
called_computation_lowered:
.L_overlay_start_0:
0x88: {  	s2 =	sld [smem:$0x3FD9]  }
0x89: {  	s3 =	sld [smem:$0x3FFE];
	_ =	sdelay $0x1  }
0x8a: {  	s1 =	srdreg.scid  }
0x8b: {  	s0 =	sand.u32 $0x1, s1  }
0x8c: {  	s17 =	sshll.u32 s0, $0xA;
	s2 =	sadd.s32 s3, s2  }
0x8d: {  	s2 =	sadd.s32 s2, s17  }
0x8e: {  	[smem:$0x3FC5] =	sst s2  }
0x8f: {  	_ = 	snop  }
0x90: {  	s2 =	sld [smem:$0x3FC9]  }
0x91: {  	s18 =	sld [smem:$0x3FC8]  }
0x92: {  	s4 =	sld [smem:$0x3FC7];
	(tm) =	ssettm $0x1  }
0x93: {  	s5 =	sld [smem:$0x3FFB];
	_ =	sdelay $0x3  }
0x94: {  	_ =	strace s5  }
0x95: {  	s5 =	sld [smem:$0x3FFC];
	_ =	sdelay $0x3  }
0x96: {  	_ =	strace s5  }
0x97: {  	s5 =	sld [smem:$0x3FFD];
	_ =	sdelay $0x3  }
0x98: {  	_ =	strace s5  }
0x99: {  	_ =	strace $0x8FFFFFFF  }
0x9a: {  	s19 =	sld [smem:$0x3FDB];
	_ =	sdelay $0x1  }
0x9b: {  	s6 =	simm.s32 $_scs_section_size  }
0x9c: {  	s7 =	simm.s32 $_size__tile_overlayer_lowered;
	s8 =	simm.s32 $_tile_overlayer_lowered  }
0x9d: {  	s22 =	simm.s32 $0x1BFF;
	s21 =	sshll.u32 s8, $0x1;
	s5 =	sadd.s32 s6, s19  }
0x9e: {  	s9 =	simm.s32 $0x0;
	s20 =	sshll.u32 s7, $0x1;
	s7 =	sadd.s32 s21, s5  }
0x9f: {  	[timem:s9], [sflag:s22] =	dma.local [hbm:s7], s20  }
0xa0: {  	_ =	swait.ge [sflag:s22], s20  }
0xa1: {  	s6 =	ssub.s32 $0x0, s20;
	[sflag:s22] =	ssyncset.done $0x0  }
0xa2: {  	[sflag:s22] =	ssyncadd.s32 s6;
	_ =	sdelay $0x1  }
0xa3: {  	s23 =	simm.s32 $0x1B8B  }
0xa4: {  	_ =	swait.ge [sflag:s23], $0x1  }
0xa5: {  	[sflag:s23] =	ssyncset.done $0x0  }
0xa6: {  	s25 =	simm.s32 $0x1B8E;
	s24 =	sld [smem:$0x3FFE];
	[sflag:s23] =	ssyncadd.s32 $0xFFFFFFFF  }
0xa7: {  	s26 =	simm.s32 $execute0_lowered;
	[smem:$0x3FD2] =	sst s25  }
0xa8: {  	s7 =	sshll.u32 s26, $0x1;
	_ =	strace $0x80000046;
	[dreg:$0x1] =	wrdreg $0xFFFFFFFF  }
0xa9: {  	s28 =	simm.s32 $_size_execute0_lowered;
	s5 =	sadd.s32 s5, s7;
	[dreg:$0x0] =	wrdreg $0x0  }
0xaa: {  	s7 =	sshll.u32 s28, $0x1;
	[dreg:$0x2] =	wrdreg s5  }
0xab: {  	[dreg:$0x3] =	wrdreg s7  }
0xac: {  	[dreg:$0x4] =	wrdreg $0xC0  }
0xad: {  	_ =	task [dreg:s9], $0x5FFFF  }
0xae: {  	[dreg:$0x1] =	wrdreg $0xFFFFFFFF  }
0xaf: {  	[dreg:$0x0] =	wrdreg $0x60  }
0xb0: {  	[dreg:$0x2] =	wrdreg s2  }
0xb1: {  	[dreg:$0x3] =	wrdreg s18  }
0xb2: {  	[dreg:$0x4] =	wrdreg s4  }
0xb3: {  	[dreg:$0x5] =	wrdreg s24  }
0xb4: {  	[dreg:$0x6] =	wrdreg $0x9  }
0xb5: {  	_ =	task.clear_ibuf [dreg:s9], $0x7FFFF;
	_ =	strace $0x90000046  }
0xb6: {  	s29 =	simm.s32 $0x9;
	_ =	strace $0x80000048  }
0xb7: {  	_ =	swait.ge [sflag:s29], $0x1  }
0xb8: {  	[sflag:s29] =	ssyncadd.s32 $0xFFFFFFFF  }
0xb9: {  	_ =	strace $0x90000048  }
0xba: {  	_ =	sfence  }
0xbb: {  	s30 =	sld [smem:$0x0];
	_ =	sdelay $0x2  }
0xbc: {  	s31 =	sshll.u32 s1, $0xD;
	s1 =	sshrl.u32 s1, $0x2  }
0xbd: {  	s3 =	sand.u32 $0x4000, s31;
	s1 =	sadd.s32 s1, s30  }
0xbe: {  	s0 =	sor.u32 s3, s0;
	s1 =	sshll.u32 s1, $0x11  }
0xbf: {  	s0 =	sor.u32 s1, s0  }
0xc0: {  	s0 =	sadd.s32 $0x8F2B, s0  }
0xc1: {  	[sflag:s0] =	ssyncadd.remote.s32 $0x1  }
0xc2: {  	_ =	sfence.sel $0xFFFF  }
0xc3: {  	[dreg:$0x0] =	wrdreg $0xFFFFFFFF;
	(pc) =	sbr.abs _section_cstart, $3  }
0xc4: {  	[dreg:$0x1] =	wrdreg $0xFFFFFFFF  }
0xc5: {  	_ =	task.clear_ibuf [dreg:s9], $0x2FFFF;
	_ =	strace $0x9FFFFFFF  }
0xc6: {  	(tm) =	ssettm $0x7FFFFFFF  }
0xc7: {  	_ =	shalt  }
tec
execute0_lowered:
.L_overlay_start_1:
0x0: {  	(tag) =	ssettag $0x1  }
0x1: {  	s6 =	rddreg [dreg:$0x0]  }
0x2: {  	s7 =	rddreg [dreg:$0x1]  }
0x3: {  	s8 =	rddreg [dreg:$0x2]  }
0x4: {  	s0 =	rddreg [dreg:$0x3]  }
0x5: {  	s1 =	srdreg.scid;
	s5 =	simm.s32 $0x0;
	s4 =	stileid.u32  }
0x6: {  	s29 =	simm.s32 $0x16800;
	s30 =	simm.s32 $0x17000;
	s31 =	simm.s32 $0x16900  }
0x7: {  	s9 =	simm.s32 $0x17300;
	s10 =	simm.s32 $0x16C00;
	s11 =	simm.s32 $0x17400  }
0x8: {  	s12 =	simm.s32 $0x16D00;
	s15 =	simm.s32 $0x17500;
	s16 =	simm.s32 $0x16E00  }
0x9: {  	s14 =	simm.s32 $0x0;
	s1 =	sand.u32 $0x1, s1;
	[smem:$0x7FF] =	sst s5  }
0xa: {  	s4 =	sshll.u32 s4, $0x1;
	s18 =	sadd.s32 $0x18680, s6;
	s19 =	sadd.s32 $0x18680, s7  }
0xb: {  	s21 =	sadd.s32 $0x18680, s8;
	_ =	strace $0x80000047;
	[dreg:$0x6] =	wrdreg s18  }
0xc: {  	s2 =	ssub.s32 $0x2, s1;
	s4 =	sor.u32 s1, s4;
	[dreg:$0x7] =	wrdreg s19  }
0xd: {  	[dreg:$0x8] =	wrdreg s21;
	s19 =	simm.s32 $0xF000;
	s21 =	simm.s32 $0x14000  }
0xe: {  	s3 =	sshrl.u32 s2, $0x1;
	s20 =	sshll.u32 s4, $0x7;
	s24 =	sor.u32 $0x300, s4  }
0xf: {  	s25 =	sshll.u32 s4, $0x4;
	s26 =	sor.u32 $0x40, s4;
	[dreg:$0x5] =	wrdreg s4  }
0x10: {  	v2 =	vmov s4;
	s4 =	simm.s32 $0x16A00;
	s2 =	ssub.s32 s2, s3;
	s22 =	sadd.s32 s6, s20  }
0x11: {  	s23 =	sadd.s32 s7, s20;
	s1 =	sadd.s32 s8, s20;
	[dreg:$0xd] =	wrdreg s26  }
0x12: {  	s0 =	sadd.s32 s0, s25;
	s20 =	simm.s32 $0x11800;
	[dreg:$0x9] =	wrdreg s22  }
0x13: {  	s25 =	simm.s32 $0x7800;
	s26 =	simm.s32 $0xC800;
	[dreg:$0xa] =	wrdreg s23  }
0x14: {  	v0 =	vimm.f32 $0.0e+00;
	v54 =	vlaneseq.u32;
	s7 =	simm.s32 $0x17200;
	s8 =	simm.s32 $0x16B00;
	[dreg:$0xb] =	wrdreg s1  }
0x15: {  	v63 =	vor.u32 $0x10, v54;
	v55 =	vor.u32 $0x20, v54;
	vm0 =	vlt.u32 v2, $0xD;
	s3 =	simm.s32 $0x17700;
	s1 =	smin.u32 s24, $0x30C;
	[dreg:$0xe] =	wrdreg s0  }
0x16: {  	v57 =	vor.u32 $0x30, v54;
	[tilespmem:$0x1FFF0] =	vst v55;
	vm15 =	veq.s32 v2, $0x1F;
	s28 =	smax.u32 s2, $0x1;
	s22 =	simm.s32 $0x5000;
	s23 =	simm.s32 $0xA000;
	v56 =	vsel vm0, $0x3F800000, v0  }
0x17: {  	v58 =	vor.u32 $0x40, v54;
	v60 =	vor.u32 $0x50, v54;
	s24 =	simm.s32 $0x2800;
	s0 =	simm.s32 $0x17100;
	v47 =	vsel vm15, $0x3F800000, v0;
	[dreg:$0xc] =	wrdreg s1;
	[tilespmem:$0x1FFD0] =	vst v56  }
0x18: {  	v61 =	vor.u32 $0x60, v54;
	v62 =	vor.u32 $0x70, v54;
	v11 =	vmul.u32 $0x10, v54;
	s2 =	simm.s32 $0x16F00;
	[dreg:$0xf] =	wrdreg s28;
	s1 =	simm.s32 $0x17600;
	[tilespmem:$0x1FFE0] =	vst v47  }
.LBB2_1:
0x19: {  	v0 =	vimm.f32 $0.0e+00  }
0x1a: {  	[tilespmem:$0x16800] =	vst v0  }
0x1b: {  	[tilespmem:$0x17000] =	vst v0  }
0x1c: {  	[tilespmem:$0x16900] =	vst v0  }
0x1d: {  	[tilespmem:$0x17100] =	vst v0  }
0x1e: {  	[tilespmem:$0x16A00] =	vst v0  }
0x1f: {  	[tilespmem:$0x17200] =	vst v0  }
0x20: {  	[tilespmem:$0x16B00] =	vst v0  }
0x21: {  	[tilespmem:$0x17300] =	vst v0  }
0x22: {  	[tilespmem:$0x16C00] =	vst v0  }
0x23: {  	[tilespmem:$0x17400] =	vst v0  }
0x24: {  	[tilespmem:$0x16D00] =	vst v0  }
0x25: {  	[tilespmem:$0x17500] =	vst v0  }
0x26: {  	[tilespmem:$0x16E00] =	vst v0  }
0x27: {  	[tilespmem:$0x17600] =	vst v0  }
0x28: {  	[tilespmem:$0x16F00] =	vst v0  }
0x29: {  	[tilespmem:$0x17700] =	vst v0  }
0x2a: {  	[tilespmem:$0x16810] =	vst v0  }
0x2b: {  	[tilespmem:$0x17010] =	vst v0  }
0x2c: {  	[tilespmem:$0x16910] =	vst v0  }
0x2d: {  	[tilespmem:$0x17110] =	vst v0  }
0x2e: {  	[tilespmem:$0x16A10] =	vst v0  }
0x2f: {  	[tilespmem:$0x17210] =	vst v0  }
0x30: {  	[tilespmem:$0x16B10] =	vst v0  }
0x31: {  	[tilespmem:$0x17310] =	vst v0  }
0x32: {  	[tilespmem:$0x16C10] =	vst v0  }
0x33: {  	[tilespmem:$0x17410] =	vst v0  }
0x34: {  	[tilespmem:$0x16D10] =	vst v0  }
0x35: {  	[tilespmem:$0x17510] =	vst v0  }
0x36: {  	[tilespmem:$0x16E10] =	vst v0  }
0x37: {  	[tilespmem:$0x17610] =	vst v0  }
0x38: {  	[tilespmem:$0x16F10] =	vst v0  }
0x39: {  	[tilespmem:$0x17710] =	vst v0  }
0x3a: {  	[tilespmem:$0x16820] =	vst v0  }
0x3b: {  	[tilespmem:$0x17020] =	vst v0  }
0x3c: {  	[tilespmem:$0x16920] =	vst v0  }
0x3d: {  	[tilespmem:$0x17120] =	vst v0  }
0x3e: {  	[tilespmem:$0x16A20] =	vst v0  }
0x3f: {  	[tilespmem:$0x17220] =	vst v0  }
0x40: {  	[tilespmem:$0x16B20] =	vst v0  }
0x41: {  	[tilespmem:$0x17320] =	vst v0  }
0x42: {  	[tilespmem:$0x16C20] =	vst v0  }
0x43: {  	[tilespmem:$0x17420] =	vst v0  }
0x44: {  	[tilespmem:$0x16D20] =	vst v0  }
0x45: {  	[tilespmem:$0x17520] =	vst v0  }
0x46: {  	[tilespmem:$0x16E20] =	vst v0  }
0x47: {  	[tilespmem:$0x17620] =	vst v0  }
0x48: {  	[tilespmem:$0x16F20] =	vst v0  }
0x49: {  	[tilespmem:$0x17720] =	vst v0  }
0x4a: {  	[tilespmem:$0x16830] =	vst v0  }
0x4b: {  	[tilespmem:$0x17030] =	vst v0  }
0x4c: {  	[tilespmem:$0x16930] =	vst v0  }
0x4d: {  	[tilespmem:$0x17130] =	vst v0  }
0x4e: {  	[tilespmem:$0x16A30] =	vst v0  }
0x4f: {  	[tilespmem:$0x17230] =	vst v0  }
0x50: {  	[tilespmem:$0x16B30] =	vst v0  }
0x51: {  	[tilespmem:$0x17330] =	vst v0  }
0x52: {  	[tilespmem:$0x16C30] =	vst v0  }
0x53: {  	[tilespmem:$0x17430] =	vst v0  }
0x54: {  	[tilespmem:$0x16D30] =	vst v0  }
0x55: {  	[tilespmem:$0x17530] =	vst v0  }
0x56: {  	[tilespmem:$0x16E30] =	vst v0  }
0x57: {  	[tilespmem:$0x17630] =	vst v0  }
0x58: {  	[tilespmem:$0x16F30] =	vst v0  }
0x59: {  	[tilespmem:$0x17730] =	vst v0  }
0x5a: {  	[tilespmem:$0x16840] =	vst v0  }
0x5b: {  	[tilespmem:$0x17040] =	vst v0  }
0x5c: {  	[tilespmem:$0x16940] =	vst v0  }
0x5d: {  	[tilespmem:$0x17140] =	vst v0  }
0x5e: {  	[tilespmem:$0x16A40] =	vst v0  }
0x5f: {  	[tilespmem:$0x17240] =	vst v0  }
0x60: {  	[tilespmem:$0x16B40] =	vst v0  }
0x61: {  	[tilespmem:$0x17340] =	vst v0  }
0x62: {  	[tilespmem:$0x16C40] =	vst v0  }
0x63: {  	[tilespmem:$0x17440] =	vst v0  }
0x64: {  	[tilespmem:$0x16D40] =	vst v0  }
0x65: {  	[tilespmem:$0x17540] =	vst v0  }
0x66: {  	[tilespmem:$0x16E40] =	vst v0  }
0x67: {  	[tilespmem:$0x17640] =	vst v0  }
0x68: {  	[tilespmem:$0x16F40] =	vst v0  }
0x69: {  	[tilespmem:$0x17740] =	vst v0  }
0x6a: {  	[tilespmem:$0x16850] =	vst v0  }
0x6b: {  	[tilespmem:$0x17050] =	vst v0  }
0x6c: {  	[tilespmem:$0x16950] =	vst v0  }
0x6d: {  	[tilespmem:$0x17150] =	vst v0  }
0x6e: {  	[tilespmem:$0x16A50] =	vst v0  }
0x6f: {  	[tilespmem:$0x17250] =	vst v0  }
0x70: {  	[tilespmem:$0x16B50] =	vst v0  }
0x71: {  	[tilespmem:$0x17350] =	vst v0  }
0x72: {  	[tilespmem:$0x16C50] =	vst v0  }
0x73: {  	[tilespmem:$0x17450] =	vst v0  }
0x74: {  	[tilespmem:$0x16D50] =	vst v0  }
0x75: {  	[tilespmem:$0x17550] =	vst v0  }
0x76: {  	[tilespmem:$0x16E50] =	vst v0  }
0x77: {  	[tilespmem:$0x17650] =	vst v0  }
0x78: {  	[tilespmem:$0x16F50] =	vst v0  }
0x79: {  	[tilespmem:$0x17750] =	vst v0  }
0x7a: {  	[tilespmem:$0x16860] =	vst v0  }
0x7b: {  	[tilespmem:$0x17060] =	vst v0  }
0x7c: {  	[tilespmem:$0x16960] =	vst v0  }
0x7d: {  	[tilespmem:$0x17160] =	vst v0  }
0x7e: {  	[tilespmem:$0x16A60] =	vst v0  }
0x7f: {  	[tilespmem:$0x17260] =	vst v0  }
0x80: {  	[tilespmem:$0x16B60] =	vst v0  }
0x81: {  	[tilespmem:$0x17360] =	vst v0  }
0x82: {  	[tilespmem:$0x16C60] =	vst v0  }
0x83: {  	[tilespmem:$0x17460] =	vst v0  }
0x84: {  	[tilespmem:$0x16D60] =	vst v0  }
0x85: {  	[tilespmem:$0x17560] =	vst v0  }
0x86: {  	[tilespmem:$0x16E60] =	vst v0  }
0x87: {  	[tilespmem:$0x17660] =	vst v0  }
0x88: {  	[tilespmem:$0x16F60] =	vst v0  }
0x89: {  	[tilespmem:$0x17760] =	vst v0  }
0x8a: {  	[tilespmem:$0x16870] =	vst v0  }
0x8b: {  	[tilespmem:$0x17070] =	vst v0  }
0x8c: {  	[tilespmem:$0x16970] =	vst v0  }
0x8d: {  	[tilespmem:$0x17170] =	vst v0  }
0x8e: {  	[tilespmem:$0x16A70] =	vst v0  }
0x8f: {  	[tilespmem:$0x17270] =	vst v0  }
0x90: {  	[tilespmem:$0x16B70] =	vst v0  }
0x91: {  	[tilespmem:$0x17370] =	vst v0  }
0x92: {  	[tilespmem:$0x16C70] =	vst v0  }
0x93: {  	[tilespmem:$0x17470] =	vst v0  }
0x94: {  	[tilespmem:$0x16D70] =	vst v0  }
0x95: {  	[tilespmem:$0x17570] =	vst v0  }
0x96: {  	[tilespmem:$0x16E70] =	vst v0  }
0x97: {  	[tilespmem:$0x17670] =	vst v0  }
0x98: {  	[tilespmem:$0x16F70] =	vst v0  }
0x99: {  	[tilespmem:$0x17770] =	vst v0  }
0x9a: {  	[tilespmem:$0x16880] =	vst v0  }
0x9b: {  	[tilespmem:$0x17080] =	vst v0  }
0x9c: {  	[tilespmem:$0x16980] =	vst v0  }
0x9d: {  	[tilespmem:$0x17180] =	vst v0  }
0x9e: {  	[tilespmem:$0x16A80] =	vst v0  }
0x9f: {  	[tilespmem:$0x17280] =	vst v0  }
0xa0: {  	[tilespmem:$0x16B80] =	vst v0  }
0xa1: {  	[tilespmem:$0x17380] =	vst v0  }
0xa2: {  	[tilespmem:$0x16C80] =	vst v0  }
0xa3: {  	[tilespmem:$0x17480] =	vst v0  }
0xa4: {  	[tilespmem:$0x16D80] =	vst v0  }
0xa5: {  	[tilespmem:$0x17580] =	vst v0  }
0xa6: {  	[tilespmem:$0x16E80] =	vst v0  }
0xa7: {  	[tilespmem:$0x17680] =	vst v0  }
0xa8: {  	[tilespmem:$0x16F80] =	vst v0  }
0xa9: {  	[tilespmem:$0x17780] =	vst v0  }
0xaa: {  	[tilespmem:$0x16890] =	vst v0  }
0xab: {  	[tilespmem:$0x17090] =	vst v0  }
0xac: {  	[tilespmem:$0x16990] =	vst v0  }
0xad: {  	[tilespmem:$0x17190] =	vst v0  }
0xae: {  	[tilespmem:$0x16A90] =	vst v0  }
0xaf: {  	[tilespmem:$0x17290] =	vst v0  }
0xb0: {  	[tilespmem:$0x16B90] =	vst v0  }
0xb1: {  	[tilespmem:$0x17390] =	vst v0  }
0xb2: {  	[tilespmem:$0x16C90] =	vst v0  }
0xb3: {  	[tilespmem:$0x17490] =	vst v0  }
0xb4: {  	[tilespmem:$0x16D90] =	vst v0  }
0xb5: {  	[tilespmem:$0x17590] =	vst v0  }
0xb6: {  	[tilespmem:$0x16E90] =	vst v0  }
0xb7: {  	[tilespmem:$0x17690] =	vst v0  }
0xb8: {  	[tilespmem:$0x16F90] =	vst v0  }
0xb9: {  	[tilespmem:$0x17790] =	vst v0  }
0xba: {  	[tilespmem:$0x168A0] =	vst v0  }
0xbb: {  	[tilespmem:$0x170A0] =	vst v0  }
0xbc: {  	[tilespmem:$0x169A0] =	vst v0  }
0xbd: {  	[tilespmem:$0x171A0] =	vst v0  }
0xbe: {  	[tilespmem:$0x16AA0] =	vst v0  }
0xbf: {  	[tilespmem:$0x172A0] =	vst v0  }
0xc0: {  	[tilespmem:$0x16BA0] =	vst v0  }
0xc1: {  	[tilespmem:$0x173A0] =	vst v0  }
0xc2: {  	[tilespmem:$0x16CA0] =	vst v0  }
0xc3: {  	[tilespmem:$0x174A0] =	vst v0  }
0xc4: {  	[tilespmem:$0x16DA0] =	vst v0  }
0xc5: {  	[tilespmem:$0x175A0] =	vst v0  }
0xc6: {  	[tilespmem:$0x16EA0] =	vst v0  }
0xc7: {  	[tilespmem:$0x176A0] =	vst v0  }
0xc8: {  	[tilespmem:$0x16FA0] =	vst v0  }
0xc9: {  	[tilespmem:$0x177A0] =	vst v0  }
0xca: {  	[tilespmem:$0x168B0] =	vst v0  }
0xcb: {  	[tilespmem:$0x170B0] =	vst v0  }
0xcc: {  	[tilespmem:$0x169B0] =	vst v0  }
0xcd: {  	[tilespmem:$0x171B0] =	vst v0  }
0xce: {  	[tilespmem:$0x16AB0] =	vst v0  }
0xcf: {  	[tilespmem:$0x172B0] =	vst v0  }
0xd0: {  	[tilespmem:$0x16BB0] =	vst v0  }
0xd1: {  	[tilespmem:$0x173B0] =	vst v0  }
0xd2: {  	[tilespmem:$0x16CB0] =	vst v0  }
0xd3: {  	[tilespmem:$0x174B0] =	vst v0  }
0xd4: {  	[tilespmem:$0x16DB0] =	vst v0  }
0xd5: {  	[tilespmem:$0x175B0] =	vst v0  }
0xd6: {  	[tilespmem:$0x16EB0] =	vst v0  }
0xd7: {  	[tilespmem:$0x176B0] =	vst v0  }
0xd8: {  	[tilespmem:$0x16FB0] =	vst v0  }
0xd9: {  	[tilespmem:$0x177B0] =	vst v0  }
0xda: {  	[tilespmem:$0x168C0] =	vst v0  }
0xdb: {  	[tilespmem:$0x170C0] =	vst v0  }
0xdc: {  	[tilespmem:$0x169C0] =	vst v0  }
0xdd: {  	[tilespmem:$0x171C0] =	vst v0  }
0xde: {  	[tilespmem:$0x16AC0] =	vst v0  }
0xdf: {  	[tilespmem:$0x172C0] =	vst v0  }
0xe0: {  	[tilespmem:$0x16BC0] =	vst v0  }
0xe1: {  	[tilespmem:$0x173C0] =	vst v0  }
0xe2: {  	[tilespmem:$0x16CC0] =	vst v0  }
0xe3: {  	[tilespmem:$0x174C0] =	vst v0  }
0xe4: {  	[tilespmem:$0x16DC0] =	vst v0  }
0xe5: {  	[tilespmem:$0x175C0] =	vst v0  }
0xe6: {  	[tilespmem:$0x16EC0] =	vst v0  }
0xe7: {  	[tilespmem:$0x176C0] =	vst v0  }
0xe8: {  	[tilespmem:$0x16FC0] =	vst v0  }
0xe9: {  	[tilespmem:$0x177C0] =	vst v0  }
0xea: {  	[tilespmem:$0x168D0] =	vst v0  }
0xeb: {  	[tilespmem:$0x170D0] =	vst v0  }
0xec: {  	[tilespmem:$0x169D0] =	vst v0  }
0xed: {  	[tilespmem:$0x171D0] =	vst v0  }
0xee: {  	[tilespmem:$0x16AD0] =	vst v0  }
0xef: {  	[tilespmem:$0x172D0] =	vst v0  }
0xf0: {  	[tilespmem:$0x16BD0] =	vst v0  }
0xf1: {  	[tilespmem:$0x173D0] =	vst v0  }
0xf2: {  	[tilespmem:$0x16CD0] =	vst v0  }
0xf3: {  	[tilespmem:$0x174D0] =	vst v0  }
0xf4: {  	[tilespmem:$0x16DD0] =	vst v0  }
0xf5: {  	[tilespmem:$0x175D0] =	vst v0  }
0xf6: {  	[tilespmem:$0x16ED0] =	vst v0  }
0xf7: {  	[tilespmem:$0x176D0] =	vst v0  }
0xf8: {  	[tilespmem:$0x16FD0] =	vst v0  }
0xf9: {  	[tilespmem:$0x177D0] =	vst v0  }
0xfa: {  	[tilespmem:$0x168E0] =	vst v0  }
0xfb: {  	[tilespmem:$0x170E0] =	vst v0  }
0xfc: {  	[tilespmem:$0x169E0] =	vst v0  }
0xfd: {  	[tilespmem:$0x171E0] =	vst v0  }
0xfe: {  	[tilespmem:$0x16AE0] =	vst v0  }
0xff: {  	[tilespmem:$0x172E0] =	vst v0  }
0x100: {  	[tilespmem:$0x16BE0] =	vst v0  }
0x101: {  	[tilespmem:$0x173E0] =	vst v0  }
0x102: {  	[tilespmem:$0x16CE0] =	vst v0  }
0x103: {  	[tilespmem:$0x174E0] =	vst v0  }
0x104: {  	[tilespmem:$0x16DE0] =	vst v0  }
0x105: {  	[tilespmem:$0x175E0] =	vst v0  }
0x106: {  	[tilespmem:$0x16EE0] =	vst v0  }
0x107: {  	[tilespmem:$0x176E0] =	vst v0  }
0x108: {  	[tilespmem:$0x16FE0] =	vst v0  }
0x109: {  	[tilespmem:$0x177E0] =	vst v0  }
0x10a: {  	[tilespmem:$0x168F0] =	vst v0  }
0x10b: {  	[tilespmem:$0x170F0] =	vst v0  }
0x10c: {  	[tilespmem:$0x169F0] =	vst v0  }
0x10d: {  	[tilespmem:$0x171F0] =	vst v0  }
0x10e: {  	[tilespmem:$0x16AF0] =	vst v0  }
0x10f: {  	[tilespmem:$0x172F0] =	vst v0  }
0x110: {  	[tilespmem:$0x16BF0] =	vst v0  }
0x111: {  	[tilespmem:$0x173F0] =	vst v0  }
0x112: {  	[tilespmem:$0x16CF0] =	vst v0  }
0x113: {  	[tilespmem:$0x174F0] =	vst v0  }
0x114: {  	[tilespmem:$0x16DF0] =	vst v0  }
0x115: {  	[tilespmem:$0x175F0] =	vst v0  }
0x116: {  	[tilespmem:$0x16EF0] =	vst v0  }
0x117: {  	[tilespmem:$0x176F0] =	vst v0  }
0x118: {  	[dreg:$0x10] =	wrdreg s14;
	[tilespmem:$0x177F0] =	vst v0  }
0x119: {  	s6 =	rddreg [dreg:$0x6];
	s14 =	simm.s32 $0x400;
	s13 =	simm.s32 $0xC3800;
	[tilespmem:$0x16FF0] =	vst v0  }
0x11a: {  	[tilespmem:s19], [sflag:$0x3] =	stream.strided.gather [hbm4b:s6+s14], $0x2800, s13, s14, $0x38;
	[tilespmem:$0x17880] =	vst v63  }
0x11b: {  	s18 =	rddreg [dreg:$0x7]  }
0x11c: {  	[tilespmem:s20], [sflag:$0x3] =	stream.strided.gather [hbm4b:s18+s14], $0x2800, s13, s14, $0x38;
	[tilespmem:$0x17880] =	vst v63  }
0x11d: {  	s28 =	rddreg [dreg:$0x8]  }
0x11e: {  	[tilespmem:s21], [sflag:$0x3] =	stream.strided.gather [hbm4b:s28+s14], $0x2800, s13, s14, $0x38;
	[tilespmem:$0x17880] =	vst v63  }
0x11f: {  	s17 =	rddreg [dreg:$0x9]  }
0x120: {  	[tilespmem:s5], [sflag:$0x1] =	stream.strided.gather [hbm4b:s17+s14], $0x2800, s13, s14, $0x38;
	[tilespmem:$0x17880] =	vst v63  }
0x121: {  	s18 =	rddreg [dreg:$0xa]  }
0x122: {  	[tilespmem:s22], [sflag:$0x1] =	stream.strided.gather [hbm4b:s18+s14], $0x2800, s13, s14, $0x38;
	[tilespmem:$0x17880] =	vst v63  }
0x123: {  	s28 =	rddreg [dreg:$0xb]  }
0x124: {  	[tilespmem:s23], [sflag:$0x1] =	stream.strided.gather [hbm4b:s28+s14], $0x2800, s13, s14, $0x38;
	[tilespmem:$0x17880] =	vst v63  }
0x125: {  	s14 =	simm.s32 $0x0  }
.LBB2_2:
0x126: {  	s6 =	sshll.u32 s14, $0x6;
	s17 =	rddreg [dreg:$0x5]  }
0x127: {  	s17 =	sor.u32 s6, s17  }
0x128: {  	s17 =	sshll.u32 s17, $0x7  }
0x129: {  	s18 =	rddreg [dreg:$0x0];
	s17 =	sor.u32 $0x1000, s17  }
0x12a: {  	s13 =	simm.s32 $0x400;
	s28 =	simm.s32 $0xC3800;
	s18 =	sadd.s32 s18, s17  }
0x12b: {  	[tilespmem:s24], [sflag:$0x2] =	stream.strided.gather [hbm4b:s18+s13], $0x2800, s28, s13, $0x38;
	[tilespmem:$0x17880] =	vst v63  }
0x12c: {  	s18 =	rddreg [dreg:$0x1]  }
0x12d: {  	s18 =	sadd.s32 s18, s17  }
0x12e: {  	[tilespmem:s25], [sflag:$0x2] =	stream.strided.gather [hbm4b:s18+s13], $0x2800, s28, s13, $0x38;
	[tilespmem:$0x17880] =	vst v63  }
0x12f: {  	s18 =	rddreg [dreg:$0x2]  }
0x130: {  	s17 =	sadd.s32 s18, s17;
	s18 =	simm.s32 $0x1  }
0x131: {  	[tilespmem:s26], [sflag:$0x2] =	stream.strided.gather [hbm4b:s17+s13], $0x2800, s28, s13, $0x38;
	[tilespmem:$0x17880] =	vst v63  }
0x132: {  	_ =	swait.ge [sflag:s18], $0x2800  }
0x133: {  	[sflag:s18] =	ssyncset.done $0x0  }
0x134: {  	[sflag:s18] =	ssyncadd.s32 $0xFFFFD800  }
0x135: {  	s28 =	simm.s32 $0x0;
	_ =	swait.ge [sflag:s18], $0x2800  }
0x136: {  	v12 =	vor.u32 s28, v57;
	[sflag:s18] =	ssyncset.done $0x0  }
0x137: {  	v13 =	vor.u32 s28, v62;
	[sflag:s18] =	ssyncadd.s32 $0xFFFFD800  }
0x138: {  	v14 =	vor.u32 s28, v61;
	_ =	swait.ge [sflag:s18], $0x2800  }
0x139: {  	v22 =	vor.u32 s28, v60;
	[sflag:s18] =	ssyncset.done $0x0  }
0x13a: {  	[sflag:s18] =	ssyncadd.s32 $0xFFFFD800  }
0x13b: {  	v15 =	vor.u32 s28, v55;
	v19 =	vld.idx.msk [tilespmem:v12+s5+$0x0], $0xffff  }
0x13c: {  	v28 =	vld.idx.msk [tilespmem:v13+s5+$0x0], $0xffff  }
0x13d: {  	v18 =	vld.idx.msk [tilespmem:v14+s5+$0x0], $0xffff  }
0x13e: {  	v24 =	vor.u32 s28, v63;
	v23 =	vld.idx.msk [tilespmem:v22+s5+$0x0], $0xffff;
	_ =	sdelay $0x1  }
0x13f: {  	v16 =	vor.u32 s28, v58;
	v21 =	vld.idx.msk [tilespmem:v15+s5+$0x0], $0xffff;
	v17 =	vsub.f32 $0.0e+00, v19  }
0x140: {  	v20 =	vsub.f32 $0.0e+00, v28  }
0x141: {  	v25 =	vsub.f32 $0.0e+00, v18;
	v17 =	vmul.f32 $1.442695020e+00, v17  }
0x142: {  	v27 =	vld.idx.msk [tilespmem:v24+s5+$0x0], $0xffff;
	v26 =	vsub.f32 $0.0e+00, v23;
	v20 =	vmul.f32 $1.442695020e+00, v20  }
0x143: {  	v25 =	vmul.f32 $1.442695020e+00, v25;
	(erf) = vpow2.f32 v17  }
0x144: {  	v29 =	vld.idx.msk [tilespmem:v16+s5+$0x0], $0xffff;
	(erf) = vpow2.f32 v20;
	v20 =	vmul.f32 $1.442695020e+00, v26;
	v26 =	vsub.f32 $0.0e+00, v21  }
0x145: {  	(erf) = vpow2.f32 v25  }
0x146: {  	(erf) = vpow2.f32 v20;
	v20 =	vmul.f32 $1.442695020e+00, v26  }
0x147: {  	v25 =	vsub.f32 $0.0e+00, v27  }
0x148: {  	v31 =	vld.idx.msk [tilespmem:v22+s22+$0x0], $0xffff;
	v17 =	vor.u32 s28, v54;
	(erf) = vpow2.f32 v20  }
0x149: {  	v33 =	vld.idx.msk [tilespmem:v16+s22+$0x0], $0xffff;
	v26 =	vsub.f32 $0.0e+00, v29;
	v25 =	vmul.f32 $1.442695020e+00, v25  }
0x14a: {  	v35 =	vld.idx.msk [tilespmem:v14+s22+$0x0], $0xffff  }
0x14b: {  	v39 =	vld.idx.msk [tilespmem:v15+s22+$0x0], $0xffff;
	v30 =	vmul.f32 $1.442695020e+00, v26;
	(erf) = vpow2.f32 v25  }
0x14c: {  	v41 =	vld.idx.msk [tilespmem:v24+s22+$0x0], $0xffff;
	v32 =	vpop (erf)  }
0x14d: {  	v20 =	vld.idx.msk [tilespmem:v17+s5+$0x0], $0xffff;
	v25 =	vpop (erf)  }
0x14e: {  	v43 =	vmul.f32 v31, v23;
	v45 =	vmul.f32 v33, v29;
	v48 =	vmax.f32 v18, $0.0e+00;
	v34 =	vpop (erf)  }
0x14f: {  	v18 =	vmul.f32 v35, v18;
	(erf) = vpow2.f32 v30;
	v30 =	vpop (erf);
	v40 =	vadd.f32 $1.000000000e+00, v34  }
0x150: {  	v38 =	vmax.f32 v19, $0.0e+00;
	v49 =	vmul.f32 v39, v21;
	v26 =	vld.idx.msk [tilespmem:v17+s22+$0x0], $0xffff;
	(erf) = vrcp.f32 v30  }
0x151: {  	v51 =	vmul.f32 v41, v27;
	v44 =	vadd.f32 $1.000000000e+00, v30;
	v46 =	vpop (erf);
	(erf) = vrcp.f32 v40  }
0x152: {  	v23 =	vmax.f32 v23, $0.0e+00;
	v37 =	vsub.f32 $0.0e+00, v20;
	(erf) = vrcp.f32 v46  }
0x153: {  	v18 =	vsub.f32 v48, v18;
	v43 =	vsub.f32 v23, v43;
	v40 =	vld.idx.msk [tilespmem:v12+s22+$0x0], $0xffff;
	(erf) = vrcp.f32 v44  }
0x154: {  	v27 =	vmax.f32 v27, $0.0e+00;
	v37 =	vmul.f32 $1.442695020e+00, v37;
	v50 =	vpop (erf);
	(erf) = vrcp.f32 v32  }
0x155: {  	v47 =	vmax.f32 v20, $0.0e+00;
	v20 =	vmul.f32 v26, v20;
	(erf) = vrcp.f32 v50  }
0x156: {  	v29 =	vmax.f32 v29, $0.0e+00;
	v48 =	vsub.f32 v27, v51;
	v36 =	vadd.f32 $1.000000000e+00, v32  }
0x157: {  	v20 =	vsub.f32 v47, v20;
	v1 =	vadd.f32 $1.000000000e+00, v50;
	(erf) = vrcp.f32 v34  }
0x158: {  	v47 =	vmax.f32 v21, $0.0e+00;
	v19 =	vmul.f32 v40, v19;
	(erf) = vpow2.f32 v37;
	v37 =	vpop (erf)  }
0x159: {  	v21 =	vsub.f32 v29, v45;
	v0 =	vadd.f32 $1.000000000e+00, v46;
	(erf) = vrcp.f32 v1;
	v29 =	vpop (erf)  }
0x15a: {  	v51 =	vmax.f32 v28, $0.0e+00;
	v42 =	vadd.f32 $1.000000000e+00, v25;
	v19 =	vsub.f32 v38, v19;
	v27 =	vpop (erf)  }
0x15b: {  	v3 =	vadd.f32 $1.000000000e+00, v37;
	(erf) = vrcp.f32 v0;
	v45 =	vmin.f32 v30, v29;
	v23 =	vpop (erf)  }
0x15c: {  	(erf) = vrcp.f32 v42;
	v27 =	vsub.f32 v27, v35;
	v29 =	vmul.f32 $5.545931310e-02, v45;
	v2 =	vpop (erf)  }
0x15d: {  	(erf) = vrcp.f32 v37;
	v30 =	vmin.f32 v46, v23;
	v23 =	vsub.f32 v2, v31;
	v31 =	vpop (erf)  }
0x15e: {  	(erf) = vrcp.f32 v25;
	v4 =	vmul.f32 $5.545931310e-02, v30;
	v29 =	vsub.f32 $2.186654810e-01, v29;
	v5 =	vpop (erf)  }
0x15f: {  	v56 =	vld.idx.msk [tilespmem:v13+s22+$0x0], $0xffff;
	(erf) = vrcp.f32 v36;
	v42 =	vmin.f32 v50, v5;
	v6 =	vand.u32 $0x7FFFFFFF, v23  }
0x160: {  	v23 =	vand.u32 $0x7FFFFFFF, v27;
	v27 =	vpop (erf);
	v29 =	vmul.f32 v29, v45;
	v7 =	vmul.f32 $5.545931310e-02, v42  }
0x161: {  	v38 =	vsub.f32 $2.186654810e-01, v4;
	v50 =	vpop (erf);
	v23 =	vmul.f32 $1.000000000e+01, v23;
	v59 =	vmul.f32 $1.000000000e+01, v6  }
0x162: {  	v27 =	vmin.f32 v34, v27;
	v52 =	vadd.f32 $1.000000000e+00, v50;
	v53 =	vpop (erf);
	(erf) = vrcp.f32 v3  }
0x163: {  	v29 =	vadd.f32 $-4.664424360e-01, v29;
	v3 =	vmul.f32 v38, v30;
	v41 =	vsub.f32 v53, v41  }
0x164: {  	v46 =	vsub.f32 $2.186654810e-01, v7;
	(erf) = vrcp.f32 v50;
	v53 =	vmul.f32 v56, v28  }
0x165: {  	v0 =	vpop (erf);
	v35 =	vmin.f32 v59, $9.000000000e+00;
	v7 =	vmul.f32 $5.545931310e-02, v27;
	(erf) = vrcp.f32 v52  }
0x166: {  	v2 =	vpop (erf);
	v29 =	vmul.f32 v29, v45;
	v5 =	vadd.f32 $-4.664424360e-01, v3;
	v6 =	vsub.f32 v0, v39  }
0x167: {  	v1 =	vmul.f32 v46, v42;
	v41 =	vand.u32 $0x7FFFFFFF, v41;
	v28 =	vsub.f32 v2, v56  }
0x168: {  	v4 =	vpop (erf);
	v46 =	vtrunc.f32 v35;
	v44 =	vsub.f32 $2.186654810e-01, v7;
	v0 =	vadd.f32 $9.962619540e-01, v29  }
0x169: {  	v35 =	vmin.f32 v32, v31;
	v38 =	vmin.f32 v37, v4;
	v34 =	vadd.f32 $-4.664424360e-01, v1  }
0x16a: {  	v39 =	vmul.f32 v5, v30;
	v29 =	vand.u32 $0x7FFFFFFF, v6;
	v36 =	vmul.f32 v0, v45  }
0x16b: {  	v56 =	vpop (erf);
	v52 =	vmul.f32 v34, v42;
	v34 =	vand.u32 $0x7FFFFFFF, v28;
	v28 =	vmul.f32 $1.000000000e+01, v41  }
0x16c: {  	v37 =	vsub.f32 v47, v49;
	v6 =	vmul.f32 $1.000000000e+01, v29;
	v1 =	vpop (erf);
	v36 =	vadd.f32 $6.944574120e-05, v36  }
0x16d: {  	v49 =	vmul.f32 $5.545931310e-02, v38;
	v59 =	vadd.f32 $9.962619540e-01, v52;
	v28 =	vmin.f32 v28, $9.000000000e+00;
	v2 =	vpop (erf)  }
0x16e: {  	v28 =	vtrunc.f32 v28;
	v4 =	vpop (erf);
	v5 =	vsub.f32 v2, v33;
	v36 =	vadd.f32 v36, v43  }
0x16f: {  	v3 =	vmul.f32 v59, v42;
	v28 =	vcvt.f32.s32 v28;
	v42 =	vmin.f32 v50, v4;
	v7 =	vpop (erf)  }
0x170: {  	v22 =	vld.idx.msk [tilespmem:v22+s23+$0x0], $0xffff;
	v59 =	vsub.f32 $2.186654810e-01, v49;
	v26 =	vsub.f32 v7, v26;
	v32 =	vand.u32 $0x7FFFFFFF, v5  }
0x171: {  	v31 =	vadd.f32 $6.944574120e-05, v3;
	v29 =	vadd.s32 v11, v28;
	v28 =	vmul.f32 v44, v27  }
0x172: {  	v24 =	vld.idx.msk [tilespmem:v24+s23+$0x0], $0xffff;
	v32 =	vmul.f32 $1.000000000e+01, v32;
	v44 =	vsub.f32 v1, v40;
	v40 =	vmul.f32 v59, v38  }
0x173: {  	v26 =	vand.u32 $0x7FFFFFFF, v26;
	v50 =	vadd.f32 v31, v48;
	v31 =	vmin.f32 v25, v56  }
0x174: {  	v25 =	vmin.f32 v6, $9.000000000e+00;
	v56 =	vmul.f32 $5.545931310e-02, v42;
	v28 =	vadd.f32 $-4.664424360e-01, v28  }
0x175: {  	v43 =	vmul.f32 $1.000000000e+01, v26;
	v26 =	vmul.f32 v22, v36;
	v32 =	vmin.f32 v32, $9.000000000e+00  }
0x176: {  	v36 =	vcvt.f32.s32 v46;
	v41 =	vtrunc.f32 v32;
	v32 =	vsub.f32 v51, v53  }
0x177: {  	s17 =	simm.s32 $0x1;
	v33 =	vmul.f32 v24, v50;
	v28 =	vmul.f32 v28, v27;
	v45 =	vsub.f32 $2.186654810e-01, v56  }
.LBB2_3:
0x178: {  	v48 =	vtrunc.f32 v25  }
0x179: {  	v51 =	vmul.f32 $5.545931310e-02, v35;
	v41 =	vcvt.f32.s32 v41  }
0x17a: {  	s18 =	sshll.u32 s17, $0x7;
	v44 =	vand.u32 $0x7FFFFFFF, v44;
	v2 =	vmul.f32 $5.545931310e-02, v31;
	v56 =	vmul.f32 $1.000000000e+01, v34  }
0x17b: {  	v23 =	vmin.f32 v23, $9.000000000e+00;
	v47 =	vmin.f32 v43, $9.000000000e+00;
	v49 =	vor.u32 s18, v54  }
0x17c: {  	v25 =	vor.u32 s18, v63;
	v1 =	vmul.f32 v45, v42;
	v50 =	vor.u32 s18, v57  }
0x17d: {  	v45 =	vor.u32 s18, v58;
	v53 =	vor.u32 s18, v61;
	v40 =	vadd.f32 $-4.664424360e-01, v40  }
0x17e: {  	v7 =	vmovc v57;
	v8 =	vmovc v58;
	v54 =	vor.u32 s18, v62;
	v57 =	vadd.f32 $9.962619540e-01, v39;
	v58 =	vadd.f32 $9.962619540e-01, v28  }
0x17f: {  	v28 =	vor.u32 s18, v60;
	v48 =	vcvt.f32.s32 v48;
	v44 =	vmul.f32 $1.000000000e+01, v44  }
0x180: {  	v23 =	vtrunc.f32 v23;
	v59 =	vtrunc.f32 v47;
	v51 =	vsub.f32 $2.186654810e-01, v51  }
0x181: {  	v46 =	vld.idx.msk [tilespmem:v16+s23+$0x0], $0xffff;
	v23 =	vcvt.f32.s32 v23;
	v0 =	vadd.f32 $-4.664424360e-01, v1;
	v40 =	vmul.f32 v40, v38  }
0x182: {  	v1 =	vsub.f32 $2.186654810e-01, v2;
	v57 =	vmul.f32 v57, v30;
	v44 =	vmin.f32 v44, $9.000000000e+00;
	v43 =	vld.idx.msk [tilespmem:v50+s5+$0x0], $0xffff  }
0x183: {  	v59 =	vcvt.f32.s32 v59;
	v27 =	vmul.f32 v58, v27;
	v40 =	vadd.f32 $9.962619540e-01, v40;
	v39 =	vld.idx.msk [tilespmem:v53+s22+$0x0], $0xffff  }
0x184: {  	v9 =	vmovc v60;
	v52 =	vor.u32 s18, v55;
	v2 =	vmul.f32 v0, v42;
	v60 =	vmul.f32 v1, v31;
	v34 =	vld.idx.msk [tilespmem:v54+s5+$0x0], $0xffff  }
0x185: {  	v1 =	vtrunc.f32 v44;
	v57 =	vadd.f32 $6.944574120e-05, v57;
	v47 =	vld.idx.msk [tilespmem:v45+s5+$0x0], $0xffff;
	v0 =	vmul.f32 v40, v38  }
0x186: {  	v10 =	vmovc v61;
	v27 =	vadd.f32 $6.944574120e-05, v27;
	v61 =	vld.idx.msk [tilespmem:v53+s5+$0x0], $0xffff;
	v55 =	vadd.f32 $9.962619540e-01, v2;
	v2 =	vmul.f32 v51, v35  }
0x187: {  	v30 =	vld.idx.msk [tilespmem:v28+s5+$0x0], $0xffff;
	v51 =	vadd.f32 $-4.664424360e-01, v60;
	v40 =	vcvt.f32.s32 v1;
	v0 =	vadd.f32 $6.944574120e-05, v0  }
0x188: {  	v4 =	vmovc v62;
	v16 =	vmovc v45;
	v58 =	vadd.s32 v11, v36;
	v45 =	vld.idx.msk [tilespmem:v25+s5+$0x0], $0xffff;
	v1 =	vadd.f32 $-4.664424360e-01, v2;
	v62 =	vsub.f32 $0.0e+00, v43  }
0x189: {  	v44 =	vld.idx.msk [tilespmem:v28+s22+$0x0], $0xffff;
	v2 =	vmul.f32 v55, v42;
	v55 =	vadd.s32 v11, v59;
	v59 =	vadd.s32 v11, v40  }
0x18a: {  	v6 =	vmovc v63;
	v3 =	vld.idx.msk [tilespmem:v49+s5+$0x0], $0xffff;
	v0 =	vadd.f32 v0, v21;
	v63 =	vsub.f32 $0.0e+00, v34;
	v60 =	vmul.f32 $1.442695020e+00, v62  }
0x18b: {  	v38 =	vld.idx.msk [tilespmem:v25+s22+$0x0], $0xffff;
	v42 =	vadd.f32 $6.944574120e-05, v2;
	v62 =	vmul.f32 v1, v35;
	v1 =	vsub.f32 $0.0e+00, v61  }
0x18c: {  	v21 =	vld.idx.msk [tilespmem:v52+s5+$0x0], $0xffff;
	v2 =	vsub.f32 $0.0e+00, v30;
	v40 =	vmul.f32 $1.442695020e+00, v63;
	(erf) = vpow2.f32 v60  }
0x18d: {  	v48 =	vadd.s32 v11, v48;
	v57 =	vadd.f32 v57, v37;
	v37 =	vld.idx.msk [tilespmem:v52+s22+$0x0], $0xffff;
	v36 =	vmul.f32 $1.442695020e+00, v1  }
0x18e: {  	v18 =	vadd.f32 v27, v18;
	v63 =	vld.idx.msk [tilespmem:v15+s23+$0x0], $0xffff;
	v1 =	vmul.f32 $1.442695020e+00, v2;
	(erf) = vpow2.f32 v40  }
0x18f: {  	v60 =	vadd.s32 v11, v41;
	v41 =	vmul.f32 v51, v31;
	v51 =	vld.idx.msk [tilespmem:v17+s23+$0x0], $0xffff;
	(erf) = vpow2.f32 v36  }
0x190: {  	v20 =	vadd.f32 v42, v20;
	v42 =	vld.idx.msk [tilespmem:v16+s22+$0x0], $0xffff;
	v17 =	vmovc v49;
	v62 =	vadd.f32 $9.962619540e-01, v62;
	(erf) = vpow2.f32 v1  }
0x191: {  	v5 =	vmax.f32 v43, $0.0e+00;
	v0 =	vmul.f32 v46, v0;
	v49 =	vld.idx.msk [tilespmem:v14+s23+$0x0], $0xffff;
	v40 =	vsub.f32 $0.0e+00, v21  }
0x192: {  	v15 =	vmovc v52;
	v14 =	vmovc v53;
	v2 =	vmin.f32 v56, $9.000000000e+00;
	v53 =	vsub.f32 $0.0e+00, v47;
	v56 =	vld.idx.msk [tilespmem:v12+s23+$0x0], $0xffff;
	v52 =	vmul.f32 v62, v35  }
0x193: {  	v62 =	vtrunc.f32 v2;
	v40 =	vmul.f32 $1.442695020e+00, v40;
	v1 =	vld.idx.msk [tilespmem:v13+s23+$0x0], $0xffff;
	v13 =	vmovc v54;
	v54 =	vadd.f32 $9.962619540e-01, v41  }
0x194: {  	v12 =	vmovc v50;
	v36 =	vld.idx.msk [tilespmem:v50+s22+$0x0], $0xffff;
	v50 =	vsub.f32 $0.0e+00, v45;
	v52 =	vadd.f32 $6.944574120e-05, v52;
	v20 =	vmul.f32 v51, v20  }
0x195: {  	v2 =	vadd.s32 v11, v23;
	v31 =	vmul.f32 v54, v31;
	v35 =	vpop (erf);
	(erf) = vpow2.f32 v40;
	v40 =	vld.idx.msk [tilespmem:v17+s22+$0x0], $0xffff  }
0x196: {  	v53 =	vmul.f32 $1.442695020e+00, v53;
	v50 =	vmul.f32 $1.442695020e+00, v50;
	v19 =	vadd.f32 v52, v19;
	[tilespmem:v55+s29+$0x0] =	vst.idx.add.f32.msk $0xffff, v20  }
0x197: {  	v57 =	vmul.f32 v63, v57;
	v54 =	vmul.f32 v42, v47;
	v31 =	vadd.f32 $6.944574120e-05, v31;
	v41 =	vpop (erf);
	[tilespmem:v55+s30+$0x0] =	vst.idx.add.f32.msk $0xffff, v51  }
0x198: {  	v19 =	vmul.f32 v56, v19;
	v20 =	vsub.f32 $0.0e+00, v3;
	(erf) = vpow2.f32 v50;
	[tilespmem:v29+s31+$0x0] =	vst.idx.add.f32.msk $0xffff, v33;
	v52 =	vpop (erf)  }
0x199: {  	v31 =	vadd.f32 v31, v32;
	v32 =	vmul.f32 v38, v45;
	(erf) = vpow2.f32 v53;
	[tilespmem:v29+s0+$0x0] =	vst.idx.add.f32.msk $0xffff, v24;
	v29 =	vpop (erf)  }
0x19a: {  	v23 =	vadd.f32 $1.000000000e+00, v35;
	v50 =	vmul.f32 v44, v30;
	[tilespmem:v48+s4+$0x0] =	vst.idx.add.f32.msk $0xffff, v57;
	(erf) = vrcp.f32 v29  }
0x19b: {  	v51 =	vcvt.f32.s32 v62;
	v27 =	vadd.f32 $1.000000000e+00, v41;
	v33 =	vmul.f32 $1.442695020e+00, v20;
	[tilespmem:v48+s7+$0x0] =	vst.idx.add.f32.msk $0xffff, v63  }
0x19c: {  	v20 =	vmax.f32 v3, $0.0e+00;
	v24 =	vadd.f32 $1.000000000e+00, v52;
	v3 =	vmul.f32 v40, v3;
	[tilespmem:v59+s8+$0x0] =	vst.idx.add.f32.msk $0xffff, v19  }
0x19d: {  	v53 =	vadd.f32 $1.000000000e+00, v29;
	v48 =	vmul.f32 v49, v18;
	v18 =	vmax.f32 v61, $0.0e+00;
	[tilespmem:v59+s9+$0x0] =	vst.idx.add.f32.msk $0xffff, v56  }
0x19e: {  	v19 =	vmul.f32 v39, v61;
	v20 =	vsub.f32 v20, v3;
	[tilespmem:v60+s10+$0x0] =	vst.idx.add.f32.msk $0xffff, v0;
	v55 =	vpop (erf);
	(erf) = vrcp.f32 v24  }
0x19f: {  	v3 =	vmul.f32 v1, v31;
	v24 =	vadd.s32 v11, v51;
	[tilespmem:v60+s11+$0x0] =	vst.idx.add.f32.msk $0xffff, v46;
	(erf) = vrcp.f32 v55  }
0x1a0: {  	v18 =	vsub.f32 v18, v19;
	v51 =	vmul.f32 v37, v21;
	[tilespmem:v58+s12+$0x0] =	vst.idx.add.f32.msk $0xffff, v26;
	(erf) = vrcp.f32 v53  }
0x1a1: {  	v0 =	vadd.f32 $1.000000000e+00, v55;
	v46 =	vpop (erf);
	v26 =	vmax.f32 v47, $0.0e+00;
	[tilespmem:v58+s15+$0x0] =	vst.idx.add.f32.msk $0xffff, v22;
	(erf) = vrcp.f32 v35  }
0x1a2: {  	v53 =	vadd.f32 $1.000000000e+00, v46;
	v22 =	vmul.f32 v36, v43;
	v31 =	vpop (erf);
	[tilespmem:v2+s16+$0x0] =	vst.idx.add.f32.msk $0xffff, v48;
	(erf) = vrcp.f32 v46  }
0x1a3: {  	[tilespmem:v2+s1+$0x0] =	vst.idx.add.f32.msk $0xffff, v49;
	v2 =	vmax.f32 v21, $0.0e+00;
	v21 =	vsub.f32 v26, v54;
	v19 =	vpop (erf);
	(erf) = vrcp.f32 v52  }
0x1a4: {  	v54 =	vlaneseq.u32;
	[tilespmem:v24+s2+$0x0] =	vst.idx.add.f32.msk $0xffff, v3;
	v3 =	vmin.f32 v29, v19;
	(erf) = vpow2.f32 v33  }
0x1a5: {  	v26 =	vmax.f32 v45, $0.0e+00;
	v19 =	vsub.f32 v5, v22;
	[tilespmem:v24+s3+$0x0] =	vst.idx.add.f32.msk $0xffff, v1;
	v24 =	vmul.f32 $5.545931310e-02, v3  }
0x1a6: {  	v5 =	vmax.f32 v30, $0.0e+00;
	v1 =	vsub.f32 v26, v32;
	(erf) = vrcp.f32 v53;
	v43 =	vld.idx.msk [tilespmem:v13+s22+$0x0], $0xffff  }
0x1a7: {  	v5 =	vsub.f32 v5, v50;
	(erf) = vrcp.f32 v0;
	v47 =	vsub.f32 $2.186654810e-01, v24;
	v49 =	vpop (erf)  }
0x1a8: {  	v32 =	vmax.f32 v34, $0.0e+00;
	(erf) = vrcp.f32 v27;
	v27 =	vadd.f32 $1.000000000e+00, v31;
	v22 =	vpop (erf)  }
0x1a9: {  	v0 =	vsub.f32 v49, v39;
	v49 =	vmul.f32 v47, v3;
	v26 =	vpop (erf);
	(erf) = vrcp.f32 v31  }
0x1aa: {  	v30 =	vmin.f32 v55, v22;
	v22 =	vsub.f32 v26, v44;
	v26 =	vpop (erf);
	(erf) = vrcp.f32 v41  }
0x1ab: {  	v29 =	vmul.f32 $5.545931310e-02, v30;
	v0 =	vand.u32 $0x7FFFFFFF, v0;
	v48 =	vmul.f32 v43, v34;
	v53 =	vpop (erf)  }
0x1ac: {  	v35 =	vmin.f32 v35, v26;
	v33 =	vmin.f32 v46, v53;
	v22 =	vand.u32 $0x7FFFFFFF, v22;
	v39 =	vpop (erf)  }
0x1ad: {  	v29 =	vsub.f32 $2.186654810e-01, v29;
	v56 =	vmul.f32 $5.545931310e-02, v33;
	v45 =	vpop (erf);
	(erf) = vrcp.f32 v23  }
0x1ae: {  	v32 =	vsub.f32 v32, v48;
	v23 =	vmul.f32 $1.000000000e+01, v0;
	v22 =	vmul.f32 $1.000000000e+01, v22  }
0x1af: {  	v0 =	vadd.f32 $-4.664424360e-01, v49;
	v59 =	vadd.f32 $1.000000000e+00, v45;
	v24 =	vpop (erf);
	(erf) = vrcp.f32 v27  }
0x1b0: {  	v27 =	vmin.f32 v52, v39;
	v29 =	vmul.f32 v29, v30;
	v24 =	vsub.f32 v24, v38  }
0x1b1: {  	v50 =	vsub.f32 $2.186654810e-01, v56;
	v53 =	vpop (erf);
	(erf) = vrcp.f32 v45;
	v22 =	vmin.f32 v22, $9.000000000e+00  }
0x1b2: {  	v0 =	vmul.f32 v0, v3;
	(erf) = vrcp.f32 v59;
	v29 =	vadd.f32 $-4.664424360e-01, v29  }
0x1b3: {  	v37 =	vsub.f32 v53, v37;
	v53 =	vmul.f32 $5.545931310e-02, v27;
	v38 =	vmul.f32 v50, v33  }
0x1b4: {  	v46 =	vtrunc.f32 v22;
	v56 =	vpop (erf);
	v24 =	vand.u32 $0x7FFFFFFF, v24;
	v0 =	vadd.f32 $9.962619540e-01, v0  }
0x1b5: {  	v59 =	vpop (erf);
	v24 =	vmul.f32 $1.000000000e+01, v24;
	v39 =	vmul.f32 v29, v30;
	v52 =	vadd.f32 $-4.664424360e-01, v38  }
0x1b6: {  	v38 =	vmin.f32 v31, v59;
	v31 =	vsub.f32 v56, v43;
	v0 =	vmul.f32 v0, v3  }
0x1b7: {  	v29 =	vand.u32 $0x7FFFFFFF, v37;
	v37 =	vsub.f32 v2, v51;
	v56 =	vmul.f32 v52, v33  }
0x1b8: {  	v49 =	vpop (erf);
	v34 =	vand.u32 $0x7FFFFFFF, v31;
	v31 =	vmin.f32 v24, $9.000000000e+00;
	v0 =	vadd.f32 $6.944574120e-05, v0  }
0x1b9: {  	v51 =	vmul.f32 $1.000000000e+01, v29;
	v24 =	vld.idx.msk [tilespmem:v25+s23+$0x0], $0xffff;
	v59 =	vpop (erf);
	v25 =	vtrunc.f32 v31;
	v31 =	vsub.f32 $2.186654810e-01, v53  }
0x1ba: {  	v22 =	vadd.f32 $9.962619540e-01, v56;
	v47 =	vpop (erf);
	v25 =	vcvt.f32.s32 v25;
	v0 =	vadd.f32 v0, v5  }
0x1bb: {  	v44 =	vsub.f32 v59, v36;
	v36 =	vcvt.f32.s32 v46;
	v50 =	vpop (erf);
	v2 =	vsub.f32 v47, v42  }
0x1bc: {  	v22 =	vmul.f32 v22, v33;
	v26 =	vpop (erf);
	v42 =	vmin.f32 v45, v50;
	v29 =	vadd.s32 v11, v25  }
0x1bd: {  	v25 =	vmin.f32 v51, $9.000000000e+00;
	v3 =	vsub.f32 v26, v40;
	v26 =	vmul.f32 $5.545931310e-02, v38  }
0x1be: {  	p0 =	sne.s32 s17, $0x4F;
	v2 =	vand.u32 $0x7FFFFFFF, v2;
	v52 =	vadd.f32 $6.944574120e-05, v22;
	v22 =	vld.idx.msk [tilespmem:v28+s23+$0x0], $0xffff;
	v28 =	vmul.f32 v31, v27  }
.Ltmp0:
0x1bf: {  	v2 =	vmul.f32 $1.000000000e+01, v2;
	v56 =	vand.u32 $0x7FFFFFFF, v3;
	v3 =	vsub.f32 $2.186654810e-01, v26;
	(pc) =	sbr.rel @p0 .LBB2_3-.Ltmp0, $4  }
0x1c0: {  	v53 =	vmul.f32 $5.545931310e-02, v42;
	v1 =	vadd.f32 v52, v1;
	v28 =	vadd.f32 $-4.664424360e-01, v28  }
0x1c1: {  	v62 =	vmovc v4;
	v57 =	vmovc v7;
	v43 =	vmul.f32 $1.000000000e+01, v56;
	v59 =	vmin.f32 v2, $9.000000000e+00;
	v40 =	vmul.f32 v3, v38  }
0x1c2: {  	v63 =	vmovc v6;
	v61 =	vmovc v10;
	v31 =	vmin.f32 v41, v49;
	v41 =	vtrunc.f32 v59;
	v33 =	vmul.f32 v24, v1  }
0x1c3: {  	s17 =	sadd.s32 $0x1, s17;
	v60 =	vmovc v9;
	v58 =	vmovc v8;
	v55 =	vld [tilespmem:$0x1FFF0];
	v45 =	vsub.f32 $2.186654810e-01, v53;
	v28 =	vmul.f32 v28, v27;
	v26 =	vmul.f32 v22, v0  }
0x1c4: {  	_ = 	snop  }
0x1c5: {  	v0 =	vmul.f32 v45, v42;
	_ =	sdelay $0x1  }
0x1c6: {  	v1 =	vmul.f32 $5.545931310e-02, v35;
	v0 =	vadd.f32 $-4.664424360e-01, v0  }
0x1c7: {  	v2 =	vand.u32 $0x7FFFFFFF, v44;
	v3 =	vtrunc.f32 v25  }
0x1c8: {  	v5 =	vadd.f32 $-4.664424360e-01, v40;
	v1 =	vsub.f32 $2.186654810e-01, v1;
	v0 =	vmul.f32 v0, v42  }
0x1c9: {  	v25 =	vmin.f32 v43, $9.000000000e+00;
	v59 =	vcvt.f32.s32 v41;
	v44 =	vmul.f32 $5.545931310e-02, v31  }
0x1ca: {  	v25 =	vtrunc.f32 v25;
	v1 =	vmul.f32 v1, v35;
	v0 =	vadd.f32 $9.962619540e-01, v0  }
0x1cb: {  	v39 =	vadd.f32 $9.962619540e-01, v39;
	v3 =	vcvt.f32.s32 v3;
	v5 =	vmul.f32 v5, v38  }
0x1cc: {  	v2 =	vmul.f32 $1.000000000e+01, v2;
	v1 =	vadd.f32 $-4.664424360e-01, v1;
	v0 =	vmul.f32 v0, v42  }
0x1cd: {  	v17 =	vld.idx.msk [tilespmem:v17+s23+$0x0], $0xffff;
	v41 =	vsub.f32 $2.186654810e-01, v44;
	v25 =	vcvt.f32.s32 v25;
	v5 =	vadd.f32 $9.962619540e-01, v5  }
0x1ce: {  	v30 =	vmul.f32 v39, v30;
	v1 =	vmul.f32 v1, v35;
	v0 =	vadd.f32 $6.944574120e-05, v0  }
0x1cf: {  	v16 =	vld.idx.msk [tilespmem:v16+s23+$0x0], $0xffff;
	v2 =	vmin.f32 v2, $9.000000000e+00;
	v25 =	vadd.s32 v11, v25;
	v5 =	vmul.f32 v5, v38  }
0x1d0: {  	v15 =	vld.idx.msk [tilespmem:v15+s23+$0x0], $0xffff;
	v2 =	vtrunc.f32 v2;
	v1 =	vadd.f32 $9.962619540e-01, v1;
	v0 =	vadd.f32 v0, v20  }
0x1d1: {  	v14 =	vld.idx.msk [tilespmem:v14+s23+$0x0], $0xffff;
	v30 =	vadd.f32 $6.944574120e-05, v30;
	v2 =	vcvt.f32.s32 v2;
	v5 =	vadd.f32 $6.944574120e-05, v5  }
0x1d2: {  	v12 =	vld.idx.msk [tilespmem:v12+s23+$0x0], $0xffff;
	v3 =	vadd.s32 v11, v3;
	v1 =	vmul.f32 v1, v35;
	v0 =	vmul.f32 v17, v0  }
0x1d3: {  	v13 =	vld.idx.msk [tilespmem:v13+s23+$0x0], $0xffff;
	v5 =	vadd.f32 v5, v21;
	v21 =	vadd.f32 v30, v37;
	v20 =	vmul.f32 v41, v31  }
0x1d4: {  	v45 =	vadd.f32 $9.962619540e-01, v28;
	v1 =	vadd.f32 $6.944574120e-05, v1;
	[tilespmem:v25+s29+$0x0] =	vst.idx.add.f32.msk $0xffff, v0  }
0x1d5: {  	v2 =	vadd.s32 v11, v2;
	v21 =	vmul.f32 v15, v21;
	v20 =	vadd.f32 $-4.664424360e-01, v20;
	[tilespmem:v25+s30+$0x0] =	vst.idx.add.f32.msk $0xffff, v17  }
0x1d6: {  	v1 =	vadd.f32 v1, v19;
	v19 =	vmin.f32 v23, $9.000000000e+00;
	v23 =	vadd.s32 v11, v59;
	[tilespmem:v29+s31+$0x0] =	vst.idx.add.f32.msk $0xffff, v33  }
0x1d7: {  	v20 =	vmul.f32 v20, v31;
	v0 =	vmul.f32 v45, v27;
	[tilespmem:v29+s0+$0x0] =	vst.idx.add.f32.msk $0xffff, v24  }
0x1d8: {  	v19 =	vtrunc.f32 v19;
	v1 =	vmul.f32 v12, v1;
	[tilespmem:v3+s4+$0x0] =	vst.idx.add.f32.msk $0xffff, v21  }
0x1d9: {  	v17 =	vmul.f32 $1.000000000e+01, v34;
	v19 =	vcvt.f32.s32 v19;
	v21 =	vadd.s32 v11, v36;
	[tilespmem:v3+s7+$0x0] =	vst.idx.add.f32.msk $0xffff, v15  }
0x1da: {  	v5 =	vmul.f32 v16, v5;
	v20 =	vadd.f32 $9.962619540e-01, v20;
	v0 =	vadd.f32 $6.944574120e-05, v0;
	[tilespmem:v2+s8+$0x0] =	vst.idx.add.f32.msk $0xffff, v1  }
0x1db: {  	v17 =	vmin.f32 v17, $9.000000000e+00;
	v46 =	vadd.s32 v11, v19;
	[tilespmem:v2+s9+$0x0] =	vst.idx.add.f32.msk $0xffff, v12  }
0x1dc: {  	v0 =	vadd.f32 v0, v18;
	v3 =	vtrunc.f32 v17;
	v15 =	vmul.f32 v20, v31;
	[tilespmem:v23+s10+$0x0] =	vst.idx.add.f32.msk $0xffff, v5  }
0x1dd: {  	v3 =	vcvt.f32.s32 v3;
	[tilespmem:v23+s11+$0x0] =	vst.idx.add.f32.msk $0xffff, v16  }
0x1de: {  	v0 =	vmul.f32 v14, v0;
	v47 =	vadd.f32 $6.944574120e-05, v15;
	[tilespmem:v21+s12+$0x0] =	vst.idx.add.f32.msk $0xffff, v26  }
0x1df: {  	v3 =	vadd.s32 v11, v3;
	[tilespmem:v21+s15+$0x0] =	vst.idx.add.f32.msk $0xffff, v22  }
0x1e0: {  	v2 =	vadd.f32 v47, v32;
	s17 =	rddreg [dreg:$0xd];
	[tilespmem:v46+s16+$0x0] =	vst.idx.add.f32.msk $0xffff, v0  }
0x1e1: {  	p0 =	seq.s32 s14, $0xB;
	s6 =	sadd.s32 s17, s6;
	s17 =	rddreg [dreg:$0xc]  }
0x1e2: {  	v48 =	vmul.f32 v13, v2;
	s6 =	smov.u32 @p0 s17  }
0x1e3: {  	[tilespmem:v46+s1+$0x0] =	vst.idx.add.f32.msk $0xffff, v14;
	s6 =	sshll.u32 s6, $0x7  }
0x1e4: {  	s13 =	rddreg [dreg:$0x0];
	s18 =	simm.s32 $0x0;
	[tilespmem:v3+s2+$0x0] =	vst.idx.add.f32.msk $0xffff, v48;
	s6 =	sand.u32 $0x1FFFFF80, s6  }
0x1e5: {  	s28 =	simm.s32 $0xC3800;
	[tilespmem:v3+s3+$0x0] =	vst.idx.add.f32.msk $0xffff, v13;
	s17 =	sadd.s32 s13, s6;
	s13 =	simm.s32 $0x400  }
0x1e6: {  	[tilespmem:s18], [sflag:$0x1] =	stream.strided.gather [hbm4b:s17+s13], $0x2800, s28, s13, $0x38;
	[tilespmem:$0x17880] =	vst v63  }
0x1e7: {  	s18 =	rddreg [dreg:$0x1]  }
0x1e8: {  	s17 =	sadd.s32 s18, s6;
	s18 =	rddreg [dreg:$0x2]  }
0x1e9: {  	[tilespmem:s22], [sflag:$0x1] =	stream.strided.gather [hbm4b:s17+s13], $0x2800, s28, s13, $0x38;
	[tilespmem:$0x17880] =	vst v63  }
0x1ea: {  	s6 =	sadd.s32 s18, s6;
	s18 =	simm.s32 $0x2  }
0x1eb: {  	[tilespmem:s23], [sflag:$0x1] =	stream.strided.gather [hbm4b:s6+s13], $0x2800, s28, s13, $0x38;
	[tilespmem:$0x17880] =	vst v63  }
0x1ec: {  	_ =	swait.ge [sflag:s18], $0x2800  }
0x1ed: {  	[sflag:s18] =	ssyncset.done $0x0  }
0x1ee: {  	[sflag:s18] =	ssyncadd.s32 $0xFFFFD800  }
0x1ef: {  	s28 =	simm.s32 $0x0;
	_ =	swait.ge [sflag:s18], $0x2800  }
0x1f0: {  	v12 =	vor.u32 s28, v57;
	[sflag:s18] =	ssyncset.done $0x0  }
0x1f1: {  	v13 =	vor.u32 s28, v62;
	[sflag:s18] =	ssyncadd.s32 $0xFFFFD800  }
0x1f2: {  	v14 =	vor.u32 s28, v61;
	_ =	swait.ge [sflag:s18], $0x2800  }
0x1f3: {  	[sflag:s18] =	ssyncset.done $0x0  }
0x1f4: {  	v22 =	vor.u32 s28, v60;
	[sflag:s18] =	ssyncadd.s32 $0xFFFFD800  }
0x1f5: {  	v0 =	vld.idx.msk [tilespmem:v12+s24+$0x0], $0xffff  }
0x1f6: {  	v15 =	vor.u32 s28, v55;
	v28 =	vld.idx.msk [tilespmem:v13+s24+$0x0], $0xffff  }
0x1f7: {  	v49 =	vld.idx.msk [tilespmem:v14+s24+$0x0], $0xffff;
	_ =	sdelay $0x1  }
0x1f8: {  	v24 =	vor.u32 s28, v63;
	v2 =	vld.idx.msk [tilespmem:v22+s24+$0x0], $0xffff  }
0x1f9: {  	v3 =	vsub.f32 $0.0e+00, v0  }
0x1fa: {  	v16 =	vor.u32 s28, v58;
	v5 =	vld.idx.msk [tilespmem:v15+s24+$0x0], $0xffff;
	v17 =	vsub.f32 $0.0e+00, v28  }
0x1fb: {  	v18 =	vsub.f32 $0.0e+00, v49;
	v3 =	vmul.f32 $1.442695020e+00, v3  }
0x1fc: {  	v17 =	vmul.f32 $1.442695020e+00, v17  }
0x1fd: {  	v23 =	vld.idx.msk [tilespmem:v24+s24+$0x0], $0xffff;
	v19 =	vsub.f32 $0.0e+00, v2;
	(erf) = vpow2.f32 v3;
	v3 =	vmul.f32 $1.442695020e+00, v18  }
0x1fe: {  	(erf) = vpow2.f32 v17  }
0x1ff: {  	v18 =	vmul.f32 $1.442695020e+00, v19;
	v19 =	vsub.f32 $0.0e+00, v5;
	(erf) = vpow2.f32 v3;
	v3 =	vld.idx.msk [tilespmem:v16+s24+$0x0], $0xffff  }
0x200: {  	v17 =	vor.u32 s28, v54  }
0x201: {  	(erf) = vpow2.f32 v18;
	v18 =	vmul.f32 $1.442695020e+00, v19  }
0x202: {  	v27 =	vld.idx.msk [tilespmem:v22+s25+$0x0], $0xffff;
	v19 =	vsub.f32 $0.0e+00, v23  }
0x203: {  	v30 =	vld.idx.msk [tilespmem:v14+s25+$0x0], $0xffff;
	(erf) = vpow2.f32 v18  }
0x204: {  	v34 =	vld.idx.msk [tilespmem:v15+s25+$0x0], $0xffff;
	v19 =	vmul.f32 $1.442695020e+00, v19;
	v20 =	vsub.f32 $0.0e+00, v3  }
0x205: {  	v18 =	vld.idx.msk [tilespmem:v17+s24+$0x0], $0xffff  }
0x206: {  	v36 =	vld.idx.msk [tilespmem:v24+s25+$0x0], $0xffff;
	(erf) = vpow2.f32 v19;
	v19 =	vmul.f32 $1.442695020e+00, v20  }
0x207: {  	v29 =	vpop (erf)  }
0x208: {  	v43 =	vld.idx.msk [tilespmem:v12+s25+$0x0], $0xffff;
	v50 =	vmul.f32 v27, v2;
	v25 =	vpop (erf)  }
0x209: {  	v31 =	vld.idx.msk [tilespmem:v16+s25+$0x0], $0xffff;
	v1 =	vmul.f32 v30, v49;
	v45 =	vmul.f32 v34, v5;
	v32 =	vpop (erf)  }
0x20a: {  	v26 =	vld.idx.msk [tilespmem:v17+s25+$0x0], $0xffff;
	v20 =	vsub.f32 $0.0e+00, v18;
	(erf) = vpow2.f32 v19;
	v21 =	vadd.f32 $1.000000000e+00, v32;
	v19 =	vpop (erf)  }
0x20b: {  	v35 =	vmax.f32 v0, $0.0e+00;
	v47 =	vmul.f32 v36, v23;
	(erf) = vrcp.f32 v19  }
0x20c: {  	v51 =	vmul.f32 $1.442695020e+00, v20;
	v20 =	vadd.f32 $1.000000000e+00, v19;
	v53 =	vpop (erf);
	(erf) = vrcp.f32 v21  }
0x20d: {  	v0 =	vmul.f32 v43, v0;
	v2 =	vmax.f32 v2, $0.0e+00;
	(erf) = vrcp.f32 v53  }
0x20e: {  	v2 =	vsub.f32 v2, v50;
	v52 =	vmul.f32 v31, v3;
	(erf) = vrcp.f32 v20  }
0x20f: {  	v3 =	vmax.f32 v3, $0.0e+00;
	v56 =	vmul.f32 v26, v18;
	v46 =	vpop (erf);
	(erf) = vrcp.f32 v29  }
0x210: {  	v21 =	vmax.f32 v18, $0.0e+00;
	v59 =	vadd.f32 $1.000000000e+00, v53;
	(erf) = vrcp.f32 v46  }
0x211: {  	v48 =	vadd.f32 $1.000000000e+00, v46;
	v20 =	vsub.f32 v21, v56;
	(erf) = vrcp.f32 v32  }
0x212: {  	v21 =	vsub.f32 v3, v52;
	v3 =	vmax.f32 v23, $0.0e+00;
	(erf) = vpow2.f32 v51  }
0x213: {  	v5 =	vmax.f32 v5, $0.0e+00;
	v18 =	vmax.f32 v49, $0.0e+00;
	v39 =	vpop (erf);
	(erf) = vrcp.f32 v48  }
0x214: {  	v37 =	vadd.f32 $1.000000000e+00, v25;
	v18 =	vsub.f32 v18, v1;
	v49 =	vpop (erf);
	(erf) = vrcp.f32 v59  }
0x215: {  	v1 =	vmin.f32 v19, v49;
	v19 =	vsub.f32 v35, v0;
	v0 =	vsub.f32 v3, v47;
	v3 =	vpop (erf)  }
0x216: {  	v33 =	vadd.f32 $1.000000000e+00, v29;
	v47 =	vmax.f32 v28, $0.0e+00;
	(erf) = vrcp.f32 v37;
	v23 =	vpop (erf)  }
0x217: {  	v3 =	vsub.f32 v3, v30;
	v50 =	vmul.f32 $5.545931310e-02, v1;
	(erf) = vrcp.f32 v39;
	v51 =	vpop (erf)  }
0x218: {  	v30 =	vmin.f32 v53, v23;
	v23 =	vsub.f32 v51, v27;
	v40 =	vpop (erf);
	(erf) = vrcp.f32 v25  }
0x219: {  	v27 =	vadd.f32 $1.000000000e+00, v39;
	v52 =	vmul.f32 $5.545931310e-02, v30;
	v35 =	vsub.f32 $2.186654810e-01, v50;
	v53 =	vpop (erf)  }
0x21a: {  	v3 =	vand.u32 $0x7FFFFFFF, v3;
	(erf) = vrcp.f32 v33;
	v41 =	vmin.f32 v46, v53  }
0x21b: {  	v33 =	vld.idx.msk [tilespmem:v13+s25+$0x0], $0xffff;
	v38 =	vand.u32 $0x7FFFFFFF, v23;
	v56 =	vpop (erf);
	v23 =	vmul.f32 $1.000000000e+01, v3;
	v3 =	vmul.f32 v35, v1  }
0x21c: {  	v37 =	vsub.f32 $2.186654810e-01, v52;
	v59 =	vmul.f32 $5.545931310e-02, v41;
	v46 =	vpop (erf);
	v38 =	vmul.f32 $1.000000000e+01, v38  }
0x21d: {  	v48 =	vadd.f32 $1.000000000e+00, v46;
	v52 =	vpop (erf);
	(erf) = vrcp.f32 v27;
	v3 =	vadd.f32 $-4.664424360e-01, v3  }
0x21e: {  	v27 =	vmin.f32 v32, v56;
	v37 =	vmul.f32 v37, v30;
	(erf) = vrcp.f32 v46  }
0x21f: {  	v35 =	vsub.f32 v52, v36;
	v53 =	vsub.f32 $2.186654810e-01, v59;
	v44 =	vpop (erf);
	(erf) = vrcp.f32 v48  }
0x220: {  	v42 =	vmin.f32 v38, $9.000000000e+00;
	v3 =	vmul.f32 v3, v1;
	v48 =	vmul.f32 v33, v28  }
0x221: {  	v49 =	vtrunc.f32 v42;
	v56 =	vmul.f32 v53, v41;
	v35 =	vand.u32 $0x7FFFFFFF, v35  }
0x222: {  	v59 =	vpop (erf);
	v53 =	vadd.f32 $-4.664424360e-01, v37;
	v37 =	vsub.f32 v5, v45;
	v36 =	vcvt.f32.s32 v49  }
0x223: {  	v52 =	vpop (erf);
	v28 =	vsub.f32 v59, v33;
	v59 =	vmul.f32 $5.545931310e-02, v27;
	v3 =	vadd.f32 $9.962619540e-01, v3  }
0x224: {  	v32 =	vadd.f32 $-4.664424360e-01, v56;
	v38 =	vmin.f32 v39, v52;
	v56 =	vsub.f32 v44, v34  }
0x225: {  	v39 =	vmul.f32 v53, v30;
	v34 =	vand.u32 $0x7FFFFFFF, v28;
	v28 =	vmul.f32 $1.000000000e+01, v35  }
0x226: {  	v59 =	vsub.f32 $2.186654810e-01, v59;
	v1 =	vmul.f32 v3, v1;
	v32 =	vmul.f32 v32, v41  }
0x227: {  	v50 =	vpop (erf);
	v35 =	vmin.f32 v29, v40;
	v56 =	vand.u32 $0x7FFFFFFF, v56;
	v28 =	vmin.f32 v28, $9.000000000e+00  }
0x228: {  	v51 =	vpop (erf);
	v1 =	vadd.f32 $6.944574120e-05, v1;
	v32 =	vadd.f32 $9.962619540e-01, v32;
	v28 =	vtrunc.f32 v28  }
0x229: {  	v44 =	vsub.f32 v51, v43;
	v33 =	vmul.f32 $1.000000000e+01, v56;
	v5 =	vpop (erf);
	v28 =	vcvt.f32.s32 v28  }
0x22a: {  	v45 =	vpop (erf);
	v5 =	vsub.f32 v5, v31;
	v1 =	vadd.f32 v1, v2;
	v32 =	vmul.f32 v32, v41  }
0x22b: {  	v22 =	vld.idx.msk [tilespmem:v22+s26+$0x0], $0xffff;
	v42 =	vmin.f32 v46, v45;
	v46 =	vpop (erf);
	v29 =	vadd.s32 v11, v28;
	v28 =	vmul.f32 v59, v27  }
0x22c: {  	v24 =	vld.idx.msk [tilespmem:v24+s26+$0x0], $0xffff;
	v3 =	vsub.f32 v46, v26;
	v26 =	vmul.f32 $5.545931310e-02, v38;
	v31 =	vadd.f32 $6.944574120e-05, v32  }
0x22d: {  	v52 =	vmul.f32 $5.545931310e-02, v42;
	v32 =	vsub.f32 v47, v48;
	v28 =	vadd.f32 $-4.664424360e-01, v28  }
0x22e: {  	v53 =	vand.u32 $0x7FFFFFFF, v3;
	v3 =	vand.u32 $0x7FFFFFFF, v5;
	v0 =	vadd.f32 v31, v0  }
0x22f: {  	v31 =	vmin.f32 v25, v50;
	v25 =	vmin.f32 v33, $9.000000000e+00;
	v56 =	vmul.f32 $1.000000000e+01, v3  }
0x230: {  	v3 =	vsub.f32 $2.186654810e-01, v26;
	v43 =	vmul.f32 $1.000000000e+01, v53;
	v26 =	vmul.f32 v22, v1  }
0x231: {  	v28 =	vmul.f32 v28, v27;
	v33 =	vmul.f32 v24, v0;
	v59 =	vmin.f32 v56, $9.000000000e+00  }
0x232: {  	s6 =	simm.s32 $0x1;
	v45 =	vsub.f32 $2.186654810e-01, v52;
	v40 =	vmul.f32 v3, v38;
	v41 =	vtrunc.f32 v59  }
.LBB2_5:
0x233: {  	v2 =	vtrunc.f32 v25  }
0x234: {  	v41 =	vcvt.f32.s32 v41;
	v47 =	vmul.f32 $5.545931310e-02, v31  }
0x235: {  	s17 =	sshll.u32 s6, $0x7;
	v52 =	vmul.f32 $1.000000000e+01, v34;
	v53 =	vadd.f32 $9.962619540e-01, v39;
	v23 =	vmin.f32 v23, $9.000000000e+00  }
0x236: {  	v0 =	vand.u32 $0x7FFFFFFF, v44;
	v1 =	vmin.f32 v43, $9.000000000e+00;
	v3 =	vor.u32 s17, v54  }
0x237: {  	v25 =	vor.u32 s17, v63;
	v5 =	vmul.f32 v45, v42;
	v48 =	vor.u32 s17, v57  }
0x238: {  	v44 =	vor.u32 s17, v58;
	v63 =	vmul.f32 $5.545931310e-02, v35;
	v50 =	vor.u32 s17, v61  }
0x239: {  	v51 =	vor.u32 s17, v62;
	v40 =	vadd.f32 $-4.664424360e-01, v40;
	v54 =	vadd.f32 $9.962619540e-01, v28  }
0x23a: {  	v28 =	vor.u32 s17, v60;
	v2 =	vcvt.f32.s32 v2;
	v23 =	vtrunc.f32 v23  }
0x23b: {  	v46 =	vld.idx.msk [tilespmem:v16+s26+$0x0], $0xffff;
	v1 =	vtrunc.f32 v1;
	v58 =	vsub.f32 $2.186654810e-01, v47;
	v57 =	vmul.f32 v40, v38  }
0x23c: {  	v0 =	vmul.f32 $1.000000000e+01, v0;
	v53 =	vmul.f32 v53, v30;
	v5 =	vadd.f32 $-4.664424360e-01, v5;
	v43 =	vld.idx.msk [tilespmem:v48+s24+$0x0], $0xffff  }
0x23d: {  	v23 =	vcvt.f32.s32 v23;
	v45 =	vsub.f32 $2.186654810e-01, v63;
	v59 =	vadd.f32 $9.962619540e-01, v57;
	v39 =	vld.idx.msk [tilespmem:v50+s25+$0x0], $0xffff  }
0x23e: {  	v1 =	vcvt.f32.s32 v1;
	v27 =	vmul.f32 v54, v27;
	v54 =	vadd.s32 v11, v36;
	v34 =	vld.idx.msk [tilespmem:v51+s24+$0x0], $0xffff  }
0x23f: {  	v2 =	vadd.s32 v11, v2;
	v49 =	vor.u32 s17, v55;
	v47 =	vld.idx.msk [tilespmem:v44+s24+$0x0], $0xffff;
	v60 =	vmul.f32 v59, v38  }
0x240: {  	v40 =	vmul.f32 v58, v31;
	v0 =	vmin.f32 v0, $9.000000000e+00;
	v53 =	vadd.f32 $6.944574120e-05, v53;
	v30 =	vld.idx.msk [tilespmem:v28+s24+$0x0], $0xffff  }
0x241: {  	v16 =	vmovc v44;
	v61 =	vmul.f32 v45, v35;
	v45 =	vld.idx.msk [tilespmem:v25+s24+$0x0], $0xffff;
	v55 =	vadd.f32 $6.944574120e-05, v60;
	v62 =	vsub.f32 $0.0e+00, v43  }
0x242: {  	v5 =	vmul.f32 v5, v42;
	v0 =	vtrunc.f32 v0;
	v27 =	vadd.f32 $6.944574120e-05, v27;
	v56 =	vld.idx.msk [tilespmem:v50+s24+$0x0], $0xffff  }
0x243: {  	v44 =	vld.idx.msk [tilespmem:v28+s25+$0x0], $0xffff;
	v63 =	vadd.f32 $-4.664424360e-01, v61;
	v60 =	vadd.f32 v55, v21;
	v55 =	vmul.f32 $1.442695020e+00, v62  }
0x244: {  	v1 =	vadd.s32 v11, v1;
	v40 =	vadd.f32 $-4.664424360e-01, v40;
	v5 =	vadd.f32 $9.962619540e-01, v5;
	v38 =	vld.idx.msk [tilespmem:v25+s25+$0x0], $0xffff  }
0x245: {  	v57 =	vmul.f32 v63, v35;
	v21 =	vld.idx.msk [tilespmem:v49+s24+$0x0], $0xffff;
	v58 =	vsub.f32 $0.0e+00, v34;
	(erf) = vpow2.f32 v55  }
0x246: {  	v0 =	vcvt.f32.s32 v0;
	v53 =	vadd.f32 v53, v37;
	v5 =	vmul.f32 v5, v42;
	v42 =	vld.idx.msk [tilespmem:v16+s25+$0x0], $0xffff  }
0x247: {  	v63 =	vadd.f32 $9.962619540e-01, v57;
	v57 =	vld.idx.msk [tilespmem:v13+s26+$0x0], $0xffff;
	v61 =	vmul.f32 $1.442695020e+00, v58;
	v62 =	vsub.f32 $0.0e+00, v56  }
0x248: {  	v5 =	vadd.f32 $6.944574120e-05, v5;
	v37 =	vsub.f32 $0.0e+00, v30;
	v59 =	vmul.f32 v46, v60;
	v60 =	vld.idx.msk [tilespmem:v3+s24+$0x0], $0xffff  }
0x249: {  	v18 =	vadd.f32 v27, v18;
	v36 =	vmul.f32 $1.442695020e+00, v62;
	(erf) = vpow2.f32 v61;
	v61 =	vld.idx.msk [tilespmem:v17+s26+$0x0], $0xffff  }
0x24a: {  	v58 =	vld.idx.msk [tilespmem:v15+s26+$0x0], $0xffff;
	v5 =	vadd.f32 v5, v20;
	v20 =	vmul.f32 $1.442695020e+00, v37;
	v17 =	vmovc v3;
	v3 =	vsub.f32 $0.0e+00, v21  }
0x24b: {  	v0 =	vadd.s32 v11, v0;
	v15 =	vmovc v49;
	v37 =	vld.idx.msk [tilespmem:v49+s25+$0x0], $0xffff;
	v49 =	vmul.f32 v63, v35;
	(erf) = vpow2.f32 v36  }
0x24c: {  	v55 =	vadd.s32 v11, v41;
	v62 =	vld.idx.msk [tilespmem:v14+s26+$0x0], $0xffff;
	(erf) = vpow2.f32 v20;
	v3 =	vmul.f32 $1.442695020e+00, v3  }
0x24d: {  	v41 =	vmul.f32 v40, v31;
	v14 =	vmovc v50;
	v50 =	vsub.f32 $0.0e+00, v47;
	v20 =	vmin.f32 v52, $9.000000000e+00;
	v52 =	vld.idx.msk [tilespmem:v12+s26+$0x0], $0xffff;
	v12 =	vmovc v48  }
0x24e: {  	v36 =	vld.idx.msk [tilespmem:v48+s25+$0x0], $0xffff;
	v48 =	vsub.f32 $0.0e+00, v45;
	v35 =	vpop (erf);
	(erf) = vpow2.f32 v3;
	v3 =	vmul.f32 v61, v5  }
0x24f: {  	v13 =	vmovc v51;
	v51 =	vmax.f32 v43, $0.0e+00;
	v27 =	vmul.f32 v44, v30;
	v63 =	vadd.s32 v11, v23;
	v40 =	vld.idx.msk [tilespmem:v17+s25+$0x0], $0xffff  }
0x250: {  	v49 =	vadd.f32 $6.944574120e-05, v49;
	v50 =	vmul.f32 $1.442695020e+00, v50;
	v5 =	vmul.f32 $1.442695020e+00, v48;
	[tilespmem:v1+s29+$0x0] =	vst.idx.add.f32.msk $0xffff, v3  }
0x251: {  	v53 =	vmul.f32 v58, v53;
	v20 =	vtrunc.f32 v20;
	v48 =	vadd.f32 $9.962619540e-01, v41;
	[tilespmem:v1+s30+$0x0] =	vst.idx.add.f32.msk $0xffff, v61  }
0x252: {  	v23 =	vadd.f32 $1.000000000e+00, v35;
	v41 =	vpop (erf);
	(erf) = vpow2.f32 v5;
	v5 =	vadd.f32 v49, v19;
	[tilespmem:v29+s31+$0x0] =	vst.idx.add.f32.msk $0xffff, v33  }
0x253: {  	v3 =	vsub.f32 $0.0e+00, v60;
	v19 =	vcvt.f32.s32 v20;
	v31 =	vmul.f32 v48, v31;
	[tilespmem:v29+s0+$0x0] =	vst.idx.add.f32.msk $0xffff, v24  }
0x254: {  	v20 =	vmax.f32 v60, $0.0e+00;
	v49 =	vmul.f32 v42, v47;
	v33 =	vpop (erf);
	v5 =	vmul.f32 v52, v5;
	[tilespmem:v2+s4+$0x0] =	vst.idx.add.f32.msk $0xffff, v53  }
0x255: {  	v1 =	vadd.f32 $1.000000000e+00, v41;
	v3 =	vmul.f32 $1.442695020e+00, v3;
	(erf) = vpow2.f32 v50;
	v29 =	vpop (erf);
	[tilespmem:v2+s7+$0x0] =	vst.idx.add.f32.msk $0xffff, v58  }
0x256: {  	v31 =	vadd.f32 $6.944574120e-05, v31;
	v24 =	vadd.f32 $1.000000000e+00, v33;
	(erf) = vrcp.f32 v29;
	[tilespmem:v0+s8+$0x0] =	vst.idx.add.f32.msk $0xffff, v5  }
0x257: {  	v48 =	vadd.f32 $1.000000000e+00, v29;
	v2 =	vmul.f32 v62, v18;
	[tilespmem:v0+s9+$0x0] =	vst.idx.add.f32.msk $0xffff, v52;
	v0 =	vmul.f32 v39, v56  }
0x258: {  	v18 =	vmax.f32 v56, $0.0e+00;
	v5 =	vmul.f32 v40, v60;
	v50 =	vpop (erf);
	(erf) = vrcp.f32 v24  }
0x259: {  	v24 =	vadd.s32 v11, v19;
	v52 =	vmul.f32 v37, v21;
	(erf) = vrcp.f32 v50;
	[tilespmem:v55+s10+$0x0] =	vst.idx.add.f32.msk $0xffff, v59  }
0x25a: {  	v19 =	vadd.f32 v31, v32;
	v32 =	vmul.f32 v38, v45;
	(erf) = vrcp.f32 v48;
	[tilespmem:v55+s11+$0x0] =	vst.idx.add.f32.msk $0xffff, v46  }
0x25b: {  	v31 =	vadd.f32 $1.000000000e+00, v50;
	v18 =	vsub.f32 v18, v0;
	[tilespmem:v54+s12+$0x0] =	vst.idx.add.f32.msk $0xffff, v26;
	v0 =	vpop (erf);
	(erf) = vrcp.f32 v35  }
0x25c: {  	v20 =	vsub.f32 v20, v5;
	v5 =	vmul.f32 v36, v43;
	[tilespmem:v54+s15+$0x0] =	vst.idx.add.f32.msk $0xffff, v22;
	(erf) = vrcp.f32 v0  }
0x25d: {  	v46 =	vmul.f32 v57, v19;
	v26 =	vadd.f32 $1.000000000e+00, v0;
	[tilespmem:v63+s16+$0x0] =	vst.idx.add.f32.msk $0xffff, v2;
	(erf) = vrcp.f32 v33  }
0x25e: {  	v48 =	vmax.f32 v47, $0.0e+00;
	v54 =	vlaneseq.u32;
	[tilespmem:v63+s1+$0x0] =	vst.idx.add.f32.msk $0xffff, v62;
	(erf) = vpow2.f32 v3;
	v3 =	vpop (erf)  }
0x25f: {  	v22 =	vmax.f32 v21, $0.0e+00;
	v21 =	vsub.f32 v48, v49;
	[tilespmem:v24+s2+$0x0] =	vst.idx.add.f32.msk $0xffff, v46;
	(erf) = vrcp.f32 v26;
	v19 =	vpop (erf)  }
0x260: {  	[tilespmem:v24+s3+$0x0] =	vst.idx.add.f32.msk $0xffff, v57;
	v24 =	vmax.f32 v30, $0.0e+00;
	v2 =	vmin.f32 v29, v19;
	v29 =	vmax.f32 v45, $0.0e+00  }
0x261: {  	v19 =	vsub.f32 v51, v5;
	(erf) = vrcp.f32 v31;
	v26 =	vpop (erf);
	v43 =	vsub.f32 v24, v27  }
0x262: {  	v5 =	vsub.f32 v29, v32;
	v32 =	vmax.f32 v34, $0.0e+00;
	(erf) = vrcp.f32 v1;
	v51 =	vpop (erf)  }
0x263: {  	v24 =	vsub.f32 v26, v39;
	v26 =	vmul.f32 $5.545931310e-02, v2;
	v27 =	vpop (erf);
	(erf) = vrcp.f32 v3  }
0x264: {  	v30 =	vmin.f32 v50, v51;
	v53 =	vsub.f32 v27, v44;
	v27 =	vadd.f32 $1.000000000e+00, v3;
	v29 =	vpop (erf)  }
0x265: {  	v31 =	vmul.f32 $5.545931310e-02, v30;
	v48 =	vsub.f32 $2.186654810e-01, v26;
	v24 =	vand.u32 $0x7FFFFFFF, v24;
	v56 =	vpop (erf)  }
0x266: {  	v44 =	vld.idx.msk [tilespmem:v13+s25+$0x0], $0xffff;
	(erf) = vrcp.f32 v41;
	v1 =	vand.u32 $0x7FFFFFFF, v53;
	v0 =	vmin.f32 v0, v56  }
0x267: {  	v31 =	vsub.f32 $2.186654810e-01, v31;
	v39 =	vpop (erf);
	v1 =	vmul.f32 $1.000000000e+01, v1;
	v59 =	vmul.f32 $5.545931310e-02, v0  }
0x268: {  	v35 =	vmin.f32 v35, v29;
	v46 =	vpop (erf);
	(erf) = vrcp.f32 v23;
	v23 =	vmul.f32 $1.000000000e+01, v24  }
0x269: {  	v24 =	vmul.f32 v48, v2;
	v31 =	vmul.f32 v31, v30;
	v53 =	vadd.f32 $1.000000000e+00, v46  }
0x26a: {  	v26 =	vpop (erf);
	(erf) = vrcp.f32 v27;
	v27 =	vmin.f32 v33, v39;
	v1 =	vmin.f32 v1, $9.000000000e+00  }
0x26b: {  	v47 =	vmul.f32 v44, v34;
	v26 =	vsub.f32 v26, v38;
	v56 =	vsub.f32 $2.186654810e-01, v59  }
0x26c: {  	v24 =	vadd.f32 $-4.664424360e-01, v24;
	v31 =	vadd.f32 $-4.664424360e-01, v31;
	v1 =	vtrunc.f32 v1  }
0x26d: {  	v32 =	vsub.f32 v32, v47;
	v59 =	vpop (erf);
	(erf) = vrcp.f32 v46;
	v51 =	vmul.f32 v56, v0  }
0x26e: {  	v26 =	vand.u32 $0x7FFFFFFF, v26;
	v24 =	vmul.f32 v24, v2;
	(erf) = vrcp.f32 v53;
	v53 =	vpop (erf)  }
0x26f: {  	v39 =	vmul.f32 v31, v30;
	v37 =	vsub.f32 v59, v37;
	v59 =	vmul.f32 $5.545931310e-02, v27;
	v56 =	vpop (erf)  }
0x270: {  	v33 =	vadd.f32 $-4.664424360e-01, v51;
	v31 =	vadd.f32 $9.962619540e-01, v24;
	v38 =	vmin.f32 v3, v56  }
0x271: {  	v3 =	vsub.f32 v53, v44;
	v45 =	vand.u32 $0x7FFFFFFF, v37;
	v37 =	vsub.f32 v22, v52  }
0x272: {  	v24 =	vld.idx.msk [tilespmem:v25+s26+$0x0], $0xffff;
	v25 =	vsub.f32 $2.186654810e-01, v59;
	v33 =	vmul.f32 v33, v0;
	v2 =	vmul.f32 v31, v2  }
0x273: {  	v48 =	vpop (erf);
	v51 =	vmul.f32 $1.000000000e+01, v45;
	v34 =	vand.u32 $0x7FFFFFFF, v3;
	v3 =	vmul.f32 $1.000000000e+01, v26  }
0x274: {  	v52 =	vmul.f32 $5.545931310e-02, v38;
	v26 =	vpop (erf);
	v33 =	vadd.f32 $9.962619540e-01, v33;
	v2 =	vadd.f32 $6.944574120e-05, v2  }
0x275: {  	v22 =	vpop (erf);
	v44 =	vsub.f32 v26, v36;
	v36 =	vcvt.f32.s32 v1;
	v3 =	vmin.f32 v3, $9.000000000e+00  }
0x276: {  	v31 =	vmin.f32 v41, v48;
	v3 =	vtrunc.f32 v3;
	v0 =	vmul.f32 v33, v0;
	v53 =	vpop (erf)  }
0x277: {  	v56 =	vsub.f32 v22, v42;
	v22 =	vld.idx.msk [tilespmem:v28+s26+$0x0], $0xffff;
	v2 =	vadd.f32 v2, v43;
	v3 =	vcvt.f32.s32 v3;
	v59 =	vpop (erf)  }
0x278: {  	v42 =	vmin.f32 v46, v53;
	v0 =	vadd.f32 $6.944574120e-05, v0;
	v28 =	vsub.f32 v59, v40  }
0x279: {  	p0 =	sne.s32 s6, $0x4F;
	v29 =	vadd.s32 v11, v3;
	v3 =	vmul.f32 v25, v27;
	v25 =	vmin.f32 v51, $9.000000000e+00  }
.Ltmp1:
0x27a: {  	v40 =	vsub.f32 $2.186654810e-01, v52;
	v53 =	vand.u32 $0x7FFFFFFF, v28;
	v28 =	vand.u32 $0x7FFFFFFF, v56;
	(pc) =	sbr.rel @p0 .LBB2_5-.Ltmp1, $4  }
0x27b: {  	v0 =	vadd.f32 v0, v5;
	v5 =	vmul.f32 $5.545931310e-02, v42;
	v56 =	vmul.f32 $1.000000000e+01, v28  }
0x27c: {  	v61 =	vmovc v10;
	v58 =	vmovc v8;
	v26 =	vmul.f32 v22, v2;
	v3 =	vadd.f32 $-4.664424360e-01, v3;
	v40 =	vmul.f32 v40, v38  }
0x27d: {  	v60 =	vmovc v9;
	v63 =	vmovc v6;
	v33 =	vmul.f32 v24, v0;
	v43 =	vmul.f32 $1.000000000e+01, v53;
	v59 =	vmin.f32 v56, $9.000000000e+00  }
0x27e: {  	s6 =	sadd.s32 $0x1, s6;
	v55 =	vld [tilespmem:$0x1FFF0];
	v62 =	vmovc v4;
	v57 =	vmovc v7;
	v45 =	vsub.f32 $2.186654810e-01, v5;
	v28 =	vmul.f32 v3, v27;
	v41 =	vtrunc.f32 v59  }
0x27f: {  	_ = 	snop  }
0x280: {  	v0 =	vmul.f32 v45, v42;
	_ =	sdelay $0x1  }
0x281: {  	v1 =	vmul.f32 $5.545931310e-02, v35;
	v0 =	vadd.f32 $-4.664424360e-01, v0  }
0x282: {  	v2 =	vand.u32 $0x7FFFFFFF, v44;
	v3 =	vtrunc.f32 v25;
	v5 =	vadd.f32 $-4.664424360e-01, v40  }
0x283: {  	v59 =	vcvt.f32.s32 v41;
	v1 =	vsub.f32 $2.186654810e-01, v1;
	v0 =	vmul.f32 v0, v42  }
0x284: {  	v56 =	vmin.f32 v43, $9.000000000e+00;
	v44 =	vmul.f32 $5.545931310e-02, v31;
	v48 =	vmul.f32 $1.000000000e+01, v34  }
0x285: {  	v25 =	vtrunc.f32 v56;
	v1 =	vmul.f32 v1, v35;
	v0 =	vadd.f32 $9.962619540e-01, v0  }
0x286: {  	v39 =	vadd.f32 $9.962619540e-01, v39;
	v3 =	vcvt.f32.s32 v3;
	v2 =	vmul.f32 $1.000000000e+01, v2  }
0x287: {  	v5 =	vmul.f32 v5, v38;
	v1 =	vadd.f32 $-4.664424360e-01, v1;
	v0 =	vmul.f32 v0, v42  }
0x288: {  	v17 =	vld.idx.msk [tilespmem:v17+s26+$0x0], $0xffff;
	v41 =	vsub.f32 $2.186654810e-01, v44;
	v25 =	vcvt.f32.s32 v25;
	v30 =	vmul.f32 v39, v30  }
0x289: {  	v2 =	vmin.f32 v2, $9.000000000e+00;
	v1 =	vmul.f32 v1, v35;
	v0 =	vadd.f32 $6.944574120e-05, v0  }
0x28a: {  	v16 =	vld.idx.msk [tilespmem:v16+s26+$0x0], $0xffff;
	v5 =	vadd.f32 $9.962619540e-01, v5;
	v25 =	vadd.s32 v11, v25;
	v2 =	vtrunc.f32 v2  }
0x28b: {  	v15 =	vld.idx.msk [tilespmem:v15+s26+$0x0], $0xffff;
	v45 =	vmul.f32 v41, v31;
	v1 =	vadd.f32 $9.962619540e-01, v1;
	v0 =	vadd.f32 v0, v20  }
0x28c: {  	v14 =	vld.idx.msk [tilespmem:v14+s26+$0x0], $0xffff;
	v30 =	vadd.f32 $6.944574120e-05, v30;
	v2 =	vcvt.f32.s32 v2;
	v5 =	vmul.f32 v5, v38  }
0x28d: {  	v12 =	vld.idx.msk [tilespmem:v12+s26+$0x0], $0xffff;
	v1 =	vmul.f32 v1, v35;
	v0 =	vmul.f32 v17, v0  }
0x28e: {  	v13 =	vld.idx.msk [tilespmem:v13+s26+$0x0], $0xffff;
	v3 =	vadd.s32 v11, v3;
	v46 =	vadd.f32 v30, v37;
	v5 =	vadd.f32 $6.944574120e-05, v5  }
0x28f: {  	v2 =	vadd.s32 v11, v2;
	v20 =	vadd.f32 $-4.664424360e-01, v45;
	v1 =	vadd.f32 $6.944574120e-05, v1;
	[tilespmem:v25+s29+$0x0] =	vst.idx.add.f32.msk $0xffff, v0  }
0x290: {  	v49 =	vmin.f32 v23, $9.000000000e+00;
	v5 =	vadd.f32 v5, v21;
	v21 =	vmul.f32 v15, v46;
	[tilespmem:v25+s30+$0x0] =	vst.idx.add.f32.msk $0xffff, v17  }
0x291: {  	v47 =	vadd.f32 $9.962619540e-01, v28;
	v20 =	vmul.f32 v20, v31;
	v1 =	vadd.f32 v1, v19;
	[tilespmem:v29+s31+$0x0] =	vst.idx.add.f32.msk $0xffff, v33  }
0x292: {  	v51 =	vadd.s32 v11, v36;
	v50 =	vadd.s32 v11, v59;
	v19 =	vtrunc.f32 v49;
	[tilespmem:v29+s0+$0x0] =	vst.idx.add.f32.msk $0xffff, v24  }
0x293: {  	v0 =	vmul.f32 v47, v27;
	v20 =	vadd.f32 $9.962619540e-01, v20;
	v1 =	vmul.f32 v12, v1;
	[tilespmem:v3+s4+$0x0] =	vst.idx.add.f32.msk $0xffff, v21  }
0x294: {  	v5 =	vmul.f32 v16, v5;
	v19 =	vcvt.f32.s32 v19;
	v17 =	vmin.f32 v48, $9.000000000e+00;
	[tilespmem:v3+s7+$0x0] =	vst.idx.add.f32.msk $0xffff, v15  }
0x295: {  	v0 =	vadd.f32 $6.944574120e-05, v0;
	v52 =	vmul.f32 v20, v31;
	v3 =	vtrunc.f32 v17;
	[tilespmem:v2+s8+$0x0] =	vst.idx.add.f32.msk $0xffff, v1  }
0x296: {  	v53 =	vadd.s32 v11, v19;
	v3 =	vcvt.f32.s32 v3;
	[tilespmem:v2+s9+$0x0] =	vst.idx.add.f32.msk $0xffff, v12  }
0x297: {  	v0 =	vadd.f32 v0, v18;
	v56 =	vadd.f32 $6.944574120e-05, v52;
	[tilespmem:v50+s10+$0x0] =	vst.idx.add.f32.msk $0xffff, v5  }
0x298: {  	s14 =	sadd.s32 $0x1, s14;
	v3 =	vadd.s32 v11, v3;
	[tilespmem:v50+s11+$0x0] =	vst.idx.add.f32.msk $0xffff, v16  }
0x299: {  	p0 =	sne.s32 s14, $0xC;
	v0 =	vmul.f32 v14, v0;
	v2 =	vadd.f32 v56, v32;
	[tilespmem:v51+s12+$0x0] =	vst.idx.add.f32.msk $0xffff, v26  }
.Ltmp2:
0x29a: {  	[tilespmem:v51+s15+$0x0] =	vst.idx.add.f32.msk $0xffff, v22;
	(pc) =	sbr.rel @p0 .LBB2_2-.Ltmp2, $4  }
0x29b: {  	v59 =	vmul.f32 v13, v2;
	[tilespmem:v53+s16+$0x0] =	vst.idx.add.f32.msk $0xffff, v0  }
0x29c: {  	[tilespmem:v53+s1+$0x0] =	vst.idx.add.f32.msk $0xffff, v14  }
0x29d: {  	[tilespmem:v3+s2+$0x0] =	vst.idx.add.f32.msk $0xffff, v59  }
0x29e: {  	[tilespmem:v3+s3+$0x0] =	vst.idx.add.f32.msk $0xffff, v13  }
0x29f: {  	s13 =	simm.s32 $0x1  }
0x2a0: {  	_ =	swait.ge [sflag:s13], $0x2800  }
0x2a1: {  	[sflag:s13] =	ssyncset.done $0x0  }
0x2a2: {  	[sflag:s13] =	ssyncadd.s32 $0xFFFFD800  }
0x2a3: {  	s6 =	simm.s32 $0x0;
	_ =	swait.ge [sflag:s13], $0x2800  }
0x2a4: {  	v22 =	vor.u32 s6, v61;
	[sflag:s13] =	ssyncset.done $0x0  }
0x2a5: {  	[sflag:s13] =	ssyncadd.s32 $0xFFFFD800  }
0x2a6: {  	_ =	swait.ge [sflag:s13], $0x2800  }
0x2a7: {  	v0 =	vor.u32 s6, v63;
	[sflag:s13] =	ssyncset.done $0x0  }
0x2a8: {  	[sflag:s13] =	ssyncadd.s32 $0xFFFFD800  }
0x2a9: {  	v1 =	vld.idx.msk [tilespmem:v22+s5+$0x0], $0xffff;
	_ =	sdelay $0x2  }
0x2aa: {  	v2 =	vld.idx.msk [tilespmem:v0+s5+$0x0], $0xffff  }
0x2ab: {  	v3 =	vor.u32 s6, v58  }
0x2ac: {  	v5 =	vor.u32 s6, v55;
	v12 =	vsub.f32 $0.0e+00, v1;
	_ =	sdelay $0x1  }
0x2ad: {  	v12 =	vmul.f32 $1.442695020e+00, v12  }
0x2ae: {  	v13 =	vsub.f32 $0.0e+00, v2  }
0x2af: {  	v25 =	vor.u32 s6, v62;
	v14 =	vld.idx.msk [tilespmem:v3+s5+$0x0], $0xffff;
	(erf) = vpow2.f32 v12  }
0x2b0: {  	v28 =	vld.idx.msk [tilespmem:v5+s5+$0x0], $0xffff;
	v12 =	vmul.f32 $1.442695020e+00, v13;
	_ =	sdelay $0x1  }
0x2b1: {  	(erf) = vpow2.f32 v12  }
0x2b2: {  	v19 =	vor.u32 s6, v57  }
0x2b3: {  	v13 =	vsub.f32 $0.0e+00, v14;
	v12 =	vld.idx.msk [tilespmem:v25+s5+$0x0], $0xffff  }
0x2b4: {  	v15 =	vsub.f32 $0.0e+00, v28  }
0x2b5: {  	v13 =	vmul.f32 $1.442695020e+00, v13  }
0x2b6: {  	v17 =	vld.idx.msk [tilespmem:v0+s22+$0x0], $0xffff;
	v15 =	vmul.f32 $1.442695020e+00, v15  }
0x2b7: {  	v20 =	vor.u32 s6, v60;
	(erf) = vpow2.f32 v13;
	v13 =	vld.idx.msk [tilespmem:v19+s5+$0x0], $0xffff;
	v18 =	vpop (erf)  }
0x2b8: {  	v16 =	vsub.f32 $0.0e+00, v12;
	(erf) = vpow2.f32 v15;
	v21 =	vadd.f32 $1.000000000e+00, v18  }
0x2b9: {  	v30 =	vld.idx.msk [tilespmem:v3+s22+$0x0], $0xffff;
	(erf) = vrcp.f32 v18  }
0x2ba: {  	v31 =	vld.idx.msk [tilespmem:v5+s22+$0x0], $0xffff;
	v15 =	vmul.f32 $1.442695020e+00, v16;
	v24 =	vpop (erf);
	(erf) = vrcp.f32 v21  }
0x2bb: {  	v26 =	vld.idx.msk [tilespmem:v19+s22+$0x0], $0xffff;
	(erf) = vrcp.f32 v24  }
0x2bc: {  	v27 =	vld.idx.msk [tilespmem:v20+s5+$0x0], $0xffff;
	v16 =	vsub.f32 $0.0e+00, v13;
	(erf) = vpow2.f32 v15;
	v15 =	vmul.f32 v17, v2  }
0x2bd: {  	v33 =	vld.idx.msk [tilespmem:v25+s22+$0x0], $0xffff;
	v21 =	vadd.f32 $1.000000000e+00, v24;
	v2 =	vmax.f32 v2, $0.0e+00  }
0x2be: {  	v23 =	vld.idx.msk [tilespmem:v20+s23+$0x0], $0xffff;
	v32 =	vmul.f32 v30, v14;
	v2 =	vsub.f32 v2, v15;
	v15 =	vmul.f32 $1.442695020e+00, v16  }
0x2bf: {  	v35 =	vld.idx.msk [tilespmem:v22+s22+$0x0], $0xffff;
	v34 =	vmul.f32 v31, v28;
	(erf) = vrcp.f32 v21  }
0x2c0: {  	v29 =	vor.u32 s6, v54;
	v36 =	vpop (erf);
	v21 =	vmul.f32 v26, v13;
	(erf) = vpow2.f32 v15;
	v15 =	vld [tilespmem:$0x1FFD0]  }
0x2c1: {  	v5 =	vld.idx.msk [tilespmem:v5+s23+$0x0], $0xffff;
	v53 =	vsub.f32 $0.0e+00, v27;
	v14 =	vmax.f32 v14, $0.0e+00;
	v13 =	vmax.f32 v13, $0.0e+00;
	v38 =	vpop (erf)  }
0x2c2: {  	v0 =	vld.idx.msk [tilespmem:v0+s23+$0x0], $0xffff;
	v13 =	vsub.f32 v13, v21;
	v21 =	vadd.f32 $1.000000000e+00, v36;
	(erf) = vrcp.f32 v36;
	v39 =	vpop (erf)  }
0x2c3: {  	v37 =	vsub.f32 v14, v32;
	v59 =	vmul.f32 v33, v12;
	v32 =	vmin.f32 v18, v39  }
0x2c4: {  	[tilespmem:$0x1FFC0] =	vst v13;
	v50 =	vadd.f32 $1.000000000e+00, v38;
	v40 =	vpop (erf);
	(erf) = vrcp.f32 v21;
	v42 =	vmul.f32 $5.545931310e-02, v32  }
0x2c5: {  	v22 =	vld.idx.msk [tilespmem:v22+s23+$0x0], $0xffff;
	v18 =	vpop (erf);
	v56 =	vsub.f32 v40, v35;
	v35 =	vmul.f32 v35, v1;
	v13 =	vmul.f32 v23, v15  }
0x2c6: {  	v1 =	vmax.f32 v1, $0.0e+00;
	v14 =	vmul.f32 v5, v15;
	v5 =	vmul.f32 $1.442695020e+00, v53;
	v23 =	vld.idx.msk [tilespmem:v29+s5+$0x0], $0xffff;
	v41 =	vpop (erf)  }
0x2c7: {  	v24 =	vmin.f32 v24, v18;
	v18 =	vmul.f32 v0, v15;
	v21 =	vadd.f32 $1.000000000e+00, v41  }
0x2c8: {  	v42 =	vsub.f32 $2.186654810e-01, v42;
	v47 =	vmul.f32 $5.545931310e-02, v24;
	(erf) = vrcp.f32 v41  }
0x2c9: {  	v43 =	vpop (erf);
	v45 =	vand.u32 $0x7FFFFFFF, v56;
	v56 =	vmax.f32 v28, $0.0e+00;
	(erf) = vrcp.f32 v21  }
0x2ca: {  	v25 =	vld.idx.msk [tilespmem:v25+s23+$0x0], $0xffff;
	v49 =	vsub.f32 v43, v17;
	v22 =	vmul.f32 v22, v15;
	(erf) = vpow2.f32 v5;
	v44 =	vpop (erf)  }
0x2cb: {  	v17 =	vld.idx.msk [tilespmem:v20+s22+$0x0], $0xffff;
	v42 =	vmul.f32 v42, v32;
	v5 =	vsub.f32 $0.0e+00, v23;
	(erf) = vrcp.f32 v38;
	v51 =	vpop (erf)  }
0x2cc: {  	v48 =	vsub.f32 $2.186654810e-01, v47;
	v21 =	vld.idx.msk [tilespmem:v29+s22+$0x0], $0xffff;
	(erf) = vrcp.f32 v50;
	v36 =	vmin.f32 v36, v51  }
0x2cd: {  	v47 =	vld.idx.msk [tilespmem:v29+s23+$0x0], $0xffff;
	v29 =	vsub.f32 v1, v35;
	v5 =	vmul.f32 $1.442695020e+00, v5;
	v39 =	vmul.f32 $5.545931310e-02, v36  }
0x2ce: {  	v19 =	vld.idx.msk [tilespmem:v19+s23+$0x0], $0xffff;
	v20 =	vand.u32 $0x7FFFFFFF, v49;
	v0 =	vmul.f32 v48, v24;
	(erf) = vrcp.f32 v44  }
0x2cf: {  	v3 =	vld.idx.msk [tilespmem:v3+s23+$0x0], $0xffff;
	v20 =	vmul.f32 $1.000000000e+01, v20;
	v46 =	vpop (erf);
	(erf) = vpow2.f32 v5;
	v5 =	vsub.f32 $2.186654810e-01, v39  }
0x2d0: {  	v25 =	vmul.f32 v25, v15;
	v52 =	vadd.f32 $1.000000000e+00, v44;
	v0 =	vadd.f32 $-4.664424360e-01, v0  }
0x2d1: {  	v20 =	vmin.f32 v20, $9.000000000e+00;
	v48 =	vmul.f32 v17, v27;
	v5 =	vmul.f32 v5, v36  }
0x2d2: {  	v20 =	vtrunc.f32 v20;
	v40 =	vsub.f32 v46, v30;
	v0 =	vmul.f32 v0, v24;
	v49 =	vpop (erf)  }
0x2d3: {  	v30 =	vsub.f32 v56, v34;
	v39 =	vmul.f32 v21, v23;
	v1 =	vcvt.f32.s32 v20;
	v50 =	vpop (erf)  }
0x2d4: {  	v20 =	vmul.f32 v19, v15;
	v19 =	vmul.f32 v3, v15;
	v0 =	vadd.f32 $9.962619540e-01, v0;
	v43 =	vpop (erf)  }
0x2d5: {  	v41 =	vmin.f32 v41, v49;
	v3 =	vadd.f32 $-4.664424360e-01, v5;
	v5 =	vpop (erf);
	(erf) = vrcp.f32 v52  }
0x2d6: {  	v0 =	vmul.f32 v0, v24;
	v24 =	vmax.f32 v27, $0.0e+00;
	v33 =	vsub.f32 v50, v33  }
0x2d7: {  	v27 =	vmul.f32 v47, v15;
	v50 =	vadd.f32 $-4.664424360e-01, v42;
	v24 =	vsub.f32 v24, v48  }
0x2d8: {  	v48 =	vand.u32 $0x7FFFFFFF, v40;
	v34 =	vadd.f32 $1.000000000e+00, v43;
	v3 =	vmul.f32 v3, v36  }
0x2d9: {  	v0 =	vadd.f32 $6.944574120e-05, v0;
	v51 =	vmul.f32 $1.000000000e+01, v48;
	v52 =	vmul.f32 $1.000000000e+01, v45  }
0x2da: {  	v33 =	vand.u32 $0x7FFFFFFF, v33;
	v53 =	vpop (erf);
	v35 =	vmin.f32 v38, v5;
	v3 =	vadd.f32 $9.962619540e-01, v3  }
0x2db: {  	v33 =	vmul.f32 $1.000000000e+01, v33;
	v5 =	vsub.f32 v53, v31;
	v31 =	vmul.f32 $5.545931310e-02, v35;
	v28 =	vpop (erf)  }
0x2dc: {  	v0 =	vadd.f32 v0, v2;
	v28 =	vmin.f32 v44, v28;
	v3 =	vmul.f32 v3, v36  }
0x2dd: {  	v46 =	vpop (erf);
	v33 =	vmin.f32 v33, $9.000000000e+00;
	v5 =	vand.u32 $0x7FFFFFFF, v5;
	v31 =	vsub.f32 $2.186654810e-01, v31  }
0x2de: {  	v2 =	vadd.f32 $1.000000000e+00, v46;
	v3 =	vadd.f32 $6.944574120e-05, v3;
	v53 =	vpop (erf);
	(erf) = vrcp.f32 v46  }
0x2df: {  	v36 =	vmin.f32 v51, $9.000000000e+00;
	v56 =	vmul.f32 $5.545931310e-02, v28;
	v31 =	vmul.f32 v31, v35  }
0x2e0: {  	v38 =	vmul.f32 v18, v0;
	v5 =	vmul.f32 $1.000000000e+01, v5;
	v3 =	vadd.f32 v3, v37  }
0x2e1: {  	v48 =	vadd.f32 $-4.664424360e-01, v31;
	v31 =	vadd.s32 v11, v1;
	v37 =	vsub.f32 v53, v26  }
0x2e2: {  	v1 =	vmul.f32 v50, v32;
	v26 =	vtrunc.f32 v36;
	v36 =	vsub.f32 $2.186654810e-01, v56  }
0x2e3: {  	v40 =	vcvt.f32.s32 v26;
	v26 =	vmul.f32 v19, v3;
	v3 =	vand.u32 $0x7FFFFFFF, v37  }
0x2e4: {  	v51 =	vmin.f32 v52, $9.000000000e+00;
	(erf) = vrcp.f32 v43;
	v3 =	vmul.f32 $1.000000000e+01, v3  }
0x2e5: {  	v1 =	vadd.f32 $9.962619540e-01, v1;
	v50 =	vmul.f32 v48, v35;
	v36 =	vmul.f32 v36, v28  }
0x2e6: {  	(erf) = vrcp.f32 v2;
	v37 =	vtrunc.f32 v51;
	v52 =	vmin.f32 v3, $9.000000000e+00  }
0x2e7: {  	v42 =	vadd.f32 $-4.664424360e-01, v36;
	v36 =	vmul.f32 v1, v32;
	v53 =	vtrunc.f32 v52;
	v56 =	vpop (erf)  }
0x2e8: {  	s6 =	simm.s32 $0x1;
	v49 =	vcvt.f32.s32 v53;
	v44 =	vmin.f32 v46, v56;
	v46 =	vmin.f32 v5, $9.000000000e+00  }
.LBB2_8:
0x2e9: {  	v0 =	vcvt.f32.s32 v37  }
0x2ea: {  	v1 =	vmul.f32 $5.545931310e-02, v41;
	v2 =	vmax.f32 v23, $0.0e+00;
	v23 =	vmul.f32 $5.545931310e-02, v44  }
0x2eb: {  	s14 =	sshll.u32 s6, $0x7;
	v33 =	vtrunc.f32 v33;
	v56 =	vmax.f32 v12, $0.0e+00;
	v46 =	vtrunc.f32 v46  }
0x2ec: {  	v37 =	vor.u32 s14, v54;
	v3 =	vor.u32 s14, v63;
	v48 =	vor.u32 s14, v57  }
0x2ed: {  	v32 =	vor.u32 s14, v61;
	v36 =	vadd.f32 $6.944574120e-05, v36;
	v1 =	vsub.f32 $2.186654810e-01, v1  }
0x2ee: {  	v47 =	vor.u32 s14, v58;
	v2 =	vsub.f32 v2, v39;
	v23 =	vsub.f32 $2.186654810e-01, v23  }
0x2ef: {  	v45 =	vor.u32 s14, v62;
	v53 =	vcvt.f32.s32 v33;
	v1 =	vmul.f32 v1, v41;
	v51 =	vpop (erf)  }
0x2f0: {  	v50 =	vadd.f32 $9.962619540e-01, v50;
	v23 =	vmul.f32 v23, v44;
	v54 =	vmin.f32 v43, v51  }
0x2f1: {  	v16 =	vsub.f32 v56, v59;
	v1 =	vadd.f32 $-4.664424360e-01, v1;
	v61 =	vmul.f32 $5.545931310e-02, v54  }
0x2f2: {  	v23 =	vadd.f32 $-4.664424360e-01, v23;
	v52 =	vpop (erf);
	v43 =	vadd.s32 v11, v49;
	(erf) = vrcp.f32 v34;
	v49 =	vld.idx.msk [tilespmem:v32+s5+$0x0], $0xffff  }
0x2f3: {  	v57 =	vmul.f32 v42, v28;
	v21 =	vsub.f32 v52, v21;
	v52 =	vld.idx.msk [tilespmem:v3+s5+$0x0], $0xffff;
	v62 =	vsub.f32 $2.186654810e-01, v61  }
0x2f4: {  	v29 =	vadd.f32 v36, v29;
	v39 =	vld.idx.msk [tilespmem:v3+s22+$0x0], $0xffff;
	v1 =	vmul.f32 v1, v41;
	v23 =	vmul.f32 v23, v44  }
0x2f5: {  	v50 =	vmul.f32 v50, v35;
	v35 =	vadd.s32 v11, v0;
	v51 =	vmul.f32 v62, v54  }
0x2f6: {  	v5 =	vor.u32 s14, v55;
	v1 =	vadd.f32 $9.962619540e-01, v1;
	v23 =	vadd.f32 $9.962619540e-01, v23  }
0x2f7: {  	v21 =	vand.u32 $0x7FFFFFFF, v21;
	v58 =	vadd.f32 $-4.664424360e-01, v51;
	v51 =	vld.idx.msk [tilespmem:v3+s23+$0x0], $0xffff;
	v3 =	vsub.f32 $0.0e+00, v49  }
0x2f8: {  	v33 =	vld.idx.msk [tilespmem:v48+s22+$0x0], $0xffff;
	v61 =	vcvt.f32.s32 v46;
	v42 =	vmul.f32 $1.000000000e+01, v21;
	v59 =	vmax.f32 v52, $0.0e+00  }
0x2f9: {  	v55 =	vor.u32 s14, v60;
	v12 =	vld.idx.msk [tilespmem:v45+s5+$0x0], $0xffff;
	v60 =	vmul.f32 v39, v52;
	v3 =	vmul.f32 $1.442695020e+00, v3  }
0x2fa: {  	v15 =	vld.idx.msk [tilespmem:v47+s5+$0x0], $0xffff;
	v0 =	vmul.f32 v1, v41;
	v63 =	vmul.f32 v23, v44;
	v52 =	vsub.f32 $0.0e+00, v52  }
0x2fb: {  	v44 =	vld.idx.msk [tilespmem:v47+s22+$0x0], $0xffff;
	v62 =	vmin.f32 v42, $9.000000000e+00;
	v42 =	vsub.f32 v59, v60;
	v59 =	vpop (erf);
	(erf) = vpow2.f32 v3  }
0x2fc: {  	v41 =	vld.idx.msk [tilespmem:v5+s5+$0x0], $0xffff;
	v58 =	vmul.f32 v58, v54;
	v3 =	vadd.f32 $6.944574120e-05, v50;
	v50 =	vmul.f32 $1.442695020e+00, v52  }
0x2fd: {  	v34 =	vld.idx.msk [tilespmem:v45+s22+$0x0], $0xffff;
	v0 =	vadd.f32 $6.944574120e-05, v0;
	v63 =	vadd.f32 $6.944574120e-05, v63;
	v1 =	vtrunc.f32 v62  }
0x2fe: {  	v36 =	vld.idx.msk [tilespmem:v5+s22+$0x0], $0xffff;
	v62 =	vsub.f32 $0.0e+00, v12;
	v58 =	vadd.f32 $9.962619540e-01, v58;
	(erf) = vpow2.f32 v50  }
0x2ff: {  	v56 =	vld.idx.msk [tilespmem:v55+s23+$0x0], $0xffff;
	v1 =	vcvt.f32.s32 v1;
	v52 =	vadd.s32 v11, v40;
	v40 =	vsub.f32 $0.0e+00, v15  }
0x300: {  	v46 =	vld.idx.msk [tilespmem:v55+s22+$0x0], $0xffff;
	v54 =	vmul.f32 v58, v54;
	v58 =	vmax.f32 v15, $0.0e+00;
	v15 =	vmul.f32 v44, v15  }
0x301: {  	v60 =	vld.idx.msk [tilespmem:v48+s5+$0x0], $0xffff;
	v0 =	vadd.f32 v0, v16;
	v16 =	vsub.f32 $0.0e+00, v41;
	v1 =	vadd.s32 v11, v1  }
0x302: {  	v2 =	vadd.f32 v63, v2;
	v50 =	vld.idx.msk [tilespmem:v55+s5+$0x0], $0xffff;
	v55 =	vmul.f32 $1.442695020e+00, v62;
	v62 =	vmul.f32 $1.442695020e+00, v40  }
0x303: {  	v21 =	vld.idx.msk [tilespmem:v37+s22+$0x0], $0xffff;
	v16 =	vmul.f32 $1.442695020e+00, v16  }
0x304: {  	v23 =	vld.idx.msk [tilespmem:v37+s5+$0x0], $0xffff;
	v2 =	vmul.f32 v27, v2;
	v40 =	vsub.f32 v58, v15;
	(erf) = vpow2.f32 v62;
	v15 =	vpop (erf)  }
0x305: {  	v5 =	vld.idx.msk [tilespmem:v5+s23+$0x0], $0xffff;
	(erf) = vpow2.f32 v16;
	v62 =	vadd.f32 $1.000000000e+00, v15  }
0x306: {  	v3 =	vadd.f32 v3, v30;
	v30 =	vmul.f32 v33, v60;
	[tilespmem:v1+s29+$0x0] =	vst.idx.add.f32.msk $0xffff, v2;
	(erf) = vrcp.f32 v15  }
0x307: {  	v57 =	vadd.f32 $9.962619540e-01, v57;
	v2 =	vmax.f32 v60, $0.0e+00;
	[tilespmem:v1+s30+$0x0] =	vst.idx.add.f32.msk $0xffff, v27;
	v27 =	vpop (erf);
	(erf) = vrcp.f32 v62  }
0x308: {  	v2 =	vsub.f32 v2, v30;
	v30 =	vld [tilespmem:$0x1FFC0];
	(erf) = vrcp.f32 v27  }
0x309: {  	v28 =	vmul.f32 v57, v28;
	[tilespmem:v31+s31+$0x0] =	vst.idx.add.f32.msk $0xffff, v38;
	(erf) = vpow2.f32 v55;
	v55 =	vadd.s32 v11, v61  }
0x30a: {  	v45 =	vld.idx.msk [tilespmem:v45+s23+$0x0], $0xffff  }
0x30b: {  	[tilespmem:v31+s0+$0x0] =	vst.idx.add.f32.msk $0xffff, v18;
	v18 =	vadd.f32 $6.944574120e-05, v28  }
0x30c: {  	v3 =	vmul.f32 v14, v3;
	v28 =	vld.idx.msk [tilespmem:v32+s22+$0x0], $0xffff  }
0x30d: {  	v59 =	vsub.f32 v59, v17;
	v18 =	vadd.f32 v18, v30;
	v30 =	vld.idx.msk [tilespmem:v48+s23+$0x0], $0xffff  }
0x30e: {  	[tilespmem:v55+s4+$0x0] =	vst.idx.add.f32.msk $0xffff, v3  }
0x30f: {  	v58 =	vand.u32 $0x7FFFFFFF, v59;
	v3 =	vld [tilespmem:$0x1FFD0]  }
0x310: {  	v63 =	vsub.f32 $0.0e+00, v60;
	v54 =	vadd.f32 $6.944574120e-05, v54;
	v16 =	vmul.f32 $1.000000000e+01, v58  }
0x311: {  	v29 =	vmul.f32 v22, v29;
	v17 =	vmovc v46;
	v46 =	vmul.f32 v36, v41;
	v38 =	vadd.f32 $1.000000000e+00, v27  }
0x312: {  	v24 =	vadd.f32 v54, v24;
	v54 =	vmul.f32 $1.442695020e+00, v63;
	v16 =	vmin.f32 v16, $9.000000000e+00  }
0x313: {  	v48 =	vmov v2;
	v16 =	vtrunc.f32 v16;
	(erf) = vrcp.f32 v38  }
0x314: {  	v16 =	vcvt.f32.s32 v16;
	v3 =	vmul.f32 v56, v3;
	v56 =	vld [tilespmem:$0x1FFD0]  }
0x315: {  	v0 =	vmul.f32 v25, v0;
	v1 =	vsub.f32 $0.0e+00, v50;
	v18 =	vmul.f32 v20, v18;
	v31 =	vpop (erf);
	[tilespmem:v55+s7+$0x0] =	vst.idx.add.f32.msk $0xffff, v14  }
0x316: {  	v59 =	vmul.f32 v34, v12;
	[tilespmem:$0x1FFC0] =	vst v48;
	v16 =	vadd.s32 v11, v16;
	(erf) = vpow2.f32 v54;
	v48 =	vpop (erf);
	v54 =	vld.idx.msk [tilespmem:v47+s23+$0x0], $0xffff  }
0x317: {  	v24 =	vmul.f32 v13, v24;
	v1 =	vmul.f32 $1.442695020e+00, v1;
	v2 =	vadd.f32 $1.000000000e+00, v31;
	v38 =	vpop (erf);
	[tilespmem:v43+s8+$0x0] =	vst.idx.add.f32.msk $0xffff, v18  }
0x318: {  	(erf) = vrcp.f32 v31;
	v47 =	vmin.f32 v15, v38;
	v15 =	vmul.f32 v28, v49;
	[tilespmem:v43+s9+$0x0] =	vst.idx.add.f32.msk $0xffff, v20  }
0x319: {  	v53 =	vadd.s32 v11, v53;
	v55 =	vmul.f32 $5.545931310e-02, v47;
	[tilespmem:v52+s10+$0x0] =	vst.idx.add.f32.msk $0xffff, v26;
	v14 =	vmul.f32 v5, v56;
	v5 =	vpop (erf)  }
0x31a: {  	v26 =	vsub.f32 $0.0e+00, v23;
	[tilespmem:v52+s11+$0x0] =	vst.idx.add.f32.msk $0xffff, v19;
	(erf) = vrcp.f32 v2;
	v18 =	vmul.f32 v51, v56;
	v38 =	vpop (erf)  }
0x31b: {  	[tilespmem:v16+s12+$0x0] =	vst.idx.add.f32.msk $0xffff, v24;
	v5 =	vsub.f32 v5, v28;
	v2 =	vmin.f32 v27, v38;
	v27 =	vmax.f32 v49, $0.0e+00;
	v38 =	vpop (erf)  }
0x31c: {  	[tilespmem:v16+s15+$0x0] =	vst.idx.add.f32.msk $0xffff, v13;
	v20 =	vadd.f32 $1.000000000e+00, v38;
	v49 =	vmul.f32 $5.545931310e-02, v2;
	v43 =	vpop (erf);
	(erf) = vrcp.f32 v38  }
0x31d: {  	[tilespmem:v35+s16+$0x0] =	vst.idx.add.f32.msk $0xffff, v29;
	v5 =	vand.u32 $0x7FFFFFFF, v5;
	v29 =	vsub.f32 v27, v15;
	v15 =	vmul.f32 $1.442695020e+00, v26  }
0x31e: {  	[tilespmem:v35+s1+$0x0] =	vst.idx.add.f32.msk $0xffff, v22;
	v39 =	vsub.f32 v43, v39;
	v19 =	vsub.f32 $2.186654810e-01, v49;
	(erf) = vrcp.f32 v20  }
0x31f: {  	[tilespmem:v53+s2+$0x0] =	vst.idx.add.f32.msk $0xffff, v0;
	v28 =	vpop (erf);
	v5 =	vmul.f32 $1.000000000e+01, v5;
	v20 =	vadd.f32 $1.000000000e+00, v48;
	(erf) = vpow2.f32 v1  }
0x320: {  	[tilespmem:v53+s3+$0x0] =	vst.idx.add.f32.msk $0xffff, v25;
	v52 =	vmul.f32 v19, v2;
	(erf) = vrcp.f32 v48  }
0x321: {  	v22 =	vld.idx.msk [tilespmem:v37+s23+$0x0], $0xffff;
	v51 =	vadd.f32 $1.000000000e+00, v28;
	v16 =	vpop (erf);
	v24 =	vand.u32 $0x7FFFFFFF, v39;
	(erf) = vrcp.f32 v20  }
0x322: {  	v16 =	vmin.f32 v31, v16;
	v19 =	vmul.f32 $1.000000000e+01, v24;
	v20 =	vadd.f32 $-4.664424360e-01, v52  }
0x323: {  	v13 =	vmovc v3;
	v39 =	vmul.f32 v21, v23;
	v5 =	vmin.f32 v5, $9.000000000e+00;
	v35 =	vmul.f32 $5.545931310e-02, v16  }
0x324: {  	v3 =	vpop (erf);
	(erf) = vrcp.f32 v28;
	v19 =	vmin.f32 v19, $9.000000000e+00;
	v20 =	vmul.f32 v20, v2  }
0x325: {  	v0 =	vsub.f32 $2.186654810e-01, v35;
	(erf) = vpow2.f32 v15;
	v15 =	vmul.f32 v17, v50  }
0x326: {  	v27 =	vmul.f32 v22, v56;
	v19 =	vtrunc.f32 v19;
	v25 =	vpop (erf);
	v24 =	vadd.f32 $9.962619540e-01, v20  }
0x327: {  	v3 =	vsub.f32 v3, v44;
	v31 =	vcvt.f32.s32 v19;
	v0 =	vmul.f32 v0, v16;
	v26 =	vpop (erf)  }
0x328: {  	v19 =	vmul.f32 v54, v56;
	v2 =	vmul.f32 v24, v2;
	v24 =	vmax.f32 v50, $0.0e+00;
	v43 =	vpop (erf)  }
0x329: {  	v54 =	vlaneseq.u32;
	v3 =	vand.u32 $0x7FFFFFFF, v3;
	v24 =	vsub.f32 v24, v15;
	v15 =	vpop (erf)  }
0x32a: {  	v20 =	vmul.f32 v30, v56;
	v0 =	vadd.f32 $-4.664424360e-01, v0;
	v22 =	vpop (erf);
	(erf) = vrcp.f32 v51  }
0x32b: {  	v30 =	vmax.f32 v41, $0.0e+00;
	v3 =	vmul.f32 $1.000000000e+01, v3;
	v31 =	vadd.s32 v11, v31  }
0x32c: {  	v41 =	vmin.f32 v38, v25;
	v25 =	vmul.f32 v45, v56;
	v0 =	vmul.f32 v0, v16  }
0x32d: {  	v3 =	vmin.f32 v3, $9.000000000e+00;
	v2 =	vadd.f32 $6.944574120e-05, v2;
	v35 =	vmin.f32 v48, v15  }
0x32e: {  	v15 =	vld.idx.msk [tilespmem:v32+s23+$0x0], $0xffff;
	v0 =	vadd.f32 $9.962619540e-01, v0;
	v37 =	vsub.f32 v22, v36;
	v22 =	vmul.f32 $5.545931310e-02, v35  }
0x32f: {  	v30 =	vsub.f32 v30, v46;
	v3 =	vtrunc.f32 v3;
	v2 =	vadd.f32 v2, v42  }
0x330: {  	v42 =	vpop (erf);
	v0 =	vmul.f32 v0, v16;
	v16 =	vsub.f32 v26, v34;
	v22 =	vsub.f32 $2.186654810e-01, v22  }
0x331: {  	v34 =	vadd.f32 $1.000000000e+00, v43;
	v1 =	vand.u32 $0x7FFFFFFF, v37;
	v28 =	vmin.f32 v28, v42  }
0x332: {  	v48 =	vpop (erf);
	v37 =	vtrunc.f32 v5;
	v0 =	vadd.f32 $6.944574120e-05, v0;
	v50 =	vmul.f32 v22, v35  }
0x333: {  	v22 =	vmul.f32 v15, v56;
	v15 =	vsub.f32 $2.186654810e-01, v55;
	v26 =	vpop (erf);
	(erf) = vrcp.f32 v48  }
0x334: {  	v1 =	vmul.f32 $1.000000000e+01, v1;
	v51 =	vmul.f32 $5.545931310e-02, v28;
	v16 =	vand.u32 $0x7FFFFFFF, v16  }
0x335: {  	v0 =	vadd.f32 v0, v40;
	v40 =	vcvt.f32.s32 v3;
	v15 =	vmul.f32 v15, v47  }
0x336: {  	v3 =	vmul.f32 $1.000000000e+01, v16;
	v16 =	vsub.f32 $2.186654810e-01, v51;
	v33 =	vsub.f32 v26, v33  }
0x337: {  	v38 =	vmul.f32 v18, v2;
	v53 =	vadd.f32 $-4.664424360e-01, v50;
	v15 =	vadd.f32 $-4.664424360e-01, v15  }
0x338: {  	p0 =	sne.s32 s6, $0x4F;
	v16 =	vmul.f32 v16, v28;
	v26 =	vmul.f32 v19, v0;
	v52 =	vand.u32 $0x7FFFFFFF, v33  }
.Ltmp3:
0x339: {  	v49 =	vadd.f32 $1.000000000e+00, v48;
	v15 =	vmul.f32 v15, v47;
	v0 =	vmul.f32 $1.000000000e+01, v52;
	(pc) =	sbr.rel @p0 .LBB2_8-.Ltmp3, $4  }
0x33a: {  	v57 =	vmovc v7;
	v60 =	vmovc v9;
	v46 =	vmin.f32 v1, $9.000000000e+00;
	v50 =	vmul.f32 v53, v35;
	(erf) = vrcp.f32 v43  }
0x33b: {  	v63 =	vmovc v6;
	v58 =	vmovc v8;
	v42 =	vadd.f32 $-4.664424360e-01, v16;
	v56 =	vadd.f32 $9.962619540e-01, v15;
	v0 =	vmin.f32 v0, $9.000000000e+00  }
0x33c: {  	(erf) = vrcp.f32 v49;
	v33 =	vmin.f32 v3, $9.000000000e+00;
	v0 =	vtrunc.f32 v0;
	v3 =	vpop (erf)  }
0x33d: {  	s6 =	sadd.s32 $0x1, s6;
	v62 =	vmovc v4;
	v61 =	vmovc v10;
	v55 =	vld [tilespmem:$0x1FFF0];
	v36 =	vmul.f32 v56, v47;
	v49 =	vcvt.f32.s32 v0;
	v44 =	vmin.f32 v48, v3  }
0x33e: {  	_ =	sdelay $0x1  }
0x33f: {  	v0 =	vmul.f32 $5.545931310e-02, v44;
	_ =	sdelay $0x1  }
0x340: {  	v0 =	vsub.f32 $2.186654810e-01, v0;
	_ =	sdelay $0x1  }
0x341: {  	v0 =	vmul.f32 v0, v44;
	v1 =	vpop (erf)  }
0x342: {  	v2 =	vpop (erf)  }
0x343: {  	v0 =	vadd.f32 $-4.664424360e-01, v0;
	v2 =	vsub.f32 v2, v21;
	_ =	sdelay $0x1  }
0x344: {  	v0 =	vmul.f32 v0, v44;
	v2 =	vand.u32 $0x7FFFFFFF, v2  }
0x345: {  	v2 =	vmul.f32 $1.000000000e+01, v2  }
0x346: {  	v0 =	vadd.f32 $9.962619540e-01, v0  }
0x347: {  	(erf) = vrcp.f32 v34;
	v2 =	vmin.f32 v2, $9.000000000e+00  }
0x348: {  	v0 =	vmul.f32 v0, v44;
	v2 =	vtrunc.f32 v2  }
0x349: {  	v15 =	vmax.f32 v23, $0.0e+00;
	v2 =	vcvt.f32.s32 v2  }
0x34a: {  	v15 =	vsub.f32 v15, v39;
	v1 =	vmin.f32 v43, v1;
	v0 =	vadd.f32 $6.944574120e-05, v0  }
0x34b: {  	v5 =	vmul.f32 $5.545931310e-02, v1;
	v2 =	vadd.s32 v11, v2  }
0x34c: {  	v0 =	vadd.f32 v0, v15  }
0x34d: {  	v3 =	vmul.f32 $5.545931310e-02, v41;
	v5 =	vsub.f32 $2.186654810e-01, v5  }
0x34e: {  	v0 =	vmul.f32 v27, v0  }
0x34f: {  	v16 =	vadd.f32 $9.962619540e-01, v50;
	v3 =	vsub.f32 $2.186654810e-01, v3;
	v5 =	vmul.f32 v5, v1  }
0x350: {  	v21 =	vmul.f32 v42, v28;
	[tilespmem:v2+s29+$0x0] =	vst.idx.add.f32.msk $0xffff, v0  }
0x351: {  	v16 =	vmul.f32 v16, v35;
	v3 =	vmul.f32 v3, v41;
	v5 =	vadd.f32 $-4.664424360e-01, v5;
	v23 =	vpop (erf);
	[tilespmem:v2+s30+$0x0] =	vst.idx.add.f32.msk $0xffff, v27  }
0x352: {  	v15 =	vadd.f32 $9.962619540e-01, v21;
	v17 =	vsub.f32 v23, v17;
	v23 =	vtrunc.f32 v46;
	[tilespmem:v31+s31+$0x0] =	vst.idx.add.f32.msk $0xffff, v38  }
0x353: {  	v16 =	vadd.f32 $6.944574120e-05, v16;
	v3 =	vadd.f32 $-4.664424360e-01, v3;
	v21 =	vcvt.f32.s32 v23;
	v4 =	vld [tilespmem:$0x1FFC0]  }
0x354: {  	v5 =	vmul.f32 v5, v1;
	v15 =	vmul.f32 v15, v28;
	v17 =	vand.u32 $0x7FFFFFFF, v17  }
0x355: {  	v16 =	vadd.f32 v16, v30;
	v17 =	vmul.f32 $1.000000000e+01, v17;
	v21 =	vadd.s32 v11, v21  }
0x356: {  	v3 =	vmul.f32 v3, v41;
	v5 =	vadd.f32 $9.962619540e-01, v5;
	v39 =	vadd.f32 $6.944574120e-05, v15  }
0x357: {  	v43 =	vmul.f32 v14, v16;
	v23 =	vadd.s32 v11, v49;
	v42 =	vmin.f32 v17, $9.000000000e+00  }
0x358: {  	v1 =	vmul.f32 v5, v1;
	v2 =	vtrunc.f32 v42;
	v0 =	vadd.f32 v39, v4  }
0x359: {  	v16 =	vadd.s32 v11, v40;
	v3 =	vadd.f32 $9.962619540e-01, v3;
	v2 =	vcvt.f32.s32 v2;
	[tilespmem:v31+s0+$0x0] =	vst.idx.add.f32.msk $0xffff, v18  }
0x35a: {  	v44 =	vadd.f32 $6.944574120e-05, v36;
	v1 =	vadd.f32 $6.944574120e-05, v1;
	[tilespmem:v21+s4+$0x0] =	vst.idx.add.f32.msk $0xffff, v43;
	v0 =	vmul.f32 v20, v0  }
0x35b: {  	v3 =	vmul.f32 v3, v41;
	v15 =	vcvt.f32.s32 v37;
	v2 =	vadd.s32 v11, v2;
	[tilespmem:v21+s7+$0x0] =	vst.idx.add.f32.msk $0xffff, v14  }
0x35c: {  	v45 =	vadd.f32 v44, v29;
	v17 =	vtrunc.f32 v33;
	v1 =	vadd.f32 v1, v24;
	[tilespmem:v23+s8+$0x0] =	vst.idx.add.f32.msk $0xffff, v0  }
0x35d: {  	v46 =	vmax.f32 v12, $0.0e+00;
	v12 =	vadd.s32 v11, v15;
	v14 =	vcvt.f32.s32 v17;
	[tilespmem:v23+s9+$0x0] =	vst.idx.add.f32.msk $0xffff, v20  }
0x35e: {  	v3 =	vadd.f32 $6.944574120e-05, v3;
	v5 =	vsub.f32 v46, v59;
	v1 =	vmul.f32 v13, v1;
	[tilespmem:v16+s10+$0x0] =	vst.idx.add.f32.msk $0xffff, v26  }
0x35f: {  	v14 =	vadd.s32 v11, v14;
	[tilespmem:v16+s11+$0x0] =	vst.idx.add.f32.msk $0xffff, v19  }
0x360: {  	v3 =	vadd.f32 v3, v5;
	v0 =	vmul.f32 v22, v45;
	[tilespmem:v2+s12+$0x0] =	vst.idx.add.f32.msk $0xffff, v1  }
0x361: {  	[tilespmem:v2+s15+$0x0] =	vst.idx.add.f32.msk $0xffff, v13  }
0x362: {  	v47 =	vmul.f32 v25, v3;
	[tilespmem:v12+s16+$0x0] =	vst.idx.add.f32.msk $0xffff, v0  }
0x363: {  	[tilespmem:v12+s1+$0x0] =	vst.idx.add.f32.msk $0xffff, v22  }
0x364: {  	[tilespmem:v14+s2+$0x0] =	vst.idx.add.f32.msk $0xffff, v47  }
0x365: {  	s13 =	simm.s32 $0x3;
	[tilespmem:v14+s3+$0x0] =	vst.idx.add.f32.msk $0xffff, v25  }
0x366: {  	_ =	swait.ge [sflag:s13], $0x2800  }
0x367: {  	[sflag:s13] =	ssyncset.done $0x0  }
0x368: {  	[sflag:s13] =	ssyncadd.s32 $0xFFFFD800  }
0x369: {  	s6 =	simm.s32 $0x0;
	_ =	swait.ge [sflag:s13], $0x2800  }
0x36a: {  	v48 =	vor.u32 s6, v54;
	[sflag:s13] =	ssyncset.done $0x0  }
0x36b: {  	[sflag:s13] =	ssyncadd.s32 $0xFFFFD800  }
0x36c: {  	v49 =	vor.u32 s6, v63;
	_ =	swait.ge [sflag:s13], $0x2800  }
0x36d: {  	[sflag:s13] =	ssyncset.done $0x0  }
0x36e: {  	[sflag:s13] =	ssyncadd.s32 $0xFFFFD800  }
0x36f: {  	v50 =	vld.idx.msk [tilespmem:v48+s19+$0x0], $0xffff;
	_ =	sdelay $0x1  }
0x370: {  	v51 =	vld.idx.msk [tilespmem:v49+s19+$0x0], $0xffff;
	_ =	sdelay $0x2  }
0x371: {  	v52 =	vsub.f32 $0.0e+00, v50;
	_ =	sdelay $0x1  }
0x372: {  	v12 =	vsub.f32 $0.0e+00, v51;
	v5 =	vmul.f32 $1.442695020e+00, v52;
	_ =	sdelay $0x1  }
0x373: {  	s17 =	simm.s32 $0x80;
	v53 =	vmul.f32 $1.442695020e+00, v12;
	(erf) = vpow2.f32 v5  }
0x374: {  	v13 =	vor.u32 s17, v54  }
0x375: {  	(erf) = vpow2.f32 v53;
	_ =	sdelay $0x2  }
0x376: {  	v29 =	vor.u32 s17, v63  }
0x377: {  	v56 =	vld.idx.msk [tilespmem:v13+s19+$0x0], $0xffff;
	_ =	sdelay $0x2  }
0x378: {  	v12 =	vpop (erf)  }
0x379: {  	v15 =	vld.idx.msk [tilespmem:v29+s19+$0x0], $0xffff;
	(erf) = vrcp.f32 v12  }
0x37a: {  	v17 =	vsub.f32 $0.0e+00, v56;
	v14 =	vadd.f32 $1.000000000e+00, v12;
	v16 =	vpop (erf)  }
0x37b: {  	(erf) = vrcp.f32 v16;
	v18 =	vadd.f32 $1.000000000e+00, v16  }
0x37c: {  	v17 =	vmul.f32 $1.442695020e+00, v17;
	(erf) = vrcp.f32 v14  }
0x37d: {  	(erf) = vrcp.f32 v18  }
0x37e: {  	v14 =	vsub.f32 $0.0e+00, v15;
	(erf) = vpow2.f32 v17;
	_ =	sdelay $0x1  }
0x37f: {  	v14 =	vmul.f32 $1.442695020e+00, v14;
	_ =	sdelay $0x1  }
0x380: {  	v17 =	vpop (erf);
	(erf) = vpow2.f32 v14  }
0x381: {  	v17 =	vmin.f32 v12, v17  }
0x382: {  	v19 =	vld.idx.msk [tilespmem:v48+s20+$0x0], $0xffff;
	v18 =	vpop (erf);
	v12 =	vmul.f32 $5.545931310e-02, v17  }
0x383: {  	s18 =	simm.s32 $0x100;
	v20 =	vld.idx.msk [tilespmem:v13+s20+$0x0], $0xffff;
	v22 =	vpop (erf)  }
0x384: {  	v30 =	vor.u32 s18, v54;
	v14 =	vld.idx.msk [tilespmem:v49+s20+$0x0], $0xffff;
	v23 =	vpop (erf);
	v21 =	vsub.f32 $2.186654810e-01, v12  }
0x385: {  	v12 =	vor.u32 s18, v63;
	v25 =	vpop (erf)  }
0x386: {  	v28 =	vld.idx.msk [tilespmem:v29+s20+$0x0], $0xffff;
	(erf) = vrcp.f32 v25;
	v21 =	vmul.f32 v21, v17  }
0x387: {  	v47 =	vld [tilespmem:$0x1FFE0]  }
0x388: {  	v0 =	vld.idx.msk [tilespmem:v48+s21+$0x0], $0xffff;
	v24 =	vmul.f32 v19, v50;
	v59 =	vmul.f32 v20, v56;
	v21 =	vadd.f32 $-4.664424360e-01, v21  }
0x389: {  	v32 =	vmin.f32 v16, v18;
	v18 =	vld.idx.msk [tilespmem:v30+s19+$0x0], $0xffff;
	v31 =	vmul.f32 v14, v51;
	v16 =	vadd.f32 $1.000000000e+00, v25;
	v27 =	vpop (erf)  }
0x38a: {  	v23 =	vsub.f32 v23, v14;
	v14 =	vld.idx.msk [tilespmem:v12+s19+$0x0], $0xffff;
	v21 =	vmul.f32 v21, v17;
	(erf) = vrcp.f32 v27  }
0x38b: {  	v26 =	vmul.f32 v28, v15;
	v2 =	vmax.f32 v50, $0.0e+00;
	(erf) = vrcp.f32 v16  }
0x38c: {  	v16 =	vand.u32 $0x7FFFFFFF, v23;
	v23 =	vadd.f32 $1.000000000e+00, v27;
	v21 =	vadd.f32 $9.962619540e-01, v21  }
0x38d: {  	v0 =	vmul.f32 v0, v47;
	v2 =	vsub.f32 v2, v24;
	v43 =	vmul.f32 $5.545931310e-02, v32  }
0x38e: {  	v37 =	vld.idx.msk [tilespmem:v30+s20+$0x0], $0xffff;
	(erf) = vrcp.f32 v23;
	v17 =	vmul.f32 v21, v17;
	v21 =	vsub.f32 $0.0e+00, v18  }
0x38f: {  	v22 =	vsub.f32 v22, v19;
	v16 =	vmul.f32 $1.000000000e+01, v16;
	v23 =	vsub.f32 $0.0e+00, v14;
	v48 =	vpop (erf)  }
0x390: {  	v24 =	vld.idx.msk [tilespmem:v12+s20+$0x0], $0xffff;
	v35 =	vmin.f32 v25, v48;
	v17 =	vadd.f32 $6.944574120e-05, v17;
	v21 =	vmul.f32 $1.442695020e+00, v21  }
0x391: {  	v16 =	vmin.f32 v16, $9.000000000e+00;
	v23 =	vmul.f32 $1.442695020e+00, v23;
	v19 =	vmul.f32 $5.545931310e-02, v35  }
0x392: {  	v1 =	vld.idx.msk [tilespmem:v49+s21+$0x0], $0xffff;
	v5 =	vmax.f32 v56, $0.0e+00;
	v16 =	vtrunc.f32 v16;
	(erf) = vpow2.f32 v21  }
0x393: {  	s28 =	simm.s32 $0x180;
	v50 =	vld.idx.msk [tilespmem:v13+s21+$0x0], $0xffff;
	v25 =	vmul.f32 v37, v18;
	v13 =	vsub.f32 $2.186654810e-01, v19;
	(erf) = vpow2.f32 v23  }
0x394: {  	v49 =	vcvt.f32.s32 v16;
	v2 =	vadd.f32 v17, v2;
	v23 =	vor.u32 s28, v54;
	v17 =	vpop (erf)  }
0x395: {  	v51 =	vmax.f32 v51, $0.0e+00;
	v19 =	vmul.f32 v24, v14;
	v52 =	vmul.f32 v13, v35;
	v16 =	vpop (erf)  }
0x396: {  	v21 =	vmin.f32 v27, v17;
	v27 =	vsub.f32 v16, v20;
	v16 =	vsub.f32 $2.186654810e-01, v43  }
0x397: {  	v2 =	vmul.f32 v2, v0;
	v13 =	vor.u32 s28, v63;
	v20 =	vpop (erf);
	v3 =	vadd.f32 $-4.664424360e-01, v52  }
0x398: {  	v17 =	vmul.f32 v1, v47;
	v20 =	vsub.f32 v20, v28;
	v28 =	vmul.f32 v16, v32  }
0x399: {  	v1 =	vsub.f32 v51, v31;
	v31 =	vand.u32 $0x7FFFFFFF, v22;
	v3 =	vmul.f32 v3, v35;
	v22 =	vld.idx.msk [tilespmem:v23+s19+$0x0], $0xffff  }
0x39a: {  	v31 =	vmul.f32 $1.000000000e+01, v31;
	v20 =	vand.u32 $0x7FFFFFFF, v20;
	v28 =	vadd.f32 $-4.664424360e-01, v28  }
0x39b: {  	v16 =	vmul.f32 v50, v47;
	v56 =	vmul.f32 $1.000000000e+01, v20;
	v3 =	vadd.f32 $9.962619540e-01, v3;
	v39 =	vpop (erf)  }
0x39c: {  	v53 =	vadd.f32 $1.000000000e+00, v39;
	v43 =	vpop (erf);
	(erf) = vrcp.f32 v39;
	v28 =	vmul.f32 v28, v32  }
0x39d: {  	v5 =	vsub.f32 v5, v59;
	v20 =	vld.idx.msk [tilespmem:v13+s19+$0x0], $0xffff;
	v3 =	vmul.f32 v3, v35;
	(erf) = vrcp.f32 v43  }
0x39e: {  	v59 =	vadd.f32 $1.000000000e+00, v43;
	v41 =	vsub.f32 $0.0e+00, v22;
	(erf) = vrcp.f32 v53  }
0x39f: {  	v6 =	vadd.f32 $9.962619540e-01, v28;
	v28 =	vmin.f32 v31, $9.000000000e+00;
	v31 =	vmin.f32 v56, $9.000000000e+00  }
0x3a0: {  	v3 =	vadd.f32 $6.944574120e-05, v3;
	v7 =	vtrunc.f32 v28;
	(erf) = vrcp.f32 v59  }
0x3a1: {  	v28 =	vadd.s32 v11, v49;
	v40 =	vmul.f32 v6, v32;
	v33 =	vcvt.f32.s32 v7;
	v32 =	vld.idx.msk [tilespmem:v23+s20+$0x0], $0xffff  }
0x3a2: {  	v48 =	vsub.f32 $0.0e+00, v20;
	v31 =	vtrunc.f32 v31;
	v50 =	vmul.f32 $1.442695020e+00, v41  }
0x3a3: {  	v3 =	vadd.f32 v3, v5;
	v35 =	vadd.f32 $6.944574120e-05, v40;
	v49 =	vadd.s32 v11, v33;
	v33 =	vld.idx.msk [tilespmem:v13+s20+$0x0], $0xffff  }
0x3a4: {  	v34 =	vcvt.f32.s32 v31;
	v51 =	vmul.f32 $1.442695020e+00, v48  }
0x3a5: {  	v41 =	vld.idx.msk [tilespmem:v29+s21+$0x0], $0xffff;
	(erf) = vpow2.f32 v50;
	v31 =	vmul.f32 v3, v16;
	v1 =	vadd.f32 v35, v1;
	v52 =	vpop (erf)  }
0x3a6: {  	(erf) = vpow2.f32 v51;
	v35 =	vmul.f32 v32, v22;
	v40 =	vmin.f32 v39, v52  }
0x3a7: {  	v42 =	vld.idx.msk [tilespmem:v30+s21+$0x0], $0xffff;
	v53 =	vpop (erf);
	v38 =	vmul.f32 v1, v17;
	v56 =	vmul.f32 $5.545931310e-02, v40  }
0x3a8: {  	v36 =	vmul.f32 $5.545931310e-02, v21;
	v30 =	vmin.f32 v43, v53;
	v59 =	vpop (erf);
	[tilespmem:v49+s29+$0x0] =	vst.idx.add.f32.msk $0xffff, v2;
	v29 =	vmul.f32 v33, v20  }
0x3a9: {  	s6 =	simm.s32 $0x4;
	v37 =	vsub.f32 v59, v37;
	v39 =	vmul.f32 $5.545931310e-02, v30;
	[tilespmem:v49+s30+$0x0] =	vst.idx.add.f32.msk $0xffff, v0;
	v43 =	vsub.f32 $2.186654810e-01, v56  }
.LBB2_10:
0x3aa: {  	s14 =	sshll.u32 s6, $0x7;
	p0 =	sne.s32 s6, $0x4F;
	s6 =	sadd.s32 $0x1, s6;
	v0 =	vpop (erf);
	v1 =	vmul.f32 v41, v47;
	v2 =	vsub.f32 $2.186654810e-01, v36;
	v3 =	vmax.f32 v15, $0.0e+00;
	[tilespmem:v28+s31+$0x0] =	vst.idx.add.f32.msk $0xffff, v38  }
0x3ab: {  	v15 =	vmovc v14;
	v5 =	vor.u32 s14, v54;
	v38 =	vor.u32 s14, v63;
	v36 =	vmul.f32 v43, v40;
	[tilespmem:v28+s0+$0x0] =	vst.idx.add.f32.msk $0xffff, v17  }
0x3ac: {  	v0 =	vsub.f32 v0, v24;
	v3 =	vsub.f32 v3, v26;
	v2 =	vmul.f32 v2, v21;
	v17 =	vmovc v1  }
0x3ad: {  	v4 =	vmax.f32 v18, $0.0e+00;
	v18 =	vmovc v22;
	v14 =	vmovc v20;
	v1 =	vmul.f32 v42, v47;
	v26 =	vadd.f32 $-4.664424360e-01, v36  }
0x3ae: {  	v41 =	vsub.f32 v4, v25;
	v43 =	vmovc v32;
	v24 =	vmovc v33;
	v0 =	vand.u32 $0x7FFFFFFF, v0;
	v2 =	vadd.f32 $-4.664424360e-01, v2  }
0x3af: {  	v0 =	vmul.f32 $1.000000000e+01, v0;
	v42 =	vpop (erf);
	v4 =	vmul.f32 v26, v40;
	v26 =	vand.u32 $0x7FFFFFFF, v27  }
0x3b0: {  	v22 =	vld.idx.msk [tilespmem:v5+s19+$0x0], $0xffff;
	v6 =	vadd.f32 $1.000000000e+00, v42;
	v44 =	vpop (erf);
	(erf) = vrcp.f32 v42;
	v2 =	vmul.f32 v2, v21  }
0x3b1: {  	v45 =	vmovc v31;
	v25 =	vmovc v35;
	v20 =	vld.idx.msk [tilespmem:v38+s19+$0x0], $0xffff;
	(erf) = vrcp.f32 v44;
	v28 =	vadd.f32 $9.962619540e-01, v4;
	v4 =	vmul.f32 $1.000000000e+01, v26  }
0x3b2: {  	v27 =	vmovc v37;
	v36 =	vmovc v39;
	v31 =	vadd.f32 $1.000000000e+00, v44;
	(erf) = vrcp.f32 v6;
	v2 =	vadd.f32 $9.962619540e-01, v2  }
0x3b3: {  	v0 =	vmin.f32 v0, $9.000000000e+00;
	v26 =	vmovc v19;
	v19 =	vmovc v29;
	v32 =	vmul.f32 v28, v40;
	v28 =	vmin.f32 v4, $9.000000000e+00  }
0x3b4: {  	v29 =	vtrunc.f32 v28;
	v28 =	vadd.s32 v11, v34;
	v2 =	vmul.f32 v2, v21;
	v21 =	vmovc v30  }
0x3b5: {  	(erf) = vrcp.f32 v31;
	v30 =	vadd.f32 $6.944574120e-05, v32;
	v29 =	vcvt.f32.s32 v29  }
0x3b6: {  	v0 =	vtrunc.f32 v0;
	v31 =	vsub.f32 $0.0e+00, v22;
	v32 =	vld.idx.msk [tilespmem:v5+s20+$0x0], $0xffff;
	v2 =	vadd.f32 $6.944574120e-05, v2  }
0x3b7: {  	v35 =	vsub.f32 $0.0e+00, v20;
	v33 =	vld.idx.msk [tilespmem:v38+s20+$0x0], $0xffff;
	v30 =	vadd.f32 v30, v41;
	v46 =	vadd.s32 v11, v29  }
0x3b8: {  	v34 =	vcvt.f32.s32 v0;
	v29 =	vmul.f32 $1.442695020e+00, v31;
	v41 =	vld.idx.msk [tilespmem:v12+s21+$0x0], $0xffff;
	v0 =	vadd.f32 v2, v3;
	v12 =	vmovc v13;
	v13 =	vmovc v38  }
.Ltmp4:
0x3b9: {  	v4 =	vmul.f32 $1.442695020e+00, v35;
	v3 =	vpop (erf);
	v31 =	vmul.f32 v30, v1;
	(pc) =	sbr.rel @p0 .LBB2_10-.Ltmp4, $4  }
0x3ba: {  	(erf) = vpow2.f32 v29;
	v40 =	vmin.f32 v42, v3;
	v3 =	vpop (erf);
	v38 =	vmul.f32 v0, v17  }
0x3bb: {  	(erf) = vpow2.f32 v4;
	v42 =	vld.idx.msk [tilespmem:v23+s21+$0x0], $0xffff;
	v30 =	vmin.f32 v44, v3;
	v0 =	vmul.f32 $5.545931310e-02, v40;
	v2 =	vpop (erf)  }
0x3bc: {  	v35 =	vmul.f32 v32, v22;
	v37 =	vsub.f32 v2, v43;
	v39 =	vmul.f32 $5.545931310e-02, v30;
	[tilespmem:v46+s29+$0x0] =	vst.idx.add.f32.msk $0xffff, v45  }
0x3bd: {  	v23 =	vmovc v5;
	v29 =	vmul.f32 v33, v20;
	v43 =	vsub.f32 $2.186654810e-01, v0;
	[tilespmem:v46+s30+$0x0] =	vst.idx.add.f32.msk $0xffff, v16;
	v16 =	vmov v1  }
0x3be: {  	_ =	sdelay $0x3  }
0x3bf: {  	v0 =	vpop (erf)  }
0x3c0: {  	v2 =	vsub.f32 $2.186654810e-01, v36;
	v15 =	vmax.f32 v15, $0.0e+00;
	v3 =	vpop (erf)  }
0x3c1: {  	v6 =	vand.u32 $0x7FFFFFFF, v27;
	v18 =	vmax.f32 v18, $0.0e+00;
	(erf) = vrcp.f32 v3  }
0x3c2: {  	v44 =	vadd.s32 v11, v34;
	v50 =	vsub.f32 $2.186654810e-01, v39;
	v14 =	vmax.f32 v14, $0.0e+00  }
0x3c3: {  	v4 =	vand.u32 $0x7FFFFFFF, v37;
	v22 =	vmax.f32 v22, $0.0e+00;
	v1 =	vmul.f32 v43, v40  }
0x3c4: {  	v0 =	vsub.f32 v0, v24;
	v15 =	vsub.f32 v15, v26;
	v26 =	vmul.f32 $1.000000000e+01, v6  }
0x3c5: {  	v18 =	vsub.f32 v18, v25;
	v2 =	vmul.f32 v2, v21;
	v36 =	vmul.f32 v42, v47  }
0x3c6: {  	v23 =	vld.idx.msk [tilespmem:v23+s21+$0x0], $0xffff;
	v25 =	vmul.f32 v50, v30;
	v0 =	vand.u32 $0x7FFFFFFF, v0;
	v5 =	vadd.f32 $1.000000000e+00, v3;
	v59 =	vpop (erf)  }
0x3c7: {  	v2 =	vadd.f32 $-4.664424360e-01, v2;
	(erf) = vrcp.f32 v59;
	v7 =	vadd.f32 $1.000000000e+00, v59  }
0x3c8: {  	v1 =	vadd.f32 $-4.664424360e-01, v1;
	v0 =	vmul.f32 $1.000000000e+01, v0;
	(erf) = vrcp.f32 v5  }
0x3c9: {  	v14 =	vsub.f32 v14, v19;
	v2 =	vmul.f32 v2, v21;
	(erf) = vrcp.f32 v7  }
0x3ca: {  	v56 =	vadd.f32 $-4.664424360e-01, v25;
	v1 =	vmul.f32 v1, v40;
	v5 =	vmul.f32 v41, v47;
	v41 =	vpop (erf)  }
0x3cb: {  	v53 =	vmul.f32 v23, v47;
	v2 =	vadd.f32 $9.962619540e-01, v2;
	v3 =	vmin.f32 v3, v41  }
0x3cc: {  	v0 =	vmin.f32 v0, $9.000000000e+00;
	v23 =	vmul.f32 v56, v30;
	v43 =	vmul.f32 $5.545931310e-02, v3  }
0x3cd: {  	v1 =	vadd.f32 $9.962619540e-01, v1;
	v0 =	vtrunc.f32 v0;
	v2 =	vmul.f32 v2, v21  }
0x3ce: {  	v26 =	vmin.f32 v26, $9.000000000e+00;
	v0 =	vcvt.f32.s32 v0;
	v46 =	vsub.f32 $2.186654810e-01, v43  }
0x3cf: {  	v23 =	vadd.f32 $9.962619540e-01, v23;
	v1 =	vmul.f32 v1, v40;
	v2 =	vadd.f32 $6.944574120e-05, v2  }
0x3d0: {  	v40 =	vtrunc.f32 v26;
	v7 =	vsub.f32 v22, v35;
	v48 =	vpop (erf);
	v21 =	vmul.f32 v46, v3  }
0x3d1: {  	v42 =	vcvt.f32.s32 v40;
	v2 =	vadd.f32 v2, v15;
	v15 =	vmin.f32 v59, v48;
	v49 =	vpop (erf)  }
0x3d2: {  	v24 =	vsub.f32 v49, v32;
	v51 =	vmul.f32 $5.545931310e-02, v15;
	v52 =	vpop (erf);
	v21 =	vadd.f32 $-4.664424360e-01, v21  }
0x3d3: {  	v23 =	vmul.f32 v23, v30;
	v0 =	vadd.s32 v11, v0;
	v32 =	vsub.f32 v52, v33  }
0x3d4: {  	[tilespmem:v28+s31+$0x0] =	vst.idx.add.f32.msk $0xffff, v38;
	v27 =	vsub.f32 $2.186654810e-01, v51;
	v24 =	vand.u32 $0x7FFFFFFF, v24;
	v21 =	vmul.f32 v21, v3  }
0x3d5: {  	[tilespmem:v28+s0+$0x0] =	vst.idx.add.f32.msk $0xffff, v17;
	v59 =	vand.u32 $0x7FFFFFFF, v32;
	v32 =	vmul.f32 $1.000000000e+01, v4;
	v28 =	vmul.f32 $1.000000000e+01, v24  }
0x3d6: {  	v1 =	vadd.f32 $6.944574120e-05, v1;
	v27 =	vmul.f32 v27, v15;
	v21 =	vadd.f32 $9.962619540e-01, v21  }
0x3d7: {  	v45 =	vadd.s32 v11, v42;
	v6 =	vmin.f32 v32, $9.000000000e+00;
	v35 =	vmin.f32 v28, $9.000000000e+00  }
0x3d8: {  	v27 =	vadd.f32 $-4.664424360e-01, v27;
	v3 =	vmul.f32 v21, v3;
	v21 =	vtrunc.f32 v6  }
0x3d9: {  	v1 =	vadd.f32 v1, v18;
	v18 =	vtrunc.f32 v35;
	v21 =	vcvt.f32.s32 v21  }
0x3da: {  	v12 =	vld.idx.msk [tilespmem:v12+s21+$0x0], $0xffff;
	v37 =	vadd.f32 $6.944574120e-05, v23;
	v18 =	vcvt.f32.s32 v18;
	v33 =	vmul.f32 v27, v15  }
0x3db: {  	v13 =	vld.idx.msk [tilespmem:v13+s21+$0x0], $0xffff;
	v25 =	vmul.f32 $1.000000000e+01, v59;
	v3 =	vadd.f32 $6.944574120e-05, v3;
	v34 =	vadd.s32 v11, v21  }
0x3dc: {  	v2 =	vmul.f32 v2, v5;
	[tilespmem:v45+s29+$0x0] =	vst.idx.add.f32.msk $0xffff, v31;
	v43 =	vadd.s32 v11, v18;
	v38 =	vadd.f32 $9.962619540e-01, v33  }
0x3dd: {  	v1 =	vmul.f32 v1, v36;
	[tilespmem:v45+s30+$0x0] =	vst.idx.add.f32.msk $0xffff, v16;
	v32 =	vmin.f32 v25, $9.000000000e+00;
	v3 =	vadd.f32 v3, v7  }
0x3de: {  	v42 =	vmax.f32 v20, $0.0e+00;
	[tilespmem:v44+s31+$0x0] =	vst.idx.add.f32.msk $0xffff, v2;
	v39 =	vtrunc.f32 v32;
	v40 =	vmul.f32 v38, v15  }
0x3df: {  	v2 =	vadd.f32 v37, v14;
	[tilespmem:v44+s0+$0x0] =	vst.idx.add.f32.msk $0xffff, v5;
	v41 =	vcvt.f32.s32 v39;
	v3 =	vmul.f32 v3, v53  }
0x3e0: {  	v12 =	vmul.f32 v12, v47;
	v44 =	vsub.f32 v42, v29;
	v14 =	vadd.f32 $6.944574120e-05, v40;
	[tilespmem:v34+s29+$0x0] =	vst.idx.add.f32.msk $0xffff, v1  }
0x3e1: {  	v13 =	vmul.f32 v13, v47;
	v5 =	vadd.s32 v11, v41;
	[tilespmem:v43+s29+$0x0] =	vst.idx.add.f32.msk $0xffff, v3  }
0x3e2: {  	v2 =	vmul.f32 v2, v12;
	v1 =	vadd.f32 v14, v44;
	[tilespmem:v34+s30+$0x0] =	vst.idx.add.f32.msk $0xffff, v36  }
0x3e3: {  	[tilespmem:v43+s30+$0x0] =	vst.idx.add.f32.msk $0xffff, v53  }
0x3e4: {  	[tilespmem:v0+s31+$0x0] =	vst.idx.add.f32.msk $0xffff, v2;
	v45 =	vmul.f32 v1, v13  }
0x3e5: {  	[tilespmem:v0+s0+$0x0] =	vst.idx.add.f32.msk $0xffff, v12  }
0x3e6: {  	[tilespmem:v5+s31+$0x0] =	vst.idx.add.f32.msk $0xffff, v45  }
0x3e7: {  	[tilespmem:v5+s0+$0x0] =	vst.idx.add.f32.msk $0xffff, v13  }
0x3e8: {  	v0 =	vld [tilespmem:$0x16800]  }
0x3e9: {  	v46 =	vld [tilespmem:$0x17000]  }
0x3ea: {  	v2 =	vld [tilespmem:$0x16810]  }
0x3eb: {  	v3 =	vld [tilespmem:$0x17010]  }
0x3ec: {  	v5 =	vld [tilespmem:$0x16820]  }
0x3ed: {  	v12 =	vld [tilespmem:$0x17020]  }
0x3ee: {  	v13 =	vld [tilespmem:$0x16830]  }
0x3ef: {  	v47 =	vld [tilespmem:$0x17030];
	v0 =	vadd.f32 v2, v0  }
0x3f0: {  	v48 =	vld [tilespmem:$0x16840];
	v1 =	vadd.f32 v3, v46  }
0x3f1: {  	v49 =	vld [tilespmem:$0x17040];
	v0 =	vadd.f32 v5, v0  }
0x3f2: {  	v50 =	vld [tilespmem:$0x16850];
	v1 =	vadd.f32 v12, v1  }
0x3f3: {  	v51 =	vld [tilespmem:$0x17050];
	v0 =	vadd.f32 v13, v0  }
0x3f4: {  	v52 =	vld [tilespmem:$0x16860];
	v1 =	vadd.f32 v47, v1  }
0x3f5: {  	v53 =	vld [tilespmem:$0x17060];
	v0 =	vadd.f32 v48, v0  }
0x3f6: {  	v56 =	vld [tilespmem:$0x16870];
	v1 =	vadd.f32 v49, v1  }
0x3f7: {  	v59 =	vld [tilespmem:$0x17070];
	v0 =	vadd.f32 v50, v0  }
0x3f8: {  	v16 =	vld [tilespmem:$0x16880];
	v1 =	vadd.f32 v51, v1  }
0x3f9: {  	v17 =	vld [tilespmem:$0x17080];
	v0 =	vadd.f32 v52, v0  }
0x3fa: {  	v18 =	vld [tilespmem:$0x16890];
	v1 =	vadd.f32 v53, v1  }
0x3fb: {  	v19 =	vld [tilespmem:$0x17090];
	v0 =	vadd.f32 v56, v0  }
0x3fc: {  	v20 =	vld [tilespmem:$0x168A0];
	v1 =	vadd.f32 v59, v1  }
0x3fd: {  	v21 =	vld [tilespmem:$0x170A0];
	v0 =	vadd.f32 v16, v0  }
0x3fe: {  	v22 =	vld [tilespmem:$0x168B0];
	v1 =	vadd.f32 v17, v1  }
0x3ff: {  	v23 =	vld [tilespmem:$0x170B0];
	v0 =	vadd.f32 v18, v0  }
0x400: {  	v24 =	vld [tilespmem:$0x168C0];
	v1 =	vadd.f32 v19, v1  }
0x401: {  	v25 =	vld [tilespmem:$0x170C0];
	v0 =	vadd.f32 v20, v0  }
0x402: {  	v26 =	vld [tilespmem:$0x168D0];
	v1 =	vadd.f32 v21, v1  }
0x403: {  	v27 =	vld [tilespmem:$0x170D0];
	v0 =	vadd.f32 v22, v0  }
0x404: {  	v28 =	vld [tilespmem:$0x168E0];
	v1 =	vadd.f32 v23, v1  }
0x405: {  	v29 =	vld [tilespmem:$0x170E0];
	v0 =	vadd.f32 v24, v0  }
0x406: {  	v30 =	vld [tilespmem:$0x168F0];
	v1 =	vadd.f32 v25, v1  }
0x407: {  	v31 =	vld [tilespmem:$0x170F0];
	v0 =	vadd.f32 v26, v0  }
0x408: {  	v32 =	vld [tilespmem:$0x16900];
	v1 =	vadd.f32 v27, v1  }
0x409: {  	v33 =	vld [tilespmem:$0x17100];
	v0 =	vadd.f32 v28, v0  }
0x40a: {  	v34 =	vld [tilespmem:$0x16910];
	v1 =	vadd.f32 v29, v1  }
0x40b: {  	v35 =	vld [tilespmem:$0x17110];
	v0 =	vadd.f32 v30, v0  }
0x40c: {  	v36 =	vld [tilespmem:$0x16920];
	v1 =	vadd.f32 v31, v1  }
0x40d: {  	v37 =	vld [tilespmem:$0x17120];
	v0 =	vadd.f32 v32, v0  }
0x40e: {  	v38 =	vld [tilespmem:$0x16930];
	v1 =	vadd.f32 v33, v1  }
0x40f: {  	v39 =	vld [tilespmem:$0x17130];
	v0 =	vadd.f32 v34, v0  }
0x410: {  	v40 =	vld [tilespmem:$0x16940];
	v1 =	vadd.f32 v35, v1  }
0x411: {  	v41 =	vld [tilespmem:$0x17140];
	v0 =	vadd.f32 v36, v0  }
0x412: {  	v42 =	vld [tilespmem:$0x16950];
	v1 =	vadd.f32 v37, v1  }
0x413: {  	v43 =	vld [tilespmem:$0x17150];
	v0 =	vadd.f32 v38, v0  }
0x414: {  	v44 =	vld [tilespmem:$0x16960];
	v1 =	vadd.f32 v39, v1  }
0x415: {  	v45 =	vld [tilespmem:$0x17160];
	v0 =	vadd.f32 v40, v0  }
0x416: {  	v46 =	vld [tilespmem:$0x16970];
	v1 =	vadd.f32 v41, v1  }
0x417: {  	v47 =	vld [tilespmem:$0x17170];
	v0 =	vadd.f32 v42, v0  }
0x418: {  	v48 =	vld [tilespmem:$0x16980];
	v1 =	vadd.f32 v43, v1  }
0x419: {  	v49 =	vld [tilespmem:$0x17180];
	v0 =	vadd.f32 v44, v0  }
0x41a: {  	v50 =	vld [tilespmem:$0x16990];
	v1 =	vadd.f32 v45, v1  }
0x41b: {  	v51 =	vld [tilespmem:$0x17190];
	v0 =	vadd.f32 v46, v0  }
0x41c: {  	v52 =	vld [tilespmem:$0x169A0];
	v1 =	vadd.f32 v47, v1  }
0x41d: {  	v53 =	vld [tilespmem:$0x171A0];
	v0 =	vadd.f32 v48, v0  }
0x41e: {  	v56 =	vld [tilespmem:$0x169B0];
	v1 =	vadd.f32 v49, v1  }
0x41f: {  	v59 =	vld [tilespmem:$0x171B0];
	v0 =	vadd.f32 v50, v0  }
0x420: {  	v16 =	vld [tilespmem:$0x169C0];
	v1 =	vadd.f32 v51, v1  }
0x421: {  	v17 =	vld [tilespmem:$0x171C0];
	v0 =	vadd.f32 v52, v0  }
0x422: {  	v18 =	vld [tilespmem:$0x169D0];
	v1 =	vadd.f32 v53, v1  }
0x423: {  	v19 =	vld [tilespmem:$0x171D0];
	v0 =	vadd.f32 v56, v0  }
0x424: {  	v20 =	vld [tilespmem:$0x169E0];
	v1 =	vadd.f32 v59, v1  }
0x425: {  	v21 =	vld [tilespmem:$0x171E0];
	v0 =	vadd.f32 v16, v0  }
0x426: {  	v22 =	vld [tilespmem:$0x169F0];
	v1 =	vadd.f32 v17, v1  }
0x427: {  	v23 =	vld [tilespmem:$0x171F0];
	v0 =	vadd.f32 v18, v0  }
0x428: {  	v24 =	vld [tilespmem:$0x16A00];
	v1 =	vadd.f32 v19, v1  }
0x429: {  	v25 =	vld [tilespmem:$0x17200];
	v0 =	vadd.f32 v20, v0  }
0x42a: {  	v26 =	vld [tilespmem:$0x16A10];
	v1 =	vadd.f32 v21, v1  }
0x42b: {  	v27 =	vld [tilespmem:$0x17210];
	v0 =	vadd.f32 v22, v0  }
0x42c: {  	v28 =	vld [tilespmem:$0x16A20];
	v1 =	vadd.f32 v23, v1  }
0x42d: {  	v29 =	vld [tilespmem:$0x17220];
	v0 =	vadd.f32 v24, v0  }
0x42e: {  	v30 =	vld [tilespmem:$0x16A30];
	v1 =	vadd.f32 v25, v1  }
0x42f: {  	v31 =	vld [tilespmem:$0x17230];
	v0 =	vadd.f32 v26, v0  }
0x430: {  	v32 =	vld [tilespmem:$0x16A40];
	v1 =	vadd.f32 v27, v1  }
0x431: {  	v33 =	vld [tilespmem:$0x17240];
	v0 =	vadd.f32 v28, v0  }
0x432: {  	v34 =	vld [tilespmem:$0x16A50];
	v1 =	vadd.f32 v29, v1  }
0x433: {  	v35 =	vld [tilespmem:$0x17250];
	v0 =	vadd.f32 v30, v0  }
0x434: {  	v36 =	vld [tilespmem:$0x16A60];
	v1 =	vadd.f32 v31, v1  }
0x435: {  	v37 =	vld [tilespmem:$0x17260];
	v0 =	vadd.f32 v32, v0  }
0x436: {  	v38 =	vld [tilespmem:$0x16A70];
	v1 =	vadd.f32 v33, v1  }
0x437: {  	v39 =	vld [tilespmem:$0x17270];
	v0 =	vadd.f32 v34, v0  }
0x438: {  	v40 =	vld [tilespmem:$0x16A80];
	v1 =	vadd.f32 v35, v1  }
0x439: {  	v41 =	vld [tilespmem:$0x17280];
	v0 =	vadd.f32 v36, v0  }
0x43a: {  	v42 =	vld [tilespmem:$0x16A90];
	v1 =	vadd.f32 v37, v1  }
0x43b: {  	v43 =	vld [tilespmem:$0x17290];
	v0 =	vadd.f32 v38, v0  }
0x43c: {  	v44 =	vld [tilespmem:$0x16AA0];
	v1 =	vadd.f32 v39, v1  }
0x43d: {  	v45 =	vld [tilespmem:$0x172A0];
	v0 =	vadd.f32 v40, v0  }
0x43e: {  	v46 =	vld [tilespmem:$0x16AB0];
	v1 =	vadd.f32 v41, v1  }
0x43f: {  	v47 =	vld [tilespmem:$0x172B0];
	v0 =	vadd.f32 v42, v0  }
0x440: {  	v48 =	vld [tilespmem:$0x16AC0];
	v1 =	vadd.f32 v43, v1  }
0x441: {  	v49 =	vld [tilespmem:$0x172C0];
	v0 =	vadd.f32 v44, v0  }
0x442: {  	v50 =	vld [tilespmem:$0x16AD0];
	v1 =	vadd.f32 v45, v1  }
0x443: {  	v51 =	vld [tilespmem:$0x172D0];
	v0 =	vadd.f32 v46, v0  }
0x444: {  	v52 =	vld [tilespmem:$0x16AE0];
	v1 =	vadd.f32 v47, v1  }
0x445: {  	v53 =	vld [tilespmem:$0x172E0];
	v0 =	vadd.f32 v48, v0  }
0x446: {  	v56 =	vld [tilespmem:$0x16AF0];
	v1 =	vadd.f32 v49, v1  }
0x447: {  	v59 =	vld [tilespmem:$0x172F0];
	v0 =	vadd.f32 v50, v0  }
0x448: {  	v16 =	vld [tilespmem:$0x16B00];
	v1 =	vadd.f32 v51, v1  }
0x449: {  	v17 =	vld [tilespmem:$0x17300];
	v0 =	vadd.f32 v52, v0  }
0x44a: {  	v18 =	vld [tilespmem:$0x16B10];
	v1 =	vadd.f32 v53, v1  }
0x44b: {  	v19 =	vld [tilespmem:$0x17310];
	v0 =	vadd.f32 v56, v0  }
0x44c: {  	v20 =	vld [tilespmem:$0x16B20];
	v1 =	vadd.f32 v59, v1  }
0x44d: {  	v21 =	vld [tilespmem:$0x17320];
	v0 =	vadd.f32 v16, v0  }
0x44e: {  	v22 =	vld [tilespmem:$0x16B30];
	v1 =	vadd.f32 v17, v1  }
0x44f: {  	v23 =	vld [tilespmem:$0x17330];
	v0 =	vadd.f32 v18, v0  }
0x450: {  	v24 =	vld [tilespmem:$0x16B40];
	v1 =	vadd.f32 v19, v1  }
0x451: {  	v25 =	vld [tilespmem:$0x17340];
	v0 =	vadd.f32 v20, v0  }
0x452: {  	v26 =	vld [tilespmem:$0x16B50];
	v1 =	vadd.f32 v21, v1  }
0x453: {  	v27 =	vld [tilespmem:$0x17350];
	v0 =	vadd.f32 v22, v0  }
0x454: {  	v28 =	vld [tilespmem:$0x16B60];
	v1 =	vadd.f32 v23, v1  }
0x455: {  	v29 =	vld [tilespmem:$0x17360];
	v0 =	vadd.f32 v24, v0  }
0x456: {  	v30 =	vld [tilespmem:$0x16B70];
	v1 =	vadd.f32 v25, v1  }
0x457: {  	v31 =	vld [tilespmem:$0x17370];
	v0 =	vadd.f32 v26, v0  }
0x458: {  	v32 =	vld [tilespmem:$0x16B80];
	v1 =	vadd.f32 v27, v1  }
0x459: {  	v33 =	vld [tilespmem:$0x17380];
	v0 =	vadd.f32 v28, v0  }
0x45a: {  	v34 =	vld [tilespmem:$0x16B90];
	v1 =	vadd.f32 v29, v1  }
0x45b: {  	v35 =	vld [tilespmem:$0x17390];
	v0 =	vadd.f32 v30, v0  }
0x45c: {  	v36 =	vld [tilespmem:$0x16BA0];
	v1 =	vadd.f32 v31, v1  }
0x45d: {  	v37 =	vld [tilespmem:$0x173A0];
	v0 =	vadd.f32 v32, v0  }
0x45e: {  	v38 =	vld [tilespmem:$0x16BB0];
	v1 =	vadd.f32 v33, v1  }
0x45f: {  	v39 =	vld [tilespmem:$0x173B0];
	v0 =	vadd.f32 v34, v0  }
0x460: {  	v40 =	vld [tilespmem:$0x16BC0];
	v1 =	vadd.f32 v35, v1  }
0x461: {  	v41 =	vld [tilespmem:$0x173C0];
	v0 =	vadd.f32 v36, v0  }
0x462: {  	v42 =	vld [tilespmem:$0x16BD0];
	v1 =	vadd.f32 v37, v1  }
0x463: {  	v43 =	vld [tilespmem:$0x173D0];
	v0 =	vadd.f32 v38, v0  }
0x464: {  	v44 =	vld [tilespmem:$0x16BE0];
	v1 =	vadd.f32 v39, v1  }
0x465: {  	v45 =	vld [tilespmem:$0x173E0];
	v0 =	vadd.f32 v40, v0  }
0x466: {  	v46 =	vld [tilespmem:$0x16BF0];
	v1 =	vadd.f32 v41, v1  }
0x467: {  	v47 =	vld [tilespmem:$0x173F0];
	v0 =	vadd.f32 v42, v0  }
0x468: {  	v48 =	vld [tilespmem:$0x16C00];
	v1 =	vadd.f32 v43, v1  }
0x469: {  	v49 =	vld [tilespmem:$0x17400];
	v0 =	vadd.f32 v44, v0  }
0x46a: {  	v50 =	vld [tilespmem:$0x16C10];
	v1 =	vadd.f32 v45, v1  }
0x46b: {  	v51 =	vld [tilespmem:$0x17410];
	v0 =	vadd.f32 v46, v0  }
0x46c: {  	v52 =	vld [tilespmem:$0x16C20];
	v1 =	vadd.f32 v47, v1  }
0x46d: {  	v53 =	vld [tilespmem:$0x17420];
	v0 =	vadd.f32 v48, v0  }
0x46e: {  	v56 =	vld [tilespmem:$0x16C30];
	v1 =	vadd.f32 v49, v1  }
0x46f: {  	v59 =	vld [tilespmem:$0x17430];
	v0 =	vadd.f32 v50, v0  }
0x470: {  	v16 =	vld [tilespmem:$0x16C40];
	v1 =	vadd.f32 v51, v1  }
0x471: {  	v17 =	vld [tilespmem:$0x17440];
	v0 =	vadd.f32 v52, v0  }
0x472: {  	v18 =	vld [tilespmem:$0x16C50];
	v1 =	vadd.f32 v53, v1  }
0x473: {  	v19 =	vld [tilespmem:$0x17450];
	v0 =	vadd.f32 v56, v0  }
0x474: {  	v20 =	vld [tilespmem:$0x16C60];
	v1 =	vadd.f32 v59, v1  }
0x475: {  	v21 =	vld [tilespmem:$0x17460];
	v0 =	vadd.f32 v16, v0  }
0x476: {  	v22 =	vld [tilespmem:$0x16C70];
	v1 =	vadd.f32 v17, v1  }
0x477: {  	v23 =	vld [tilespmem:$0x17470];
	v0 =	vadd.f32 v18, v0  }
0x478: {  	v24 =	vld [tilespmem:$0x16C80];
	v1 =	vadd.f32 v19, v1  }
0x479: {  	v25 =	vld [tilespmem:$0x17480];
	v0 =	vadd.f32 v20, v0  }
0x47a: {  	v26 =	vld [tilespmem:$0x16C90];
	v1 =	vadd.f32 v21, v1  }
0x47b: {  	v27 =	vld [tilespmem:$0x17490];
	v0 =	vadd.f32 v22, v0  }
0x47c: {  	v28 =	vld [tilespmem:$0x16CA0];
	v1 =	vadd.f32 v23, v1  }
0x47d: {  	v29 =	vld [tilespmem:$0x174A0];
	v0 =	vadd.f32 v24, v0  }
0x47e: {  	v30 =	vld [tilespmem:$0x16CB0];
	v1 =	vadd.f32 v25, v1  }
0x47f: {  	v31 =	vld [tilespmem:$0x174B0];
	v0 =	vadd.f32 v26, v0  }
0x480: {  	v32 =	vld [tilespmem:$0x16CC0];
	v1 =	vadd.f32 v27, v1  }
0x481: {  	v33 =	vld [tilespmem:$0x174C0];
	v0 =	vadd.f32 v28, v0  }
0x482: {  	v34 =	vld [tilespmem:$0x16CD0];
	v1 =	vadd.f32 v29, v1  }
0x483: {  	v35 =	vld [tilespmem:$0x174D0];
	v0 =	vadd.f32 v30, v0  }
0x484: {  	v36 =	vld [tilespmem:$0x16CE0];
	v1 =	vadd.f32 v31, v1  }
0x485: {  	v37 =	vld [tilespmem:$0x174E0];
	v0 =	vadd.f32 v32, v0  }
0x486: {  	v38 =	vld [tilespmem:$0x16CF0];
	v1 =	vadd.f32 v33, v1  }
0x487: {  	v39 =	vld [tilespmem:$0x174F0];
	v0 =	vadd.f32 v34, v0  }
0x488: {  	v40 =	vld [tilespmem:$0x16D00];
	v1 =	vadd.f32 v35, v1  }
0x489: {  	v41 =	vld [tilespmem:$0x17500];
	v0 =	vadd.f32 v36, v0  }
0x48a: {  	v42 =	vld [tilespmem:$0x16D10];
	v1 =	vadd.f32 v37, v1  }
0x48b: {  	v43 =	vld [tilespmem:$0x17510];
	v0 =	vadd.f32 v38, v0  }
0x48c: {  	v44 =	vld [tilespmem:$0x16D20];
	v1 =	vadd.f32 v39, v1  }
0x48d: {  	v45 =	vld [tilespmem:$0x17520];
	v0 =	vadd.f32 v40, v0  }
0x48e: {  	v46 =	vld [tilespmem:$0x16D30];
	v1 =	vadd.f32 v41, v1  }
0x48f: {  	v47 =	vld [tilespmem:$0x17530];
	v0 =	vadd.f32 v42, v0  }
0x490: {  	v48 =	vld [tilespmem:$0x16D40];
	v1 =	vadd.f32 v43, v1  }
0x491: {  	v49 =	vld [tilespmem:$0x17540];
	v0 =	vadd.f32 v44, v0  }
0x492: {  	v50 =	vld [tilespmem:$0x16D50];
	v1 =	vadd.f32 v45, v1  }
0x493: {  	v51 =	vld [tilespmem:$0x17550];
	v0 =	vadd.f32 v46, v0  }
0x494: {  	v52 =	vld [tilespmem:$0x16D60];
	v1 =	vadd.f32 v47, v1  }
0x495: {  	v53 =	vld [tilespmem:$0x17560];
	v0 =	vadd.f32 v48, v0  }
0x496: {  	v56 =	vld [tilespmem:$0x16D70];
	v1 =	vadd.f32 v49, v1  }
0x497: {  	v59 =	vld [tilespmem:$0x17570];
	v0 =	vadd.f32 v50, v0  }
0x498: {  	v16 =	vld [tilespmem:$0x16D80];
	v1 =	vadd.f32 v51, v1  }
0x499: {  	v17 =	vld [tilespmem:$0x17580];
	v0 =	vadd.f32 v52, v0  }
0x49a: {  	v18 =	vld [tilespmem:$0x16D90];
	v1 =	vadd.f32 v53, v1  }
0x49b: {  	v19 =	vld [tilespmem:$0x17590];
	v0 =	vadd.f32 v56, v0  }
0x49c: {  	v20 =	vld [tilespmem:$0x16DA0];
	v1 =	vadd.f32 v59, v1  }
0x49d: {  	v21 =	vld [tilespmem:$0x175A0];
	v0 =	vadd.f32 v16, v0  }
0x49e: {  	v22 =	vld [tilespmem:$0x16DB0];
	v1 =	vadd.f32 v17, v1  }
0x49f: {  	v23 =	vld [tilespmem:$0x175B0];
	v0 =	vadd.f32 v18, v0  }
0x4a0: {  	v24 =	vld [tilespmem:$0x16DC0];
	v1 =	vadd.f32 v19, v1  }
0x4a1: {  	v25 =	vld [tilespmem:$0x175C0];
	v0 =	vadd.f32 v20, v0  }
0x4a2: {  	v26 =	vld [tilespmem:$0x16DD0];
	v1 =	vadd.f32 v21, v1  }
0x4a3: {  	v27 =	vld [tilespmem:$0x175D0];
	v0 =	vadd.f32 v22, v0  }
0x4a4: {  	v28 =	vld [tilespmem:$0x16DE0];
	v1 =	vadd.f32 v23, v1  }
0x4a5: {  	v29 =	vld [tilespmem:$0x175E0];
	v0 =	vadd.f32 v24, v0  }
0x4a6: {  	v30 =	vld [tilespmem:$0x16DF0];
	v1 =	vadd.f32 v25, v1  }
0x4a7: {  	v31 =	vld [tilespmem:$0x175F0];
	v0 =	vadd.f32 v26, v0  }
0x4a8: {  	v32 =	vld [tilespmem:$0x16E00];
	v1 =	vadd.f32 v27, v1  }
0x4a9: {  	v33 =	vld [tilespmem:$0x17600];
	v0 =	vadd.f32 v28, v0  }
0x4aa: {  	v34 =	vld [tilespmem:$0x16E10];
	v1 =	vadd.f32 v29, v1  }
0x4ab: {  	v35 =	vld [tilespmem:$0x17610];
	v0 =	vadd.f32 v30, v0  }
0x4ac: {  	v36 =	vld [tilespmem:$0x16E20];
	v1 =	vadd.f32 v31, v1  }
0x4ad: {  	v37 =	vld [tilespmem:$0x17620];
	v0 =	vadd.f32 v32, v0  }
0x4ae: {  	v38 =	vld [tilespmem:$0x16E30];
	v1 =	vadd.f32 v33, v1  }
0x4af: {  	v39 =	vld [tilespmem:$0x17630];
	v0 =	vadd.f32 v34, v0  }
0x4b0: {  	v40 =	vld [tilespmem:$0x16E40];
	v1 =	vadd.f32 v35, v1  }
0x4b1: {  	v41 =	vld [tilespmem:$0x17640];
	v0 =	vadd.f32 v36, v0  }
0x4b2: {  	v42 =	vld [tilespmem:$0x16E50];
	v1 =	vadd.f32 v37, v1  }
0x4b3: {  	v43 =	vld [tilespmem:$0x17650];
	v0 =	vadd.f32 v38, v0  }
0x4b4: {  	v44 =	vld [tilespmem:$0x16E60];
	v1 =	vadd.f32 v39, v1  }
0x4b5: {  	v45 =	vld [tilespmem:$0x17660];
	v0 =	vadd.f32 v40, v0  }
0x4b6: {  	v46 =	vld [tilespmem:$0x16E70];
	v1 =	vadd.f32 v41, v1  }
0x4b7: {  	v47 =	vld [tilespmem:$0x17670];
	v0 =	vadd.f32 v42, v0  }
0x4b8: {  	v48 =	vld [tilespmem:$0x16E80];
	v1 =	vadd.f32 v43, v1  }
0x4b9: {  	v49 =	vld [tilespmem:$0x17680];
	v0 =	vadd.f32 v44, v0  }
0x4ba: {  	v50 =	vld [tilespmem:$0x16E90];
	v1 =	vadd.f32 v45, v1  }
0x4bb: {  	v51 =	vld [tilespmem:$0x17690];
	v0 =	vadd.f32 v46, v0  }
0x4bc: {  	v52 =	vld [tilespmem:$0x16EA0];
	v1 =	vadd.f32 v47, v1  }
0x4bd: {  	v53 =	vld [tilespmem:$0x176A0];
	v0 =	vadd.f32 v48, v0  }
0x4be: {  	v56 =	vld [tilespmem:$0x16EB0];
	v1 =	vadd.f32 v49, v1  }
0x4bf: {  	v59 =	vld [tilespmem:$0x176B0];
	v0 =	vadd.f32 v50, v0  }
0x4c0: {  	v16 =	vld [tilespmem:$0x16EC0];
	v1 =	vadd.f32 v51, v1  }
0x4c1: {  	v17 =	vld [tilespmem:$0x176C0];
	v0 =	vadd.f32 v52, v0  }
0x4c2: {  	v18 =	vld [tilespmem:$0x16ED0];
	v1 =	vadd.f32 v53, v1  }
0x4c3: {  	v19 =	vld [tilespmem:$0x176D0];
	v0 =	vadd.f32 v56, v0  }
0x4c4: {  	v20 =	vld [tilespmem:$0x16EE0];
	v1 =	vadd.f32 v59, v1  }
0x4c5: {  	v21 =	vld [tilespmem:$0x176E0];
	v0 =	vadd.f32 v16, v0  }
0x4c6: {  	v22 =	vld [tilespmem:$0x16EF0];
	v1 =	vadd.f32 v17, v1  }
0x4c7: {  	v23 =	vld [tilespmem:$0x176F0];
	v0 =	vadd.f32 v18, v0  }
0x4c8: {  	v24 =	vld [tilespmem:$0x16F00];
	v1 =	vadd.f32 v19, v1  }
0x4c9: {  	v25 =	vld [tilespmem:$0x17700];
	v0 =	vadd.f32 v20, v0  }
0x4ca: {  	v26 =	vld [tilespmem:$0x16F10];
	v1 =	vadd.f32 v21, v1  }
0x4cb: {  	v27 =	vld [tilespmem:$0x17710];
	v0 =	vadd.f32 v22, v0  }
0x4cc: {  	v28 =	vld [tilespmem:$0x16F20];
	v1 =	vadd.f32 v23, v1  }
0x4cd: {  	v29 =	vld [tilespmem:$0x17720];
	v0 =	vadd.f32 v24, v0  }
0x4ce: {  	v30 =	vld [tilespmem:$0x16F30];
	v1 =	vadd.f32 v25, v1  }
0x4cf: {  	v31 =	vld [tilespmem:$0x17730];
	v0 =	vadd.f32 v26, v0  }
0x4d0: {  	v32 =	vld [tilespmem:$0x16F40];
	v1 =	vadd.f32 v27, v1  }
0x4d1: {  	v33 =	vld [tilespmem:$0x17740];
	v0 =	vadd.f32 v28, v0  }
0x4d2: {  	v34 =	vld [tilespmem:$0x16F50];
	v1 =	vadd.f32 v29, v1  }
0x4d3: {  	v35 =	vld [tilespmem:$0x17750];
	v0 =	vadd.f32 v30, v0  }
0x4d4: {  	v36 =	vld [tilespmem:$0x16F60];
	v1 =	vadd.f32 v31, v1  }
0x4d5: {  	v37 =	vld [tilespmem:$0x17760];
	v0 =	vadd.f32 v32, v0  }
0x4d6: {  	v38 =	vld [tilespmem:$0x16F70];
	v1 =	vadd.f32 v33, v1  }
0x4d7: {  	v39 =	vld [tilespmem:$0x17770];
	v0 =	vadd.f32 v34, v0  }
0x4d8: {  	v40 =	vld [tilespmem:$0x16F80];
	v1 =	vadd.f32 v35, v1  }
0x4d9: {  	v41 =	vld [tilespmem:$0x17780];
	v0 =	vadd.f32 v36, v0  }
0x4da: {  	v42 =	vld [tilespmem:$0x16F90];
	v1 =	vadd.f32 v37, v1  }
0x4db: {  	v43 =	vld [tilespmem:$0x17790];
	v0 =	vadd.f32 v38, v0  }
0x4dc: {  	v44 =	vld [tilespmem:$0x16FA0];
	v1 =	vadd.f32 v39, v1  }
0x4dd: {  	v45 =	vld [tilespmem:$0x177A0];
	v0 =	vadd.f32 v40, v0  }
0x4de: {  	v46 =	vld [tilespmem:$0x16FB0];
	v1 =	vadd.f32 v41, v1  }
0x4df: {  	v47 =	vld [tilespmem:$0x177B0];
	v0 =	vadd.f32 v42, v0  }
0x4e0: {  	v48 =	vld [tilespmem:$0x16FC0];
	v1 =	vadd.f32 v43, v1  }
0x4e1: {  	v49 =	vld [tilespmem:$0x177C0];
	v0 =	vadd.f32 v44, v0  }
0x4e2: {  	v50 =	vld [tilespmem:$0x16FD0];
	v1 =	vadd.f32 v45, v1  }
0x4e3: {  	v51 =	vld [tilespmem:$0x177D0];
	v0 =	vadd.f32 v46, v0  }
0x4e4: {  	v52 =	vld [tilespmem:$0x16FE0];
	v1 =	vadd.f32 v47, v1  }
0x4e5: {  	v53 =	vld [tilespmem:$0x177E0];
	v0 =	vadd.f32 v48, v0  }
0x4e6: {  	v56 =	vld [tilespmem:$0x16FF0];
	v1 =	vadd.f32 v49, v1  }
0x4e7: {  	v59 =	vld [tilespmem:$0x177F0];
	v0 =	vadd.f32 v50, v0  }
0x4e8: {  	v1 =	vadd.f32 v51, v1  }
0x4e9: {  	v0 =	vadd.f32 v52, v0  }
0x4ea: {  	v1 =	vadd.f32 v53, v1  }
0x4eb: {  	v0 =	vadd.f32 v56, v0  }
0x4ec: {  	v1 =	vadd.f32 v59, v1  }
0x4ed: {  	[tilespmem:$0x17800] =	vst v0  }
0x4ee: {  	s13 =	simm.s32 $0x17800;
	s18 =	simm.s32 $0x4;
	s6 =	rddreg [dreg:$0xe];
	[tilespmem:$0x17810] =	vst v1  }
0x4ef: {  	[hbm4b:s6+s5] =	stream.linear.scatter [tilespmem:s13], [sflag:$0x4], $0x80, $0x38;
	[tilespmem:$0x17880] =	vst v63  }
0x4f0: {  	_ =	swait.ge [sflag:s18], $0x80  }
0x4f1: {  	s14 =	rddreg [dreg:$0x10]  }
0x4f2: {  	s28 =	rddreg [dreg:$0xf];
	s14 =	sadd.s32 $0x1, s14  }
0x4f3: {  	p0 =	sne.s32 s14, s28  }
.Ltmp5:
0x4f4: {  	_ = 	snop;
	(pc) =	sbr.rel @p0 .LBB2_1-.Ltmp5, $3  }
0x4f5: {  	_ =	sdelay $0x1  }
0x4f6: {  	[sflag:s18] =	ssyncset.done $0x0  }
0x4f7: {  	[sflag:s18] =	ssyncadd.s32 $0xFFFFFF80  }
0x4f8: {  	_ =	sfence.sel $0x180000  }
0x4f9: {  	[bflag:$0x0] =	sbarrier.arrive $0xFFFF  }
0x4fa: {  	_ =	strace $0x90000047  }
0x4fb: {  	s0 =	stileid.u32;
	[bflag:$0x2] =	sbarrier.arrive $0xFFFF  }
0x4fc: {  	p0 =	sne.s32 s0, $0x0;
	s0 =	rddreg [dreg:$0x4]  }
0x4fd: {  	s0 =	sadd.s32 @!p0 $0x100000, s0  }
0x4fe: {  	[sflag:s0] =	ssyncadd.tile.s32 @!p0 $0x1;
	_ =	shalt  }
.Lfunc_end2:
_tile_overlayer_lowered:
.L_overlay_start_2:
0x4ff: {  	(tag) =	ssettag $0x2  }
0x500: {  	s0 =	rddreg [dreg:$0x0];
	s2 =	stileid.u32  }
0x501: {  	s1 =	rddreg [dreg:$0x1];
	p0 =	sne.s32 s2, $0x0  }
0x502: {  	s3 =	rddreg [dreg:$0x2];
	[bflag:$0x3] =	sbarrier.arrive $0xFFFF;
	s2 =	simm.s32 @!p0 $0x1C04  }
0x503: {  	[timem:s3], [sflag:s2] =	dma.local @!p0 [hbm:s0], s1  }
0x504: {  	s0 =	simm.s32 @!p0 $0x4  }
0x505: {  	_ =	swait.ge @!p0 [sflag:s0], s1  }
0x506: {  	s1 =	ssub.s32 @!p0 $0x0, s1;
	[sflag:s0] =	ssyncset.done @!p0 $0x0  }
0x507: {  	[sflag:s0] =	ssyncadd.s32 @!p0 s1  }
0x508: {  	[bflag:$0x3] =	sbarrier.arrive $0xFFFF  }
0x509: {  	_ =	shalt  }

</sc_bundles>
